<compile_context>
chip_gen: v7x
topology: tpu7x:2x2x1
jax: 0.10.2.dev20260603
libtpu: 0.0.44.dev20260713+nightly
codegen_flags: <defaults>
</compile_context>

<pallas_src>
import functools

import jax
import jax.numpy as jnp
import numpy as np
from jax import lax
from jax.experimental import pallas as pl
from jax.experimental.pallas import tpu as pltpu
from jax.experimental.pallas import tpu_sc as plsc

B, N, T, H = 16, 256, 128, 16
LANES = 16
H_PER = 4
CHUNK = 16
NCHUNK = N // CHUNK
B_GRP = B // 8
NITEMS = B_GRP * NCHUNK
NJB = N // LANES

_FMAX = np.float32(np.finfo(np.float32).max)
_FMIN = np.float32(np.finfo(np.float32).min)

_TAKE_DNUMS = lax.GatherDimensionNumbers(
    offset_dims=(), collapsed_slice_dims=(0,), start_index_map=(0,)
)


def _lane_splat(vec, lane):
    idx = jnp.broadcast_to(lane, (LANES,)).astype(jnp.int32)
    return lax.gather(
        vec,
        idx[:, None],
        dimension_numbers=_TAKE_DNUMS,
        slice_sizes=(1,),
        mode=lax.GatherScatterMode.PROMISE_IN_BOUNDS,
    )


def _logd_pass(d, p_table):

    def body(d_ref, pt_ref, o_ref, ptt_ref):
        x = jnp.log(d_ref[...])
        x = jnp.where(jnp.isnan(x), _FMAX, x)
        o_ref[...] = jnp.clip(x, _FMIN, _FMAX)

        @pl.when(pl.program_id(0) == 0)
        def _():
            ptt_ref[...] = jnp.transpose(pt_ref[...], (2, 0, 1))

    return pl.pallas_call(
        body,
        grid=(d.shape[0],),
        in_specs=[
            pl.BlockSpec((1, N, N), lambda b: (b, 0, 0)),
            pl.BlockSpec((T, T, H), lambda b: (0, 0, 0)),
        ],
        out_specs=[
            pl.BlockSpec((1, N, N), lambda b: (b, 0, 0)),
            pl.BlockSpec((H, T, T), lambda b: (0, 0, 0)),
        ],
        out_shape=[
            jax.ShapeDtypeStruct(d.shape, jnp.float32),
            jax.ShapeDtypeStruct((H, T, T), jnp.float32),
        ],
    )(d, p_table)


_mesh = plsc.VectorSubcoreMesh(core_axis_name="c", subcore_axis_name="s")


@functools.partial(
    pl.kernel,
    mesh=_mesh,
    out_type=jax.ShapeDtypeStruct((B, H, N, N), jnp.float32),
    scratch_types=[
        pltpu.VMEM((T * T,), jnp.float32),
        pltpu.VMEM((T * T,), jnp.float32),
        pltpu.VMEM((T * T,), jnp.float32),
        pltpu.VMEM((T * T,), jnp.float32),
        pltpu.VMEM((B_GRP, N), jnp.int32),
        pltpu.VMEM((CHUNK, N), jnp.float32),
        pltpu.VMEM((CHUNK, N), jnp.float32),
        pltpu.VMEM((H_PER, CHUNK, N), jnp.float32),
        pltpu.VMEM((H_PER, CHUNK, N), jnp.float32),
        pltpu.SemaphoreType.DMA,
        pltpu.SemaphoreType.DMA,
        pltpu.SemaphoreType.DMA,
        pltpu.SemaphoreType.DMA,
        pltpu.SemaphoreType.DMA,
    ],
    compiler_params=pltpu.CompilerParams(needs_layout_passes=False),
)
def _sc_pass(logd_hbm, tok_hbm, pt_hbm, out_hbm,
             p_h0, p_h1, p_h2, p_h3, tok_v, ld0, ld1, ob0, ob1,
             is0, is1, os0, os1, psem):
    c = lax.axis_index("c")
    s = lax.axis_index("s")
    h0 = (s % 4) * H_PER
    bg = c * 4 + s // 4
    ld = (ld0, ld1)
    ob = (ob0, ob1)
    isem = (is0, is1)
    osem = (os0, os1)
    planes = (p_h0, p_h1, p_h2, p_h3)

    def item_bcc(g):
        lb = g // NCHUNK
        return lb, bg * B_GRP + lb, g % NCHUNK

    def start_in(g, par):
        _, b, cc = item_bcc(g)
        pltpu.make_async_copy(
            logd_hbm.at[b, pl.ds(cc * CHUNK, CHUNK)], ld[par], isem[par]
        ).start()

    plane_copies = [
        pltpu.make_async_copy(pt_hbm.at[h0 + k], planes[k], psem)
        for k in range(H_PER)
    ]
    tok_copy = pltpu.make_async_copy(
        tok_hbm.at[pl.ds(bg * B_GRP, B_GRP)], tok_v, psem
    )
    for cp in plane_copies:
        cp.start()
    tok_copy.start()
    start_in(0, 0)
    for cp in plane_copies:
        cp.wait()
    tok_copy.wait()

    def pair_body(k, carry):
        for par in (0, 1):
            g = k * 2 + par
            lb, b, cc = item_bcc(g)

            @pl.when(g + 1 < NITEMS)
            def _():
                start_in(g + 1, 1 - par)

            pltpu.make_async_copy(
                logd_hbm.at[b, pl.ds(cc * CHUNK, CHUNK)], ld[par], isem[par]
            ).wait()

            @pl.when(g >= 2)
            def _():
                pltpu.make_async_copy(
                    ob[par],
                    out_hbm.at[b, pl.ds(h0, H_PER), pl.ds(cc * CHUNK, CHUNK)],
                    osem[par],
                ).wait()

            tjs = [tok_v[lb, pl.ds(jb * LANES, LANES)] for jb in range(NJB)]
            ldb = ld[par]
            obb = ob[par]
            tiv = tok_v[lb, pl.ds(cc * CHUNK, CHUNK)]

            @plsc.parallel_loop(0, CHUNK, unroll=2)
            def i_loop(r, tiv=tiv, ldb=ldb, obb=obb, tjs=tjs):
                base = _lane_splat(tiv, r) * T
                for jb in range(NJB):
                    idx = base + tjs[jb]
                    lvec = ldb[r, pl.ds(jb * LANES, LANES)]
                    g0 = plsc.load_gather(p_h0, [idx])
                    g1 = plsc.load_gather(p_h1, [idx])
                    g2 = plsc.load_gather(p_h2, [idx])
                    g3 = plsc.load_gather(p_h3, [idx])
                    obb[0, r, pl.ds(jb * LANES, LANES)] = g0 * lvec
                    obb[1, r, pl.ds(jb * LANES, LANES)] = g1 * lvec
                    obb[2, r, pl.ds(jb * LANES, LANES)] = g2 * lvec
                    obb[3, r, pl.ds(jb * LANES, LANES)] = g3 * lvec

            pltpu.make_async_copy(
                obb,
                out_hbm.at[b, pl.ds(h0, H_PER), pl.ds(cc * CHUNK, CHUNK)],
                osem[par],
            ).start()
        return carry

    lax.fori_loop(0, NITEMS // 2, pair_body, 0)

    for par in (0, 1):
        g = NITEMS - 2 + par
        _, b, cc = item_bcc(g)
        pltpu.make_async_copy(
            ob[par],
            out_hbm.at[b, pl.ds(h0, H_PER), pl.ds(cc * CHUNK, CHUNK)],
            osem[par],
        ).wait()


def kernel(d, tokens, p_table):
    logd, pt = _logd_pass(d, p_table)
    tok = tokens.astype(jnp.int32)
    return _sc_pass(logd, tok, pt.reshape(H, T * T))

# --- scband reference (transcript-rebuilt; emitter-appended) ---
"""Pipeline reference for scband-paired-power-law-86835648790967 (READ-ONLY COPY).

The authoritative reference and input builder live on the scoring server;
editing this copy changes nothing except your own understanding.
"""

import jax, jax.numpy as jnp
import numpy as np

B, N, T, H = 16, 256, 128, 16

def setup_inputs(seed: int = 0) -> dict:
    key = jax.random.key(seed)
    k1, k2 = jax.random.split(key, 2)
    d = jax.random.uniform(k1, (B, N, N), dtype=jnp.float32)
    tokens = jax.random.randint(k2, (B, N), 0, T)
    p_table = jnp.ones((T, T, H), dtype=jnp.float32)
    return {"d": d, "tokens": tokens, "p_table": p_table}

def reference(d, tokens, p_table):
    b, n, _ = d.shape
    ti = jnp.broadcast_to(tokens[:, :, None], (b, n, n))
    tj = jnp.broadcast_to(tokens[:, None, :], (b, n, n))
    # pair-type gather from the (T, T, H) table -> (B, N, N, H)
    p = p_table[ti, tj]
    log_d = jnp.log(d)[..., None]
    log_d = jnp.nan_to_num(log_d, nan=jnp.finfo(d.dtype).max)
    out = p * log_d
    return jnp.transpose(out, (0, 3, 1, 2))

if __name__ == "__main__":
    import jax
    _d = setup_inputs()
    print(jax.jit(kernel)(*tuple(_d.values())))

</pallas_src>

<mosaic_0001>
#map = affine_map<(d0, d1) -> (0, 0, 0)>
#map1 = affine_map<(d0, d1) -> (0, 0)>
#map2 = affine_map<(d0, d1) -> (0, 0, 0, 0)>
module attributes {stable_mosaic.version = 14 : i64} {
  func.func @_sc_pass(%arg0: i32, %arg1: i32, %arg2: memref<16x256x256xf32, #tpu.memory_space<hbm>>, %arg3: memref<16x256xi32, #tpu.memory_space<hbm>>, %arg4: memref<16x16384xf32, #tpu.memory_space<hbm>>, %arg5: memref<16x16x256x256xf32, #tpu.memory_space<hbm>>, %arg6: memref<16384xf32, #tpu.memory_space<vmem>>, %arg7: memref<16384xf32, #tpu.memory_space<vmem>>, %arg8: memref<16384xf32, #tpu.memory_space<vmem>>, %arg9: memref<16384xf32, #tpu.memory_space<vmem>>, %arg10: memref<2x256xi32, #tpu.memory_space<vmem>>, %arg11: memref<16x256xf32, #tpu.memory_space<vmem>>, %arg12: memref<16x256xf32, #tpu.memory_space<vmem>>, %arg13: memref<4x16x256xf32, #tpu.memory_space<vmem>>, %arg14: memref<4x16x256xf32, #tpu.memory_space<vmem>>, %arg15: memref<!tpu.dma_semaphore, #tpu.memory_space<semaphore_mem>>, %arg16: memref<!tpu.dma_semaphore, #tpu.memory_space<semaphore_mem>>, %arg17: memref<!tpu.dma_semaphore, #tpu.memory_space<semaphore_mem>>, %arg18: memref<!tpu.dma_semaphore, #tpu.memory_space<semaphore_mem>>, %arg19: memref<!tpu.dma_semaphore, #tpu.memory_space<semaphore_mem>>) attributes {dimension_semantics = [#tpu.dimension_semantics<core_parallel>, #tpu.dimension_semantics<subcore_parallel>], iteration_bounds = array<i64: 2, 16>, scalar_prefetch = 0 : i64, scratch_operands = 14 : i64, tpu.core_type = #tpu.core_type<sc_vector_subcore>, window_params = [{transform_indices = #map}, {transform_indices = #map1}, {transform_indices = #map1}, {transform_indices = #map2}]} {
    %jit3A = arith.constant 4 : i32
    %eq3A = arith.constant 0 : i32
    %eq3A_0 = arith.cmpi eq, %jit3A, %eq3A : i32
    %jit3A_1 = arith.constant 1 : i32
    %select_n3A = arith.select %eq3A_0, %jit3A_1, %jit3A : i32
    %rem3A = arith.remsi %arg1, %select_n3A : i32
    %ne3A = arith.constant 0 : i32
    %ne3A_2 = arith.cmpi ne, %rem3A, %ne3A : i32
    %lt3A = arith.constant 0 : i32
    %lt3A_3 = arith.cmpi slt, %rem3A, %lt3A : i32
    %lt3A_4 = arith.constant 0 : i32
    %lt3A_5 = arith.cmpi slt, %select_n3A, %lt3A_4 : i32
    %ne3A_6 = arith.xori %lt3A_3, %lt3A_5 : i1
    %and3A = arith.andi %ne3A_6, %ne3A_2 : i1
    %add3A = arith.addi %rem3A, %select_n3A : i32
    %select_n3A_7 = arith.select %and3A, %add3A, %rem3A : i32
    %mul3A = arith.constant 4 : i32
    %mul3A_8 = arith.muli %select_n3A_7, %mul3A : i32
    %mul3A_9 = arith.constant 4 : i32
    %mul3A_10 = arith.muli %arg0, %mul3A_9 : i32
    %jit3A_11 = arith.constant 4 : i32
    %div3A = arith.divsi %arg1, %jit3A_11 : i32
    %sign3A = arith.constant 0 : i32
    %sign3A_12 = arith.cmpi sgt, %arg1, %sign3A : i32
    %sign3A_13 = arith.extui %sign3A_12 : i1 to i32
    %sign3A_14 = arith.constant 0 : i32
    %sign3A_15 = arith.cmpi slt, %arg1, %sign3A_14 : i32
    %sign3A_16 = arith.extui %sign3A_15 : i1 to i32
    %sign3A_17 = arith.subi %sign3A_13, %sign3A_16 : i32
    %sign3A_18 = arith.constant 0 : i32
    %sign3A_19 = arith.cmpi sgt, %jit3A_11, %sign3A_18 : i32
    %sign3A_20 = arith.extui %sign3A_19 : i1 to i32
    %sign3A_21 = arith.constant 0 : i32
    %sign3A_22 = arith.cmpi slt, %jit3A_11, %sign3A_21 : i32
    %sign3A_23 = arith.extui %sign3A_22 : i1 to i32
    %sign3A_24 = arith.subi %sign3A_20, %sign3A_23 : i32
    %ne3A_25 = arith.cmpi ne, %sign3A_17, %sign3A_24 : i32
    %rem3A_26 = arith.remsi %arg1, %jit3A_11 : i32
    %ne3A_27 = arith.constant 0 : i32
    %ne3A_28 = arith.cmpi ne, %rem3A_26, %ne3A_27 : i32
    %and3A_29 = arith.andi %ne3A_25, %ne3A_28 : i1
    %sub3A = arith.constant 1 : i32
    %sub3A_30 = arith.subi %div3A, %sub3A : i32
    %select_n3A_31 = arith.select %and3A_29, %sub3A_30, %div3A : i32
    %add3A_32 = arith.addi %mul3A_10, %select_n3A_31 : i32
    %add3A_33 = arith.constant 0 : i32
    %add3A_34 = arith.addi %mul3A_8, %add3A_33 : i32
    %add3A_35 = arith.constant 1 : i32
    %add3A_36 = arith.addi %mul3A_8, %add3A_35 : i32
    %add3A_37 = arith.constant 2 : i32
    %add3A_38 = arith.addi %mul3A_8, %add3A_37 : i32
    %add3A_39 = arith.constant 3 : i32
    %add3A_40 = arith.addi %mul3A_8, %add3A_39 : i32
    %mul3A_41 = arith.constant 2 : i32
    %mul3A_42 = arith.muli %add3A_32, %mul3A_41 : i32
    %dma_start3A = arith.constant 0 : i32
    %dma_start3A_43 = tpu.memref_slice %arg4[%add3A_34, %dma_start3A] : memref<16x16384xf32, #tpu.memory_space<hbm>> -> memref<1x16384xf32, #tpu.memory_space<hbm>>
    %dma_start3A_44 = tpu.memref_squeeze %dma_start3A_43 : memref<1x16384xf32, #tpu.memory_space<hbm>> -> memref<16384xf32, #tpu.memory_space<hbm>>
    %dma_start3A_45 = arith.constant 0 : i32
    %dma_start3A_46 = tpu.memref_slice %arg4[%add3A_34, %dma_start3A_45] : memref<16x16384xf32, #tpu.memory_space<hbm>> -> memref<1x16384xf32, #tpu.memory_space<hbm>>
    %dma_start3A_47 = tpu.memref_squeeze %dma_start3A_46 : memref<1x16384xf32, #tpu.memory_space<hbm>> -> memref<16384xf32, #tpu.memory_space<hbm>>
    tpu.enqueue_dma source(%dma_start3A_47 : memref<16384xf32, #tpu.memory_space<hbm>>) target(%arg6 : memref<16384xf32, #tpu.memory_space<vmem>>) target_semaphore(%arg19 : memref<!tpu.dma_semaphore, #tpu.memory_space<semaphore_mem>>)
    %dma_start3A_48 = arith.constant 0 : i32
    %dma_start3A_49 = tpu.memref_slice %arg4[%add3A_36, %dma_start3A_48] : memref<16x16384xf32, #tpu.memory_space<hbm>> -> memref<1x16384xf32, #tpu.memory_space<hbm>>
    %dma_start3A_50 = tpu.memref_squeeze %dma_start3A_49 : memref<1x16384xf32, #tpu.memory_space<hbm>> -> memref<16384xf32, #tpu.memory_space<hbm>>
    %dma_start3A_51 = arith.constant 0 : i32
    %dma_start3A_52 = tpu.memref_slice %arg4[%add3A_36, %dma_start3A_51] : memref<16x16384xf32, #tpu.memory_space<hbm>> -> memref<1x16384xf32, #tpu.memory_space<hbm>>
    %dma_start3A_53 = tpu.memref_squeeze %dma_start3A_52 : memref<1x16384xf32, #tpu.memory_space<hbm>> -> memref<16384xf32, #tpu.memory_space<hbm>>
    tpu.enqueue_dma source(%dma_start3A_53 : memref<16384xf32, #tpu.memory_space<hbm>>) target(%arg7 : memref<16384xf32, #tpu.memory_space<vmem>>) target_semaphore(%arg19 : memref<!tpu.dma_semaphore, #tpu.memory_space<semaphore_mem>>)
    %dma_start3A_54 = arith.constant 0 : i32
    %dma_start3A_55 = tpu.memref_slice %arg4[%add3A_38, %dma_start3A_54] : memref<16x16384xf32, #tpu.memory_space<hbm>> -> memref<1x16384xf32, #tpu.memory_space<hbm>>
    %dma_start3A_56 = tpu.memref_squeeze %dma_start3A_55 : memref<1x16384xf32, #tpu.memory_space<hbm>> -> memref<16384xf32, #tpu.memory_space<hbm>>
    %dma_start3A_57 = arith.constant 0 : i32
    %dma_start3A_58 = tpu.memref_slice %arg4[%add3A_38, %dma_start3A_57] : memref<16x16384xf32, #tpu.memory_space<hbm>> -> memref<1x16384xf32, #tpu.memory_space<hbm>>
    %dma_start3A_59 = tpu.memref_squeeze %dma_start3A_58 : memref<1x16384xf32, #tpu.memory_space<hbm>> -> memref<16384xf32, #tpu.memory_space<hbm>>
    tpu.enqueue_dma source(%dma_start3A_59 : memref<16384xf32, #tpu.memory_space<hbm>>) target(%arg8 : memref<16384xf32, #tpu.memory_space<vmem>>) target_semaphore(%arg19 : memref<!tpu.dma_semaphore, #tpu.memory_space<semaphore_mem>>)
    %dma_start3A_60 = arith.constant 0 : i32
    %dma_start3A_61 = tpu.memref_slice %arg4[%add3A_40, %dma_start3A_60] : memref<16x16384xf32, #tpu.memory_space<hbm>> -> memref<1x16384xf32, #tpu.memory_space<hbm>>
    %dma_start3A_62 = tpu.memref_squeeze %dma_start3A_61 : memref<1x16384xf32, #tpu.memory_space<hbm>> -> memref<16384xf32, #tpu.memory_space<hbm>>
    %dma_start3A_63 = arith.constant 0 : i32
    %dma_start3A_64 = tpu.memref_slice %arg4[%add3A_40, %dma_start3A_63] : memref<16x16384xf32, #tpu.memory_space<hbm>> -> memref<1x16384xf32, #tpu.memory_space<hbm>>
    %dma_start3A_65 = tpu.memref_squeeze %dma_start3A_64 : memref<1x16384xf32, #tpu.memory_space<hbm>> -> memref<16384xf32, #tpu.memory_space<hbm>>
    tpu.enqueue_dma source(%dma_start3A_65 : memref<16384xf32, #tpu.memory_space<hbm>>) target(%arg9 : memref<16384xf32, #tpu.memory_space<vmem>>) target_semaphore(%arg19 : memref<!tpu.dma_semaphore, #tpu.memory_space<semaphore_mem>>)
    %dma_start3A_66 = arith.constant 0 : i32
    %dma_start3A_67 = tpu.memref_slice %arg3[%mul3A_42, %dma_start3A_66] : memref<16x256xi32, #tpu.memory_space<hbm>> -> memref<2x256xi32, #tpu.memory_space<hbm>>
    %dma_start3A_68 = arith.constant 0 : i32
    %dma_start3A_69 = tpu.memref_slice %arg3[%mul3A_42, %dma_start3A_68] : memref<16x256xi32, #tpu.memory_space<hbm>> -> memref<2x256xi32, #tpu.memory_space<hbm>>
    tpu.enqueue_dma source(%dma_start3A_69 : memref<2x256xi32, #tpu.memory_space<hbm>>) target(%arg10 : memref<2x256xi32, #tpu.memory_space<vmem>>) target_semaphore(%arg19 : memref<!tpu.dma_semaphore, #tpu.memory_space<semaphore_mem>>)
    %mul3A_70 = arith.constant 2 : i32
    %mul3A_71 = arith.muli %add3A_32, %mul3A_70 : i32
    %add3A_72 = arith.constant 0 : i32
    %add3A_73 = arith.addi %mul3A_71, %add3A_72 : i32
    %dma_start3A_74 = arith.constant 0 : i32
    %dma_start3A_75 = arith.constant 0 : i32
    %dma_start3A_76 = tpu.memref_slice %arg2[%add3A_73, %dma_start3A_74, %dma_start3A_75] : memref<16x256x256xf32, #tpu.memory_space<hbm>> -> memref<1x16x256xf32, #tpu.memory_space<hbm>>
    %dma_start3A_77 = tpu.memref_squeeze %dma_start3A_76 : memref<1x16x256xf32, #tpu.memory_space<hbm>> -> memref<16x256xf32, #tpu.memory_space<hbm>>
    %dma_start3A_78 = arith.constant 0 : i32
    %dma_start3A_79 = arith.constant 0 : i32
    %dma_start3A_80 = tpu.memref_slice %arg2[%add3A_73, %dma_start3A_78, %dma_start3A_79] : memref<16x256x256xf32, #tpu.memory_space<hbm>> -> memref<1x16x256xf32, #tpu.memory_space<hbm>>
    %dma_start3A_81 = tpu.memref_squeeze %dma_start3A_80 : memref<1x16x256xf32, #tpu.memory_space<hbm>> -> memref<16x256xf32, #tpu.memory_space<hbm>>
    tpu.enqueue_dma source(%dma_start3A_81 : memref<16x256xf32, #tpu.memory_space<hbm>>) target(%arg11 : memref<16x256xf32, #tpu.memory_space<vmem>>) target_semaphore(%arg15 : memref<!tpu.dma_semaphore, #tpu.memory_space<semaphore_mem>>)
    %dma_wait3A = arith.constant 0 : i32
    %dma_wait3A_82 = tpu.memref_slice %arg4[%add3A_34, %dma_wait3A] : memref<16x16384xf32, #tpu.memory_space<hbm>> -> memref<1x16384xf32, #tpu.memory_space<hbm>>
    %dma_wait3A_83 = tpu.memref_squeeze %dma_wait3A_82 : memref<1x16384xf32, #tpu.memory_space<hbm>> -> memref<16384xf32, #tpu.memory_space<hbm>>
    %dma_wait3A_84 = arith.constant 0 : i32
    %dma_wait3A_85 = tpu.memref_slice %arg4[%add3A_34, %dma_wait3A_84] : memref<16x16384xf32, #tpu.memory_space<hbm>> -> memref<1x16384xf32, #tpu.memory_space<hbm>>
    %dma_wait3A_86 = tpu.memref_squeeze %dma_wait3A_85 : memref<1x16384xf32, #tpu.memory_space<hbm>> -> memref<16384xf32, #tpu.memory_space<hbm>>
    tpu.wait_dma2 semaphore(%arg19 : memref<!tpu.dma_semaphore, #tpu.memory_space<semaphore_mem>>) src(%dma_wait3A_86 : memref<16384xf32, #tpu.memory_space<hbm>>) dst(%arg6 : memref<16384xf32, #tpu.memory_space<vmem>>)
    %dma_wait3A_87 = arith.constant 0 : i32
    %dma_wait3A_88 = tpu.memref_slice %arg4[%add3A_36, %dma_wait3A_87] : memref<16x16384xf32, #tpu.memory_space<hbm>> -> memref<1x16384xf32, #tpu.memory_space<hbm>>
    %dma_wait3A_89 = tpu.memref_squeeze %dma_wait3A_88 : memref<1x16384xf32, #tpu.memory_space<hbm>> -> memref<16384xf32, #tpu.memory_space<hbm>>
    %dma_wait3A_90 = arith.constant 0 : i32
    %dma_wait3A_91 = tpu.memref_slice %arg4[%add3A_36, %dma_wait3A_90] : memref<16x16384xf32, #tpu.memory_space<hbm>> -> memref<1x16384xf32, #tpu.memory_space<hbm>>
    %dma_wait3A_92 = tpu.memref_squeeze %dma_wait3A_91 : memref<1x16384xf32, #tpu.memory_space<hbm>> -> memref<16384xf32, #tpu.memory_space<hbm>>
    tpu.wait_dma2 semaphore(%arg19 : memref<!tpu.dma_semaphore, #tpu.memory_space<semaphore_mem>>) src(%dma_wait3A_92 : memref<16384xf32, #tpu.memory_space<hbm>>) dst(%arg7 : memref<16384xf32, #tpu.memory_space<vmem>>)
    %dma_wait3A_93 = arith.constant 0 : i32
    %dma_wait3A_94 = tpu.memref_slice %arg4[%add3A_38, %dma_wait3A_93] : memref<16x16384xf32, #tpu.memory_space<hbm>> -> memref<1x16384xf32, #tpu.memory_space<hbm>>
    %dma_wait3A_95 = tpu.memref_squeeze %dma_wait3A_94 : memref<1x16384xf32, #tpu.memory_space<hbm>> -> memref<16384xf32, #tpu.memory_space<hbm>>
    %dma_wait3A_96 = arith.constant 0 : i32
    %dma_wait3A_97 = tpu.memref_slice %arg4[%add3A_38, %dma_wait3A_96] : memref<16x16384xf32, #tpu.memory_space<hbm>> -> memref<1x16384xf32, #tpu.memory_space<hbm>>
    %dma_wait3A_98 = tpu.memref_squeeze %dma_wait3A_97 : memref<1x16384xf32, #tpu.memory_space<hbm>> -> memref<16384xf32, #tpu.memory_space<hbm>>
    tpu.wait_dma2 semaphore(%arg19 : memref<!tpu.dma_semaphore, #tpu.memory_space<semaphore_mem>>) src(%dma_wait3A_98 : memref<16384xf32, #tpu.memory_space<hbm>>) dst(%arg8 : memref<16384xf32, #tpu.memory_space<vmem>>)
    %dma_wait3A_99 = arith.constant 0 : i32
    %dma_wait3A_100 = tpu.memref_slice %arg4[%add3A_40, %dma_wait3A_99] : memref<16x16384xf32, #tpu.memory_space<hbm>> -> memref<1x16384xf32, #tpu.memory_space<hbm>>
    %dma_wait3A_101 = tpu.memref_squeeze %dma_wait3A_100 : memref<1x16384xf32, #tpu.memory_space<hbm>> -> memref<16384xf32, #tpu.memory_space<hbm>>
    %dma_wait3A_102 = arith.constant 0 : i32
    %dma_wait3A_103 = tpu.memref_slice %arg4[%add3A_40, %dma_wait3A_102] : memref<16x16384xf32, #tpu.memory_space<hbm>> -> memref<1x16384xf32, #tpu.memory_space<hbm>>
    %dma_wait3A_104 = tpu.memref_squeeze %dma_wait3A_103 : memref<1x16384xf32, #tpu.memory_space<hbm>> -> memref<16384xf32, #tpu.memory_space<hbm>>
    tpu.wait_dma2 semaphore(%arg19 : memref<!tpu.dma_semaphore, #tpu.memory_space<semaphore_mem>>) src(%dma_wait3A_104 : memref<16384xf32, #tpu.memory_space<hbm>>) dst(%arg9 : memref<16384xf32, #tpu.memory_space<vmem>>)
    %dma_wait3A_105 = arith.constant 0 : i32
    %dma_wait3A_106 = tpu.memref_slice %arg3[%mul3A_42, %dma_wait3A_105] : memref<16x256xi32, #tpu.memory_space<hbm>> -> memref<2x256xi32, #tpu.memory_space<hbm>>
    %dma_wait3A_107 = arith.constant 0 : i32
    %dma_wait3A_108 = tpu.memref_slice %arg3[%mul3A_42, %dma_wait3A_107] : memref<16x256xi32, #tpu.memory_space<hbm>> -> memref<2x256xi32, #tpu.memory_space<hbm>>
    tpu.wait_dma2 semaphore(%arg19 : memref<!tpu.dma_semaphore, #tpu.memory_space<semaphore_mem>>) src(%dma_wait3A_108 : memref<2x256xi32, #tpu.memory_space<hbm>>) dst(%arg10 : memref<2x256xi32, #tpu.memory_space<vmem>>)
    %scan3A = arith.constant 0 : i32
    %scan3A_109 = arith.constant 0 : i32
    %scan3A_110 = arith.constant 16 : i32
    %scan3A_111 = arith.addi %scan3A_109, %scan3A_110 : i32
    %scan3A_112 = arith.constant 1 : i32
    scf.for %scan3A_138 = %scan3A_109 to %scan3A_111 step %scan3A_112  : i32 {
      %mul3A_139 = arith.constant 2 : i32
      %mul3A_140 = arith.muli %scan3A_138, %mul3A_139 : i32
      %add3A_141 = arith.constant 0 : i32
      %add3A_142 = arith.addi %mul3A_140, %add3A_141 : i32
      %jit3A_143 = arith.constant 16 : i32
      %div3A_144 = arith.divsi %add3A_142, %jit3A_143 : i32
      %sign3A_145 = arith.constant 0 : i32
      %sign3A_146 = arith.cmpi sgt, %add3A_142, %sign3A_145 : i32
      %sign3A_147 = arith.extui %sign3A_146 : i1 to i32
      %sign3A_148 = arith.constant 0 : i32
      %sign3A_149 = arith.cmpi slt, %add3A_142, %sign3A_148 : i32
      %sign3A_150 = arith.extui %sign3A_149 : i1 to i32
      %sign3A_151 = arith.subi %sign3A_147, %sign3A_150 : i32
      %sign3A_152 = arith.constant 0 : i32
      %sign3A_153 = arith.cmpi sgt, %jit3A_143, %sign3A_152 : i32
      %sign3A_154 = arith.extui %sign3A_153 : i1 to i32
      %sign3A_155 = arith.constant 0 : i32
      %sign3A_156 = arith.cmpi slt, %jit3A_143, %sign3A_155 : i32
      %sign3A_157 = arith.extui %sign3A_156 : i1 to i32
      %sign3A_158 = arith.subi %sign3A_154, %sign3A_157 : i32
      %ne3A_159 = arith.cmpi ne, %sign3A_151, %sign3A_158 : i32
      %rem3A_160 = arith.remsi %add3A_142, %jit3A_143 : i32
      %ne3A_161 = arith.constant 0 : i32
      %ne3A_162 = arith.cmpi ne, %rem3A_160, %ne3A_161 : i32
      %and3A_163 = arith.andi %ne3A_159, %ne3A_162 : i1
      %sub3A_164 = arith.constant 1 : i32
      %sub3A_165 = arith.subi %div3A_144, %sub3A_164 : i32
      %select_n3A_166 = arith.select %and3A_163, %sub3A_165, %div3A_144 : i32
      %mul3A_167 = arith.constant 2 : i32
      %mul3A_168 = arith.muli %add3A_32, %mul3A_167 : i32
      %add3A_169 = arith.addi %mul3A_168, %select_n3A_166 : i32
      %jit3A_170 = arith.constant 16 : i32
      %eq3A_171 = arith.constant 0 : i32
      %eq3A_172 = arith.cmpi eq, %jit3A_170, %eq3A_171 : i32
      %jit3A_173 = arith.constant 1 : i32
      %select_n3A_174 = arith.select %eq3A_172, %jit3A_173, %jit3A_170 : i32
      %rem3A_175 = arith.remsi %add3A_142, %select_n3A_174 : i32
      %ne3A_176 = arith.constant 0 : i32
      %ne3A_177 = arith.cmpi ne, %rem3A_175, %ne3A_176 : i32
      %lt3A_178 = arith.constant 0 : i32
      %lt3A_179 = arith.cmpi slt, %rem3A_175, %lt3A_178 : i32
      %lt3A_180 = arith.constant 0 : i32
      %lt3A_181 = arith.cmpi slt, %select_n3A_174, %lt3A_180 : i32
      %ne3A_182 = arith.xori %lt3A_179, %lt3A_181 : i1
      %and3A_183 = arith.andi %ne3A_182, %ne3A_177 : i1
      %add3A_184 = arith.addi %rem3A_175, %select_n3A_174 : i32
      %select_n3A_185 = arith.select %and3A_183, %add3A_184, %rem3A_175 : i32
      %add3A_186 = arith.constant 1 : i32
      %add3A_187 = arith.addi %add3A_142, %add3A_186 : i32
      %lt3A_188 = arith.constant 32 : i32
      %lt3A_189 = arith.cmpi slt, %add3A_187, %lt3A_188 : i32
      %convert_element_type3A = arith.extui %lt3A_189 : i1 to i32
      %cond3A = arith.constant 0 : i32
      %cond3A_190 = arith.cmpi ne, %convert_element_type3A, %cond3A : i32
      scf.if %cond3A_190 {
        %add3A_396 = arith.constant 1 : i32
        %add3A_397 = arith.addi %add3A_142, %add3A_396 : i32
        %jit3A_398 = arith.constant 16 : i32
        %div3A_399 = arith.divsi %add3A_397, %jit3A_398 : i32
        %sign3A_400 = arith.constant 0 : i32
        %sign3A_401 = arith.cmpi sgt, %add3A_397, %sign3A_400 : i32
        %sign3A_402 = arith.extui %sign3A_401 : i1 to i32
        %sign3A_403 = arith.constant 0 : i32
        %sign3A_404 = arith.cmpi slt, %add3A_397, %sign3A_403 : i32
        %sign3A_405 = arith.extui %sign3A_404 : i1 to i32
        %sign3A_406 = arith.subi %sign3A_402, %sign3A_405 : i32
        %sign3A_407 = arith.constant 0 : i32
        %sign3A_408 = arith.cmpi sgt, %jit3A_398, %sign3A_407 : i32
        %sign3A_409 = arith.extui %sign3A_408 : i1 to i32
        %sign3A_410 = arith.constant 0 : i32
        %sign3A_411 = arith.cmpi slt, %jit3A_398, %sign3A_410 : i32
        %sign3A_412 = arith.extui %sign3A_411 : i1 to i32
        %sign3A_413 = arith.subi %sign3A_409, %sign3A_412 : i32
        %ne3A_414 = arith.cmpi ne, %sign3A_406, %sign3A_413 : i32
        %rem3A_415 = arith.remsi %add3A_397, %jit3A_398 : i32
        %ne3A_416 = arith.constant 0 : i32
        %ne3A_417 = arith.cmpi ne, %rem3A_415, %ne3A_416 : i32
        %and3A_418 = arith.andi %ne3A_414, %ne3A_417 : i1
        %sub3A_419 = arith.constant 1 : i32
        %sub3A_420 = arith.subi %div3A_399, %sub3A_419 : i32
        %select_n3A_421 = arith.select %and3A_418, %sub3A_420, %div3A_399 : i32
        %mul3A_422 = arith.constant 2 : i32
        %mul3A_423 = arith.muli %add3A_32, %mul3A_422 : i32
        %add3A_424 = arith.addi %mul3A_423, %select_n3A_421 : i32
        %jit3A_425 = arith.constant 16 : i32
        %eq3A_426 = arith.constant 0 : i32
        %eq3A_427 = arith.cmpi eq, %jit3A_425, %eq3A_426 : i32
        %jit3A_428 = arith.constant 1 : i32
        %select_n3A_429 = arith.select %eq3A_427, %jit3A_428, %jit3A_425 : i32
        %rem3A_430 = arith.remsi %add3A_397, %select_n3A_429 : i32
        %ne3A_431 = arith.constant 0 : i32
        %ne3A_432 = arith.cmpi ne, %rem3A_430, %ne3A_431 : i32
        %lt3A_433 = arith.constant 0 : i32
        %lt3A_434 = arith.cmpi slt, %rem3A_430, %lt3A_433 : i32
        %lt3A_435 = arith.constant 0 : i32
        %lt3A_436 = arith.cmpi slt, %select_n3A_429, %lt3A_435 : i32
        %ne3A_437 = arith.xori %lt3A_434, %lt3A_436 : i1
        %and3A_438 = arith.andi %ne3A_437, %ne3A_432 : i1
        %add3A_439 = arith.addi %rem3A_430, %select_n3A_429 : i32
        %select_n3A_440 = arith.select %and3A_438, %add3A_439, %rem3A_430 : i32
        %mul3A_441 = arith.constant 16 : i32
        %mul3A_442 = arith.muli %select_n3A_440, %mul3A_441 : i32
        %dma_start3A_443 = arith.constant 0 : i32
        %dma_start3A_444 = tpu.memref_slice %arg2[%add3A_424, %mul3A_442, %dma_start3A_443] : memref<16x256x256xf32, #tpu.memory_space<hbm>> -> memref<1x16x256xf32, #tpu.memory_space<hbm>>
        %dma_start3A_445 = tpu.memref_squeeze %dma_start3A_444 : memref<1x16x256xf32, #tpu.memory_space<hbm>> -> memref<16x256xf32, #tpu.memory_space<hbm>>
        %dma_start3A_446 = arith.constant 0 : i32
        %dma_start3A_447 = tpu.memref_slice %arg2[%add3A_424, %mul3A_442, %dma_start3A_446] : memref<16x256x256xf32, #tpu.memory_space<hbm>> -> memref<1x16x256xf32, #tpu.memory_space<hbm>>
        %dma_start3A_448 = tpu.memref_squeeze %dma_start3A_447 : memref<1x16x256xf32, #tpu.memory_space<hbm>> -> memref<16x256xf32, #tpu.memory_space<hbm>>
        tpu.enqueue_dma source(%dma_start3A_448 : memref<16x256xf32, #tpu.memory_space<hbm>>) target(%arg12 : memref<16x256xf32, #tpu.memory_space<vmem>>) target_semaphore(%arg16 : memref<!tpu.dma_semaphore, #tpu.memory_space<semaphore_mem>>)
      } else {
      }
      %mul3A_191 = arith.constant 16 : i32
      %mul3A_192 = arith.muli %select_n3A_185, %mul3A_191 : i32
      %dma_wait3A_193 = arith.constant 0 : i32
      %dma_wait3A_194 = tpu.memref_slice %arg2[%add3A_169, %mul3A_192, %dma_wait3A_193] : memref<16x256x256xf32, #tpu.memory_space<hbm>> -> memref<1x16x256xf32, #tpu.memory_space<hbm>>
      %dma_wait3A_195 = tpu.memref_squeeze %dma_wait3A_194 : memref<1x16x256xf32, #tpu.memory_space<hbm>> -> memref<16x256xf32, #tpu.memory_space<hbm>>
      %dma_wait3A_196 = arith.constant 0 : i32
      %dma_wait3A_197 = tpu.memref_slice %arg2[%add3A_169, %mul3A_192, %dma_wait3A_196] : memref<16x256x256xf32, #tpu.memory_space<hbm>> -> memref<1x16x256xf32, #tpu.memory_space<hbm>>
      %dma_wait3A_198 = tpu.memref_squeeze %dma_wait3A_197 : memref<1x16x256xf32, #tpu.memory_space<hbm>> -> memref<16x256xf32, #tpu.memory_space<hbm>>
      tpu.wait_dma2 semaphore(%arg15 : memref<!tpu.dma_semaphore, #tpu.memory_space<semaphore_mem>>) src(%dma_wait3A_198 : memref<16x256xf32, #tpu.memory_space<hbm>>) dst(%arg11 : memref<16x256xf32, #tpu.memory_space<vmem>>)
      %ge3A = arith.constant 2 : i32
      %ge3A_199 = arith.cmpi sge, %add3A_142, %ge3A : i32
      %convert_element_type3A_200 = arith.extui %ge3A_199 : i1 to i32
      %cond3A_201 = arith.constant 0 : i32
      %cond3A_202 = arith.cmpi ne, %convert_element_type3A_200, %cond3A_201 : i32
      scf.if %cond3A_202 {
        %mul3A_396 = arith.constant 16 : i32
        %mul3A_397 = arith.muli %select_n3A_185, %mul3A_396 : i32
        %dma_wait3A_398 = arith.constant 0 : i32
        %dma_wait3A_399 = tpu.memref_slice %arg5[%add3A_169, %mul3A_8, %mul3A_397, %dma_wait3A_398] : memref<16x16x256x256xf32, #tpu.memory_space<hbm>> -> memref<1x4x16x256xf32, #tpu.memory_space<hbm>>
        %dma_wait3A_400 = tpu.memref_squeeze %dma_wait3A_399 : memref<1x4x16x256xf32, #tpu.memory_space<hbm>> -> memref<4x16x256xf32, #tpu.memory_space<hbm>>
        %dma_wait3A_401 = arith.constant 0 : i32
        %dma_wait3A_402 = tpu.memref_slice %arg5[%add3A_169, %mul3A_8, %mul3A_397, %dma_wait3A_401] : memref<16x16x256x256xf32, #tpu.memory_space<hbm>> -> memref<1x4x16x256xf32, #tpu.memory_space<hbm>>
        %dma_wait3A_403 = tpu.memref_squeeze %dma_wait3A_402 : memref<1x4x16x256xf32, #tpu.memory_space<hbm>> -> memref<4x16x256xf32, #tpu.memory_space<hbm>>
        tpu.wait_dma2 semaphore(%arg17 : memref<!tpu.dma_semaphore, #tpu.memory_space<semaphore_mem>>) src(%arg13 : memref<4x16x256xf32, #tpu.memory_space<vmem>>) dst(%dma_wait3A_403 : memref<4x16x256xf32, #tpu.memory_space<hbm>>)
      } else {
      }
      %get3A = arith.index_cast %select_n3A_166 : i32 to index
      %get3A_203 = arith.constant 0 : index
      %get3A_204 = tpu.vector_load %arg10[%get3A, %get3A_203] {strides = array<i32>} : memref<2x256xi32, #tpu.memory_space<vmem>>, vector<16xi32>,
      %get3A_205 = arith.index_cast %select_n3A_166 : i32 to index
      %get3A_206 = arith.constant 16 : index
      %get3A_207 = tpu.vector_load %arg10[%get3A_205, %get3A_206] {strides = array<i32>} : memref<2x256xi32, #tpu.memory_space<vmem>>, vector<16xi32>,
      %get3A_208 = arith.index_cast %select_n3A_166 : i32 to index
      %get3A_209 = arith.constant 32 : index
      %get3A_210 = tpu.vector_load %arg10[%get3A_208, %get3A_209] {strides = array<i32>} : memref<2x256xi32, #tpu.memory_space<vmem>>, vector<16xi32>,
      %get3A_211 = arith.index_cast %select_n3A_166 : i32 to index
      %get3A_212 = arith.constant 48 : index
      %get3A_213 = tpu.vector_load %arg10[%get3A_211, %get3A_212] {strides = array<i32>} : memref<2x256xi32, #tpu.memory_space<vmem>>, vector<16xi32>,
      %get3A_214 = arith.index_cast %select_n3A_166 : i32 to index
      %get3A_215 = arith.constant 64 : index
      %get3A_216 = tpu.vector_load %arg10[%get3A_214, %get3A_215] {strides = array<i32>} : memref<2x256xi32, #tpu.memory_space<vmem>>, vector<16xi32>,
      %get3A_217 = arith.index_cast %select_n3A_166 : i32 to index
      %get3A_218 = arith.constant 80 : index
      %get3A_219 = tpu.vector_load %arg10[%get3A_217, %get3A_218] {strides = array<i32>} : memref<2x256xi32, #tpu.memory_space<vmem>>, vector<16xi32>,
      %get3A_220 = arith.index_cast %select_n3A_166 : i32 to index
      %get3A_221 = arith.constant 96 : index
      %get3A_222 = tpu.vector_load %arg10[%get3A_220, %get3A_221] {strides = array<i32>} : memref<2x256xi32, #tpu.memory_space<vmem>>, vector<16xi32>,
      %get3A_223 = arith.index_cast %select_n3A_166 : i32 to index
      %get3A_224 = arith.constant 112 : index
      %get3A_225 = tpu.vector_load %arg10[%get3A_223, %get3A_224] {strides = array<i32>} : memref<2x256xi32, #tpu.memory_space<vmem>>, vector<16xi32>,
      %get3A_226 = arith.index_cast %select_n3A_166 : i32 to index
      %get3A_227 = arith.constant 128 : index
      %get3A_228 = tpu.vector_load %arg10[%get3A_226, %get3A_227] {strides = array<i32>} : memref<2x256xi32, #tpu.memory_space<vmem>>, vector<16xi32>,
      %get3A_229 = arith.index_cast %select_n3A_166 : i32 to index
      %get3A_230 = arith.constant 144 : index
      %get3A_231 = tpu.vector_load %arg10[%get3A_229, %get3A_230] {strides = array<i32>} : memref<2x256xi32, #tpu.memory_space<vmem>>, vector<16xi32>,
      %get3A_232 = arith.index_cast %select_n3A_166 : i32 to index
      %get3A_233 = arith.constant 160 : index
      %get3A_234 = tpu.vector_load %arg10[%get3A_232, %get3A_233] {strides = array<i32>} : memref<2x256xi32, #tpu.memory_space<vmem>>, vector<16xi32>,
      %get3A_235 = arith.index_cast %select_n3A_166 : i32 to index
      %get3A_236 = arith.constant 176 : index
      %get3A_237 = tpu.vector_load %arg10[%get3A_235, %get3A_236] {strides = array<i32>} : memref<2x256xi32, #tpu.memory_space<vmem>>, vector<16xi32>,
      %get3A_238 = arith.index_cast %select_n3A_166 : i32 to index
      %get3A_239 = arith.constant 192 : index
      %get3A_240 = tpu.vector_load %arg10[%get3A_238, %get3A_239] {strides = array<i32>} : memref<2x256xi32, #tpu.memory_space<vmem>>, vector<16xi32>,
      %get3A_241 = arith.index_cast %select_n3A_166 : i32 to index
      %get3A_242 = arith.constant 208 : index
      %get3A_243 = tpu.vector_load %arg10[%get3A_241, %get3A_242] {strides = array<i32>} : memref<2x256xi32, #tpu.memory_space<vmem>>, vector<16xi32>,
      %get3A_244 = arith.index_cast %select_n3A_166 : i32 to index
      %get3A_245 = arith.constant 224 : index
      %get3A_246 = tpu.vector_load %arg10[%get3A_244, %get3A_245] {strides = array<i32>} : memref<2x256xi32, #tpu.memory_space<vmem>>, vector<16xi32>,
      %get3A_247 = arith.index_cast %select_n3A_166 : i32 to index
      %get3A_248 = arith.constant 240 : index
      %get3A_249 = tpu.vector_load %arg10[%get3A_247, %get3A_248] {strides = array<i32>} : memref<2x256xi32, #tpu.memory_space<vmem>>, vector<16xi32>,
      %mul3A_250 = arith.constant 16 : i32
      %mul3A_251 = arith.muli %select_n3A_185, %mul3A_250 : i32
      %get3A_252 = arith.index_cast %select_n3A_166 : i32 to index
      %get3A_253 = arith.index_cast %mul3A_251 : i32 to index
      %get3A_254 = tpu.vector_load %arg10[%get3A_252, %get3A_253] {strides = array<i32>} : memref<2x256xi32, #tpu.memory_space<vmem>>, vector<16xi32>,
      %parallel_loop3A = arith.constant 0 : i32
      %parallel_loop3A_255 = arith.constant 16 : i32
      %parallel_loop3A_256 = arith.constant 1 : i32
      scf.for %parallel_loop3A_396 = %parallel_loop3A to %parallel_loop3A_255 step %parallel_loop3A_256  : i32 {
        %parallel_loop3A_397 = vector.broadcast %parallel_loop3A_396 : i32 to vector<16xi32>
        %parallel_loop3A_398 = vector.shape_cast %parallel_loop3A_397 : vector<16xi32> to vector<16x1xi32>
        %parallel_loop3A_399 = vector.shape_cast %parallel_loop3A_398 : vector<16x1xi32> to vector<16xi32>
        %parallel_loop3A_400 = tpu.dynamic_gather %get3A_254[%parallel_loop3A_399] in [0] : vector<16xi32>, vector<16xi32> -> vector<16xi32>
        %parallel_loop3A_401 = arith.constant 128 : i32
        %parallel_loop3A_402 = vector.broadcast %parallel_loop3A_401 : i32 to vector<16xi32>
        %parallel_loop3A_403 = arith.muli %parallel_loop3A_400, %parallel_loop3A_402 : vector<16xi32>
        %parallel_loop3A_404 = arith.addi %parallel_loop3A_403, %get3A_204 : vector<16xi32>
        %parallel_loop3A_405 = arith.index_cast %parallel_loop3A_396 : i32 to index
        %parallel_loop3A_406 = arith.constant 0 : index
        %parallel_loop3A_407 = tpu.vector_load %arg11[%parallel_loop3A_405, %parallel_loop3A_406] {strides = array<i32>} : memref<16x256xf32, #tpu.memory_space<vmem>>, vector<16xf32>,
        %parallel_loop3A_408 = tpu.vector_load_idx %arg6[%parallel_loop3A_404] : memref<16384xf32, #tpu.memory_space<vmem>>[vector<16xi32>], vector<16xf32>,
        %parallel_loop3A_409 = tpu.vector_load_idx %arg7[%parallel_loop3A_404] : memref<16384xf32, #tpu.memory_space<vmem>>[vector<16xi32>], vector<16xf32>,
        %parallel_loop3A_410 = tpu.vector_load_idx %arg8[%parallel_loop3A_404] : memref<16384xf32, #tpu.memory_space<vmem>>[vector<16xi32>], vector<16xf32>,
        %parallel_loop3A_411 = tpu.vector_load_idx %arg9[%parallel_loop3A_404] : memref<16384xf32, #tpu.memory_space<vmem>>[vector<16xi32>], vector<16xf32>,
        %parallel_loop3A_412 = arith.mulf %parallel_loop3A_408, %parallel_loop3A_407 : vector<16xf32>
        %parallel_loop3A_413 = arith.constant 0 : i32
        %parallel_loop3A_414 = arith.index_cast %parallel_loop3A_413 : i32 to index
        %parallel_loop3A_415 = arith.index_cast %parallel_loop3A_396 : i32 to index
        %parallel_loop3A_416 = arith.constant 0 : index
        %parallel_loop3A_417 = tpu.vector_load %arg13[%parallel_loop3A_414, %parallel_loop3A_415, %parallel_loop3A_416] {strides = array<i32>} : memref<4x16x256xf32, #tpu.memory_space<vmem>>, vector<16xf32>,
        tpu.vector_store %arg13[%parallel_loop3A_414, %parallel_loop3A_415, %parallel_loop3A_416], %parallel_loop3A_412 {strides = array<i32>} : memref<4x16x256xf32, #tpu.memory_space<vmem>>, vector<16xf32>,
        %parallel_loop3A_418 = arith.mulf %parallel_loop3A_409, %parallel_loop3A_407 : vector<16xf32>
        %parallel_loop3A_419 = arith.constant 1 : i32
        %parallel_loop3A_420 = arith.index_cast %parallel_loop3A_419 : i32 to index
        %parallel_loop3A_421 = arith.index_cast %parallel_loop3A_396 : i32 to index
        %parallel_loop3A_422 = arith.constant 0 : index
        %parallel_loop3A_423 = tpu.vector_load %arg13[%parallel_loop3A_420, %parallel_loop3A_421, %parallel_loop3A_422] {strides = array<i32>} : memref<4x16x256xf32, #tpu.memory_space<vmem>>, vector<16xf32>,
        tpu.vector_store %arg13[%parallel_loop3A_420, %parallel_loop3A_421, %parallel_loop3A_422], %parallel_loop3A_418 {strides = array<i32>} : memref<4x16x256xf32, #tpu.memory_space<vmem>>, vector<16xf32>,
        %parallel_loop3A_424 = arith.mulf %parallel_loop3A_410, %parallel_loop3A_407 : vector<16xf32>
        %parallel_loop3A_425 = arith.constant 2 : i32
        %parallel_loop3A_426 = arith.index_cast %parallel_loop3A_425 : i32 to index
        %parallel_loop3A_427 = arith.index_cast %parallel_loop3A_396 : i32 to index
        %parallel_loop3A_428 = arith.constant 0 : index
        %parallel_loop3A_429 = tpu.vector_load %arg13[%parallel_loop3A_426, %parallel_loop3A_427, %parallel_loop3A_428] {strides = array<i32>} : memref<4x16x256xf32, #tpu.memory_space<vmem>>, vector<16xf32>,
        tpu.vector_store %arg13[%parallel_loop3A_426, %parallel_loop3A_427, %parallel_loop3A_428], %parallel_loop3A_424 {strides = array<i32>} : memref<4x16x256xf32, #tpu.memory_space<vmem>>, vector<16xf32>,
        %parallel_loop3A_430 = arith.mulf %parallel_loop3A_411, %parallel_loop3A_407 : vector<16xf32>
        %parallel_loop3A_431 = arith.constant 3 : i32
        %parallel_loop3A_432 = arith.index_cast %parallel_loop3A_431 : i32 to index
        %parallel_loop3A_433 = arith.index_cast %parallel_loop3A_396 : i32 to index
        %parallel_loop3A_434 = arith.constant 0 : index
        %parallel_loop3A_435 = tpu.vector_load %arg13[%parallel_loop3A_432, %parallel_loop3A_433, %parallel_loop3A_434] {strides = array<i32>} : memref<4x16x256xf32, #tpu.memory_space<vmem>>, vector<16xf32>,
        tpu.vector_store %arg13[%parallel_loop3A_432, %parallel_loop3A_433, %parallel_loop3A_434], %parallel_loop3A_430 {strides = array<i32>} : memref<4x16x256xf32, #tpu.memory_space<vmem>>, vector<16xf32>,
        %parallel_loop3A_436 = arith.addi %parallel_loop3A_403, %get3A_207 : vector<16xi32>
        %parallel_loop3A_437 = arith.index_cast %parallel_loop3A_396 : i32 to index
        %parallel_loop3A_438 = arith.constant 16 : index
        %parallel_loop3A_439 = tpu.vector_load %arg11[%parallel_loop3A_437, %parallel_loop3A_438] {strides = array<i32>} : memref<16x256xf32, #tpu.memory_space<vmem>>, vector<16xf32>,
        %parallel_loop3A_440 = tpu.vector_load_idx %arg6[%parallel_loop3A_436] : memref<16384xf32, #tpu.memory_space<vmem>>[vector<16xi32>], vector<16xf32>,
        %parallel_loop3A_441 = tpu.vector_load_idx %arg7[%parallel_loop3A_436] : memref<16384xf32, #tpu.memory_space<vmem>>[vector<16xi32>], vector<16xf32>,
        %parallel_loop3A_442 = tpu.vector_load_idx %arg8[%parallel_loop3A_436] : memref<16384xf32, #tpu.memory_space<vmem>>[vector<16xi32>], vector<16xf32>,
        %parallel_loop3A_443 = tpu.vector_load_idx %arg9[%parallel_loop3A_436] : memref<16384xf32, #tpu.memory_space<vmem>>[vector<16xi32>], vector<16xf32>,
        %parallel_loop3A_444 = arith.mulf %parallel_loop3A_440, %parallel_loop3A_439 : vector<16xf32>
        %parallel_loop3A_445 = arith.constant 0 : i32
        %parallel_loop3A_446 = arith.index_cast %parallel_loop3A_445 : i32 to index
        %parallel_loop3A_447 = arith.index_cast %parallel_loop3A_396 : i32 to index
        %parallel_loop3A_448 = arith.constant 16 : index
        %parallel_loop3A_449 = tpu.vector_load %arg13[%parallel_loop3A_446, %parallel_loop3A_447, %parallel_loop3A_448] {strides = array<i32>} : memref<4x16x256xf32, #tpu.memory_space<vmem>>, vector<16xf32>,
        tpu.vector_store %arg13[%parallel_loop3A_446, %parallel_loop3A_447, %parallel_loop3A_448], %parallel_loop3A_444 {strides = array<i32>} : memref<4x16x256xf32, #tpu.memory_space<vmem>>, vector<16xf32>,
        %parallel_loop3A_450 = arith.mulf %parallel_loop3A_441, %parallel_loop3A_439 : vector<16xf32>
        %parallel_loop3A_451 = arith.constant 1 : i32
        %parallel_loop3A_452 = arith.index_cast %parallel_loop3A_451 : i32 to index
        %parallel_loop3A_453 = arith.index_cast %parallel_loop3A_396 : i32 to index
        %parallel_loop3A_454 = arith.constant 16 : index
        %parallel_loop3A_455 = tpu.vector_load %arg13[%parallel_loop3A_452, %parallel_loop3A_453, %parallel_loop3A_454] {strides = array<i32>} : memref<4x16x256xf32, #tpu.memory_space<vmem>>, vector<16xf32>,
        tpu.vector_store %arg13[%parallel_loop3A_452, %parallel_loop3A_453, %parallel_loop3A_454], %parallel_loop3A_450 {strides = array<i32>} : memref<4x16x256xf32, #tpu.memory_space<vmem>>, vector<16xf32>,
        %parallel_loop3A_456 = arith.mulf %parallel_loop3A_442, %parallel_loop3A_439 : vector<16xf32>
        %parallel_loop3A_457 = arith.constant 2 : i32
        %parallel_loop3A_458 = arith.index_cast %parallel_loop3A_457 : i32 to index
        %parallel_loop3A_459 = arith.index_cast %parallel_loop3A_396 : i32 to index
        %parallel_loop3A_460 = arith.constant 16 : index
        %parallel_loop3A_461 = tpu.vector_load %arg13[%parallel_loop3A_458, %parallel_loop3A_459, %parallel_loop3A_460] {strides = array<i32>} : memref<4x16x256xf32, #tpu.memory_space<vmem>>, vector<16xf32>,
        tpu.vector_store %arg13[%parallel_loop3A_458, %parallel_loop3A_459, %parallel_loop3A_460], %parallel_loop3A_456 {strides = array<i32>} : memref<4x16x256xf32, #tpu.memory_space<vmem>>, vector<16xf32>,
        %parallel_loop3A_462 = arith.mulf %parallel_loop3A_443, %parallel_loop3A_439 : vector<16xf32>
        %parallel_loop3A_463 = arith.constant 3 : i32
        %parallel_loop3A_464 = arith.index_cast %parallel_loop3A_463 : i32 to index
        %parallel_loop3A_465 = arith.index_cast %parallel_loop3A_396 : i32 to index
        %parallel_loop3A_466 = arith.constant 16 : index
        %parallel_loop3A_467 = tpu.vector_load %arg13[%parallel_loop3A_464, %parallel_loop3A_465, %parallel_loop3A_466] {strides = array<i32>} : memref<4x16x256xf32, #tpu.memory_space<vmem>>, vector<16xf32>,
        tpu.vector_store %arg13[%parallel_loop3A_464, %parallel_loop3A_465, %parallel_loop3A_466], %parallel_loop3A_462 {strides = array<i32>} : memref<4x16x256xf32, #tpu.memory_space<vmem>>, vector<16xf32>,
        %parallel_loop3A_468 = arith.addi %parallel_loop3A_403, %get3A_210 : vector<16xi32>
        %parallel_loop3A_469 = arith.index_cast %parallel_loop3A_396 : i32 to index
        %parallel_loop3A_470 = arith.constant 32 : index
        %parallel_loop3A_471 = tpu.vector_load %arg11[%parallel_loop3A_469, %parallel_loop3A_470] {strides = array<i32>} : memref<16x256xf32, #tpu.memory_space<vmem>>, vector<16xf32>,
        %parallel_loop3A_472 = tpu.vector_load_idx %arg6[%parallel_loop3A_468] : memref<16384xf32, #tpu.memory_space<vmem>>[vector<16xi32>], vector<16xf32>,
        %parallel_loop3A_473 = tpu.vector_load_idx %arg7[%parallel_loop3A_468] : memref<16384xf32, #tpu.memory_space<vmem>>[vector<16xi32>], vector<16xf32>,
        %parallel_loop3A_474 = tpu.vector_load_idx %arg8[%parallel_loop3A_468] : memref<16384xf32, #tpu.memory_space<vmem>>[vector<16xi32>], vector<16xf32>,
        %parallel_loop3A_475 = tpu.vector_load_idx %arg9[%parallel_loop3A_468] : memref<16384xf32, #tpu.memory_space<vmem>>[vector<16xi32>], vector<16xf32>,
        %parallel_loop3A_476 = arith.mulf %parallel_loop3A_472, %parallel_loop3A_471 : vector<16xf32>
        %parallel_loop3A_477 = arith.constant 0 : i32
        %parallel_loop3A_478 = arith.index_cast %parallel_loop3A_477 : i32 to index
        %parallel_loop3A_479 = arith.index_cast %parallel_loop3A_396 : i32 to index
        %parallel_loop3A_480 = arith.constant 32 : index
        %parallel_loop3A_481 = tpu.vector_load %arg13[%parallel_loop3A_478, %parallel_loop3A_479, %parallel_loop3A_480] {strides = array<i32>} : memref<4x16x256xf32, #tpu.memory_space<vmem>>, vector<16xf32>,
        tpu.vector_store %arg13[%parallel_loop3A_478, %parallel_loop3A_479, %parallel_loop3A_480], %parallel_loop3A_476 {strides = array<i32>} : memref<4x16x256xf32, #tpu.memory_space<vmem>>, vector<16xf32>,
        %parallel_loop3A_482 = arith.mulf %parallel_loop3A_473, %parallel_loop3A_471 : vector<16xf32>
        %parallel_loop3A_483 = arith.constant 1 : i32
        %parallel_loop3A_484 = arith.index_cast %parallel_loop3A_483 : i32 to index
        %parallel_loop3A_485 = arith.index_cast %parallel_loop3A_396 : i32 to index
        %parallel_loop3A_486 = arith.constant 32 : index
        %parallel_loop3A_487 = tpu.vector_load %arg13[%parallel_loop3A_484, %parallel_loop3A_485, %parallel_loop3A_486] {strides = array<i32>} : memref<4x16x256xf32, #tpu.memory_space<vmem>>, vector<16xf32>,
        tpu.vector_store %arg13[%parallel_loop3A_484, %parallel_loop3A_485, %parallel_loop3A_486], %parallel_loop3A_482 {strides = array<i32>} : memref<4x16x256xf32, #tpu.memory_space<vmem>>, vector<16xf32>,
        %parallel_loop3A_488 = arith.mulf %parallel_loop3A_474, %parallel_loop3A_471 : vector<16xf32>
        %parallel_loop3A_489 = arith.constant 2 : i32
        %parallel_loop3A_490 = arith.index_cast %parallel_loop3A_489 : i32 to index
        %parallel_loop3A_491 = arith.index_cast %parallel_loop3A_396 : i32 to index
        %parallel_loop3A_492 = arith.constant 32 : index
        %parallel_loop3A_493 = tpu.vector_load %arg13[%parallel_loop3A_490, %parallel_loop3A_491, %parallel_loop3A_492] {strides = array<i32>} : memref<4x16x256xf32, #tpu.memory_space<vmem>>, vector<16xf32>,
        tpu.vector_store %arg13[%parallel_loop3A_490, %parallel_loop3A_491, %parallel_loop3A_492], %parallel_loop3A_488 {strides = array<i32>} : memref<4x16x256xf32, #tpu.memory_space<vmem>>, vector<16xf32>,
        %parallel_loop3A_494 = arith.mulf %parallel_loop3A_475, %parallel_loop3A_471 : vector<16xf32>
        %parallel_loop3A_495 = arith.constant 3 : i32
        %parallel_loop3A_496 = arith.index_cast %parallel_loop3A_495 : i32 to index
        %parallel_loop3A_497 = arith.index_cast %parallel_loop3A_396 : i32 to index
        %parallel_loop3A_498 = arith.constant 32 : index
        %parallel_loop3A_499 = tpu.vector_load %arg13[%parallel_loop3A_496, %parallel_loop3A_497, %parallel_loop3A_498] {strides = array<i32>} : memref<4x16x256xf32, #tpu.memory_space<vmem>>, vector<16xf32>,
        tpu.vector_store %arg13[%parallel_loop3A_496, %parallel_loop3A_497, %parallel_loop3A_498], %parallel_loop3A_494 {strides = array<i32>} : memref<4x16x256xf32, #tpu.memory_space<vmem>>, vector<16xf32>,
        %parallel_loop3A_500 = arith.addi %parallel_loop3A_403, %get3A_213 : vector<16xi32>
        %parallel_loop3A_501 = arith.index_cast %parallel_loop3A_396 : i32 to index
        %parallel_loop3A_502 = arith.constant 48 : index
        %parallel_loop3A_503 = tpu.vector_load %arg11[%parallel_loop3A_501, %parallel_loop3A_502] {strides = array<i32>} : memref<16x256xf32, #tpu.memory_space<vmem>>, vector<16xf32>,
        %parallel_loop3A_504 = tpu.vector_load_idx %arg6[%parallel_loop3A_500] : memref<16384xf32, #tpu.memory_space<vmem>>[vector<16xi32>], vector<16xf32>,
        %parallel_loop3A_505 = tpu.vector_load_idx %arg7[%parallel_loop3A_500] : memref<16384xf32, #tpu.memory_space<vmem>>[vector<16xi32>], vector<16xf32>,
        %parallel_loop3A_506 = tpu.vector_load_idx %arg8[%parallel_loop3A_500] : memref<16384xf32, #tpu.memory_space<vmem>>[vector<16xi32>], vector<16xf32>,
        %parallel_loop3A_507 = tpu.vector_load_idx %arg9[%parallel_loop3A_500] : memref<16384xf32, #tpu.memory_space<vmem>>[vector<16xi32>], vector<16xf32>,
        %parallel_loop3A_508 = arith.mulf %parallel_loop3A_504, %parallel_loop3A_503 : vector<16xf32>
        %parallel_loop3A_509 = arith.constant 0 : i32
        %parallel_loop3A_510 = arith.index_cast %parallel_loop3A_509 : i32 to index
        %parallel_loop3A_511 = arith.index_cast %parallel_loop3A_396 : i32 to index
        %parallel_loop3A_512 = arith.constant 48 : index
        %parallel_loop3A_513 = tpu.vector_load %arg13[%parallel_loop3A_510, %parallel_loop3A_511, %parallel_loop3A_512] {strides = array<i32>} : memref<4x16x256xf32, #tpu.memory_space<vmem>>, vector<16xf32>,
        tpu.vector_store %arg13[%parallel_loop3A_510, %parallel_loop3A_511, %parallel_loop3A_512], %parallel_loop3A_508 {strides = array<i32>} : memref<4x16x256xf32, #tpu.memory_space<vmem>>, vector<16xf32>,
        %parallel_loop3A_514 = arith.mulf %parallel_loop3A_505, %parallel_loop3A_503 : vector<16xf32>
        %parallel_loop3A_515 = arith.constant 1 : i32
        %parallel_loop3A_516 = arith.index_cast %parallel_loop3A_515 : i32 to index
        %parallel_loop3A_517 = arith.index_cast %parallel_loop3A_396 : i32 to index
        %parallel_loop3A_518 = arith.constant 48 : index
        %parallel_loop3A_519 = tpu.vector_load %arg13[%parallel_loop3A_516, %parallel_loop3A_517, %parallel_loop3A_518] {strides = array<i32>} : memref<4x16x256xf32, #tpu.memory_space<vmem>>, vector<16xf32>,
        tpu.vector_store %arg13[%parallel_loop3A_516, %parallel_loop3A_517, %parallel_loop3A_518], %parallel_loop3A_514 {strides = array<i32>} : memref<4x16x256xf32, #tpu.memory_space<vmem>>, vector<16xf32>,
        %parallel_loop3A_520 = arith.mulf %parallel_loop3A_506, %parallel_loop3A_503 : vector<16xf32>
        %parallel_loop3A_521 = arith.constant 2 : i32
        %parallel_loop3A_522 = arith.index_cast %parallel_loop3A_521 : i32 to index
        %parallel_loop3A_523 = arith.index_cast %parallel_loop3A_396 : i32 to index
        %parallel_loop3A_524 = arith.constant 48 : index
        %parallel_loop3A_525 = tpu.vector_load %arg13[%parallel_loop3A_522, %parallel_loop3A_523, %parallel_loop3A_524] {strides = array<i32>} : memref<4x16x256xf32, #tpu.memory_space<vmem>>, vector<16xf32>,
        tpu.vector_store %arg13[%parallel_loop3A_522, %parallel_loop3A_523, %parallel_loop3A_524], %parallel_loop3A_520 {strides = array<i32>} : memref<4x16x256xf32, #tpu.memory_space<vmem>>, vector<16xf32>,
        %parallel_loop3A_526 = arith.mulf %parallel_loop3A_507, %parallel_loop3A_503 : vector<16xf32>
        %parallel_loop3A_527 = arith.constant 3 : i32
        %parallel_loop3A_528 = arith.index_cast %parallel_loop3A_527 : i32 to index
        %parallel_loop3A_529 = arith.index_cast %parallel_loop3A_396 : i32 to index
        %parallel_loop3A_530 = arith.constant 48 : index
        %parallel_loop3A_531 = tpu.vector_load %arg13[%parallel_loop3A_528, %parallel_loop3A_529, %parallel_loop3A_530] {strides = array<i32>} : memref<4x16x256xf32, #tpu.memory_space<vmem>>, vector<16xf32>,
        tpu.vector_store %arg13[%parallel_loop3A_528, %parallel_loop3A_529, %parallel_loop3A_530], %parallel_loop3A_526 {strides = array<i32>} : memref<4x16x256xf32, #tpu.memory_space<vmem>>, vector<16xf32>,
        %parallel_loop3A_532 = arith.addi %parallel_loop3A_403, %get3A_216 : vector<16xi32>
        %parallel_loop3A_533 = arith.index_cast %parallel_loop3A_396 : i32 to index
        %parallel_loop3A_534 = arith.constant 64 : index
        %parallel_loop3A_535 = tpu.vector_load %arg11[%parallel_loop3A_533, %parallel_loop3A_534] {strides = array<i32>} : memref<16x256xf32, #tpu.memory_space<vmem>>, vector<16xf32>,
        %parallel_loop3A_536 = tpu.vector_load_idx %arg6[%parallel_loop3A_532] : memref<16384xf32, #tpu.memory_space<vmem>>[vector<16xi32>], vector<16xf32>,
        %parallel_loop3A_537 = tpu.vector_load_idx %arg7[%parallel_loop3A_532] : memref<16384xf32, #tpu.memory_space<vmem>>[vector<16xi32>], vector<16xf32>,
        %parallel_loop3A_538 = tpu.vector_load_idx %arg8[%parallel_loop3A_532] : memref<16384xf32, #tpu.memory_space<vmem>>[vector<16xi32>], vector<16xf32>,
        %parallel_loop3A_539 = tpu.vector_load_idx %arg9[%parallel_loop3A_532] : memref<16384xf32, #tpu.memory_space<vmem>>[vector<16xi32>], vector<16xf32>,
        %parallel_loop3A_540 = arith.mulf %parallel_loop3A_536, %parallel_loop3A_535 : vector<16xf32>
        %parallel_loop3A_541 = arith.constant 0 : i32
        %parallel_loop3A_542 = arith.index_cast %parallel_loop3A_541 : i32 to index
        %parallel_loop3A_543 = arith.index_cast %parallel_loop3A_396 : i32 to index
        %parallel_loop3A_544 = arith.constant 64 : index
        %parallel_loop3A_545 = tpu.vector_load %arg13[%parallel_loop3A_542, %parallel_loop3A_543, %parallel_loop3A_544] {strides = array<i32>} : memref<4x16x256xf32, #tpu.memory_space<vmem>>, vector<16xf32>,
        tpu.vector_store %arg13[%parallel_loop3A_542, %parallel_loop3A_543, %parallel_loop3A_544], %parallel_loop3A_540 {strides = array<i32>} : memref<4x16x256xf32, #tpu.memory_space<vmem>>, vector<16xf32>,
        %parallel_loop3A_546 = arith.mulf %parallel_loop3A_537, %parallel_loop3A_535 : vector<16xf32>
        %parallel_loop3A_547 = arith.constant 1 : i32
        %parallel_loop3A_548 = arith.index_cast %parallel_loop3A_547 : i32 to index
        %parallel_loop3A_549 = arith.index_cast %parallel_loop3A_396 : i32 to index
        %parallel_loop3A_550 = arith.constant 64 : index
        %parallel_loop3A_551 = tpu.vector_load %arg13[%parallel_loop3A_548, %parallel_loop3A_549, %parallel_loop3A_550] {strides = array<i32>} : memref<4x16x256xf32, #tpu.memory_space<vmem>>, vector<16xf32>,
        tpu.vector_store %arg13[%parallel_loop3A_548, %parallel_loop3A_549, %parallel_loop3A_550], %parallel_loop3A_546 {strides = array<i32>} : memref<4x16x256xf32, #tpu.memory_space<vmem>>, vector<16xf32>,
        %parallel_loop3A_552 = arith.mulf %parallel_loop3A_538, %parallel_loop3A_535 : vector<16xf32>
        %parallel_loop3A_553 = arith.constant 2 : i32
        %parallel_loop3A_554 = arith.index_cast %parallel_loop3A_553 : i32 to index
        %parallel_loop3A_555 = arith.index_cast %parallel_loop3A_396 : i32 to index
        %parallel_loop3A_556 = arith.constant 64 : index
        %parallel_loop3A_557 = tpu.vector_load %arg13[%parallel_loop3A_554, %parallel_loop3A_555, %parallel_loop3A_556] {strides = array<i32>} : memref<4x16x256xf32, #tpu.memory_space<vmem>>, vector<16xf32>,
        tpu.vector_store %arg13[%parallel_loop3A_554, %parallel_loop3A_555, %parallel_loop3A_556], %parallel_loop3A_552 {strides = array<i32>} : memref<4x16x256xf32, #tpu.memory_space<vmem>>, vector<16xf32>,
        %parallel_loop3A_558 = arith.mulf %parallel_loop3A_539, %parallel_loop3A_535 : vector<16xf32>
        %parallel_loop3A_559 = arith.constant 3 : i32
        %parallel_loop3A_560 = arith.index_cast %parallel_loop3A_559 : i32 to index
        %parallel_loop3A_561 = arith.index_cast %parallel_loop3A_396 : i32 to index
        %parallel_loop3A_562 = arith.constant 64 : index
        %parallel_loop3A_563 = tpu.vector_load %arg13[%parallel_loop3A_560, %parallel_loop3A_561, %parallel_loop3A_562] {strides = array<i32>} : memref<4x16x256xf32, #tpu.memory_space<vmem>>, vector<16xf32>,
        tpu.vector_store %arg13[%parallel_loop3A_560, %parallel_loop3A_561, %parallel_loop3A_562], %parallel_loop3A_558 {strides = array<i32>} : memref<4x16x256xf32, #tpu.memory_space<vmem>>, vector<16xf32>,
        %parallel_loop3A_564 = arith.addi %parallel_loop3A_403, %get3A_219 : vector<16xi32>
        %parallel_loop3A_565 = arith.index_cast %parallel_loop3A_396 : i32 to index
        %parallel_loop3A_566 = arith.constant 80 : index
        %parallel_loop3A_567 = tpu.vector_load %arg11[%parallel_loop3A_565, %parallel_loop3A_566] {strides = array<i32>} : memref<16x256xf32, #tpu.memory_space<vmem>>, vector<16xf32>,
        %parallel_loop3A_568 = tpu.vector_load_idx %arg6[%parallel_loop3A_564] : memref<16384xf32, #tpu.memory_space<vmem>>[vector<16xi32>], vector<16xf32>,
        %parallel_loop3A_569 = tpu.vector_load_idx %arg7[%parallel_loop3A_564] : memref<16384xf32, #tpu.memory_space<vmem>>[vector<16xi32>], vector<16xf32>,
        %parallel_loop3A_570 = tpu.vector_load_idx %arg8[%parallel_loop3A_564] : memref<16384xf32, #tpu.memory_space<vmem>>[vector<16xi32>], vector<16xf32>,
        %parallel_loop3A_571 = tpu.vector_load_idx %arg9[%parallel_loop3A_564] : memref<16384xf32, #tpu.memory_space<vmem>>[vector<16xi32>], vector<16xf32>,
        %parallel_loop3A_572 = arith.mulf %parallel_loop3A_568, %parallel_loop3A_567 : vector<16xf32>
        %parallel_loop3A_573 = arith.constant 0 : i32
        %parallel_loop3A_574 = arith.index_cast %parallel_loop3A_573 : i32 to index
        %parallel_loop3A_575 = arith.index_cast %parallel_loop3A_396 : i32 to index
        %parallel_loop3A_576 = arith.constant 80 : index
        %parallel_loop3A_577 = tpu.vector_load %arg13[%parallel_loop3A_574, %parallel_loop3A_575, %parallel_loop3A_576] {strides = array<i32>} : memref<4x16x256xf32, #tpu.memory_space<vmem>>, vector<16xf32>,
        tpu.vector_store %arg13[%parallel_loop3A_574, %parallel_loop3A_575, %parallel_loop3A_576], %parallel_loop3A_572 {strides = array<i32>} : memref<4x16x256xf32, #tpu.memory_space<vmem>>, vector<16xf32>,
        %parallel_loop3A_578 = arith.mulf %parallel_loop3A_569, %parallel_loop3A_567 : vector<16xf32>
        %parallel_loop3A_579 = arith.constant 1 : i32
        %parallel_loop3A_580 = arith.index_cast %parallel_loop3A_579 : i32 to index
        %parallel_loop3A_581 = arith.index_cast %parallel_loop3A_396 : i32 to index
        %parallel_loop3A_582 = arith.constant 80 : index
        %parallel_loop3A_583 = tpu.vector_load %arg13[%parallel_loop3A_580, %parallel_loop3A_581, %parallel_loop3A_582] {strides = array<i32>} : memref<4x16x256xf32, #tpu.memory_space<vmem>>, vector<16xf32>,
        tpu.vector_store %arg13[%parallel_loop3A_580, %parallel_loop3A_581, %parallel_loop3A_582], %parallel_loop3A_578 {strides = array<i32>} : memref<4x16x256xf32, #tpu.memory_space<vmem>>, vector<16xf32>,
        %parallel_loop3A_584 = arith.mulf %parallel_loop3A_570, %parallel_loop3A_567 : vector<16xf32>
        %parallel_loop3A_585 = arith.constant 2 : i32
        %parallel_loop3A_586 = arith.index_cast %parallel_loop3A_585 : i32 to index
        %parallel_loop3A_587 = arith.index_cast %parallel_loop3A_396 : i32 to index
        %parallel_loop3A_588 = arith.constant 80 : index
        %parallel_loop3A_589 = tpu.vector_load %arg13[%parallel_loop3A_586, %parallel_loop3A_587, %parallel_loop3A_588] {strides = array<i32>} : memref<4x16x256xf32, #tpu.memory_space<vmem>>, vector<16xf32>,
        tpu.vector_store %arg13[%parallel_loop3A_586, %parallel_loop3A_587, %parallel_loop3A_588], %parallel_loop3A_584 {strides = array<i32>} : memref<4x16x256xf32, #tpu.memory_space<vmem>>, vector<16xf32>,
        %parallel_loop3A_590 = arith.mulf %parallel_loop3A_571, %parallel_loop3A_567 : vector<16xf32>
        %parallel_loop3A_591 = arith.constant 3 : i32
        %parallel_loop3A_592 = arith.index_cast %parallel_loop3A_591 : i32 to index
        %parallel_loop3A_593 = arith.index_cast %parallel_loop3A_396 : i32 to index
        %parallel_loop3A_594 = arith.constant 80 : index
        %parallel_loop3A_595 = tpu.vector_load %arg13[%parallel_loop3A_592, %parallel_loop3A_593, %parallel_loop3A_594] {strides = array<i32>} : memref<4x16x256xf32, #tpu.memory_space<vmem>>, vector<16xf32>,
        tpu.vector_store %arg13[%parallel_loop3A_592, %parallel_loop3A_593, %parallel_loop3A_594], %parallel_loop3A_590 {strides = array<i32>} : memref<4x16x256xf32, #tpu.memory_space<vmem>>, vector<16xf32>,
        %parallel_loop3A_596 = arith.addi %parallel_loop3A_403, %get3A_222 : vector<16xi32>
        %parallel_loop3A_597 = arith.index_cast %parallel_loop3A_396 : i32 to index
        %parallel_loop3A_598 = arith.constant 96 : index
        %parallel_loop3A_599 = tpu.vector_load %arg11[%parallel_loop3A_597, %parallel_loop3A_598] {strides = array<i32>} : memref<16x256xf32, #tpu.memory_space<vmem>>, vector<16xf32>,
        %parallel_loop3A_600 = tpu.vector_load_idx %arg6[%parallel_loop3A_596] : memref<16384xf32, #tpu.memory_space<vmem>>[vector<16xi32>], vector<16xf32>,
        %parallel_loop3A_601 = tpu.vector_load_idx %arg7[%parallel_loop3A_596] : memref<16384xf32, #tpu.memory_space<vmem>>[vector<16xi32>], vector<16xf32>,
        %parallel_loop3A_602 = tpu.vector_load_idx %arg8[%parallel_loop3A_596] : memref<16384xf32, #tpu.memory_space<vmem>>[vector<16xi32>], vector<16xf32>,
        %parallel_loop3A_603 = tpu.vector_load_idx %arg9[%parallel_loop3A_596] : memref<16384xf32, #tpu.memory_space<vmem>>[vector<16xi32>], vector<16xf32>,
        %parallel_loop3A_604 = arith.mulf %parallel_loop3A_600, %parallel_loop3A_599 : vector<16xf32>
        %parallel_loop3A_605 = arith.constant 0 : i32
        %parallel_loop3A_606 = arith.index_cast %parallel_loop3A_605 : i32 to index
        %parallel_loop3A_607 = arith.index_cast %parallel_loop3A_396 : i32 to index
        %parallel_loop3A_608 = arith.constant 96 : index
        %parallel_loop3A_609 = tpu.vector_load %arg13[%parallel_loop3A_606, %parallel_loop3A_607, %parallel_loop3A_608] {strides = array<i32>} : memref<4x16x256xf32, #tpu.memory_space<vmem>>, vector<16xf32>,
        tpu.vector_store %arg13[%parallel_loop3A_606, %parallel_loop3A_607, %parallel_loop3A_608], %parallel_loop3A_604 {strides = array<i32>} : memref<4x16x256xf32, #tpu.memory_space<vmem>>, vector<16xf32>,
        %parallel_loop3A_610 = arith.mulf %parallel_loop3A_601, %parallel_loop3A_599 : vector<16xf32>
        %parallel_loop3A_611 = arith.constant 1 : i32
        %parallel_loop3A_612 = arith.index_cast %parallel_loop3A_611 : i32 to index
        %parallel_loop3A_613 = arith.index_cast %parallel_loop3A_396 : i32 to index
        %parallel_loop3A_614 = arith.constant 96 : index
        %parallel_loop3A_615 = tpu.vector_load %arg13[%parallel_loop3A_612, %parallel_loop3A_613, %parallel_loop3A_614] {strides = array<i32>} : memref<4x16x256xf32, #tpu.memory_space<vmem>>, vector<16xf32>,
        tpu.vector_store %arg13[%parallel_loop3A_612, %parallel_loop3A_613, %parallel_loop3A_614], %parallel_loop3A_610 {strides = array<i32>} : memref<4x16x256xf32, #tpu.memory_space<vmem>>, vector<16xf32>,
        %parallel_loop3A_616 = arith.mulf %parallel_loop3A_602, %parallel_loop3A_599 : vector<16xf32>
        %parallel_loop3A_617 = arith.constant 2 : i32
        %parallel_loop3A_618 = arith.index_cast %parallel_loop3A_617 : i32 to index
        %parallel_loop3A_619 = arith.index_cast %parallel_loop3A_396 : i32 to index
        %parallel_loop3A_620 = arith.constant 96 : index
        %parallel_loop3A_621 = tpu.vector_load %arg13[%parallel_loop3A_618, %parallel_loop3A_619, %parallel_loop3A_620] {strides = array<i32>} : memref<4x16x256xf32, #tpu.memory_space<vmem>>, vector<16xf32>,
        tpu.vector_store %arg13[%parallel_loop3A_618, %parallel_loop3A_619, %parallel_loop3A_620], %parallel_loop3A_616 {strides = array<i32>} : memref<4x16x256xf32, #tpu.memory_space<vmem>>, vector<16xf32>,
        %parallel_loop3A_622 = arith.mulf %parallel_loop3A_603, %parallel_loop3A_599 : vector<16xf32>
        %parallel_loop3A_623 = arith.constant 3 : i32
        %parallel_loop3A_624 = arith.index_cast %parallel_loop3A_623 : i32 to index
        %parallel_loop3A_625 = arith.index_cast %parallel_loop3A_396 : i32 to index
        %parallel_loop3A_626 = arith.constant 96 : index
        %parallel_loop3A_627 = tpu.vector_load %arg13[%parallel_loop3A_624, %parallel_loop3A_625, %parallel_loop3A_626] {strides = array<i32>} : memref<4x16x256xf32, #tpu.memory_space<vmem>>, vector<16xf32>,
        tpu.vector_store %arg13[%parallel_loop3A_624, %parallel_loop3A_625, %parallel_loop3A_626], %parallel_loop3A_622 {strides = array<i32>} : memref<4x16x256xf32, #tpu.memory_space<vmem>>, vector<16xf32>,
        %parallel_loop3A_628 = arith.addi %parallel_loop3A_403, %get3A_225 : vector<16xi32>
        %parallel_loop3A_629 = arith.index_cast %parallel_loop3A_396 : i32 to index
        %parallel_loop3A_630 = arith.constant 112 : index
        %parallel_loop3A_631 = tpu.vector_load %arg11[%parallel_loop3A_629, %parallel_loop3A_630] {strides = array<i32>} : memref<16x256xf32, #tpu.memory_space<vmem>>, vector<16xf32>,
        %parallel_loop3A_632 = tpu.vector_load_idx %arg6[%parallel_loop3A_628] : memref<16384xf32, #tpu.memory_space<vmem>>[vector<16xi32>], vector<16xf32>,
        %parallel_loop3A_633 = tpu.vector_load_idx %arg7[%parallel_loop3A_628] : memref<16384xf32, #tpu.memory_space<vmem>>[vector<16xi32>], vector<16xf32>,
        %parallel_loop3A_634 = tpu.vector_load_idx %arg8[%parallel_loop3A_628] : memref<16384xf32, #tpu.memory_space<vmem>>[vector<16xi32>], vector<16xf32>,
        %parallel_loop3A_635 = tpu.vector_load_idx %arg9[%parallel_loop3A_628] : memref<16384xf32, #tpu.memory_space<vmem>>[vector<16xi32>], vector<16xf32>,
        %parallel_loop3A_636 = arith.mulf %parallel_loop3A_632, %parallel_loop3A_631 : vector<16xf32>
        %parallel_loop3A_637 = arith.constant 0 : i32
        %parallel_loop3A_638 = arith.index_cast %parallel_loop3A_637 : i32 to index
        %parallel_loop3A_639 = arith.index_cast %parallel_loop3A_396 : i32 to index
        %parallel_loop3A_640 = arith.constant 112 : index
        %parallel_loop3A_641 = tpu.vector_load %arg13[%parallel_loop3A_638, %parallel_loop3A_639, %parallel_loop3A_640] {strides = array<i32>} : memref<4x16x256xf32, #tpu.memory_space<vmem>>, vector<16xf32>,
        tpu.vector_store %arg13[%parallel_loop3A_638, %parallel_loop3A_639, %parallel_loop3A_640], %parallel_loop3A_636 {strides = array<i32>} : memref<4x16x256xf32, #tpu.memory_space<vmem>>, vector<16xf32>,
        %parallel_loop3A_642 = arith.mulf %parallel_loop3A_633, %parallel_loop3A_631 : vector<16xf32>
        %parallel_loop3A_643 = arith.constant 1 : i32
        %parallel_loop3A_644 = arith.index_cast %parallel_loop3A_643 : i32 to index
        %parallel_loop3A_645 = arith.index_cast %parallel_loop3A_396 : i32 to index
        %parallel_loop3A_646 = arith.constant 112 : index
        %parallel_loop3A_647 = tpu.vector_load %arg13[%parallel_loop3A_644, %parallel_loop3A_645, %parallel_loop3A_646] {strides = array<i32>} : memref<4x16x256xf32, #tpu.memory_space<vmem>>, vector<16xf32>,
        tpu.vector_store %arg13[%parallel_loop3A_644, %parallel_loop3A_645, %parallel_loop3A_646], %parallel_loop3A_642 {strides = array<i32>} : memref<4x16x256xf32, #tpu.memory_space<vmem>>, vector<16xf32>,
        %parallel_loop3A_648 = arith.mulf %parallel_loop3A_634, %parallel_loop3A_631 : vector<16xf32>
        %parallel_loop3A_649 = arith.constant 2 : i32
        %parallel_loop3A_650 = arith.index_cast %parallel_loop3A_649 : i32 to index
        %parallel_loop3A_651 = arith.index_cast %parallel_loop3A_396 : i32 to index
        %parallel_loop3A_652 = arith.constant 112 : index
        %parallel_loop3A_653 = tpu.vector_load %arg13[%parallel_loop3A_650, %parallel_loop3A_651, %parallel_loop3A_652] {strides = array<i32>} : memref<4x16x256xf32, #tpu.memory_space<vmem>>, vector<16xf32>,
        tpu.vector_store %arg13[%parallel_loop3A_650, %parallel_loop3A_651, %parallel_loop3A_652], %parallel_loop3A_648 {strides = array<i32>} : memref<4x16x256xf32, #tpu.memory_space<vmem>>, vector<16xf32>,
        %parallel_loop3A_654 = arith.mulf %parallel_loop3A_635, %parallel_loop3A_631 : vector<16xf32>
        %parallel_loop3A_655 = arith.constant 3 : i32
        %parallel_loop3A_656 = arith.index_cast %parallel_loop3A_655 : i32 to index
        %parallel_loop3A_657 = arith.index_cast %parallel_loop3A_396 : i32 to index
        %parallel_loop3A_658 = arith.constant 112 : index
        %parallel_loop3A_659 = tpu.vector_load %arg13[%parallel_loop3A_656, %parallel_loop3A_657, %parallel_loop3A_658] {strides = array<i32>} : memref<4x16x256xf32, #tpu.memory_space<vmem>>, vector<16xf32>,
        tpu.vector_store %arg13[%parallel_loop3A_656, %parallel_loop3A_657, %parallel_loop3A_658], %parallel_loop3A_654 {strides = array<i32>} : memref<4x16x256xf32, #tpu.memory_space<vmem>>, vector<16xf32>,
        %parallel_loop3A_660 = arith.addi %parallel_loop3A_403, %get3A_228 : vector<16xi32>
        %parallel_loop3A_661 = arith.index_cast %parallel_loop3A_396 : i32 to index
        %parallel_loop3A_662 = arith.constant 128 : index
        %parallel_loop3A_663 = tpu.vector_load %arg11[%parallel_loop3A_661, %parallel_loop3A_662] {strides = array<i32>} : memref<16x256xf32, #tpu.memory_space<vmem>>, vector<16xf32>,
        %parallel_loop3A_664 = tpu.vector_load_idx %arg6[%parallel_loop3A_660] : memref<16384xf32, #tpu.memory_space<vmem>>[vector<16xi32>], vector<16xf32>,
        %parallel_loop3A_665 = tpu.vector_load_idx %arg7[%parallel_loop3A_660] : memref<16384xf32, #tpu.memory_space<vmem>>[vector<16xi32>], vector<16xf32>,
        %parallel_loop3A_666 = tpu.vector_load_idx %arg8[%parallel_loop3A_660] : memref<16384xf32, #tpu.memory_space<vmem>>[vector<16xi32>], vector<16xf32>,
        %parallel_loop3A_667 = tpu.vector_load_idx %arg9[%parallel_loop3A_660] : memref<16384xf32, #tpu.memory_space<vmem>>[vector<16xi32>], vector<16xf32>,
        %parallel_loop3A_668 = arith.mulf %parallel_loop3A_664, %parallel_loop3A_663 : vector<16xf32>
        %parallel_loop3A_669 = arith.constant 0 : i32
        %parallel_loop3A_670 = arith.index_cast %parallel_loop3A_669 : i32 to index
        %parallel_loop3A_671 = arith.index_cast %parallel_loop3A_396 : i32 to index
        %parallel_loop3A_672 = arith.constant 128 : index
        %parallel_loop3A_673 = tpu.vector_load %arg13[%parallel_loop3A_670, %parallel_loop3A_671, %parallel_loop3A_672] {strides = array<i32>} : memref<4x16x256xf32, #tpu.memory_space<vmem>>, vector<16xf32>,
        tpu.vector_store %arg13[%parallel_loop3A_670, %parallel_loop3A_671, %parallel_loop3A_672], %parallel_loop3A_668 {strides = array<i32>} : memref<4x16x256xf32, #tpu.memory_space<vmem>>, vector<16xf32>,
        %parallel_loop3A_674 = arith.mulf %parallel_loop3A_665, %parallel_loop3A_663 : vector<16xf32>
        %parallel_loop3A_675 = arith.constant 1 : i32
        %parallel_loop3A_676 = arith.index_cast %parallel_loop3A_675 : i32 to index
        %parallel_loop3A_677 = arith.index_cast %parallel_loop3A_396 : i32 to index
        %parallel_loop3A_678 = arith.constant 128 : index
        %parallel_loop3A_679 = tpu.vector_load %arg13[%parallel_loop3A_676, %parallel_loop3A_677, %parallel_loop3A_678] {strides = array<i32>} : memref<4x16x256xf32, #tpu.memory_space<vmem>>, vector<16xf32>,
        tpu.vector_store %arg13[%parallel_loop3A_676, %parallel_loop3A_677, %parallel_loop3A_678], %parallel_loop3A_674 {strides = array<i32>} : memref<4x16x256xf32, #tpu.memory_space<vmem>>, vector<16xf32>,
        %parallel_loop3A_680 = arith.mulf %parallel_loop3A_666, %parallel_loop3A_663 : vector<16xf32>
        %parallel_loop3A_681 = arith.constant 2 : i32
        %parallel_loop3A_682 = arith.index_cast %parallel_loop3A_681 : i32 to index
        %parallel_loop3A_683 = arith.index_cast %parallel_loop3A_396 : i32 to index
        %parallel_loop3A_684 = arith.constant 128 : index
        %parallel_loop3A_685 = tpu.vector_load %arg13[%parallel_loop3A_682, %parallel_loop3A_683, %parallel_loop3A_684] {strides = array<i32>} : memref<4x16x256xf32, #tpu.memory_space<vmem>>, vector<16xf32>,
        tpu.vector_store %arg13[%parallel_loop3A_682, %parallel_loop3A_683, %parallel_loop3A_684], %parallel_loop3A_680 {strides = array<i32>} : memref<4x16x256xf32, #tpu.memory_space<vmem>>, vector<16xf32>,
        %parallel_loop3A_686 = arith.mulf %parallel_loop3A_667, %parallel_loop3A_663 : vector<16xf32>
        %parallel_loop3A_687 = arith.constant 3 : i32
        %parallel_loop3A_688 = arith.index_cast %parallel_loop3A_687 : i32 to index
        %parallel_loop3A_689 = arith.index_cast %parallel_loop3A_396 : i32 to index
        %parallel_loop3A_690 = arith.constant 128 : index
        %parallel_loop3A_691 = tpu.vector_load %arg13[%parallel_loop3A_688, %parallel_loop3A_689, %parallel_loop3A_690] {strides = array<i32>} : memref<4x16x256xf32, #tpu.memory_space<vmem>>, vector<16xf32>,
        tpu.vector_store %arg13[%parallel_loop3A_688, %parallel_loop3A_689, %parallel_loop3A_690], %parallel_loop3A_686 {strides = array<i32>} : memref<4x16x256xf32, #tpu.memory_space<vmem>>, vector<16xf32>,
        %parallel_loop3A_692 = arith.addi %parallel_loop3A_403, %get3A_231 : vector<16xi32>
        %parallel_loop3A_693 = arith.index_cast %parallel_loop3A_396 : i32 to index
        %parallel_loop3A_694 = arith.constant 144 : index
        %parallel_loop3A_695 = tpu.vector_load %arg11[%parallel_loop3A_693, %parallel_loop3A_694] {strides = array<i32>} : memref<16x256xf32, #tpu.memory_space<vmem>>, vector<16xf32>,
        %parallel_loop3A_696 = tpu.vector_load_idx %arg6[%parallel_loop3A_692] : memref<16384xf32, #tpu.memory_space<vmem>>[vector<16xi32>], vector<16xf32>,
        %parallel_loop3A_697 = tpu.vector_load_idx %arg7[%parallel_loop3A_692] : memref<16384xf32, #tpu.memory_space<vmem>>[vector<16xi32>], vector<16xf32>,
        %parallel_loop3A_698 = tpu.vector_load_idx %arg8[%parallel_loop3A_692] : memref<16384xf32, #tpu.memory_space<vmem>>[vector<16xi32>], vector<16xf32>,
        %parallel_loop3A_699 = tpu.vector_load_idx %arg9[%parallel_loop3A_692] : memref<16384xf32, #tpu.memory_space<vmem>>[vector<16xi32>], vector<16xf32>,
        %parallel_loop3A_700 = arith.mulf %parallel_loop3A_696, %parallel_loop3A_695 : vector<16xf32>
        %parallel_loop3A_701 = arith.constant 0 : i32
        %parallel_loop3A_702 = arith.index_cast %parallel_loop3A_701 : i32 to index
        %parallel_loop3A_703 = arith.index_cast %parallel_loop3A_396 : i32 to index
        %parallel_loop3A_704 = arith.constant 144 : index
        %parallel_loop3A_705 = tpu.vector_load %arg13[%parallel_loop3A_702, %parallel_loop3A_703, %parallel_loop3A_704] {strides = array<i32>} : memref<4x16x256xf32, #tpu.memory_space<vmem>>, vector<16xf32>,
        tpu.vector_store %arg13[%parallel_loop3A_702, %parallel_loop3A_703, %parallel_loop3A_704], %parallel_loop3A_700 {strides = array<i32>} : memref<4x16x256xf32, #tpu.memory_space<vmem>>, vector<16xf32>,
        %parallel_loop3A_706 = arith.mulf %parallel_loop3A_697, %parallel_loop3A_695 : vector<16xf32>
        %parallel_loop3A_707 = arith.constant 1 : i32
        %parallel_loop3A_708 = arith.index_cast %parallel_loop3A_707 : i32 to index
        %parallel_loop3A_709 = arith.index_cast %parallel_loop3A_396 : i32 to index
        %parallel_loop3A_710 = arith.constant 144 : index
        %parallel_loop3A_711 = tpu.vector_load %arg13[%parallel_loop3A_708, %parallel_loop3A_709, %parallel_loop3A_710] {strides = array<i32>} : memref<4x16x256xf32, #tpu.memory_space<vmem>>, vector<16xf32>,
        tpu.vector_store %arg13[%parallel_loop3A_708, %parallel_loop3A_709, %parallel_loop3A_710], %parallel_loop3A_706 {strides = array<i32>} : memref<4x16x256xf32, #tpu.memory_space<vmem>>, vector<16xf32>,
        %parallel_loop3A_712 = arith.mulf %parallel_loop3A_698, %parallel_loop3A_695 : vector<16xf32>
        %parallel_loop3A_713 = arith.constant 2 : i32
        %parallel_loop3A_714 = arith.index_cast %parallel_loop3A_713 : i32 to index
        %parallel_loop3A_715 = arith.index_cast %parallel_loop3A_396 : i32 to index
        %parallel_loop3A_716 = arith.constant 144 : index
        %parallel_loop3A_717 = tpu.vector_load %arg13[%parallel_loop3A_714, %parallel_loop3A_715, %parallel_loop3A_716] {strides = array<i32>} : memref<4x16x256xf32, #tpu.memory_space<vmem>>, vector<16xf32>,
        tpu.vector_store %arg13[%parallel_loop3A_714, %parallel_loop3A_715, %parallel_loop3A_716], %parallel_loop3A_712 {strides = array<i32>} : memref<4x16x256xf32, #tpu.memory_space<vmem>>, vector<16xf32>,
        %parallel_loop3A_718 = arith.mulf %parallel_loop3A_699, %parallel_loop3A_695 : vector<16xf32>
        %parallel_loop3A_719 = arith.constant 3 : i32
        %parallel_loop3A_720 = arith.index_cast %parallel_loop3A_719 : i32 to index
        %parallel_loop3A_721 = arith.index_cast %parallel_loop3A_396 : i32 to index
        %parallel_loop3A_722 = arith.constant 144 : index
        %parallel_loop3A_723 = tpu.vector_load %arg13[%parallel_loop3A_720, %parallel_loop3A_721, %parallel_loop3A_722] {strides = array<i32>} : memref<4x16x256xf32, #tpu.memory_space<vmem>>, vector<16xf32>,
        tpu.vector_store %arg13[%parallel_loop3A_720, %parallel_loop3A_721, %parallel_loop3A_722], %parallel_loop3A_718 {strides = array<i32>} : memref<4x16x256xf32, #tpu.memory_space<vmem>>, vector<16xf32>,
        %parallel_loop3A_724 = arith.addi %parallel_loop3A_403, %get3A_234 : vector<16xi32>
        %parallel_loop3A_725 = arith.index_cast %parallel_loop3A_396 : i32 to index
        %parallel_loop3A_726 = arith.constant 160 : index
        %parallel_loop3A_727 = tpu.vector_load %arg11[%parallel_loop3A_725, %parallel_loop3A_726] {strides = array<i32>} : memref<16x256xf32, #tpu.memory_space<vmem>>, vector<16xf32>,
        %parallel_loop3A_728 = tpu.vector_load_idx %arg6[%parallel_loop3A_724] : memref<16384xf32, #tpu.memory_space<vmem>>[vector<16xi32>], vector<16xf32>,
        %parallel_loop3A_729 = tpu.vector_load_idx %arg7[%parallel_loop3A_724] : memref<16384xf32, #tpu.memory_space<vmem>>[vector<16xi32>], vector<16xf32>,
        %parallel_loop3A_730 = tpu.vector_load_idx %arg8[%parallel_loop3A_724] : memref<16384xf32, #tpu.memory_space<vmem>>[vector<16xi32>], vector<16xf32>,
        %parallel_loop3A_731 = tpu.vector_load_idx %arg9[%parallel_loop3A_724] : memref<16384xf32, #tpu.memory_space<vmem>>[vector<16xi32>], vector<16xf32>,
        %parallel_loop3A_732 = arith.mulf %parallel_loop3A_728, %parallel_loop3A_727 : vector<16xf32>
        %parallel_loop3A_733 = arith.constant 0 : i32
        %parallel_loop3A_734 = arith.index_cast %parallel_loop3A_733 : i32 to index
        %parallel_loop3A_735 = arith.index_cast %parallel_loop3A_396 : i32 to index
        %parallel_loop3A_736 = arith.constant 160 : index
        %parallel_loop3A_737 = tpu.vector_load %arg13[%parallel_loop3A_734, %parallel_loop3A_735, %parallel_loop3A_736] {strides = array<i32>} : memref<4x16x256xf32, #tpu.memory_space<vmem>>, vector<16xf32>,
        tpu.vector_store %arg13[%parallel_loop3A_734, %parallel_loop3A_735, %parallel_loop3A_736], %parallel_loop3A_732 {strides = array<i32>} : memref<4x16x256xf32, #tpu.memory_space<vmem>>, vector<16xf32>,
        %parallel_loop3A_738 = arith.mulf %parallel_loop3A_729, %parallel_loop3A_727 : vector<16xf32>
        %parallel_loop3A_739 = arith.constant 1 : i32
        %parallel_loop3A_740 = arith.index_cast %parallel_loop3A_739 : i32 to index
        %parallel_loop3A_741 = arith.index_cast %parallel_loop3A_396 : i32 to index
        %parallel_loop3A_742 = arith.constant 160 : index
        %parallel_loop3A_743 = tpu.vector_load %arg13[%parallel_loop3A_740, %parallel_loop3A_741, %parallel_loop3A_742] {strides = array<i32>} : memref<4x16x256xf32, #tpu.memory_space<vmem>>, vector<16xf32>,
        tpu.vector_store %arg13[%parallel_loop3A_740, %parallel_loop3A_741, %parallel_loop3A_742], %parallel_loop3A_738 {strides = array<i32>} : memref<4x16x256xf32, #tpu.memory_space<vmem>>, vector<16xf32>,
        %parallel_loop3A_744 = arith.mulf %parallel_loop3A_730, %parallel_loop3A_727 : vector<16xf32>
        %parallel_loop3A_745 = arith.constant 2 : i32
        %parallel_loop3A_746 = arith.index_cast %parallel_loop3A_745 : i32 to index
        %parallel_loop3A_747 = arith.index_cast %parallel_loop3A_396 : i32 to index
        %parallel_loop3A_748 = arith.constant 160 : index
        %parallel_loop3A_749 = tpu.vector_load %arg13[%parallel_loop3A_746, %parallel_loop3A_747, %parallel_loop3A_748] {strides = array<i32>} : memref<4x16x256xf32, #tpu.memory_space<vmem>>, vector<16xf32>,
        tpu.vector_store %arg13[%parallel_loop3A_746, %parallel_loop3A_747, %parallel_loop3A_748], %parallel_loop3A_744 {strides = array<i32>} : memref<4x16x256xf32, #tpu.memory_space<vmem>>, vector<16xf32>,
        %parallel_loop3A_750 = arith.mulf %parallel_loop3A_731, %parallel_loop3A_727 : vector<16xf32>
        %parallel_loop3A_751 = arith.constant 3 : i32
        %parallel_loop3A_752 = arith.index_cast %parallel_loop3A_751 : i32 to index
        %parallel_loop3A_753 = arith.index_cast %parallel_loop3A_396 : i32 to index
        %parallel_loop3A_754 = arith.constant 160 : index
        %parallel_loop3A_755 = tpu.vector_load %arg13[%parallel_loop3A_752, %parallel_loop3A_753, %parallel_loop3A_754] {strides = array<i32>} : memref<4x16x256xf32, #tpu.memory_space<vmem>>, vector<16xf32>,
        tpu.vector_store %arg13[%parallel_loop3A_752, %parallel_loop3A_753, %parallel_loop3A_754], %parallel_loop3A_750 {strides = array<i32>} : memref<4x16x256xf32, #tpu.memory_space<vmem>>, vector<16xf32>,
        %parallel_loop3A_756 = arith.addi %parallel_loop3A_403, %get3A_237 : vector<16xi32>
        %parallel_loop3A_757 = arith.index_cast %parallel_loop3A_396 : i32 to index
        %parallel_loop3A_758 = arith.constant 176 : index
        %parallel_loop3A_759 = tpu.vector_load %arg11[%parallel_loop3A_757, %parallel_loop3A_758] {strides = array<i32>} : memref<16x256xf32, #tpu.memory_space<vmem>>, vector<16xf32>,
        %parallel_loop3A_760 = tpu.vector_load_idx %arg6[%parallel_loop3A_756] : memref<16384xf32, #tpu.memory_space<vmem>>[vector<16xi32>], vector<16xf32>,
        %parallel_loop3A_761 = tpu.vector_load_idx %arg7[%parallel_loop3A_756] : memref<16384xf32, #tpu.memory_space<vmem>>[vector<16xi32>], vector<16xf32>,
        %parallel_loop3A_762 = tpu.vector_load_idx %arg8[%parallel_loop3A_756] : memref<16384xf32, #tpu.memory_space<vmem>>[vector<16xi32>], vector<16xf32>,
        %parallel_loop3A_763 = tpu.vector_load_idx %arg9[%parallel_loop3A_756] : memref<16384xf32, #tpu.memory_space<vmem>>[vector<16xi32>], vector<16xf32>,
        %parallel_loop3A_764 = arith.mulf %parallel_loop3A_760, %parallel_loop3A_759 : vector<16xf32>
        %parallel_loop3A_765 = arith.constant 0 : i32
        %parallel_loop3A_766 = arith.index_cast %parallel_loop3A_765 : i32 to index
        %parallel_loop3A_767 = arith.index_cast %parallel_loop3A_396 : i32 to index
        %parallel_loop3A_768 = arith.constant 176 : index
        %parallel_loop3A_769 = tpu.vector_load %arg13[%parallel_loop3A_766, %parallel_loop3A_767, %parallel_loop3A_768] {strides = array<i32>} : memref<4x16x256xf32, #tpu.memory_space<vmem>>, vector<16xf32>,
        tpu.vector_store %arg13[%parallel_loop3A_766, %parallel_loop3A_767, %parallel_loop3A_768], %parallel_loop3A_764 {strides = array<i32>} : memref<4x16x256xf32, #tpu.memory_space<vmem>>, vector<16xf32>,
        %parallel_loop3A_770 = arith.mulf %parallel_loop3A_761, %parallel_loop3A_759 : vector<16xf32>
        %parallel_loop3A_771 = arith.constant 1 : i32
        %parallel_loop3A_772 = arith.index_cast %parallel_loop3A_771 : i32 to index
        %parallel_loop3A_773 = arith.index_cast %parallel_loop3A_396 : i32 to index
        %parallel_loop3A_774 = arith.constant 176 : index
        %parallel_loop3A_775 = tpu.vector_load %arg13[%parallel_loop3A_772, %parallel_loop3A_773, %parallel_loop3A_774] {strides = array<i32>} : memref<4x16x256xf32, #tpu.memory_space<vmem>>, vector<16xf32>,
        tpu.vector_store %arg13[%parallel_loop3A_772, %parallel_loop3A_773, %parallel_loop3A_774], %parallel_loop3A_770 {strides = array<i32>} : memref<4x16x256xf32, #tpu.memory_space<vmem>>, vector<16xf32>,
        %parallel_loop3A_776 = arith.mulf %parallel_loop3A_762, %parallel_loop3A_759 : vector<16xf32>
        %parallel_loop3A_777 = arith.constant 2 : i32
        %parallel_loop3A_778 = arith.index_cast %parallel_loop3A_777 : i32 to index
        %parallel_loop3A_779 = arith.index_cast %parallel_loop3A_396 : i32 to index
        %parallel_loop3A_780 = arith.constant 176 : index
        %parallel_loop3A_781 = tpu.vector_load %arg13[%parallel_loop3A_778, %parallel_loop3A_779, %parallel_loop3A_780] {strides = array<i32>} : memref<4x16x256xf32, #tpu.memory_space<vmem>>, vector<16xf32>,
        tpu.vector_store %arg13[%parallel_loop3A_778, %parallel_loop3A_779, %parallel_loop3A_780], %parallel_loop3A_776 {strides = array<i32>} : memref<4x16x256xf32, #tpu.memory_space<vmem>>, vector<16xf32>,
        %parallel_loop3A_782 = arith.mulf %parallel_loop3A_763, %parallel_loop3A_759 : vector<16xf32>
        %parallel_loop3A_783 = arith.constant 3 : i32
        %parallel_loop3A_784 = arith.index_cast %parallel_loop3A_783 : i32 to index
        %parallel_loop3A_785 = arith.index_cast %parallel_loop3A_396 : i32 to index
        %parallel_loop3A_786 = arith.constant 176 : index
        %parallel_loop3A_787 = tpu.vector_load %arg13[%parallel_loop3A_784, %parallel_loop3A_785, %parallel_loop3A_786] {strides = array<i32>} : memref<4x16x256xf32, #tpu.memory_space<vmem>>, vector<16xf32>,
        tpu.vector_store %arg13[%parallel_loop3A_784, %parallel_loop3A_785, %parallel_loop3A_786], %parallel_loop3A_782 {strides = array<i32>} : memref<4x16x256xf32, #tpu.memory_space<vmem>>, vector<16xf32>,
        %parallel_loop3A_788 = arith.addi %parallel_loop3A_403, %get3A_240 : vector<16xi32>
        %parallel_loop3A_789 = arith.index_cast %parallel_loop3A_396 : i32 to index
        %parallel_loop3A_790 = arith.constant 192 : index
        %parallel_loop3A_791 = tpu.vector_load %arg11[%parallel_loop3A_789, %parallel_loop3A_790] {strides = array<i32>} : memref<16x256xf32, #tpu.memory_space<vmem>>, vector<16xf32>,
        %parallel_loop3A_792 = tpu.vector_load_idx %arg6[%parallel_loop3A_788] : memref<16384xf32, #tpu.memory_space<vmem>>[vector<16xi32>], vector<16xf32>,
        %parallel_loop3A_793 = tpu.vector_load_idx %arg7[%parallel_loop3A_788] : memref<16384xf32, #tpu.memory_space<vmem>>[vector<16xi32>], vector<16xf32>,
        %parallel_loop3A_794 = tpu.vector_load_idx %arg8[%parallel_loop3A_788] : memref<16384xf32, #tpu.memory_space<vmem>>[vector<16xi32>], vector<16xf32>,
        %parallel_loop3A_795 = tpu.vector_load_idx %arg9[%parallel_loop3A_788] : memref<16384xf32, #tpu.memory_space<vmem>>[vector<16xi32>], vector<16xf32>,
        %parallel_loop3A_796 = arith.mulf %parallel_loop3A_792, %parallel_loop3A_791 : vector<16xf32>
        %parallel_loop3A_797 = arith.constant 0 : i32
        %parallel_loop3A_798 = arith.index_cast %parallel_loop3A_797 : i32 to index
        %parallel_loop3A_799 = arith.index_cast %parallel_loop3A_396 : i32 to index
        %parallel_loop3A_800 = arith.constant 192 : index
        %parallel_loop3A_801 = tpu.vector_load %arg13[%parallel_loop3A_798, %parallel_loop3A_799, %parallel_loop3A_800] {strides = array<i32>} : memref<4x16x256xf32, #tpu.memory_space<vmem>>, vector<16xf32>,
        tpu.vector_store %arg13[%parallel_loop3A_798, %parallel_loop3A_799, %parallel_loop3A_800], %parallel_loop3A_796 {strides = array<i32>} : memref<4x16x256xf32, #tpu.memory_space<vmem>>, vector<16xf32>,
        %parallel_loop3A_802 = arith.mulf %parallel_loop3A_793, %parallel_loop3A_791 : vector<16xf32>
        %parallel_loop3A_803 = arith.constant 1 : i32
        %parallel_loop3A_804 = arith.index_cast %parallel_loop3A_803 : i32 to index
        %parallel_loop3A_805 = arith.index_cast %parallel_loop3A_396 : i32 to index
        %parallel_loop3A_806 = arith.constant 192 : index
        %parallel_loop3A_807 = tpu.vector_load %arg13[%parallel_loop3A_804, %parallel_loop3A_805, %parallel_loop3A_806] {strides = array<i32>} : memref<4x16x256xf32, #tpu.memory_space<vmem>>, vector<16xf32>,
        tpu.vector_store %arg13[%parallel_loop3A_804, %parallel_loop3A_805, %parallel_loop3A_806], %parallel_loop3A_802 {strides = array<i32>} : memref<4x16x256xf32, #tpu.memory_space<vmem>>, vector<16xf32>,
        %parallel_loop3A_808 = arith.mulf %parallel_loop3A_794, %parallel_loop3A_791 : vector<16xf32>
        %parallel_loop3A_809 = arith.constant 2 : i32
        %parallel_loop3A_810 = arith.index_cast %parallel_loop3A_809 : i32 to index
        %parallel_loop3A_811 = arith.index_cast %parallel_loop3A_396 : i32 to index
        %parallel_loop3A_812 = arith.constant 192 : index
        %parallel_loop3A_813 = tpu.vector_load %arg13[%parallel_loop3A_810, %parallel_loop3A_811, %parallel_loop3A_812] {strides = array<i32>} : memref<4x16x256xf32, #tpu.memory_space<vmem>>, vector<16xf32>,
        tpu.vector_store %arg13[%parallel_loop3A_810, %parallel_loop3A_811, %parallel_loop3A_812], %parallel_loop3A_808 {strides = array<i32>} : memref<4x16x256xf32, #tpu.memory_space<vmem>>, vector<16xf32>,
        %parallel_loop3A_814 = arith.mulf %parallel_loop3A_795, %parallel_loop3A_791 : vector<16xf32>
        %parallel_loop3A_815 = arith.constant 3 : i32
        %parallel_loop3A_816 = arith.index_cast %parallel_loop3A_815 : i32 to index
        %parallel_loop3A_817 = arith.index_cast %parallel_loop3A_396 : i32 to index
        %parallel_loop3A_818 = arith.constant 192 : index
        %parallel_loop3A_819 = tpu.vector_load %arg13[%parallel_loop3A_816, %parallel_loop3A_817, %parallel_loop3A_818] {strides = array<i32>} : memref<4x16x256xf32, #tpu.memory_space<vmem>>, vector<16xf32>,
        tpu.vector_store %arg13[%parallel_loop3A_816, %parallel_loop3A_817, %parallel_loop3A_818], %parallel_loop3A_814 {strides = array<i32>} : memref<4x16x256xf32, #tpu.memory_space<vmem>>, vector<16xf32>,
        %parallel_loop3A_820 = arith.addi %parallel_loop3A_403, %get3A_243 : vector<16xi32>
        %parallel_loop3A_821 = arith.index_cast %parallel_loop3A_396 : i32 to index
        %parallel_loop3A_822 = arith.constant 208 : index
        %parallel_loop3A_823 = tpu.vector_load %arg11[%parallel_loop3A_821, %parallel_loop3A_822] {strides = array<i32>} : memref<16x256xf32, #tpu.memory_space<vmem>>, vector<16xf32>,
        %parallel_loop3A_824 = tpu.vector_load_idx %arg6[%parallel_loop3A_820] : memref<16384xf32, #tpu.memory_space<vmem>>[vector<16xi32>], vector<16xf32>,
        %parallel_loop3A_825 = tpu.vector_load_idx %arg7[%parallel_loop3A_820] : memref<16384xf32, #tpu.memory_space<vmem>>[vector<16xi32>], vector<16xf32>,
        %parallel_loop3A_826 = tpu.vector_load_idx %arg8[%parallel_loop3A_820] : memref<16384xf32, #tpu.memory_space<vmem>>[vector<16xi32>], vector<16xf32>,
        %parallel_loop3A_827 = tpu.vector_load_idx %arg9[%parallel_loop3A_820] : memref<16384xf32, #tpu.memory_space<vmem>>[vector<16xi32>], vector<16xf32>,
        %parallel_loop3A_828 = arith.mulf %parallel_loop3A_824, %parallel_loop3A_823 : vector<16xf32>
        %parallel_loop3A_829 = arith.constant 0 : i32
        %parallel_loop3A_830 = arith.index_cast %parallel_loop3A_829 : i32 to index
        %parallel_loop3A_831 = arith.index_cast %parallel_loop3A_396 : i32 to index
        %parallel_loop3A_832 = arith.constant 208 : index
        %parallel_loop3A_833 = tpu.vector_load %arg13[%parallel_loop3A_830, %parallel_loop3A_831, %parallel_loop3A_832] {strides = array<i32>} : memref<4x16x256xf32, #tpu.memory_space<vmem>>, vector<16xf32>,
        tpu.vector_store %arg13[%parallel_loop3A_830, %parallel_loop3A_831, %parallel_loop3A_832], %parallel_loop3A_828 {strides = array<i32>} : memref<4x16x256xf32, #tpu.memory_space<vmem>>, vector<16xf32>,
        %parallel_loop3A_834 = arith.mulf %parallel_loop3A_825, %parallel_loop3A_823 : vector<16xf32>
        %parallel_loop3A_835 = arith.constant 1 : i32
        %parallel_loop3A_836 = arith.index_cast %parallel_loop3A_835 : i32 to index
        %parallel_loop3A_837 = arith.index_cast %parallel_loop3A_396 : i32 to index
        %parallel_loop3A_838 = arith.constant 208 : index
        %parallel_loop3A_839 = tpu.vector_load %arg13[%parallel_loop3A_836, %parallel_loop3A_837, %parallel_loop3A_838] {strides = array<i32>} : memref<4x16x256xf32, #tpu.memory_space<vmem>>, vector<16xf32>,
        tpu.vector_store %arg13[%parallel_loop3A_836, %parallel_loop3A_837, %parallel_loop3A_838], %parallel_loop3A_834 {strides = array<i32>} : memref<4x16x256xf32, #tpu.memory_space<vmem>>, vector<16xf32>,
        %parallel_loop3A_840 = arith.mulf %parallel_loop3A_826, %parallel_loop3A_823 : vector<16xf32>
        %parallel_loop3A_841 = arith.constant 2 : i32
        %parallel_loop3A_842 = arith.index_cast %parallel_loop3A_841 : i32 to index
        %parallel_loop3A_843 = arith.index_cast %parallel_loop3A_396 : i32 to index
        %parallel_loop3A_844 = arith.constant 208 : index
        %parallel_loop3A_845 = tpu.vector_load %arg13[%parallel_loop3A_842, %parallel_loop3A_843, %parallel_loop3A_844] {strides = array<i32>} : memref<4x16x256xf32, #tpu.memory_space<vmem>>, vector<16xf32>,
        tpu.vector_store %arg13[%parallel_loop3A_842, %parallel_loop3A_843, %parallel_loop3A_844], %parallel_loop3A_840 {strides = array<i32>} : memref<4x16x256xf32, #tpu.memory_space<vmem>>, vector<16xf32>,
        %parallel_loop3A_846 = arith.mulf %parallel_loop3A_827, %parallel_loop3A_823 : vector<16xf32>
        %parallel_loop3A_847 = arith.constant 3 : i32
        %parallel_loop3A_848 = arith.index_cast %parallel_loop3A_847 : i32 to index
        %parallel_loop3A_849 = arith.index_cast %parallel_loop3A_396 : i32 to index
        %parallel_loop3A_850 = arith.constant 208 : index
        %parallel_loop3A_851 = tpu.vector_load %arg13[%parallel_loop3A_848, %parallel_loop3A_849, %parallel_loop3A_850] {strides = array<i32>} : memref<4x16x256xf32, #tpu.memory_space<vmem>>, vector<16xf32>,
        tpu.vector_store %arg13[%parallel_loop3A_848, %parallel_loop3A_849, %parallel_loop3A_850], %parallel_loop3A_846 {strides = array<i32>} : memref<4x16x256xf32, #tpu.memory_space<vmem>>, vector<16xf32>,
        %parallel_loop3A_852 = arith.addi %parallel_loop3A_403, %get3A_246 : vector<16xi32>
        %parallel_loop3A_853 = arith.index_cast %parallel_loop3A_396 : i32 to index
        %parallel_loop3A_854 = arith.constant 224 : index
        %parallel_loop3A_855 = tpu.vector_load %arg11[%parallel_loop3A_853, %parallel_loop3A_854] {strides = array<i32>} : memref<16x256xf32, #tpu.memory_space<vmem>>, vector<16xf32>,
        %parallel_loop3A_856 = tpu.vector_load_idx %arg6[%parallel_loop3A_852] : memref<16384xf32, #tpu.memory_space<vmem>>[vector<16xi32>], vector<16xf32>,
        %parallel_loop3A_857 = tpu.vector_load_idx %arg7[%parallel_loop3A_852] : memref<16384xf32, #tpu.memory_space<vmem>>[vector<16xi32>], vector<16xf32>,
        %parallel_loop3A_858 = tpu.vector_load_idx %arg8[%parallel_loop3A_852] : memref<16384xf32, #tpu.memory_space<vmem>>[vector<16xi32>], vector<16xf32>,
        %parallel_loop3A_859 = tpu.vector_load_idx %arg9[%parallel_loop3A_852] : memref<16384xf32, #tpu.memory_space<vmem>>[vector<16xi32>], vector<16xf32>,
        %parallel_loop3A_860 = arith.mulf %parallel_loop3A_856, %parallel_loop3A_855 : vector<16xf32>
        %parallel_loop3A_861 = arith.constant 0 : i32
        %parallel_loop3A_862 = arith.index_cast %parallel_loop3A_861 : i32 to index
        %parallel_loop3A_863 = arith.index_cast %parallel_loop3A_396 : i32 to index
        %parallel_loop3A_864 = arith.constant 224 : index
        %parallel_loop3A_865 = tpu.vector_load %arg13[%parallel_loop3A_862, %parallel_loop3A_863, %parallel_loop3A_864] {strides = array<i32>} : memref<4x16x256xf32, #tpu.memory_space<vmem>>, vector<16xf32>,
        tpu.vector_store %arg13[%parallel_loop3A_862, %parallel_loop3A_863, %parallel_loop3A_864], %parallel_loop3A_860 {strides = array<i32>} : memref<4x16x256xf32, #tpu.memory_space<vmem>>, vector<16xf32>,
        %parallel_loop3A_866 = arith.mulf %parallel_loop3A_857, %parallel_loop3A_855 : vector<16xf32>
        %parallel_loop3A_867 = arith.constant 1 : i32
        %parallel_loop3A_868 = arith.index_cast %parallel_loop3A_867 : i32 to index
        %parallel_loop3A_869 = arith.index_cast %parallel_loop3A_396 : i32 to index
        %parallel_loop3A_870 = arith.constant 224 : index
        %parallel_loop3A_871 = tpu.vector_load %arg13[%parallel_loop3A_868, %parallel_loop3A_869, %parallel_loop3A_870] {strides = array<i32>} : memref<4x16x256xf32, #tpu.memory_space<vmem>>, vector<16xf32>,
        tpu.vector_store %arg13[%parallel_loop3A_868, %parallel_loop3A_869, %parallel_loop3A_870], %parallel_loop3A_866 {strides = array<i32>} : memref<4x16x256xf32, #tpu.memory_space<vmem>>, vector<16xf32>,
        %parallel_loop3A_872 = arith.mulf %parallel_loop3A_858, %parallel_loop3A_855 : vector<16xf32>
        %parallel_loop3A_873 = arith.constant 2 : i32
        %parallel_loop3A_874 = arith.index_cast %parallel_loop3A_873 : i32 to index
        %parallel_loop3A_875 = arith.index_cast %parallel_loop3A_396 : i32 to index
        %parallel_loop3A_876 = arith.constant 224 : index
        %parallel_loop3A_877 = tpu.vector_load %arg13[%parallel_loop3A_874, %parallel_loop3A_875, %parallel_loop3A_876] {strides = array<i32>} : memref<4x16x256xf32, #tpu.memory_space<vmem>>, vector<16xf32>,
        tpu.vector_store %arg13[%parallel_loop3A_874, %parallel_loop3A_875, %parallel_loop3A_876], %parallel_loop3A_872 {strides = array<i32>} : memref<4x16x256xf32, #tpu.memory_space<vmem>>, vector<16xf32>,
        %parallel_loop3A_878 = arith.mulf %parallel_loop3A_859, %parallel_loop3A_855 : vector<16xf32>
        %parallel_loop3A_879 = arith.constant 3 : i32
        %parallel_loop3A_880 = arith.index_cast %parallel_loop3A_879 : i32 to index
        %parallel_loop3A_881 = arith.index_cast %parallel_loop3A_396 : i32 to index
        %parallel_loop3A_882 = arith.constant 224 : index
        %parallel_loop3A_883 = tpu.vector_load %arg13[%parallel_loop3A_880, %parallel_loop3A_881, %parallel_loop3A_882] {strides = array<i32>} : memref<4x16x256xf32, #tpu.memory_space<vmem>>, vector<16xf32>,
        tpu.vector_store %arg13[%parallel_loop3A_880, %parallel_loop3A_881, %parallel_loop3A_882], %parallel_loop3A_878 {strides = array<i32>} : memref<4x16x256xf32, #tpu.memory_space<vmem>>, vector<16xf32>,
        %parallel_loop3A_884 = arith.addi %parallel_loop3A_403, %get3A_249 : vector<16xi32>
        %parallel_loop3A_885 = arith.index_cast %parallel_loop3A_396 : i32 to index
        %parallel_loop3A_886 = arith.constant 240 : index
        %parallel_loop3A_887 = tpu.vector_load %arg11[%parallel_loop3A_885, %parallel_loop3A_886] {strides = array<i32>} : memref<16x256xf32, #tpu.memory_space<vmem>>, vector<16xf32>,
        %parallel_loop3A_888 = tpu.vector_load_idx %arg6[%parallel_loop3A_884] : memref<16384xf32, #tpu.memory_space<vmem>>[vector<16xi32>], vector<16xf32>,
        %parallel_loop3A_889 = tpu.vector_load_idx %arg7[%parallel_loop3A_884] : memref<16384xf32, #tpu.memory_space<vmem>>[vector<16xi32>], vector<16xf32>,
        %parallel_loop3A_890 = tpu.vector_load_idx %arg8[%parallel_loop3A_884] : memref<16384xf32, #tpu.memory_space<vmem>>[vector<16xi32>], vector<16xf32>,
        %parallel_loop3A_891 = tpu.vector_load_idx %arg9[%parallel_loop3A_884] : memref<16384xf32, #tpu.memory_space<vmem>>[vector<16xi32>], vector<16xf32>,
        %parallel_loop3A_892 = arith.mulf %parallel_loop3A_888, %parallel_loop3A_887 : vector<16xf32>
        %parallel_loop3A_893 = arith.constant 0 : i32
        %parallel_loop3A_894 = arith.index_cast %parallel_loop3A_893 : i32 to index
        %parallel_loop3A_895 = arith.index_cast %parallel_loop3A_396 : i32 to index
        %parallel_loop3A_896 = arith.constant 240 : index
        %parallel_loop3A_897 = tpu.vector_load %arg13[%parallel_loop3A_894, %parallel_loop3A_895, %parallel_loop3A_896] {strides = array<i32>} : memref<4x16x256xf32, #tpu.memory_space<vmem>>, vector<16xf32>,
        tpu.vector_store %arg13[%parallel_loop3A_894, %parallel_loop3A_895, %parallel_loop3A_896], %parallel_loop3A_892 {strides = array<i32>} : memref<4x16x256xf32, #tpu.memory_space<vmem>>, vector<16xf32>,
        %parallel_loop3A_898 = arith.mulf %parallel_loop3A_889, %parallel_loop3A_887 : vector<16xf32>
        %parallel_loop3A_899 = arith.constant 1 : i32
        %parallel_loop3A_900 = arith.index_cast %parallel_loop3A_899 : i32 to index
        %parallel_loop3A_901 = arith.index_cast %parallel_loop3A_396 : i32 to index
        %parallel_loop3A_902 = arith.constant 240 : index
        %parallel_loop3A_903 = tpu.vector_load %arg13[%parallel_loop3A_900, %parallel_loop3A_901, %parallel_loop3A_902] {strides = array<i32>} : memref<4x16x256xf32, #tpu.memory_space<vmem>>, vector<16xf32>,
        tpu.vector_store %arg13[%parallel_loop3A_900, %parallel_loop3A_901, %parallel_loop3A_902], %parallel_loop3A_898 {strides = array<i32>} : memref<4x16x256xf32, #tpu.memory_space<vmem>>, vector<16xf32>,
        %parallel_loop3A_904 = arith.mulf %parallel_loop3A_890, %parallel_loop3A_887 : vector<16xf32>
        %parallel_loop3A_905 = arith.constant 2 : i32
        %parallel_loop3A_906 = arith.index_cast %parallel_loop3A_905 : i32 to index
        %parallel_loop3A_907 = arith.index_cast %parallel_loop3A_396 : i32 to index
        %parallel_loop3A_908 = arith.constant 240 : index
        %parallel_loop3A_909 = tpu.vector_load %arg13[%parallel_loop3A_906, %parallel_loop3A_907, %parallel_loop3A_908] {strides = array<i32>} : memref<4x16x256xf32, #tpu.memory_space<vmem>>, vector<16xf32>,
        tpu.vector_store %arg13[%parallel_loop3A_906, %parallel_loop3A_907, %parallel_loop3A_908], %parallel_loop3A_904 {strides = array<i32>} : memref<4x16x256xf32, #tpu.memory_space<vmem>>, vector<16xf32>,
        %parallel_loop3A_910 = arith.mulf %parallel_loop3A_891, %parallel_loop3A_887 : vector<16xf32>
        %parallel_loop3A_911 = arith.constant 3 : i32
        %parallel_loop3A_912 = arith.index_cast %parallel_loop3A_911 : i32 to index
        %parallel_loop3A_913 = arith.index_cast %parallel_loop3A_396 : i32 to index
        %parallel_loop3A_914 = arith.constant 240 : index
        %parallel_loop3A_915 = tpu.vector_load %arg13[%parallel_loop3A_912, %parallel_loop3A_913, %parallel_loop3A_914] {strides = array<i32>} : memref<4x16x256xf32, #tpu.memory_space<vmem>>, vector<16xf32>,
        tpu.vector_store %arg13[%parallel_loop3A_912, %parallel_loop3A_913, %parallel_loop3A_914], %parallel_loop3A_910 {strides = array<i32>} : memref<4x16x256xf32, #tpu.memory_space<vmem>>, vector<16xf32>,
      } {sc.loop_unroll_factor = 2 : i64, sc.parallel_access}
      %mul3A_257 = arith.constant 16 : i32
      %mul3A_258 = arith.muli %select_n3A_185, %mul3A_257 : i32
      %dma_start3A_259 = arith.constant 0 : i32
      %dma_start3A_260 = tpu.memref_slice %arg5[%add3A_169, %mul3A_8, %mul3A_258, %dma_start3A_259] : memref<16x16x256x256xf32, #tpu.memory_space<hbm>> -> memref<1x4x16x256xf32, #tpu.memory_space<hbm>>
      %dma_start3A_261 = tpu.memref_squeeze %dma_start3A_260 : memref<1x4x16x256xf32, #tpu.memory_space<hbm>> -> memref<4x16x256xf32, #tpu.memory_space<hbm>>
      %dma_start3A_262 = arith.constant 0 : i32
      %dma_start3A_263 = tpu.memref_slice %arg5[%add3A_169, %mul3A_8, %mul3A_258, %dma_start3A_262] : memref<16x16x256x256xf32, #tpu.memory_space<hbm>> -> memref<1x4x16x256xf32, #tpu.memory_space<hbm>>
      %dma_start3A_264 = tpu.memref_squeeze %dma_start3A_263 : memref<1x4x16x256xf32, #tpu.memory_space<hbm>> -> memref<4x16x256xf32, #tpu.memory_space<hbm>>
      tpu.enqueue_dma source(%arg13 : memref<4x16x256xf32, #tpu.memory_space<vmem>>) target(%dma_start3A_264 : memref<4x16x256xf32, #tpu.memory_space<hbm>>) target_semaphore(%arg17 : memref<!tpu.dma_semaphore, #tpu.memory_space<semaphore_mem>>)
      %mul3A_265 = arith.constant 2 : i32
      %mul3A_266 = arith.muli %scan3A_138, %mul3A_265 : i32
      %add3A_267 = arith.constant 1 : i32
      %add3A_268 = arith.addi %mul3A_266, %add3A_267 : i32
      %jit3A_269 = arith.constant 16 : i32
      %div3A_270 = arith.divsi %add3A_268, %jit3A_269 : i32
      %sign3A_271 = arith.constant 0 : i32
      %sign3A_272 = arith.cmpi sgt, %add3A_268, %sign3A_271 : i32
      %sign3A_273 = arith.extui %sign3A_272 : i1 to i32
      %sign3A_274 = arith.constant 0 : i32
      %sign3A_275 = arith.cmpi slt, %add3A_268, %sign3A_274 : i32
      %sign3A_276 = arith.extui %sign3A_275 : i1 to i32
      %sign3A_277 = arith.subi %sign3A_273, %sign3A_276 : i32
      %sign3A_278 = arith.constant 0 : i32
      %sign3A_279 = arith.cmpi sgt, %jit3A_269, %sign3A_278 : i32
      %sign3A_280 = arith.extui %sign3A_279 : i1 to i32
      %sign3A_281 = arith.constant 0 : i32
      %sign3A_282 = arith.cmpi slt, %jit3A_269, %sign3A_281 : i32
      %sign3A_283 = arith.extui %sign3A_282 : i1 to i32
      %sign3A_284 = arith.subi %sign3A_280, %sign3A_283 : i32
      %ne3A_285 = arith.cmpi ne, %sign3A_277, %sign3A_284 : i32
      %rem3A_286 = arith.remsi %add3A_268, %jit3A_269 : i32
      %ne3A_287 = arith.constant 0 : i32
      %ne3A_288 = arith.cmpi ne, %rem3A_286, %ne3A_287 : i32
      %and3A_289 = arith.andi %ne3A_285, %ne3A_288 : i1
      %sub3A_290 = arith.constant 1 : i32
      %sub3A_291 = arith.subi %div3A_270, %sub3A_290 : i32
      %select_n3A_292 = arith.select %and3A_289, %sub3A_291, %div3A_270 : i32
      %mul3A_293 = arith.constant 2 : i32
      %mul3A_294 = arith.muli %add3A_32, %mul3A_293 : i32
      %add3A_295 = arith.addi %mul3A_294, %select_n3A_292 : i32
      %jit3A_296 = arith.constant 16 : i32
      %eq3A_297 = arith.constant 0 : i32
      %eq3A_298 = arith.cmpi eq, %jit3A_296, %eq3A_297 : i32
      %jit3A_299 = arith.constant 1 : i32
      %select_n3A_300 = arith.select %eq3A_298, %jit3A_299, %jit3A_296 : i32
      %rem3A_301 = arith.remsi %add3A_268, %select_n3A_300 : i32
      %ne3A_302 = arith.constant 0 : i32
      %ne3A_303 = arith.cmpi ne, %rem3A_301, %ne3A_302 : i32
      %lt3A_304 = arith.constant 0 : i32
      %lt3A_305 = arith.cmpi slt, %rem3A_301, %lt3A_304 : i32
      %lt3A_306 = arith.constant 0 : i32
      %lt3A_307 = arith.cmpi slt, %select_n3A_300, %lt3A_306 : i32
      %ne3A_308 = arith.xori %lt3A_305, %lt3A_307 : i1
      %and3A_309 = arith.andi %ne3A_308, %ne3A_303 : i1
      %add3A_310 = arith.addi %rem3A_301, %select_n3A_300 : i32
      %select_n3A_311 = arith.select %and3A_309, %add3A_310, %rem3A_301 : i32
      %add3A_312 = arith.constant 1 : i32
      %add3A_313 = arith.addi %add3A_268, %add3A_312 : i32
      %lt3A_314 = arith.constant 32 : i32
      %lt3A_315 = arith.cmpi slt, %add3A_313, %lt3A_314 : i32
      %convert_element_type3A_316 = arith.extui %lt3A_315 : i1 to i32
      %cond3A_317 = arith.constant 0 : i32
      %cond3A_318 = arith.cmpi ne, %convert_element_type3A_316, %cond3A_317 : i32
      scf.if %cond3A_318 {
        %add3A_396 = arith.constant 1 : i32
        %add3A_397 = arith.addi %add3A_268, %add3A_396 : i32
        %jit3A_398 = arith.constant 16 : i32
        %div3A_399 = arith.divsi %add3A_397, %jit3A_398 : i32
        %sign3A_400 = arith.constant 0 : i32
        %sign3A_401 = arith.cmpi sgt, %add3A_397, %sign3A_400 : i32
        %sign3A_402 = arith.extui %sign3A_401 : i1 to i32
        %sign3A_403 = arith.constant 0 : i32
        %sign3A_404 = arith.cmpi slt, %add3A_397, %sign3A_403 : i32
        %sign3A_405 = arith.extui %sign3A_404 : i1 to i32
        %sign3A_406 = arith.subi %sign3A_402, %sign3A_405 : i32
        %sign3A_407 = arith.constant 0 : i32
        %sign3A_408 = arith.cmpi sgt, %jit3A_398, %sign3A_407 : i32
        %sign3A_409 = arith.extui %sign3A_408 : i1 to i32
        %sign3A_410 = arith.constant 0 : i32
        %sign3A_411 = arith.cmpi slt, %jit3A_398, %sign3A_410 : i32
        %sign3A_412 = arith.extui %sign3A_411 : i1 to i32
        %sign3A_413 = arith.subi %sign3A_409, %sign3A_412 : i32
        %ne3A_414 = arith.cmpi ne, %sign3A_406, %sign3A_413 : i32
        %rem3A_415 = arith.remsi %add3A_397, %jit3A_398 : i32
        %ne3A_416 = arith.constant 0 : i32
        %ne3A_417 = arith.cmpi ne, %rem3A_415, %ne3A_416 : i32
        %and3A_418 = arith.andi %ne3A_414, %ne3A_417 : i1
        %sub3A_419 = arith.constant 1 : i32
        %sub3A_420 = arith.subi %div3A_399, %sub3A_419 : i32
        %select_n3A_421 = arith.select %and3A_418, %sub3A_420, %div3A_399 : i32
        %mul3A_422 = arith.constant 2 : i32
        %mul3A_423 = arith.muli %add3A_32, %mul3A_422 : i32
        %add3A_424 = arith.addi %mul3A_423, %select_n3A_421 : i32
        %jit3A_425 = arith.constant 16 : i32
        %eq3A_426 = arith.constant 0 : i32
        %eq3A_427 = arith.cmpi eq, %jit3A_425, %eq3A_426 : i32
        %jit3A_428 = arith.constant 1 : i32
        %select_n3A_429 = arith.select %eq3A_427, %jit3A_428, %jit3A_425 : i32
        %rem3A_430 = arith.remsi %add3A_397, %select_n3A_429 : i32
        %ne3A_431 = arith.constant 0 : i32
        %ne3A_432 = arith.cmpi ne, %rem3A_430, %ne3A_431 : i32
        %lt3A_433 = arith.constant 0 : i32
        %lt3A_434 = arith.cmpi slt, %rem3A_430, %lt3A_433 : i32
        %lt3A_435 = arith.constant 0 : i32
        %lt3A_436 = arith.cmpi slt, %select_n3A_429, %lt3A_435 : i32
        %ne3A_437 = arith.xori %lt3A_434, %lt3A_436 : i1
        %and3A_438 = arith.andi %ne3A_437, %ne3A_432 : i1
        %add3A_439 = arith.addi %rem3A_430, %select_n3A_429 : i32
        %select_n3A_440 = arith.select %and3A_438, %add3A_439, %rem3A_430 : i32
        %mul3A_441 = arith.constant 16 : i32
        %mul3A_442 = arith.muli %select_n3A_440, %mul3A_441 : i32
        %dma_start3A_443 = arith.constant 0 : i32
        %dma_start3A_444 = tpu.memref_slice %arg2[%add3A_424, %mul3A_442, %dma_start3A_443] : memref<16x256x256xf32, #tpu.memory_space<hbm>> -> memref<1x16x256xf32, #tpu.memory_space<hbm>>
        %dma_start3A_445 = tpu.memref_squeeze %dma_start3A_444 : memref<1x16x256xf32, #tpu.memory_space<hbm>> -> memref<16x256xf32, #tpu.memory_space<hbm>>
        %dma_start3A_446 = arith.constant 0 : i32
        %dma_start3A_447 = tpu.memref_slice %arg2[%add3A_424, %mul3A_442, %dma_start3A_446] : memref<16x256x256xf32, #tpu.memory_space<hbm>> -> memref<1x16x256xf32, #tpu.memory_space<hbm>>
        %dma_start3A_448 = tpu.memref_squeeze %dma_start3A_447 : memref<1x16x256xf32, #tpu.memory_space<hbm>> -> memref<16x256xf32, #tpu.memory_space<hbm>>
        tpu.enqueue_dma source(%dma_start3A_448 : memref<16x256xf32, #tpu.memory_space<hbm>>) target(%arg11 : memref<16x256xf32, #tpu.memory_space<vmem>>) target_semaphore(%arg15 : memref<!tpu.dma_semaphore, #tpu.memory_space<semaphore_mem>>)
      } else {
      }
      %mul3A_319 = arith.constant 16 : i32
      %mul3A_320 = arith.muli %select_n3A_311, %mul3A_319 : i32
      %dma_wait3A_321 = arith.constant 0 : i32
      %dma_wait3A_322 = tpu.memref_slice %arg2[%add3A_295, %mul3A_320, %dma_wait3A_321] : memref<16x256x256xf32, #tpu.memory_space<hbm>> -> memref<1x16x256xf32, #tpu.memory_space<hbm>>
      %dma_wait3A_323 = tpu.memref_squeeze %dma_wait3A_322 : memref<1x16x256xf32, #tpu.memory_space<hbm>> -> memref<16x256xf32, #tpu.memory_space<hbm>>
      %dma_wait3A_324 = arith.constant 0 : i32
      %dma_wait3A_325 = tpu.memref_slice %arg2[%add3A_295, %mul3A_320, %dma_wait3A_324] : memref<16x256x256xf32, #tpu.memory_space<hbm>> -> memref<1x16x256xf32, #tpu.memory_space<hbm>>
      %dma_wait3A_326 = tpu.memref_squeeze %dma_wait3A_325 : memref<1x16x256xf32, #tpu.memory_space<hbm>> -> memref<16x256xf32, #tpu.memory_space<hbm>>
      tpu.wait_dma2 semaphore(%arg16 : memref<!tpu.dma_semaphore, #tpu.memory_space<semaphore_mem>>) src(%dma_wait3A_326 : memref<16x256xf32, #tpu.memory_space<hbm>>) dst(%arg12 : memref<16x256xf32, #tpu.memory_space<vmem>>)
      %ge3A_327 = arith.constant 2 : i32
      %ge3A_328 = arith.cmpi sge, %add3A_268, %ge3A_327 : i32
      %convert_element_type3A_329 = arith.extui %ge3A_328 : i1 to i32
      %cond3A_330 = arith.constant 0 : i32
      %cond3A_331 = arith.cmpi ne, %convert_element_type3A_329, %cond3A_330 : i32
      scf.if %cond3A_331 {
        %mul3A_396 = arith.constant 16 : i32
        %mul3A_397 = arith.muli %select_n3A_311, %mul3A_396 : i32
        %dma_wait3A_398 = arith.constant 0 : i32
        %dma_wait3A_399 = tpu.memref_slice %arg5[%add3A_295, %mul3A_8, %mul3A_397, %dma_wait3A_398] : memref<16x16x256x256xf32, #tpu.memory_space<hbm>> -> memref<1x4x16x256xf32, #tpu.memory_space<hbm>>
        %dma_wait3A_400 = tpu.memref_squeeze %dma_wait3A_399 : memref<1x4x16x256xf32, #tpu.memory_space<hbm>> -> memref<4x16x256xf32, #tpu.memory_space<hbm>>
        %dma_wait3A_401 = arith.constant 0 : i32
        %dma_wait3A_402 = tpu.memref_slice %arg5[%add3A_295, %mul3A_8, %mul3A_397, %dma_wait3A_401] : memref<16x16x256x256xf32, #tpu.memory_space<hbm>> -> memref<1x4x16x256xf32, #tpu.memory_space<hbm>>
        %dma_wait3A_403 = tpu.memref_squeeze %dma_wait3A_402 : memref<1x4x16x256xf32, #tpu.memory_space<hbm>> -> memref<4x16x256xf32, #tpu.memory_space<hbm>>
        tpu.wait_dma2 semaphore(%arg18 : memref<!tpu.dma_semaphore, #tpu.memory_space<semaphore_mem>>) src(%arg14 : memref<4x16x256xf32, #tpu.memory_space<vmem>>) dst(%dma_wait3A_403 : memref<4x16x256xf32, #tpu.memory_space<hbm>>)
      } else {
      }
      %get3A_332 = arith.index_cast %select_n3A_292 : i32 to index
      %get3A_333 = arith.constant 0 : index
      %get3A_334 = tpu.vector_load %arg10[%get3A_332, %get3A_333] {strides = array<i32>} : memref<2x256xi32, #tpu.memory_space<vmem>>, vector<16xi32>,
      %get3A_335 = arith.index_cast %select_n3A_292 : i32 to index
      %get3A_336 = arith.constant 16 : index
      %get3A_337 = tpu.vector_load %arg10[%get3A_335, %get3A_336] {strides = array<i32>} : memref<2x256xi32, #tpu.memory_space<vmem>>, vector<16xi32>,
      %get3A_338 = arith.index_cast %select_n3A_292 : i32 to index
      %get3A_339 = arith.constant 32 : index
      %get3A_340 = tpu.vector_load %arg10[%get3A_338, %get3A_339] {strides = array<i32>} : memref<2x256xi32, #tpu.memory_space<vmem>>, vector<16xi32>,
      %get3A_341 = arith.index_cast %select_n3A_292 : i32 to index
      %get3A_342 = arith.constant 48 : index
      %get3A_343 = tpu.vector_load %arg10[%get3A_341, %get3A_342] {strides = array<i32>} : memref<2x256xi32, #tpu.memory_space<vmem>>, vector<16xi32>,
      %get3A_344 = arith.index_cast %select_n3A_292 : i32 to index
      %get3A_345 = arith.constant 64 : index
      %get3A_346 = tpu.vector_load %arg10[%get3A_344, %get3A_345] {strides = array<i32>} : memref<2x256xi32, #tpu.memory_space<vmem>>, vector<16xi32>,
      %get3A_347 = arith.index_cast %select_n3A_292 : i32 to index
      %get3A_348 = arith.constant 80 : index
      %get3A_349 = tpu.vector_load %arg10[%get3A_347, %get3A_348] {strides = array<i32>} : memref<2x256xi32, #tpu.memory_space<vmem>>, vector<16xi32>,
      %get3A_350 = arith.index_cast %select_n3A_292 : i32 to index
      %get3A_351 = arith.constant 96 : index
      %get3A_352 = tpu.vector_load %arg10[%get3A_350, %get3A_351] {strides = array<i32>} : memref<2x256xi32, #tpu.memory_space<vmem>>, vector<16xi32>,
      %get3A_353 = arith.index_cast %select_n3A_292 : i32 to index
      %get3A_354 = arith.constant 112 : index
      %get3A_355 = tpu.vector_load %arg10[%get3A_353, %get3A_354] {strides = array<i32>} : memref<2x256xi32, #tpu.memory_space<vmem>>, vector<16xi32>,
      %get3A_356 = arith.index_cast %select_n3A_292 : i32 to index
      %get3A_357 = arith.constant 128 : index
      %get3A_358 = tpu.vector_load %arg10[%get3A_356, %get3A_357] {strides = array<i32>} : memref<2x256xi32, #tpu.memory_space<vmem>>, vector<16xi32>,
      %get3A_359 = arith.index_cast %select_n3A_292 : i32 to index
      %get3A_360 = arith.constant 144 : index
      %get3A_361 = tpu.vector_load %arg10[%get3A_359, %get3A_360] {strides = array<i32>} : memref<2x256xi32, #tpu.memory_space<vmem>>, vector<16xi32>,
      %get3A_362 = arith.index_cast %select_n3A_292 : i32 to index
      %get3A_363 = arith.constant 160 : index
      %get3A_364 = tpu.vector_load %arg10[%get3A_362, %get3A_363] {strides = array<i32>} : memref<2x256xi32, #tpu.memory_space<vmem>>, vector<16xi32>,
      %get3A_365 = arith.index_cast %select_n3A_292 : i32 to index
      %get3A_366 = arith.constant 176 : index
      %get3A_367 = tpu.vector_load %arg10[%get3A_365, %get3A_366] {strides = array<i32>} : memref<2x256xi32, #tpu.memory_space<vmem>>, vector<16xi32>,
      %get3A_368 = arith.index_cast %select_n3A_292 : i32 to index
      %get3A_369 = arith.constant 192 : index
      %get3A_370 = tpu.vector_load %arg10[%get3A_368, %get3A_369] {strides = array<i32>} : memref<2x256xi32, #tpu.memory_space<vmem>>, vector<16xi32>,
      %get3A_371 = arith.index_cast %select_n3A_292 : i32 to index
      %get3A_372 = arith.constant 208 : index
      %get3A_373 = tpu.vector_load %arg10[%get3A_371, %get3A_372] {strides = array<i32>} : memref<2x256xi32, #tpu.memory_space<vmem>>, vector<16xi32>,
      %get3A_374 = arith.index_cast %select_n3A_292 : i32 to index
      %get3A_375 = arith.constant 224 : index
      %get3A_376 = tpu.vector_load %arg10[%get3A_374, %get3A_375] {strides = array<i32>} : memref<2x256xi32, #tpu.memory_space<vmem>>, vector<16xi32>,
      %get3A_377 = arith.index_cast %select_n3A_292 : i32 to index
      %get3A_378 = arith.constant 240 : index
      %get3A_379 = tpu.vector_load %arg10[%get3A_377, %get3A_378] {strides = array<i32>} : memref<2x256xi32, #tpu.memory_space<vmem>>, vector<16xi32>,
      %mul3A_380 = arith.constant 16 : i32
      %mul3A_381 = arith.muli %select_n3A_311, %mul3A_380 : i32
      %get3A_382 = arith.index_cast %select_n3A_292 : i32 to index
      %get3A_383 = arith.index_cast %mul3A_381 : i32 to index
      %get3A_384 = tpu.vector_load %arg10[%get3A_382, %get3A_383] {strides = array<i32>} : memref<2x256xi32, #tpu.memory_space<vmem>>, vector<16xi32>,
      %parallel_loop3A_385 = arith.constant 0 : i32
      %parallel_loop3A_386 = arith.constant 16 : i32
      %parallel_loop3A_387 = arith.constant 1 : i32
      scf.for %parallel_loop3A_396 = %parallel_loop3A_385 to %parallel_loop3A_386 step %parallel_loop3A_387  : i32 {
        %parallel_loop3A_397 = vector.broadcast %parallel_loop3A_396 : i32 to vector<16xi32>
        %parallel_loop3A_398 = vector.shape_cast %parallel_loop3A_397 : vector<16xi32> to vector<16x1xi32>
        %parallel_loop3A_399 = vector.shape_cast %parallel_loop3A_398 : vector<16x1xi32> to vector<16xi32>
        %parallel_loop3A_400 = tpu.dynamic_gather %get3A_384[%parallel_loop3A_399] in [0] : vector<16xi32>, vector<16xi32> -> vector<16xi32>
        %parallel_loop3A_401 = arith.constant 128 : i32
        %parallel_loop3A_402 = vector.broadcast %parallel_loop3A_401 : i32 to vector<16xi32>
        %parallel_loop3A_403 = arith.muli %parallel_loop3A_400, %parallel_loop3A_402 : vector<16xi32>
        %parallel_loop3A_404 = arith.addi %parallel_loop3A_403, %get3A_334 : vector<16xi32>
        %parallel_loop3A_405 = arith.index_cast %parallel_loop3A_396 : i32 to index
        %parallel_loop3A_406 = arith.constant 0 : index
        %parallel_loop3A_407 = tpu.vector_load %arg12[%parallel_loop3A_405, %parallel_loop3A_406] {strides = array<i32>} : memref<16x256xf32, #tpu.memory_space<vmem>>, vector<16xf32>,
        %parallel_loop3A_408 = tpu.vector_load_idx %arg6[%parallel_loop3A_404] : memref<16384xf32, #tpu.memory_space<vmem>>[vector<16xi32>], vector<16xf32>,
        %parallel_loop3A_409 = tpu.vector_load_idx %arg7[%parallel_loop3A_404] : memref<16384xf32, #tpu.memory_space<vmem>>[vector<16xi32>], vector<16xf32>,
        %parallel_loop3A_410 = tpu.vector_load_idx %arg8[%parallel_loop3A_404] : memref<16384xf32, #tpu.memory_space<vmem>>[vector<16xi32>], vector<16xf32>,
        %parallel_loop3A_411 = tpu.vector_load_idx %arg9[%parallel_loop3A_404] : memref<16384xf32, #tpu.memory_space<vmem>>[vector<16xi32>], vector<16xf32>,
        %parallel_loop3A_412 = arith.mulf %parallel_loop3A_408, %parallel_loop3A_407 : vector<16xf32>
        %parallel_loop3A_413 = arith.constant 0 : i32
        %parallel_loop3A_414 = arith.index_cast %parallel_loop3A_413 : i32 to index
        %parallel_loop3A_415 = arith.index_cast %parallel_loop3A_396 : i32 to index
        %parallel_loop3A_416 = arith.constant 0 : index
        %parallel_loop3A_417 = tpu.vector_load %arg14[%parallel_loop3A_414, %parallel_loop3A_415, %parallel_loop3A_416] {strides = array<i32>} : memref<4x16x256xf32, #tpu.memory_space<vmem>>, vector<16xf32>,
        tpu.vector_store %arg14[%parallel_loop3A_414, %parallel_loop3A_415, %parallel_loop3A_416], %parallel_loop3A_412 {strides = array<i32>} : memref<4x16x256xf32, #tpu.memory_space<vmem>>, vector<16xf32>,
        %parallel_loop3A_418 = arith.mulf %parallel_loop3A_409, %parallel_loop3A_407 : vector<16xf32>
        %parallel_loop3A_419 = arith.constant 1 : i32
        %parallel_loop3A_420 = arith.index_cast %parallel_loop3A_419 : i32 to index
        %parallel_loop3A_421 = arith.index_cast %parallel_loop3A_396 : i32 to index
        %parallel_loop3A_422 = arith.constant 0 : index
        %parallel_loop3A_423 = tpu.vector_load %arg14[%parallel_loop3A_420, %parallel_loop3A_421, %parallel_loop3A_422] {strides = array<i32>} : memref<4x16x256xf32, #tpu.memory_space<vmem>>, vector<16xf32>,
        tpu.vector_store %arg14[%parallel_loop3A_420, %parallel_loop3A_421, %parallel_loop3A_422], %parallel_loop3A_418 {strides = array<i32>} : memref<4x16x256xf32, #tpu.memory_space<vmem>>, vector<16xf32>,
        %parallel_loop3A_424 = arith.mulf %parallel_loop3A_410, %parallel_loop3A_407 : vector<16xf32>
        %parallel_loop3A_425 = arith.constant 2 : i32
        %parallel_loop3A_426 = arith.index_cast %parallel_loop3A_425 : i32 to index
        %parallel_loop3A_427 = arith.index_cast %parallel_loop3A_396 : i32 to index
        %parallel_loop3A_428 = arith.constant 0 : index
        %parallel_loop3A_429 = tpu.vector_load %arg14[%parallel_loop3A_426, %parallel_loop3A_427, %parallel_loop3A_428] {strides = array<i32>} : memref<4x16x256xf32, #tpu.memory_space<vmem>>, vector<16xf32>,
        tpu.vector_store %arg14[%parallel_loop3A_426, %parallel_loop3A_427, %parallel_loop3A_428], %parallel_loop3A_424 {strides = array<i32>} : memref<4x16x256xf32, #tpu.memory_space<vmem>>, vector<16xf32>,
        %parallel_loop3A_430 = arith.mulf %parallel_loop3A_411, %parallel_loop3A_407 : vector<16xf32>
        %parallel_loop3A_431 = arith.constant 3 : i32
        %parallel_loop3A_432 = arith.index_cast %parallel_loop3A_431 : i32 to index
        %parallel_loop3A_433 = arith.index_cast %parallel_loop3A_396 : i32 to index
        %parallel_loop3A_434 = arith.constant 0 : index
        %parallel_loop3A_435 = tpu.vector_load %arg14[%parallel_loop3A_432, %parallel_loop3A_433, %parallel_loop3A_434] {strides = array<i32>} : memref<4x16x256xf32, #tpu.memory_space<vmem>>, vector<16xf32>,
        tpu.vector_store %arg14[%parallel_loop3A_432, %parallel_loop3A_433, %parallel_loop3A_434], %parallel_loop3A_430 {strides = array<i32>} : memref<4x16x256xf32, #tpu.memory_space<vmem>>, vector<16xf32>,
        %parallel_loop3A_436 = arith.addi %parallel_loop3A_403, %get3A_337 : vector<16xi32>
        %parallel_loop3A_437 = arith.index_cast %parallel_loop3A_396 : i32 to index
        %parallel_loop3A_438 = arith.constant 16 : index
        %parallel_loop3A_439 = tpu.vector_load %arg12[%parallel_loop3A_437, %parallel_loop3A_438] {strides = array<i32>} : memref<16x256xf32, #tpu.memory_space<vmem>>, vector<16xf32>,
        %parallel_loop3A_440 = tpu.vector_load_idx %arg6[%parallel_loop3A_436] : memref<16384xf32, #tpu.memory_space<vmem>>[vector<16xi32>], vector<16xf32>,
        %parallel_loop3A_441 = tpu.vector_load_idx %arg7[%parallel_loop3A_436] : memref<16384xf32, #tpu.memory_space<vmem>>[vector<16xi32>], vector<16xf32>,
        %parallel_loop3A_442 = tpu.vector_load_idx %arg8[%parallel_loop3A_436] : memref<16384xf32, #tpu.memory_space<vmem>>[vector<16xi32>], vector<16xf32>,
        %parallel_loop3A_443 = tpu.vector_load_idx %arg9[%parallel_loop3A_436] : memref<16384xf32, #tpu.memory_space<vmem>>[vector<16xi32>], vector<16xf32>,
        %parallel_loop3A_444 = arith.mulf %parallel_loop3A_440, %parallel_loop3A_439 : vector<16xf32>
        %parallel_loop3A_445 = arith.constant 0 : i32
        %parallel_loop3A_446 = arith.index_cast %parallel_loop3A_445 : i32 to index
        %parallel_loop3A_447 = arith.index_cast %parallel_loop3A_396 : i32 to index
        %parallel_loop3A_448 = arith.constant 16 : index
        %parallel_loop3A_449 = tpu.vector_load %arg14[%parallel_loop3A_446, %parallel_loop3A_447, %parallel_loop3A_448] {strides = array<i32>} : memref<4x16x256xf32, #tpu.memory_space<vmem>>, vector<16xf32>,
        tpu.vector_store %arg14[%parallel_loop3A_446, %parallel_loop3A_447, %parallel_loop3A_448], %parallel_loop3A_444 {strides = array<i32>} : memref<4x16x256xf32, #tpu.memory_space<vmem>>, vector<16xf32>,
        %parallel_loop3A_450 = arith.mulf %parallel_loop3A_441, %parallel_loop3A_439 : vector<16xf32>
        %parallel_loop3A_451 = arith.constant 1 : i32
        %parallel_loop3A_452 = arith.index_cast %parallel_loop3A_451 : i32 to index
        %parallel_loop3A_453 = arith.index_cast %parallel_loop3A_396 : i32 to index
        %parallel_loop3A_454 = arith.constant 16 : index
        %parallel_loop3A_455 = tpu.vector_load %arg14[%parallel_loop3A_452, %parallel_loop3A_453, %parallel_loop3A_454] {strides = array<i32>} : memref<4x16x256xf32, #tpu.memory_space<vmem>>, vector<16xf32>,
        tpu.vector_store %arg14[%parallel_loop3A_452, %parallel_loop3A_453, %parallel_loop3A_454], %parallel_loop3A_450 {strides = array<i32>} : memref<4x16x256xf32, #tpu.memory_space<vmem>>, vector<16xf32>,
        %parallel_loop3A_456 = arith.mulf %parallel_loop3A_442, %parallel_loop3A_439 : vector<16xf32>
        %parallel_loop3A_457 = arith.constant 2 : i32
        %parallel_loop3A_458 = arith.index_cast %parallel_loop3A_457 : i32 to index
        %parallel_loop3A_459 = arith.index_cast %parallel_loop3A_396 : i32 to index
        %parallel_loop3A_460 = arith.constant 16 : index
        %parallel_loop3A_461 = tpu.vector_load %arg14[%parallel_loop3A_458, %parallel_loop3A_459, %parallel_loop3A_460] {strides = array<i32>} : memref<4x16x256xf32, #tpu.memory_space<vmem>>, vector<16xf32>,
        tpu.vector_store %arg14[%parallel_loop3A_458, %parallel_loop3A_459, %parallel_loop3A_460], %parallel_loop3A_456 {strides = array<i32>} : memref<4x16x256xf32, #tpu.memory_space<vmem>>, vector<16xf32>,
        %parallel_loop3A_462 = arith.mulf %parallel_loop3A_443, %parallel_loop3A_439 : vector<16xf32>
        %parallel_loop3A_463 = arith.constant 3 : i32
        %parallel_loop3A_464 = arith.index_cast %parallel_loop3A_463 : i32 to index
        %parallel_loop3A_465 = arith.index_cast %parallel_loop3A_396 : i32 to index
        %parallel_loop3A_466 = arith.constant 16 : index
        %parallel_loop3A_467 = tpu.vector_load %arg14[%parallel_loop3A_464, %parallel_loop3A_465, %parallel_loop3A_466] {strides = array<i32>} : memref<4x16x256xf32, #tpu.memory_space<vmem>>, vector<16xf32>,
        tpu.vector_store %arg14[%parallel_loop3A_464, %parallel_loop3A_465, %parallel_loop3A_466], %parallel_loop3A_462 {strides = array<i32>} : memref<4x16x256xf32, #tpu.memory_space<vmem>>, vector<16xf32>,
        %parallel_loop3A_468 = arith.addi %parallel_loop3A_403, %get3A_340 : vector<16xi32>
        %parallel_loop3A_469 = arith.index_cast %parallel_loop3A_396 : i32 to index
        %parallel_loop3A_470 = arith.constant 32 : index
        %parallel_loop3A_471 = tpu.vector_load %arg12[%parallel_loop3A_469, %parallel_loop3A_470] {strides = array<i32>} : memref<16x256xf32, #tpu.memory_space<vmem>>, vector<16xf32>,
        %parallel_loop3A_472 = tpu.vector_load_idx %arg6[%parallel_loop3A_468] : memref<16384xf32, #tpu.memory_space<vmem>>[vector<16xi32>], vector<16xf32>,
        %parallel_loop3A_473 = tpu.vector_load_idx %arg7[%parallel_loop3A_468] : memref<16384xf32, #tpu.memory_space<vmem>>[vector<16xi32>], vector<16xf32>,
        %parallel_loop3A_474 = tpu.vector_load_idx %arg8[%parallel_loop3A_468] : memref<16384xf32, #tpu.memory_space<vmem>>[vector<16xi32>], vector<16xf32>,
        %parallel_loop3A_475 = tpu.vector_load_idx %arg9[%parallel_loop3A_468] : memref<16384xf32, #tpu.memory_space<vmem>>[vector<16xi32>], vector<16xf32>,
        %parallel_loop3A_476 = arith.mulf %parallel_loop3A_472, %parallel_loop3A_471 : vector<16xf32>
        %parallel_loop3A_477 = arith.constant 0 : i32
        %parallel_loop3A_478 = arith.index_cast %parallel_loop3A_477 : i32 to index
        %parallel_loop3A_479 = arith.index_cast %parallel_loop3A_396 : i32 to index
        %parallel_loop3A_480 = arith.constant 32 : index
        %parallel_loop3A_481 = tpu.vector_load %arg14[%parallel_loop3A_478, %parallel_loop3A_479, %parallel_loop3A_480] {strides = array<i32>} : memref<4x16x256xf32, #tpu.memory_space<vmem>>, vector<16xf32>,
        tpu.vector_store %arg14[%parallel_loop3A_478, %parallel_loop3A_479, %parallel_loop3A_480], %parallel_loop3A_476 {strides = array<i32>} : memref<4x16x256xf32, #tpu.memory_space<vmem>>, vector<16xf32>,
        %parallel_loop3A_482 = arith.mulf %parallel_loop3A_473, %parallel_loop3A_471 : vector<16xf32>
        %parallel_loop3A_483 = arith.constant 1 : i32
        %parallel_loop3A_484 = arith.index_cast %parallel_loop3A_483 : i32 to index
        %parallel_loop3A_485 = arith.index_cast %parallel_loop3A_396 : i32 to index
        %parallel_loop3A_486 = arith.constant 32 : index
        %parallel_loop3A_487 = tpu.vector_load %arg14[%parallel_loop3A_484, %parallel_loop3A_485, %parallel_loop3A_486] {strides = array<i32>} : memref<4x16x256xf32, #tpu.memory_space<vmem>>, vector<16xf32>,
        tpu.vector_store %arg14[%parallel_loop3A_484, %parallel_loop3A_485, %parallel_loop3A_486], %parallel_loop3A_482 {strides = array<i32>} : memref<4x16x256xf32, #tpu.memory_space<vmem>>, vector<16xf32>,
        %parallel_loop3A_488 = arith.mulf %parallel_loop3A_474, %parallel_loop3A_471 : vector<16xf32>
        %parallel_loop3A_489 = arith.constant 2 : i32
        %parallel_loop3A_490 = arith.index_cast %parallel_loop3A_489 : i32 to index
        %parallel_loop3A_491 = arith.index_cast %parallel_loop3A_396 : i32 to index
        %parallel_loop3A_492 = arith.constant 32 : index
        %parallel_loop3A_493 = tpu.vector_load %arg14[%parallel_loop3A_490, %parallel_loop3A_491, %parallel_loop3A_492] {strides = array<i32>} : memref<4x16x256xf32, #tpu.memory_space<vmem>>, vector<16xf32>,
        tpu.vector_store %arg14[%parallel_loop3A_490, %parallel_loop3A_491, %parallel_loop3A_492], %parallel_loop3A_488 {strides = array<i32>} : memref<4x16x256xf32, #tpu.memory_space<vmem>>, vector<16xf32>,
        %parallel_loop3A_494 = arith.mulf %parallel_loop3A_475, %parallel_loop3A_471 : vector<16xf32>
        %parallel_loop3A_495 = arith.constant 3 : i32
        %parallel_loop3A_496 = arith.index_cast %parallel_loop3A_495 : i32 to index
        %parallel_loop3A_497 = arith.index_cast %parallel_loop3A_396 : i32 to index
        %parallel_loop3A_498 = arith.constant 32 : index
        %parallel_loop3A_499 = tpu.vector_load %arg14[%parallel_loop3A_496, %parallel_loop3A_497, %parallel_loop3A_498] {strides = array<i32>} : memref<4x16x256xf32, #tpu.memory_space<vmem>>, vector<16xf32>,
        tpu.vector_store %arg14[%parallel_loop3A_496, %parallel_loop3A_497, %parallel_loop3A_498], %parallel_loop3A_494 {strides = array<i32>} : memref<4x16x256xf32, #tpu.memory_space<vmem>>, vector<16xf32>,
        %parallel_loop3A_500 = arith.addi %parallel_loop3A_403, %get3A_343 : vector<16xi32>
        %parallel_loop3A_501 = arith.index_cast %parallel_loop3A_396 : i32 to index
        %parallel_loop3A_502 = arith.constant 48 : index
        %parallel_loop3A_503 = tpu.vector_load %arg12[%parallel_loop3A_501, %parallel_loop3A_502] {strides = array<i32>} : memref<16x256xf32, #tpu.memory_space<vmem>>, vector<16xf32>,
        %parallel_loop3A_504 = tpu.vector_load_idx %arg6[%parallel_loop3A_500] : memref<16384xf32, #tpu.memory_space<vmem>>[vector<16xi32>], vector<16xf32>,
        %parallel_loop3A_505 = tpu.vector_load_idx %arg7[%parallel_loop3A_500] : memref<16384xf32, #tpu.memory_space<vmem>>[vector<16xi32>], vector<16xf32>,
        %parallel_loop3A_506 = tpu.vector_load_idx %arg8[%parallel_loop3A_500] : memref<16384xf32, #tpu.memory_space<vmem>>[vector<16xi32>], vector<16xf32>,
        %parallel_loop3A_507 = tpu.vector_load_idx %arg9[%parallel_loop3A_500] : memref<16384xf32, #tpu.memory_space<vmem>>[vector<16xi32>], vector<16xf32>,
        %parallel_loop3A_508 = arith.mulf %parallel_loop3A_504, %parallel_loop3A_503 : vector<16xf32>
        %parallel_loop3A_509 = arith.constant 0 : i32
        %parallel_loop3A_510 = arith.index_cast %parallel_loop3A_509 : i32 to index
        %parallel_loop3A_511 = arith.index_cast %parallel_loop3A_396 : i32 to index
        %parallel_loop3A_512 = arith.constant 48 : index
        %parallel_loop3A_513 = tpu.vector_load %arg14[%parallel_loop3A_510, %parallel_loop3A_511, %parallel_loop3A_512] {strides = array<i32>} : memref<4x16x256xf32, #tpu.memory_space<vmem>>, vector<16xf32>,
        tpu.vector_store %arg14[%parallel_loop3A_510, %parallel_loop3A_511, %parallel_loop3A_512], %parallel_loop3A_508 {strides = array<i32>} : memref<4x16x256xf32, #tpu.memory_space<vmem>>, vector<16xf32>,
        %parallel_loop3A_514 = arith.mulf %parallel_loop3A_505, %parallel_loop3A_503 : vector<16xf32>
        %parallel_loop3A_515 = arith.constant 1 : i32
        %parallel_loop3A_516 = arith.index_cast %parallel_loop3A_515 : i32 to index
        %parallel_loop3A_517 = arith.index_cast %parallel_loop3A_396 : i32 to index
        %parallel_loop3A_518 = arith.constant 48 : index
        %parallel_loop3A_519 = tpu.vector_load %arg14[%parallel_loop3A_516, %parallel_loop3A_517, %parallel_loop3A_518] {strides = array<i32>} : memref<4x16x256xf32, #tpu.memory_space<vmem>>, vector<16xf32>,
        tpu.vector_store %arg14[%parallel_loop3A_516, %parallel_loop3A_517, %parallel_loop3A_518], %parallel_loop3A_514 {strides = array<i32>} : memref<4x16x256xf32, #tpu.memory_space<vmem>>, vector<16xf32>,
        %parallel_loop3A_520 = arith.mulf %parallel_loop3A_506, %parallel_loop3A_503 : vector<16xf32>
        %parallel_loop3A_521 = arith.constant 2 : i32
        %parallel_loop3A_522 = arith.index_cast %parallel_loop3A_521 : i32 to index
        %parallel_loop3A_523 = arith.index_cast %parallel_loop3A_396 : i32 to index
        %parallel_loop3A_524 = arith.constant 48 : index
        %parallel_loop3A_525 = tpu.vector_load %arg14[%parallel_loop3A_522, %parallel_loop3A_523, %parallel_loop3A_524] {strides = array<i32>} : memref<4x16x256xf32, #tpu.memory_space<vmem>>, vector<16xf32>,
        tpu.vector_store %arg14[%parallel_loop3A_522, %parallel_loop3A_523, %parallel_loop3A_524], %parallel_loop3A_520 {strides = array<i32>} : memref<4x16x256xf32, #tpu.memory_space<vmem>>, vector<16xf32>,
        %parallel_loop3A_526 = arith.mulf %parallel_loop3A_507, %parallel_loop3A_503 : vector<16xf32>
        %parallel_loop3A_527 = arith.constant 3 : i32
        %parallel_loop3A_528 = arith.index_cast %parallel_loop3A_527 : i32 to index
        %parallel_loop3A_529 = arith.index_cast %parallel_loop3A_396 : i32 to index
        %parallel_loop3A_530 = arith.constant 48 : index
        %parallel_loop3A_531 = tpu.vector_load %arg14[%parallel_loop3A_528, %parallel_loop3A_529, %parallel_loop3A_530] {strides = array<i32>} : memref<4x16x256xf32, #tpu.memory_space<vmem>>, vector<16xf32>,
        tpu.vector_store %arg14[%parallel_loop3A_528, %parallel_loop3A_529, %parallel_loop3A_530], %parallel_loop3A_526 {strides = array<i32>} : memref<4x16x256xf32, #tpu.memory_space<vmem>>, vector<16xf32>,
        %parallel_loop3A_532 = arith.addi %parallel_loop3A_403, %get3A_346 : vector<16xi32>
        %parallel_loop3A_533 = arith.index_cast %parallel_loop3A_396 : i32 to index
        %parallel_loop3A_534 = arith.constant 64 : index
        %parallel_loop3A_535 = tpu.vector_load %arg12[%parallel_loop3A_533, %parallel_loop3A_534] {strides = array<i32>} : memref<16x256xf32, #tpu.memory_space<vmem>>, vector<16xf32>,
        %parallel_loop3A_536 = tpu.vector_load_idx %arg6[%parallel_loop3A_532] : memref<16384xf32, #tpu.memory_space<vmem>>[vector<16xi32>], vector<16xf32>,
        %parallel_loop3A_537 = tpu.vector_load_idx %arg7[%parallel_loop3A_532] : memref<16384xf32, #tpu.memory_space<vmem>>[vector<16xi32>], vector<16xf32>,
        %parallel_loop3A_538 = tpu.vector_load_idx %arg8[%parallel_loop3A_532] : memref<16384xf32, #tpu.memory_space<vmem>>[vector<16xi32>], vector<16xf32>,
        %parallel_loop3A_539 = tpu.vector_load_idx %arg9[%parallel_loop3A_532] : memref<16384xf32, #tpu.memory_space<vmem>>[vector<16xi32>], vector<16xf32>,
        %parallel_loop3A_540 = arith.mulf %parallel_loop3A_536, %parallel_loop3A_535 : vector<16xf32>
        %parallel_loop3A_541 = arith.constant 0 : i32
        %parallel_loop3A_542 = arith.index_cast %parallel_loop3A_541 : i32 to index
        %parallel_loop3A_543 = arith.index_cast %parallel_loop3A_396 : i32 to index
        %parallel_loop3A_544 = arith.constant 64 : index
        %parallel_loop3A_545 = tpu.vector_load %arg14[%parallel_loop3A_542, %parallel_loop3A_543, %parallel_loop3A_544] {strides = array<i32>} : memref<4x16x256xf32, #tpu.memory_space<vmem>>, vector<16xf32>,
        tpu.vector_store %arg14[%parallel_loop3A_542, %parallel_loop3A_543, %parallel_loop3A_544], %parallel_loop3A_540 {strides = array<i32>} : memref<4x16x256xf32, #tpu.memory_space<vmem>>, vector<16xf32>,
        %parallel_loop3A_546 = arith.mulf %parallel_loop3A_537, %parallel_loop3A_535 : vector<16xf32>
        %parallel_loop3A_547 = arith.constant 1 : i32
        %parallel_loop3A_548 = arith.index_cast %parallel_loop3A_547 : i32 to index
        %parallel_loop3A_549 = arith.index_cast %parallel_loop3A_396 : i32 to index
        %parallel_loop3A_550 = arith.constant 64 : index
        %parallel_loop3A_551 = tpu.vector_load %arg14[%parallel_loop3A_548, %parallel_loop3A_549, %parallel_loop3A_550] {strides = array<i32>} : memref<4x16x256xf32, #tpu.memory_space<vmem>>, vector<16xf32>,
        tpu.vector_store %arg14[%parallel_loop3A_548, %parallel_loop3A_549, %parallel_loop3A_550], %parallel_loop3A_546 {strides = array<i32>} : memref<4x16x256xf32, #tpu.memory_space<vmem>>, vector<16xf32>,
        %parallel_loop3A_552 = arith.mulf %parallel_loop3A_538, %parallel_loop3A_535 : vector<16xf32>
        %parallel_loop3A_553 = arith.constant 2 : i32
        %parallel_loop3A_554 = arith.index_cast %parallel_loop3A_553 : i32 to index
        %parallel_loop3A_555 = arith.index_cast %parallel_loop3A_396 : i32 to index
        %parallel_loop3A_556 = arith.constant 64 : index
        %parallel_loop3A_557 = tpu.vector_load %arg14[%parallel_loop3A_554, %parallel_loop3A_555, %parallel_loop3A_556] {strides = array<i32>} : memref<4x16x256xf32, #tpu.memory_space<vmem>>, vector<16xf32>,
        tpu.vector_store %arg14[%parallel_loop3A_554, %parallel_loop3A_555, %parallel_loop3A_556], %parallel_loop3A_552 {strides = array<i32>} : memref<4x16x256xf32, #tpu.memory_space<vmem>>, vector<16xf32>,
        %parallel_loop3A_558 = arith.mulf %parallel_loop3A_539, %parallel_loop3A_535 : vector<16xf32>
        %parallel_loop3A_559 = arith.constant 3 : i32
        %parallel_loop3A_560 = arith.index_cast %parallel_loop3A_559 : i32 to index
        %parallel_loop3A_561 = arith.index_cast %parallel_loop3A_396 : i32 to index
        %parallel_loop3A_562 = arith.constant 64 : index
        %parallel_loop3A_563 = tpu.vector_load %arg14[%parallel_loop3A_560, %parallel_loop3A_561, %parallel_loop3A_562] {strides = array<i32>} : memref<4x16x256xf32, #tpu.memory_space<vmem>>, vector<16xf32>,
        tpu.vector_store %arg14[%parallel_loop3A_560, %parallel_loop3A_561, %parallel_loop3A_562], %parallel_loop3A_558 {strides = array<i32>} : memref<4x16x256xf32, #tpu.memory_space<vmem>>, vector<16xf32>,
        %parallel_loop3A_564 = arith.addi %parallel_loop3A_403, %get3A_349 : vector<16xi32>
        %parallel_loop3A_565 = arith.index_cast %parallel_loop3A_396 : i32 to index
        %parallel_loop3A_566 = arith.constant 80 : index
        %parallel_loop3A_567 = tpu.vector_load %arg12[%parallel_loop3A_565, %parallel_loop3A_566] {strides = array<i32>} : memref<16x256xf32, #tpu.memory_space<vmem>>, vector<16xf32>,
        %parallel_loop3A_568 = tpu.vector_load_idx %arg6[%parallel_loop3A_564] : memref<16384xf32, #tpu.memory_space<vmem>>[vector<16xi32>], vector<16xf32>,
        %parallel_loop3A_569 = tpu.vector_load_idx %arg7[%parallel_loop3A_564] : memref<16384xf32, #tpu.memory_space<vmem>>[vector<16xi32>], vector<16xf32>,
        %parallel_loop3A_570 = tpu.vector_load_idx %arg8[%parallel_loop3A_564] : memref<16384xf32, #tpu.memory_space<vmem>>[vector<16xi32>], vector<16xf32>,
        %parallel_loop3A_571 = tpu.vector_load_idx %arg9[%parallel_loop3A_564] : memref<16384xf32, #tpu.memory_space<vmem>>[vector<16xi32>], vector<16xf32>,
        %parallel_loop3A_572 = arith.mulf %parallel_loop3A_568, %parallel_loop3A_567 : vector<16xf32>
        %parallel_loop3A_573 = arith.constant 0 : i32
        %parallel_loop3A_574 = arith.index_cast %parallel_loop3A_573 : i32 to index
        %parallel_loop3A_575 = arith.index_cast %parallel_loop3A_396 : i32 to index
        %parallel_loop3A_576 = arith.constant 80 : index
        %parallel_loop3A_577 = tpu.vector_load %arg14[%parallel_loop3A_574, %parallel_loop3A_575, %parallel_loop3A_576] {strides = array<i32>} : memref<4x16x256xf32, #tpu.memory_space<vmem>>, vector<16xf32>,
        tpu.vector_store %arg14[%parallel_loop3A_574, %parallel_loop3A_575, %parallel_loop3A_576], %parallel_loop3A_572 {strides = array<i32>} : memref<4x16x256xf32, #tpu.memory_space<vmem>>, vector<16xf32>,
        %parallel_loop3A_578 = arith.mulf %parallel_loop3A_569, %parallel_loop3A_567 : vector<16xf32>
        %parallel_loop3A_579 = arith.constant 1 : i32
        %parallel_loop3A_580 = arith.index_cast %parallel_loop3A_579 : i32 to index
        %parallel_loop3A_581 = arith.index_cast %parallel_loop3A_396 : i32 to index
        %parallel_loop3A_582 = arith.constant 80 : index
        %parallel_loop3A_583 = tpu.vector_load %arg14[%parallel_loop3A_580, %parallel_loop3A_581, %parallel_loop3A_582] {strides = array<i32>} : memref<4x16x256xf32, #tpu.memory_space<vmem>>, vector<16xf32>,
        tpu.vector_store %arg14[%parallel_loop3A_580, %parallel_loop3A_581, %parallel_loop3A_582], %parallel_loop3A_578 {strides = array<i32>} : memref<4x16x256xf32, #tpu.memory_space<vmem>>, vector<16xf32>,
        %parallel_loop3A_584 = arith.mulf %parallel_loop3A_570, %parallel_loop3A_567 : vector<16xf32>
        %parallel_loop3A_585 = arith.constant 2 : i32
        %parallel_loop3A_586 = arith.index_cast %parallel_loop3A_585 : i32 to index
        %parallel_loop3A_587 = arith.index_cast %parallel_loop3A_396 : i32 to index
        %parallel_loop3A_588 = arith.constant 80 : index
        %parallel_loop3A_589 = tpu.vector_load %arg14[%parallel_loop3A_586, %parallel_loop3A_587, %parallel_loop3A_588] {strides = array<i32>} : memref<4x16x256xf32, #tpu.memory_space<vmem>>, vector<16xf32>,
        tpu.vector_store %arg14[%parallel_loop3A_586, %parallel_loop3A_587, %parallel_loop3A_588], %parallel_loop3A_584 {strides = array<i32>} : memref<4x16x256xf32, #tpu.memory_space<vmem>>, vector<16xf32>,
        %parallel_loop3A_590 = arith.mulf %parallel_loop3A_571, %parallel_loop3A_567 : vector<16xf32>
        %parallel_loop3A_591 = arith.constant 3 : i32
        %parallel_loop3A_592 = arith.index_cast %parallel_loop3A_591 : i32 to index
        %parallel_loop3A_593 = arith.index_cast %parallel_loop3A_396 : i32 to index
        %parallel_loop3A_594 = arith.constant 80 : index
        %parallel_loop3A_595 = tpu.vector_load %arg14[%parallel_loop3A_592, %parallel_loop3A_593, %parallel_loop3A_594] {strides = array<i32>} : memref<4x16x256xf32, #tpu.memory_space<vmem>>, vector<16xf32>,
        tpu.vector_store %arg14[%parallel_loop3A_592, %parallel_loop3A_593, %parallel_loop3A_594], %parallel_loop3A_590 {strides = array<i32>} : memref<4x16x256xf32, #tpu.memory_space<vmem>>, vector<16xf32>,
        %parallel_loop3A_596 = arith.addi %parallel_loop3A_403, %get3A_352 : vector<16xi32>
        %parallel_loop3A_597 = arith.index_cast %parallel_loop3A_396 : i32 to index
        %parallel_loop3A_598 = arith.constant 96 : index
        %parallel_loop3A_599 = tpu.vector_load %arg12[%parallel_loop3A_597, %parallel_loop3A_598] {strides = array<i32>} : memref<16x256xf32, #tpu.memory_space<vmem>>, vector<16xf32>,
        %parallel_loop3A_600 = tpu.vector_load_idx %arg6[%parallel_loop3A_596] : memref<16384xf32, #tpu.memory_space<vmem>>[vector<16xi32>], vector<16xf32>,
        %parallel_loop3A_601 = tpu.vector_load_idx %arg7[%parallel_loop3A_596] : memref<16384xf32, #tpu.memory_space<vmem>>[vector<16xi32>], vector<16xf32>,
        %parallel_loop3A_602 = tpu.vector_load_idx %arg8[%parallel_loop3A_596] : memref<16384xf32, #tpu.memory_space<vmem>>[vector<16xi32>], vector<16xf32>,
        %parallel_loop3A_603 = tpu.vector_load_idx %arg9[%parallel_loop3A_596] : memref<16384xf32, #tpu.memory_space<vmem>>[vector<16xi32>], vector<16xf32>,
        %parallel_loop3A_604 = arith.mulf %parallel_loop3A_600, %parallel_loop3A_599 : vector<16xf32>
        %parallel_loop3A_605 = arith.constant 0 : i32
        %parallel_loop3A_606 = arith.index_cast %parallel_loop3A_605 : i32 to index
        %parallel_loop3A_607 = arith.index_cast %parallel_loop3A_396 : i32 to index
        %parallel_loop3A_608 = arith.constant 96 : index
        %parallel_loop3A_609 = tpu.vector_load %arg14[%parallel_loop3A_606, %parallel_loop3A_607, %parallel_loop3A_608] {strides = array<i32>} : memref<4x16x256xf32, #tpu.memory_space<vmem>>, vector<16xf32>,
        tpu.vector_store %arg14[%parallel_loop3A_606, %parallel_loop3A_607, %parallel_loop3A_608], %parallel_loop3A_604 {strides = array<i32>} : memref<4x16x256xf32, #tpu.memory_space<vmem>>, vector<16xf32>,
        %parallel_loop3A_610 = arith.mulf %parallel_loop3A_601, %parallel_loop3A_599 : vector<16xf32>
        %parallel_loop3A_611 = arith.constant 1 : i32
        %parallel_loop3A_612 = arith.index_cast %parallel_loop3A_611 : i32 to index
        %parallel_loop3A_613 = arith.index_cast %parallel_loop3A_396 : i32 to index
        %parallel_loop3A_614 = arith.constant 96 : index
        %parallel_loop3A_615 = tpu.vector_load %arg14[%parallel_loop3A_612, %parallel_loop3A_613, %parallel_loop3A_614] {strides = array<i32>} : memref<4x16x256xf32, #tpu.memory_space<vmem>>, vector<16xf32>,
        tpu.vector_store %arg14[%parallel_loop3A_612, %parallel_loop3A_613, %parallel_loop3A_614], %parallel_loop3A_610 {strides = array<i32>} : memref<4x16x256xf32, #tpu.memory_space<vmem>>, vector<16xf32>,
        %parallel_loop3A_616 = arith.mulf %parallel_loop3A_602, %parallel_loop3A_599 : vector<16xf32>
        %parallel_loop3A_617 = arith.constant 2 : i32
        %parallel_loop3A_618 = arith.index_cast %parallel_loop3A_617 : i32 to index
        %parallel_loop3A_619 = arith.index_cast %parallel_loop3A_396 : i32 to index
        %parallel_loop3A_620 = arith.constant 96 : index
        %parallel_loop3A_621 = tpu.vector_load %arg14[%parallel_loop3A_618, %parallel_loop3A_619, %parallel_loop3A_620] {strides = array<i32>} : memref<4x16x256xf32, #tpu.memory_space<vmem>>, vector<16xf32>,
        tpu.vector_store %arg14[%parallel_loop3A_618, %parallel_loop3A_619, %parallel_loop3A_620], %parallel_loop3A_616 {strides = array<i32>} : memref<4x16x256xf32, #tpu.memory_space<vmem>>, vector<16xf32>,
        %parallel_loop3A_622 = arith.mulf %parallel_loop3A_603, %parallel_loop3A_599 : vector<16xf32>
        %parallel_loop3A_623 = arith.constant 3 : i32
        %parallel_loop3A_624 = arith.index_cast %parallel_loop3A_623 : i32 to index
        %parallel_loop3A_625 = arith.index_cast %parallel_loop3A_396 : i32 to index
        %parallel_loop3A_626 = arith.constant 96 : index
        %parallel_loop3A_627 = tpu.vector_load %arg14[%parallel_loop3A_624, %parallel_loop3A_625, %parallel_loop3A_626] {strides = array<i32>} : memref<4x16x256xf32, #tpu.memory_space<vmem>>, vector<16xf32>,
        tpu.vector_store %arg14[%parallel_loop3A_624, %parallel_loop3A_625, %parallel_loop3A_626], %parallel_loop3A_622 {strides = array<i32>} : memref<4x16x256xf32, #tpu.memory_space<vmem>>, vector<16xf32>,
        %parallel_loop3A_628 = arith.addi %parallel_loop3A_403, %get3A_355 : vector<16xi32>
        %parallel_loop3A_629 = arith.index_cast %parallel_loop3A_396 : i32 to index
        %parallel_loop3A_630 = arith.constant 112 : index
        %parallel_loop3A_631 = tpu.vector_load %arg12[%parallel_loop3A_629, %parallel_loop3A_630] {strides = array<i32>} : memref<16x256xf32, #tpu.memory_space<vmem>>, vector<16xf32>,
        %parallel_loop3A_632 = tpu.vector_load_idx %arg6[%parallel_loop3A_628] : memref<16384xf32, #tpu.memory_space<vmem>>[vector<16xi32>], vector<16xf32>,
        %parallel_loop3A_633 = tpu.vector_load_idx %arg7[%parallel_loop3A_628] : memref<16384xf32, #tpu.memory_space<vmem>>[vector<16xi32>], vector<16xf32>,
        %parallel_loop3A_634 = tpu.vector_load_idx %arg8[%parallel_loop3A_628] : memref<16384xf32, #tpu.memory_space<vmem>>[vector<16xi32>], vector<16xf32>,
        %parallel_loop3A_635 = tpu.vector_load_idx %arg9[%parallel_loop3A_628] : memref<16384xf32, #tpu.memory_space<vmem>>[vector<16xi32>], vector<16xf32>,
        %parallel_loop3A_636 = arith.mulf %parallel_loop3A_632, %parallel_loop3A_631 : vector<16xf32>
        %parallel_loop3A_637 = arith.constant 0 : i32
        %parallel_loop3A_638 = arith.index_cast %parallel_loop3A_637 : i32 to index
        %parallel_loop3A_639 = arith.index_cast %parallel_loop3A_396 : i32 to index
        %parallel_loop3A_640 = arith.constant 112 : index
        %parallel_loop3A_641 = tpu.vector_load %arg14[%parallel_loop3A_638, %parallel_loop3A_639, %parallel_loop3A_640] {strides = array<i32>} : memref<4x16x256xf32, #tpu.memory_space<vmem>>, vector<16xf32>,
        tpu.vector_store %arg14[%parallel_loop3A_638, %parallel_loop3A_639, %parallel_loop3A_640], %parallel_loop3A_636 {strides = array<i32>} : memref<4x16x256xf32, #tpu.memory_space<vmem>>, vector<16xf32>,
        %parallel_loop3A_642 = arith.mulf %parallel_loop3A_633, %parallel_loop3A_631 : vector<16xf32>
        %parallel_loop3A_643 = arith.constant 1 : i32
        %parallel_loop3A_644 = arith.index_cast %parallel_loop3A_643 : i32 to index
        %parallel_loop3A_645 = arith.index_cast %parallel_loop3A_396 : i32 to index
        %parallel_loop3A_646 = arith.constant 112 : index
        %parallel_loop3A_647 = tpu.vector_load %arg14[%parallel_loop3A_644, %parallel_loop3A_645, %parallel_loop3A_646] {strides = array<i32>} : memref<4x16x256xf32, #tpu.memory_space<vmem>>, vector<16xf32>,
        tpu.vector_store %arg14[%parallel_loop3A_644, %parallel_loop3A_645, %parallel_loop3A_646], %parallel_loop3A_642 {strides = array<i32>} : memref<4x16x256xf32, #tpu.memory_space<vmem>>, vector<16xf32>,
        %parallel_loop3A_648 = arith.mulf %parallel_loop3A_634, %parallel_loop3A_631 : vector<16xf32>
        %parallel_loop3A_649 = arith.constant 2 : i32
        %parallel_loop3A_650 = arith.index_cast %parallel_loop3A_649 : i32 to index
        %parallel_loop3A_651 = arith.index_cast %parallel_loop3A_396 : i32 to index
        %parallel_loop3A_652 = arith.constant 112 : index
        %parallel_loop3A_653 = tpu.vector_load %arg14[%parallel_loop3A_650, %parallel_loop3A_651, %parallel_loop3A_652] {strides = array<i32>} : memref<4x16x256xf32, #tpu.memory_space<vmem>>, vector<16xf32>,
        tpu.vector_store %arg14[%parallel_loop3A_650, %parallel_loop3A_651, %parallel_loop3A_652], %parallel_loop3A_648 {strides = array<i32>} : memref<4x16x256xf32, #tpu.memory_space<vmem>>, vector<16xf32>,
        %parallel_loop3A_654 = arith.mulf %parallel_loop3A_635, %parallel_loop3A_631 : vector<16xf32>
        %parallel_loop3A_655 = arith.constant 3 : i32
        %parallel_loop3A_656 = arith.index_cast %parallel_loop3A_655 : i32 to index
        %parallel_loop3A_657 = arith.index_cast %parallel_loop3A_396 : i32 to index
        %parallel_loop3A_658 = arith.constant 112 : index
        %parallel_loop3A_659 = tpu.vector_load %arg14[%parallel_loop3A_656, %parallel_loop3A_657, %parallel_loop3A_658] {strides = array<i32>} : memref<4x16x256xf32, #tpu.memory_space<vmem>>, vector<16xf32>,
        tpu.vector_store %arg14[%parallel_loop3A_656, %parallel_loop3A_657, %parallel_loop3A_658], %parallel_loop3A_654 {strides = array<i32>} : memref<4x16x256xf32, #tpu.memory_space<vmem>>, vector<16xf32>,
        %parallel_loop3A_660 = arith.addi %parallel_loop3A_403, %get3A_358 : vector<16xi32>
        %parallel_loop3A_661 = arith.index_cast %parallel_loop3A_396 : i32 to index
        %parallel_loop3A_662 = arith.constant 128 : index
        %parallel_loop3A_663 = tpu.vector_load %arg12[%parallel_loop3A_661, %parallel_loop3A_662] {strides = array<i32>} : memref<16x256xf32, #tpu.memory_space<vmem>>, vector<16xf32>,
        %parallel_loop3A_664 = tpu.vector_load_idx %arg6[%parallel_loop3A_660] : memref<16384xf32, #tpu.memory_space<vmem>>[vector<16xi32>], vector<16xf32>,
        %parallel_loop3A_665 = tpu.vector_load_idx %arg7[%parallel_loop3A_660] : memref<16384xf32, #tpu.memory_space<vmem>>[vector<16xi32>], vector<16xf32>,
        %parallel_loop3A_666 = tpu.vector_load_idx %arg8[%parallel_loop3A_660] : memref<16384xf32, #tpu.memory_space<vmem>>[vector<16xi32>], vector<16xf32>,
        %parallel_loop3A_667 = tpu.vector_load_idx %arg9[%parallel_loop3A_660] : memref<16384xf32, #tpu.memory_space<vmem>>[vector<16xi32>], vector<16xf32>,
        %parallel_loop3A_668 = arith.mulf %parallel_loop3A_664, %parallel_loop3A_663 : vector<16xf32>
        %parallel_loop3A_669 = arith.constant 0 : i32
        %parallel_loop3A_670 = arith.index_cast %parallel_loop3A_669 : i32 to index
        %parallel_loop3A_671 = arith.index_cast %parallel_loop3A_396 : i32 to index
        %parallel_loop3A_672 = arith.constant 128 : index
        %parallel_loop3A_673 = tpu.vector_load %arg14[%parallel_loop3A_670, %parallel_loop3A_671, %parallel_loop3A_672] {strides = array<i32>} : memref<4x16x256xf32, #tpu.memory_space<vmem>>, vector<16xf32>,
        tpu.vector_store %arg14[%parallel_loop3A_670, %parallel_loop3A_671, %parallel_loop3A_672], %parallel_loop3A_668 {strides = array<i32>} : memref<4x16x256xf32, #tpu.memory_space<vmem>>, vector<16xf32>,
        %parallel_loop3A_674 = arith.mulf %parallel_loop3A_665, %parallel_loop3A_663 : vector<16xf32>
        %parallel_loop3A_675 = arith.constant 1 : i32
        %parallel_loop3A_676 = arith.index_cast %parallel_loop3A_675 : i32 to index
        %parallel_loop3A_677 = arith.index_cast %parallel_loop3A_396 : i32 to index
        %parallel_loop3A_678 = arith.constant 128 : index
        %parallel_loop3A_679 = tpu.vector_load %arg14[%parallel_loop3A_676, %parallel_loop3A_677, %parallel_loop3A_678] {strides = array<i32>} : memref<4x16x256xf32, #tpu.memory_space<vmem>>, vector<16xf32>,
        tpu.vector_store %arg14[%parallel_loop3A_676, %parallel_loop3A_677, %parallel_loop3A_678], %parallel_loop3A_674 {strides = array<i32>} : memref<4x16x256xf32, #tpu.memory_space<vmem>>, vector<16xf32>,
        %parallel_loop3A_680 = arith.mulf %parallel_loop3A_666, %parallel_loop3A_663 : vector<16xf32>
        %parallel_loop3A_681 = arith.constant 2 : i32
        %parallel_loop3A_682 = arith.index_cast %parallel_loop3A_681 : i32 to index
        %parallel_loop3A_683 = arith.index_cast %parallel_loop3A_396 : i32 to index
        %parallel_loop3A_684 = arith.constant 128 : index
        %parallel_loop3A_685 = tpu.vector_load %arg14[%parallel_loop3A_682, %parallel_loop3A_683, %parallel_loop3A_684] {strides = array<i32>} : memref<4x16x256xf32, #tpu.memory_space<vmem>>, vector<16xf32>,
        tpu.vector_store %arg14[%parallel_loop3A_682, %parallel_loop3A_683, %parallel_loop3A_684], %parallel_loop3A_680 {strides = array<i32>} : memref<4x16x256xf32, #tpu.memory_space<vmem>>, vector<16xf32>,
        %parallel_loop3A_686 = arith.mulf %parallel_loop3A_667, %parallel_loop3A_663 : vector<16xf32>
        %parallel_loop3A_687 = arith.constant 3 : i32
        %parallel_loop3A_688 = arith.index_cast %parallel_loop3A_687 : i32 to index
        %parallel_loop3A_689 = arith.index_cast %parallel_loop3A_396 : i32 to index
        %parallel_loop3A_690 = arith.constant 128 : index
        %parallel_loop3A_691 = tpu.vector_load %arg14[%parallel_loop3A_688, %parallel_loop3A_689, %parallel_loop3A_690] {strides = array<i32>} : memref<4x16x256xf32, #tpu.memory_space<vmem>>, vector<16xf32>,
        tpu.vector_store %arg14[%parallel_loop3A_688, %parallel_loop3A_689, %parallel_loop3A_690], %parallel_loop3A_686 {strides = array<i32>} : memref<4x16x256xf32, #tpu.memory_space<vmem>>, vector<16xf32>,
        %parallel_loop3A_692 = arith.addi %parallel_loop3A_403, %get3A_361 : vector<16xi32>
        %parallel_loop3A_693 = arith.index_cast %parallel_loop3A_396 : i32 to index
        %parallel_loop3A_694 = arith.constant 144 : index
        %parallel_loop3A_695 = tpu.vector_load %arg12[%parallel_loop3A_693, %parallel_loop3A_694] {strides = array<i32>} : memref<16x256xf32, #tpu.memory_space<vmem>>, vector<16xf32>,
        %parallel_loop3A_696 = tpu.vector_load_idx %arg6[%parallel_loop3A_692] : memref<16384xf32, #tpu.memory_space<vmem>>[vector<16xi32>], vector<16xf32>,
        %parallel_loop3A_697 = tpu.vector_load_idx %arg7[%parallel_loop3A_692] : memref<16384xf32, #tpu.memory_space<vmem>>[vector<16xi32>], vector<16xf32>,
        %parallel_loop3A_698 = tpu.vector_load_idx %arg8[%parallel_loop3A_692] : memref<16384xf32, #tpu.memory_space<vmem>>[vector<16xi32>], vector<16xf32>,
        %parallel_loop3A_699 = tpu.vector_load_idx %arg9[%parallel_loop3A_692] : memref<16384xf32, #tpu.memory_space<vmem>>[vector<16xi32>], vector<16xf32>,
        %parallel_loop3A_700 = arith.mulf %parallel_loop3A_696, %parallel_loop3A_695 : vector<16xf32>
        %parallel_loop3A_701 = arith.constant 0 : i32
        %parallel_loop3A_702 = arith.index_cast %parallel_loop3A_701 : i32 to index
        %parallel_loop3A_703 = arith.index_cast %parallel_loop3A_396 : i32 to index
        %parallel_loop3A_704 = arith.constant 144 : index
        %parallel_loop3A_705 = tpu.vector_load %arg14[%parallel_loop3A_702, %parallel_loop3A_703, %parallel_loop3A_704] {strides = array<i32>} : memref<4x16x256xf32, #tpu.memory_space<vmem>>, vector<16xf32>,
        tpu.vector_store %arg14[%parallel_loop3A_702, %parallel_loop3A_703, %parallel_loop3A_704], %parallel_loop3A_700 {strides = array<i32>} : memref<4x16x256xf32, #tpu.memory_space<vmem>>, vector<16xf32>,
        %parallel_loop3A_706 = arith.mulf %parallel_loop3A_697, %parallel_loop3A_695 : vector<16xf32>
        %parallel_loop3A_707 = arith.constant 1 : i32
        %parallel_loop3A_708 = arith.index_cast %parallel_loop3A_707 : i32 to index
        %parallel_loop3A_709 = arith.index_cast %parallel_loop3A_396 : i32 to index
        %parallel_loop3A_710 = arith.constant 144 : index
        %parallel_loop3A_711 = tpu.vector_load %arg14[%parallel_loop3A_708, %parallel_loop3A_709, %parallel_loop3A_710] {strides = array<i32>} : memref<4x16x256xf32, #tpu.memory_space<vmem>>, vector<16xf32>,
        tpu.vector_store %arg14[%parallel_loop3A_708, %parallel_loop3A_709, %parallel_loop3A_710], %parallel_loop3A_706 {strides = array<i32>} : memref<4x16x256xf32, #tpu.memory_space<vmem>>, vector<16xf32>,
        %parallel_loop3A_712 = arith.mulf %parallel_loop3A_698, %parallel_loop3A_695 : vector<16xf32>
        %parallel_loop3A_713 = arith.constant 2 : i32
        %parallel_loop3A_714 = arith.index_cast %parallel_loop3A_713 : i32 to index
        %parallel_loop3A_715 = arith.index_cast %parallel_loop3A_396 : i32 to index
        %parallel_loop3A_716 = arith.constant 144 : index
        %parallel_loop3A_717 = tpu.vector_load %arg14[%parallel_loop3A_714, %parallel_loop3A_715, %parallel_loop3A_716] {strides = array<i32>} : memref<4x16x256xf32, #tpu.memory_space<vmem>>, vector<16xf32>,
        tpu.vector_store %arg14[%parallel_loop3A_714, %parallel_loop3A_715, %parallel_loop3A_716], %parallel_loop3A_712 {strides = array<i32>} : memref<4x16x256xf32, #tpu.memory_space<vmem>>, vector<16xf32>,
        %parallel_loop3A_718 = arith.mulf %parallel_loop3A_699, %parallel_loop3A_695 : vector<16xf32>
        %parallel_loop3A_719 = arith.constant 3 : i32
        %parallel_loop3A_720 = arith.index_cast %parallel_loop3A_719 : i32 to index
        %parallel_loop3A_721 = arith.index_cast %parallel_loop3A_396 : i32 to index
        %parallel_loop3A_722 = arith.constant 144 : index
        %parallel_loop3A_723 = tpu.vector_load %arg14[%parallel_loop3A_720, %parallel_loop3A_721, %parallel_loop3A_722] {strides = array<i32>} : memref<4x16x256xf32, #tpu.memory_space<vmem>>, vector<16xf32>,
        tpu.vector_store %arg14[%parallel_loop3A_720, %parallel_loop3A_721, %parallel_loop3A_722], %parallel_loop3A_718 {strides = array<i32>} : memref<4x16x256xf32, #tpu.memory_space<vmem>>, vector<16xf32>,
        %parallel_loop3A_724 = arith.addi %parallel_loop3A_403, %get3A_364 : vector<16xi32>
        %parallel_loop3A_725 = arith.index_cast %parallel_loop3A_396 : i32 to index
        %parallel_loop3A_726 = arith.constant 160 : index
        %parallel_loop3A_727 = tpu.vector_load %arg12[%parallel_loop3A_725, %parallel_loop3A_726] {strides = array<i32>} : memref<16x256xf32, #tpu.memory_space<vmem>>, vector<16xf32>,
        %parallel_loop3A_728 = tpu.vector_load_idx %arg6[%parallel_loop3A_724] : memref<16384xf32, #tpu.memory_space<vmem>>[vector<16xi32>], vector<16xf32>,
        %parallel_loop3A_729 = tpu.vector_load_idx %arg7[%parallel_loop3A_724] : memref<16384xf32, #tpu.memory_space<vmem>>[vector<16xi32>], vector<16xf32>,
        %parallel_loop3A_730 = tpu.vector_load_idx %arg8[%parallel_loop3A_724] : memref<16384xf32, #tpu.memory_space<vmem>>[vector<16xi32>], vector<16xf32>,
        %parallel_loop3A_731 = tpu.vector_load_idx %arg9[%parallel_loop3A_724] : memref<16384xf32, #tpu.memory_space<vmem>>[vector<16xi32>], vector<16xf32>,
        %parallel_loop3A_732 = arith.mulf %parallel_loop3A_728, %parallel_loop3A_727 : vector<16xf32>
        %parallel_loop3A_733 = arith.constant 0 : i32
        %parallel_loop3A_734 = arith.index_cast %parallel_loop3A_733 : i32 to index
        %parallel_loop3A_735 = arith.index_cast %parallel_loop3A_396 : i32 to index
        %parallel_loop3A_736 = arith.constant 160 : index
        %parallel_loop3A_737 = tpu.vector_load %arg14[%parallel_loop3A_734, %parallel_loop3A_735, %parallel_loop3A_736] {strides = array<i32>} : memref<4x16x256xf32, #tpu.memory_space<vmem>>, vector<16xf32>,
        tpu.vector_store %arg14[%parallel_loop3A_734, %parallel_loop3A_735, %parallel_loop3A_736], %parallel_loop3A_732 {strides = array<i32>} : memref<4x16x256xf32, #tpu.memory_space<vmem>>, vector<16xf32>,
        %parallel_loop3A_738 = arith.mulf %parallel_loop3A_729, %parallel_loop3A_727 : vector<16xf32>
        %parallel_loop3A_739 = arith.constant 1 : i32
        %parallel_loop3A_740 = arith.index_cast %parallel_loop3A_739 : i32 to index
        %parallel_loop3A_741 = arith.index_cast %parallel_loop3A_396 : i32 to index
        %parallel_loop3A_742 = arith.constant 160 : index
        %parallel_loop3A_743 = tpu.vector_load %arg14[%parallel_loop3A_740, %parallel_loop3A_741, %parallel_loop3A_742] {strides = array<i32>} : memref<4x16x256xf32, #tpu.memory_space<vmem>>, vector<16xf32>,
        tpu.vector_store %arg14[%parallel_loop3A_740, %parallel_loop3A_741, %parallel_loop3A_742], %parallel_loop3A_738 {strides = array<i32>} : memref<4x16x256xf32, #tpu.memory_space<vmem>>, vector<16xf32>,
        %parallel_loop3A_744 = arith.mulf %parallel_loop3A_730, %parallel_loop3A_727 : vector<16xf32>
        %parallel_loop3A_745 = arith.constant 2 : i32
        %parallel_loop3A_746 = arith.index_cast %parallel_loop3A_745 : i32 to index
        %parallel_loop3A_747 = arith.index_cast %parallel_loop3A_396 : i32 to index
        %parallel_loop3A_748 = arith.constant 160 : index
        %parallel_loop3A_749 = tpu.vector_load %arg14[%parallel_loop3A_746, %parallel_loop3A_747, %parallel_loop3A_748] {strides = array<i32>} : memref<4x16x256xf32, #tpu.memory_space<vmem>>, vector<16xf32>,
        tpu.vector_store %arg14[%parallel_loop3A_746, %parallel_loop3A_747, %parallel_loop3A_748], %parallel_loop3A_744 {strides = array<i32>} : memref<4x16x256xf32, #tpu.memory_space<vmem>>, vector<16xf32>,
        %parallel_loop3A_750 = arith.mulf %parallel_loop3A_731, %parallel_loop3A_727 : vector<16xf32>
        %parallel_loop3A_751 = arith.constant 3 : i32
        %parallel_loop3A_752 = arith.index_cast %parallel_loop3A_751 : i32 to index
        %parallel_loop3A_753 = arith.index_cast %parallel_loop3A_396 : i32 to index
        %parallel_loop3A_754 = arith.constant 160 : index
        %parallel_loop3A_755 = tpu.vector_load %arg14[%parallel_loop3A_752, %parallel_loop3A_753, %parallel_loop3A_754] {strides = array<i32>} : memref<4x16x256xf32, #tpu.memory_space<vmem>>, vector<16xf32>,
        tpu.vector_store %arg14[%parallel_loop3A_752, %parallel_loop3A_753, %parallel_loop3A_754], %parallel_loop3A_750 {strides = array<i32>} : memref<4x16x256xf32, #tpu.memory_space<vmem>>, vector<16xf32>,
        %parallel_loop3A_756 = arith.addi %parallel_loop3A_403, %get3A_367 : vector<16xi32>
        %parallel_loop3A_757 = arith.index_cast %parallel_loop3A_396 : i32 to index
        %parallel_loop3A_758 = arith.constant 176 : index
        %parallel_loop3A_759 = tpu.vector_load %arg12[%parallel_loop3A_757, %parallel_loop3A_758] {strides = array<i32>} : memref<16x256xf32, #tpu.memory_space<vmem>>, vector<16xf32>,
        %parallel_loop3A_760 = tpu.vector_load_idx %arg6[%parallel_loop3A_756] : memref<16384xf32, #tpu.memory_space<vmem>>[vector<16xi32>], vector<16xf32>,
        %parallel_loop3A_761 = tpu.vector_load_idx %arg7[%parallel_loop3A_756] : memref<16384xf32, #tpu.memory_space<vmem>>[vector<16xi32>], vector<16xf32>,
        %parallel_loop3A_762 = tpu.vector_load_idx %arg8[%parallel_loop3A_756] : memref<16384xf32, #tpu.memory_space<vmem>>[vector<16xi32>], vector<16xf32>,
        %parallel_loop3A_763 = tpu.vector_load_idx %arg9[%parallel_loop3A_756] : memref<16384xf32, #tpu.memory_space<vmem>>[vector<16xi32>], vector<16xf32>,
        %parallel_loop3A_764 = arith.mulf %parallel_loop3A_760, %parallel_loop3A_759 : vector<16xf32>
        %parallel_loop3A_765 = arith.constant 0 : i32
        %parallel_loop3A_766 = arith.index_cast %parallel_loop3A_765 : i32 to index
        %parallel_loop3A_767 = arith.index_cast %parallel_loop3A_396 : i32 to index
        %parallel_loop3A_768 = arith.constant 176 : index
        %parallel_loop3A_769 = tpu.vector_load %arg14[%parallel_loop3A_766, %parallel_loop3A_767, %parallel_loop3A_768] {strides = array<i32>} : memref<4x16x256xf32, #tpu.memory_space<vmem>>, vector<16xf32>,
        tpu.vector_store %arg14[%parallel_loop3A_766, %parallel_loop3A_767, %parallel_loop3A_768], %parallel_loop3A_764 {strides = array<i32>} : memref<4x16x256xf32, #tpu.memory_space<vmem>>, vector<16xf32>,
        %parallel_loop3A_770 = arith.mulf %parallel_loop3A_761, %parallel_loop3A_759 : vector<16xf32>
        %parallel_loop3A_771 = arith.constant 1 : i32
        %parallel_loop3A_772 = arith.index_cast %parallel_loop3A_771 : i32 to index
        %parallel_loop3A_773 = arith.index_cast %parallel_loop3A_396 : i32 to index
        %parallel_loop3A_774 = arith.constant 176 : index
        %parallel_loop3A_775 = tpu.vector_load %arg14[%parallel_loop3A_772, %parallel_loop3A_773, %parallel_loop3A_774] {strides = array<i32>} : memref<4x16x256xf32, #tpu.memory_space<vmem>>, vector<16xf32>,
        tpu.vector_store %arg14[%parallel_loop3A_772, %parallel_loop3A_773, %parallel_loop3A_774], %parallel_loop3A_770 {strides = array<i32>} : memref<4x16x256xf32, #tpu.memory_space<vmem>>, vector<16xf32>,
        %parallel_loop3A_776 = arith.mulf %parallel_loop3A_762, %parallel_loop3A_759 : vector<16xf32>
        %parallel_loop3A_777 = arith.constant 2 : i32
        %parallel_loop3A_778 = arith.index_cast %parallel_loop3A_777 : i32 to index
        %parallel_loop3A_779 = arith.index_cast %parallel_loop3A_396 : i32 to index
        %parallel_loop3A_780 = arith.constant 176 : index
        %parallel_loop3A_781 = tpu.vector_load %arg14[%parallel_loop3A_778, %parallel_loop3A_779, %parallel_loop3A_780] {strides = array<i32>} : memref<4x16x256xf32, #tpu.memory_space<vmem>>, vector<16xf32>,
        tpu.vector_store %arg14[%parallel_loop3A_778, %parallel_loop3A_779, %parallel_loop3A_780], %parallel_loop3A_776 {strides = array<i32>} : memref<4x16x256xf32, #tpu.memory_space<vmem>>, vector<16xf32>,
        %parallel_loop3A_782 = arith.mulf %parallel_loop3A_763, %parallel_loop3A_759 : vector<16xf32>
        %parallel_loop3A_783 = arith.constant 3 : i32
        %parallel_loop3A_784 = arith.index_cast %parallel_loop3A_783 : i32 to index
        %parallel_loop3A_785 = arith.index_cast %parallel_loop3A_396 : i32 to index
        %parallel_loop3A_786 = arith.constant 176 : index
        %parallel_loop3A_787 = tpu.vector_load %arg14[%parallel_loop3A_784, %parallel_loop3A_785, %parallel_loop3A_786] {strides = array<i32>} : memref<4x16x256xf32, #tpu.memory_space<vmem>>, vector<16xf32>,
        tpu.vector_store %arg14[%parallel_loop3A_784, %parallel_loop3A_785, %parallel_loop3A_786], %parallel_loop3A_782 {strides = array<i32>} : memref<4x16x256xf32, #tpu.memory_space<vmem>>, vector<16xf32>,
        %parallel_loop3A_788 = arith.addi %parallel_loop3A_403, %get3A_370 : vector<16xi32>
        %parallel_loop3A_789 = arith.index_cast %parallel_loop3A_396 : i32 to index
        %parallel_loop3A_790 = arith.constant 192 : index
        %parallel_loop3A_791 = tpu.vector_load %arg12[%parallel_loop3A_789, %parallel_loop3A_790] {strides = array<i32>} : memref<16x256xf32, #tpu.memory_space<vmem>>, vector<16xf32>,
        %parallel_loop3A_792 = tpu.vector_load_idx %arg6[%parallel_loop3A_788] : memref<16384xf32, #tpu.memory_space<vmem>>[vector<16xi32>], vector<16xf32>,
        %parallel_loop3A_793 = tpu.vector_load_idx %arg7[%parallel_loop3A_788] : memref<16384xf32, #tpu.memory_space<vmem>>[vector<16xi32>], vector<16xf32>,
        %parallel_loop3A_794 = tpu.vector_load_idx %arg8[%parallel_loop3A_788] : memref<16384xf32, #tpu.memory_space<vmem>>[vector<16xi32>], vector<16xf32>,
        %parallel_loop3A_795 = tpu.vector_load_idx %arg9[%parallel_loop3A_788] : memref<16384xf32, #tpu.memory_space<vmem>>[vector<16xi32>], vector<16xf32>,
        %parallel_loop3A_796 = arith.mulf %parallel_loop3A_792, %parallel_loop3A_791 : vector<16xf32>
        %parallel_loop3A_797 = arith.constant 0 : i32
        %parallel_loop3A_798 = arith.index_cast %parallel_loop3A_797 : i32 to index
        %parallel_loop3A_799 = arith.index_cast %parallel_loop3A_396 : i32 to index
        %parallel_loop3A_800 = arith.constant 192 : index
        %parallel_loop3A_801 = tpu.vector_load %arg14[%parallel_loop3A_798, %parallel_loop3A_799, %parallel_loop3A_800] {strides = array<i32>} : memref<4x16x256xf32, #tpu.memory_space<vmem>>, vector<16xf32>,
        tpu.vector_store %arg14[%parallel_loop3A_798, %parallel_loop3A_799, %parallel_loop3A_800], %parallel_loop3A_796 {strides = array<i32>} : memref<4x16x256xf32, #tpu.memory_space<vmem>>, vector<16xf32>,
        %parallel_loop3A_802 = arith.mulf %parallel_loop3A_793, %parallel_loop3A_791 : vector<16xf32>
        %parallel_loop3A_803 = arith.constant 1 : i32
        %parallel_loop3A_804 = arith.index_cast %parallel_loop3A_803 : i32 to index
        %parallel_loop3A_805 = arith.index_cast %parallel_loop3A_396 : i32 to index
        %parallel_loop3A_806 = arith.constant 192 : index
        %parallel_loop3A_807 = tpu.vector_load %arg14[%parallel_loop3A_804, %parallel_loop3A_805, %parallel_loop3A_806] {strides = array<i32>} : memref<4x16x256xf32, #tpu.memory_space<vmem>>, vector<16xf32>,
        tpu.vector_store %arg14[%parallel_loop3A_804, %parallel_loop3A_805, %parallel_loop3A_806], %parallel_loop3A_802 {strides = array<i32>} : memref<4x16x256xf32, #tpu.memory_space<vmem>>, vector<16xf32>,
        %parallel_loop3A_808 = arith.mulf %parallel_loop3A_794, %parallel_loop3A_791 : vector<16xf32>
        %parallel_loop3A_809 = arith.constant 2 : i32
        %parallel_loop3A_810 = arith.index_cast %parallel_loop3A_809 : i32 to index
        %parallel_loop3A_811 = arith.index_cast %parallel_loop3A_396 : i32 to index
        %parallel_loop3A_812 = arith.constant 192 : index
        %parallel_loop3A_813 = tpu.vector_load %arg14[%parallel_loop3A_810, %parallel_loop3A_811, %parallel_loop3A_812] {strides = array<i32>} : memref<4x16x256xf32, #tpu.memory_space<vmem>>, vector<16xf32>,
        tpu.vector_store %arg14[%parallel_loop3A_810, %parallel_loop3A_811, %parallel_loop3A_812], %parallel_loop3A_808 {strides = array<i32>} : memref<4x16x256xf32, #tpu.memory_space<vmem>>, vector<16xf32>,
        %parallel_loop3A_814 = arith.mulf %parallel_loop3A_795, %parallel_loop3A_791 : vector<16xf32>
        %parallel_loop3A_815 = arith.constant 3 : i32
        %parallel_loop3A_816 = arith.index_cast %parallel_loop3A_815 : i32 to index
        %parallel_loop3A_817 = arith.index_cast %parallel_loop3A_396 : i32 to index
        %parallel_loop3A_818 = arith.constant 192 : index
        %parallel_loop3A_819 = tpu.vector_load %arg14[%parallel_loop3A_816, %parallel_loop3A_817, %parallel_loop3A_818] {strides = array<i32>} : memref<4x16x256xf32, #tpu.memory_space<vmem>>, vector<16xf32>,
        tpu.vector_store %arg14[%parallel_loop3A_816, %parallel_loop3A_817, %parallel_loop3A_818], %parallel_loop3A_814 {strides = array<i32>} : memref<4x16x256xf32, #tpu.memory_space<vmem>>, vector<16xf32>,
        %parallel_loop3A_820 = arith.addi %parallel_loop3A_403, %get3A_373 : vector<16xi32>
        %parallel_loop3A_821 = arith.index_cast %parallel_loop3A_396 : i32 to index
        %parallel_loop3A_822 = arith.constant 208 : index
        %parallel_loop3A_823 = tpu.vector_load %arg12[%parallel_loop3A_821, %parallel_loop3A_822] {strides = array<i32>} : memref<16x256xf32, #tpu.memory_space<vmem>>, vector<16xf32>,
        %parallel_loop3A_824 = tpu.vector_load_idx %arg6[%parallel_loop3A_820] : memref<16384xf32, #tpu.memory_space<vmem>>[vector<16xi32>], vector<16xf32>,
        %parallel_loop3A_825 = tpu.vector_load_idx %arg7[%parallel_loop3A_820] : memref<16384xf32, #tpu.memory_space<vmem>>[vector<16xi32>], vector<16xf32>,
        %parallel_loop3A_826 = tpu.vector_load_idx %arg8[%parallel_loop3A_820] : memref<16384xf32, #tpu.memory_space<vmem>>[vector<16xi32>], vector<16xf32>,
        %parallel_loop3A_827 = tpu.vector_load_idx %arg9[%parallel_loop3A_820] : memref<16384xf32, #tpu.memory_space<vmem>>[vector<16xi32>], vector<16xf32>,
        %parallel_loop3A_828 = arith.mulf %parallel_loop3A_824, %parallel_loop3A_823 : vector<16xf32>
        %parallel_loop3A_829 = arith.constant 0 : i32
        %parallel_loop3A_830 = arith.index_cast %parallel_loop3A_829 : i32 to index
        %parallel_loop3A_831 = arith.index_cast %parallel_loop3A_396 : i32 to index
        %parallel_loop3A_832 = arith.constant 208 : index
        %parallel_loop3A_833 = tpu.vector_load %arg14[%parallel_loop3A_830, %parallel_loop3A_831, %parallel_loop3A_832] {strides = array<i32>} : memref<4x16x256xf32, #tpu.memory_space<vmem>>, vector<16xf32>,
        tpu.vector_store %arg14[%parallel_loop3A_830, %parallel_loop3A_831, %parallel_loop3A_832], %parallel_loop3A_828 {strides = array<i32>} : memref<4x16x256xf32, #tpu.memory_space<vmem>>, vector<16xf32>,
        %parallel_loop3A_834 = arith.mulf %parallel_loop3A_825, %parallel_loop3A_823 : vector<16xf32>
        %parallel_loop3A_835 = arith.constant 1 : i32
        %parallel_loop3A_836 = arith.index_cast %parallel_loop3A_835 : i32 to index
        %parallel_loop3A_837 = arith.index_cast %parallel_loop3A_396 : i32 to index
        %parallel_loop3A_838 = arith.constant 208 : index
        %parallel_loop3A_839 = tpu.vector_load %arg14[%parallel_loop3A_836, %parallel_loop3A_837, %parallel_loop3A_838] {strides = array<i32>} : memref<4x16x256xf32, #tpu.memory_space<vmem>>, vector<16xf32>,
        tpu.vector_store %arg14[%parallel_loop3A_836, %parallel_loop3A_837, %parallel_loop3A_838], %parallel_loop3A_834 {strides = array<i32>} : memref<4x16x256xf32, #tpu.memory_space<vmem>>, vector<16xf32>,
        %parallel_loop3A_840 = arith.mulf %parallel_loop3A_826, %parallel_loop3A_823 : vector<16xf32>
        %parallel_loop3A_841 = arith.constant 2 : i32
        %parallel_loop3A_842 = arith.index_cast %parallel_loop3A_841 : i32 to index
        %parallel_loop3A_843 = arith.index_cast %parallel_loop3A_396 : i32 to index
        %parallel_loop3A_844 = arith.constant 208 : index
        %parallel_loop3A_845 = tpu.vector_load %arg14[%parallel_loop3A_842, %parallel_loop3A_843, %parallel_loop3A_844] {strides = array<i32>} : memref<4x16x256xf32, #tpu.memory_space<vmem>>, vector<16xf32>,
        tpu.vector_store %arg14[%parallel_loop3A_842, %parallel_loop3A_843, %parallel_loop3A_844], %parallel_loop3A_840 {strides = array<i32>} : memref<4x16x256xf32, #tpu.memory_space<vmem>>, vector<16xf32>,
        %parallel_loop3A_846 = arith.mulf %parallel_loop3A_827, %parallel_loop3A_823 : vector<16xf32>
        %parallel_loop3A_847 = arith.constant 3 : i32
        %parallel_loop3A_848 = arith.index_cast %parallel_loop3A_847 : i32 to index
        %parallel_loop3A_849 = arith.index_cast %parallel_loop3A_396 : i32 to index
        %parallel_loop3A_850 = arith.constant 208 : index
        %parallel_loop3A_851 = tpu.vector_load %arg14[%parallel_loop3A_848, %parallel_loop3A_849, %parallel_loop3A_850] {strides = array<i32>} : memref<4x16x256xf32, #tpu.memory_space<vmem>>, vector<16xf32>,
        tpu.vector_store %arg14[%parallel_loop3A_848, %parallel_loop3A_849, %parallel_loop3A_850], %parallel_loop3A_846 {strides = array<i32>} : memref<4x16x256xf32, #tpu.memory_space<vmem>>, vector<16xf32>,
        %parallel_loop3A_852 = arith.addi %parallel_loop3A_403, %get3A_376 : vector<16xi32>
        %parallel_loop3A_853 = arith.index_cast %parallel_loop3A_396 : i32 to index
        %parallel_loop3A_854 = arith.constant 224 : index
        %parallel_loop3A_855 = tpu.vector_load %arg12[%parallel_loop3A_853, %parallel_loop3A_854] {strides = array<i32>} : memref<16x256xf32, #tpu.memory_space<vmem>>, vector<16xf32>,
        %parallel_loop3A_856 = tpu.vector_load_idx %arg6[%parallel_loop3A_852] : memref<16384xf32, #tpu.memory_space<vmem>>[vector<16xi32>], vector<16xf32>,
        %parallel_loop3A_857 = tpu.vector_load_idx %arg7[%parallel_loop3A_852] : memref<16384xf32, #tpu.memory_space<vmem>>[vector<16xi32>], vector<16xf32>,
        %parallel_loop3A_858 = tpu.vector_load_idx %arg8[%parallel_loop3A_852] : memref<16384xf32, #tpu.memory_space<vmem>>[vector<16xi32>], vector<16xf32>,
        %parallel_loop3A_859 = tpu.vector_load_idx %arg9[%parallel_loop3A_852] : memref<16384xf32, #tpu.memory_space<vmem>>[vector<16xi32>], vector<16xf32>,
        %parallel_loop3A_860 = arith.mulf %parallel_loop3A_856, %parallel_loop3A_855 : vector<16xf32>
        %parallel_loop3A_861 = arith.constant 0 : i32
        %parallel_loop3A_862 = arith.index_cast %parallel_loop3A_861 : i32 to index
        %parallel_loop3A_863 = arith.index_cast %parallel_loop3A_396 : i32 to index
        %parallel_loop3A_864 = arith.constant 224 : index
        %parallel_loop3A_865 = tpu.vector_load %arg14[%parallel_loop3A_862, %parallel_loop3A_863, %parallel_loop3A_864] {strides = array<i32>} : memref<4x16x256xf32, #tpu.memory_space<vmem>>, vector<16xf32>,
        tpu.vector_store %arg14[%parallel_loop3A_862, %parallel_loop3A_863, %parallel_loop3A_864], %parallel_loop3A_860 {strides = array<i32>} : memref<4x16x256xf32, #tpu.memory_space<vmem>>, vector<16xf32>,
        %parallel_loop3A_866 = arith.mulf %parallel_loop3A_857, %parallel_loop3A_855 : vector<16xf32>
        %parallel_loop3A_867 = arith.constant 1 : i32
        %parallel_loop3A_868 = arith.index_cast %parallel_loop3A_867 : i32 to index
        %parallel_loop3A_869 = arith.index_cast %parallel_loop3A_396 : i32 to index
        %parallel_loop3A_870 = arith.constant 224 : index
        %parallel_loop3A_871 = tpu.vector_load %arg14[%parallel_loop3A_868, %parallel_loop3A_869, %parallel_loop3A_870] {strides = array<i32>} : memref<4x16x256xf32, #tpu.memory_space<vmem>>, vector<16xf32>,
        tpu.vector_store %arg14[%parallel_loop3A_868, %parallel_loop3A_869, %parallel_loop3A_870], %parallel_loop3A_866 {strides = array<i32>} : memref<4x16x256xf32, #tpu.memory_space<vmem>>, vector<16xf32>,
        %parallel_loop3A_872 = arith.mulf %parallel_loop3A_858, %parallel_loop3A_855 : vector<16xf32>
        %parallel_loop3A_873 = arith.constant 2 : i32
        %parallel_loop3A_874 = arith.index_cast %parallel_loop3A_873 : i32 to index
        %parallel_loop3A_875 = arith.index_cast %parallel_loop3A_396 : i32 to index
        %parallel_loop3A_876 = arith.constant 224 : index
        %parallel_loop3A_877 = tpu.vector_load %arg14[%parallel_loop3A_874, %parallel_loop3A_875, %parallel_loop3A_876] {strides = array<i32>} : memref<4x16x256xf32, #tpu.memory_space<vmem>>, vector<16xf32>,
        tpu.vector_store %arg14[%parallel_loop3A_874, %parallel_loop3A_875, %parallel_loop3A_876], %parallel_loop3A_872 {strides = array<i32>} : memref<4x16x256xf32, #tpu.memory_space<vmem>>, vector<16xf32>,
        %parallel_loop3A_878 = arith.mulf %parallel_loop3A_859, %parallel_loop3A_855 : vector<16xf32>
        %parallel_loop3A_879 = arith.constant 3 : i32
        %parallel_loop3A_880 = arith.index_cast %parallel_loop3A_879 : i32 to index
        %parallel_loop3A_881 = arith.index_cast %parallel_loop3A_396 : i32 to index
        %parallel_loop3A_882 = arith.constant 224 : index
        %parallel_loop3A_883 = tpu.vector_load %arg14[%parallel_loop3A_880, %parallel_loop3A_881, %parallel_loop3A_882] {strides = array<i32>} : memref<4x16x256xf32, #tpu.memory_space<vmem>>, vector<16xf32>,
        tpu.vector_store %arg14[%parallel_loop3A_880, %parallel_loop3A_881, %parallel_loop3A_882], %parallel_loop3A_878 {strides = array<i32>} : memref<4x16x256xf32, #tpu.memory_space<vmem>>, vector<16xf32>,
        %parallel_loop3A_884 = arith.addi %parallel_loop3A_403, %get3A_379 : vector<16xi32>
        %parallel_loop3A_885 = arith.index_cast %parallel_loop3A_396 : i32 to index
        %parallel_loop3A_886 = arith.constant 240 : index
        %parallel_loop3A_887 = tpu.vector_load %arg12[%parallel_loop3A_885, %parallel_loop3A_886] {strides = array<i32>} : memref<16x256xf32, #tpu.memory_space<vmem>>, vector<16xf32>,
        %parallel_loop3A_888 = tpu.vector_load_idx %arg6[%parallel_loop3A_884] : memref<16384xf32, #tpu.memory_space<vmem>>[vector<16xi32>], vector<16xf32>,
        %parallel_loop3A_889 = tpu.vector_load_idx %arg7[%parallel_loop3A_884] : memref<16384xf32, #tpu.memory_space<vmem>>[vector<16xi32>], vector<16xf32>,
        %parallel_loop3A_890 = tpu.vector_load_idx %arg8[%parallel_loop3A_884] : memref<16384xf32, #tpu.memory_space<vmem>>[vector<16xi32>], vector<16xf32>,
        %parallel_loop3A_891 = tpu.vector_load_idx %arg9[%parallel_loop3A_884] : memref<16384xf32, #tpu.memory_space<vmem>>[vector<16xi32>], vector<16xf32>,
        %parallel_loop3A_892 = arith.mulf %parallel_loop3A_888, %parallel_loop3A_887 : vector<16xf32>
        %parallel_loop3A_893 = arith.constant 0 : i32
        %parallel_loop3A_894 = arith.index_cast %parallel_loop3A_893 : i32 to index
        %parallel_loop3A_895 = arith.index_cast %parallel_loop3A_396 : i32 to index
        %parallel_loop3A_896 = arith.constant 240 : index
        %parallel_loop3A_897 = tpu.vector_load %arg14[%parallel_loop3A_894, %parallel_loop3A_895, %parallel_loop3A_896] {strides = array<i32>} : memref<4x16x256xf32, #tpu.memory_space<vmem>>, vector<16xf32>,
        tpu.vector_store %arg14[%parallel_loop3A_894, %parallel_loop3A_895, %parallel_loop3A_896], %parallel_loop3A_892 {strides = array<i32>} : memref<4x16x256xf32, #tpu.memory_space<vmem>>, vector<16xf32>,
        %parallel_loop3A_898 = arith.mulf %parallel_loop3A_889, %parallel_loop3A_887 : vector<16xf32>
        %parallel_loop3A_899 = arith.constant 1 : i32
        %parallel_loop3A_900 = arith.index_cast %parallel_loop3A_899 : i32 to index
        %parallel_loop3A_901 = arith.index_cast %parallel_loop3A_396 : i32 to index
        %parallel_loop3A_902 = arith.constant 240 : index
        %parallel_loop3A_903 = tpu.vector_load %arg14[%parallel_loop3A_900, %parallel_loop3A_901, %parallel_loop3A_902] {strides = array<i32>} : memref<4x16x256xf32, #tpu.memory_space<vmem>>, vector<16xf32>,
        tpu.vector_store %arg14[%parallel_loop3A_900, %parallel_loop3A_901, %parallel_loop3A_902], %parallel_loop3A_898 {strides = array<i32>} : memref<4x16x256xf32, #tpu.memory_space<vmem>>, vector<16xf32>,
        %parallel_loop3A_904 = arith.mulf %parallel_loop3A_890, %parallel_loop3A_887 : vector<16xf32>
        %parallel_loop3A_905 = arith.constant 2 : i32
        %parallel_loop3A_906 = arith.index_cast %parallel_loop3A_905 : i32 to index
        %parallel_loop3A_907 = arith.index_cast %parallel_loop3A_396 : i32 to index
        %parallel_loop3A_908 = arith.constant 240 : index
        %parallel_loop3A_909 = tpu.vector_load %arg14[%parallel_loop3A_906, %parallel_loop3A_907, %parallel_loop3A_908] {strides = array<i32>} : memref<4x16x256xf32, #tpu.memory_space<vmem>>, vector<16xf32>,
        tpu.vector_store %arg14[%parallel_loop3A_906, %parallel_loop3A_907, %parallel_loop3A_908], %parallel_loop3A_904 {strides = array<i32>} : memref<4x16x256xf32, #tpu.memory_space<vmem>>, vector<16xf32>,
        %parallel_loop3A_910 = arith.mulf %parallel_loop3A_891, %parallel_loop3A_887 : vector<16xf32>
        %parallel_loop3A_911 = arith.constant 3 : i32
        %parallel_loop3A_912 = arith.index_cast %parallel_loop3A_911 : i32 to index
        %parallel_loop3A_913 = arith.index_cast %parallel_loop3A_396 : i32 to index
        %parallel_loop3A_914 = arith.constant 240 : index
        %parallel_loop3A_915 = tpu.vector_load %arg14[%parallel_loop3A_912, %parallel_loop3A_913, %parallel_loop3A_914] {strides = array<i32>} : memref<4x16x256xf32, #tpu.memory_space<vmem>>, vector<16xf32>,
        tpu.vector_store %arg14[%parallel_loop3A_912, %parallel_loop3A_913, %parallel_loop3A_914], %parallel_loop3A_910 {strides = array<i32>} : memref<4x16x256xf32, #tpu.memory_space<vmem>>, vector<16xf32>,
      } {sc.loop_unroll_factor = 2 : i64, sc.parallel_access}
      %mul3A_388 = arith.constant 16 : i32
      %mul3A_389 = arith.muli %select_n3A_311, %mul3A_388 : i32
      %dma_start3A_390 = arith.constant 0 : i32
      %dma_start3A_391 = tpu.memref_slice %arg5[%add3A_295, %mul3A_8, %mul3A_389, %dma_start3A_390] : memref<16x16x256x256xf32, #tpu.memory_space<hbm>> -> memref<1x4x16x256xf32, #tpu.memory_space<hbm>>
      %dma_start3A_392 = tpu.memref_squeeze %dma_start3A_391 : memref<1x4x16x256xf32, #tpu.memory_space<hbm>> -> memref<4x16x256xf32, #tpu.memory_space<hbm>>
      %dma_start3A_393 = arith.constant 0 : i32
      %dma_start3A_394 = tpu.memref_slice %arg5[%add3A_295, %mul3A_8, %mul3A_389, %dma_start3A_393] : memref<16x16x256x256xf32, #tpu.memory_space<hbm>> -> memref<1x4x16x256xf32, #tpu.memory_space<hbm>>
      %dma_start3A_395 = tpu.memref_squeeze %dma_start3A_394 : memref<1x4x16x256xf32, #tpu.memory_space<hbm>> -> memref<4x16x256xf32, #tpu.memory_space<hbm>>
      tpu.enqueue_dma source(%arg14 : memref<4x16x256xf32, #tpu.memory_space<vmem>>) target(%dma_start3A_395 : memref<4x16x256xf32, #tpu.memory_space<hbm>>) target_semaphore(%arg18 : memref<!tpu.dma_semaphore, #tpu.memory_space<semaphore_mem>>)
    }
    %scan3A_113 = arith.constant 16 : i32
    %mul3A_114 = arith.constant 2 : i32
    %mul3A_115 = arith.muli %add3A_32, %mul3A_114 : i32
    %add3A_116 = arith.constant 1 : i32
    %add3A_117 = arith.addi %mul3A_115, %add3A_116 : i32
    %dma_wait3A_118 = arith.constant 224 : i32
    %dma_wait3A_119 = arith.constant 0 : i32
    %dma_wait3A_120 = tpu.memref_slice %arg5[%add3A_117, %mul3A_8, %dma_wait3A_118, %dma_wait3A_119] : memref<16x16x256x256xf32, #tpu.memory_space<hbm>> -> memref<1x4x16x256xf32, #tpu.memory_space<hbm>>
    %dma_wait3A_121 = tpu.memref_squeeze %dma_wait3A_120 : memref<1x4x16x256xf32, #tpu.memory_space<hbm>> -> memref<4x16x256xf32, #tpu.memory_space<hbm>>
    %dma_wait3A_122 = arith.constant 224 : i32
    %dma_wait3A_123 = arith.constant 0 : i32
    %dma_wait3A_124 = tpu.memref_slice %arg5[%add3A_117, %mul3A_8, %dma_wait3A_122, %dma_wait3A_123] : memref<16x16x256x256xf32, #tpu.memory_space<hbm>> -> memref<1x4x16x256xf32, #tpu.memory_space<hbm>>
    %dma_wait3A_125 = tpu.memref_squeeze %dma_wait3A_124 : memref<1x4x16x256xf32, #tpu.memory_space<hbm>> -> memref<4x16x256xf32, #tpu.memory_space<hbm>>
    tpu.wait_dma2 semaphore(%arg17 : memref<!tpu.dma_semaphore, #tpu.memory_space<semaphore_mem>>) src(%arg13 : memref<4x16x256xf32, #tpu.memory_space<vmem>>) dst(%dma_wait3A_125 : memref<4x16x256xf32, #tpu.memory_space<hbm>>)
    %mul3A_126 = arith.constant 2 : i32
    %mul3A_127 = arith.muli %add3A_32, %mul3A_126 : i32
    %add3A_128 = arith.constant 1 : i32
    %add3A_129 = arith.addi %mul3A_127, %add3A_128 : i32
    %dma_wait3A_130 = arith.constant 240 : i32
    %dma_wait3A_131 = arith.constant 0 : i32
    %dma_wait3A_132 = tpu.memref_slice %arg5[%add3A_129, %mul3A_8, %dma_wait3A_130, %dma_wait3A_131] : memref<16x16x256x256xf32, #tpu.memory_space<hbm>> -> memref<1x4x16x256xf32, #tpu.memory_space<hbm>>
    %dma_wait3A_133 = tpu.memref_squeeze %dma_wait3A_132 : memref<1x4x16x256xf32, #tpu.memory_space<hbm>> -> memref<4x16x256xf32, #tpu.memory_space<hbm>>
    %dma_wait3A_134 = arith.constant 240 : i32
    %dma_wait3A_135 = arith.constant 0 : i32
    %dma_wait3A_136 = tpu.memref_slice %arg5[%add3A_129, %mul3A_8, %dma_wait3A_134, %dma_wait3A_135] : memref<16x16x256x256xf32, #tpu.memory_space<hbm>> -> memref<1x4x16x256xf32, #tpu.memory_space<hbm>>
    %dma_wait3A_137 = tpu.memref_squeeze %dma_wait3A_136 : memref<1x4x16x256xf32, #tpu.memory_space<hbm>> -> memref<4x16x256xf32, #tpu.memory_space<hbm>>
    tpu.wait_dma2 semaphore(%arg18 : memref<!tpu.dma_semaphore, #tpu.memory_space<semaphore_mem>>) src(%arg14 : memref<4x16x256xf32, #tpu.memory_space<vmem>>) dst(%dma_wait3A_137 : memref<4x16x256xf32, #tpu.memory_space<hbm>>)
    return
  }
}

module attributes {stable_mosaic.version = 14 : i64} {
  func.func @body(%arg0: i32, %arg1: memref<1x256x256xf32, #tpu.memory_space<vmem>>, %arg2: memref<128x128x16xf32, #tpu.memory_space<vmem>>, %arg3: memref<1x256x256xf32, #tpu.memory_space<vmem>>, %arg4: memref<16x128x128xf32, #tpu.memory_space<vmem>>) attributes {dimension_semantics = [#tpu.dimension_semantics<arbitrary>], iteration_bounds = array<i64: 16>, scalar_prefetch = 0 : i64, scratch_operands = 0 : i64, tpu.core_type = #tpu.core_type<tc>, window_params = [{transform_indices = @transform_0, window_bounds = array<i64: 1, 256, 256>}, {pipeline_mode = #tpu.pipeline_mode<synchronous>, transform_indices = @transform_1, window_bounds = array<i64: 128, 128, 16>}, {transform_indices = @transform_2, window_bounds = array<i64: 1, 256, 256>}, {pipeline_mode = #tpu.pipeline_mode<synchronous>, transform_indices = @transform_3, window_bounds = array<i64: 16, 128, 128>}]} {
    %get3A = arith.constant 0 : index
    %get3A_0 = arith.constant 0 : index
    %get3A_1 = arith.constant 0 : index
    %get3A_2 = vector.load %arg1[%get3A, %get3A_0, %get3A_1] : memref<1x256x256xf32, #tpu.memory_space<vmem>>, vector<1x256x256xf32>
    %log3A = math.log %get3A_2 : vector<1x256x256xf32>
    %ne3A = arith.cmpf one, %log3A, %log3A : vector<1x256x256xf32>
    %jit3A = arith.constant 3.40282347E+38 : f32
    %broadcast_in_dim3A = vector.broadcast %jit3A : f32 to vector<1x256x256xf32>
    %select_n3A = arith.select %ne3A, %broadcast_in_dim3A, %log3A : vector<1x256x256xi1>, vector<1x256x256xf32>
    %jit3A_3 = arith.constant -3.40282347E+38 : f32
    %jit3A_4 = arith.constant 3.40282347E+38 : f32
    %max3A = vector.broadcast %jit3A_3 : f32 to vector<1x256x256xf32>
    %max3A_5 = arith.maximumf %max3A, %select_n3A : vector<1x256x256xf32>
    %min3A = vector.broadcast %jit3A_4 : f32 to vector<1x256x256xf32>
    %min3A_6 = arith.minimumf %min3A, %max3A_5 : vector<1x256x256xf32>
    %swap3A = arith.constant 0 : index
    %swap3A_7 = arith.constant 0 : index
    %swap3A_8 = arith.constant 0 : index
    %swap3A_9 = vector.load %arg3[%swap3A, %swap3A_7, %swap3A_8] : memref<1x256x256xf32, #tpu.memory_space<vmem>>, vector<1x256x256xf32>
    tpu.vector_store %arg3[%swap3A, %swap3A_7, %swap3A_8], %min3A_6 {strides = array<i32>} : memref<1x256x256xf32, #tpu.memory_space<vmem>>, vector<1x256x256xf32>,
    %eq3A = arith.constant 0 : i32
    %eq3A_10 = arith.cmpi eq, %arg0, %eq3A : i32
    %convert_element_type3A = arith.extui %eq3A_10 : i1 to i32
    %cond3A = arith.constant 0 : i32
    %cond3A_11 = arith.cmpi ne, %convert_element_type3A, %cond3A : i32
    scf.if %cond3A_11 {
      %get3A_12 = arith.constant 0 : index
      %get3A_13 = arith.constant 0 : index
      %get3A_14 = arith.constant 0 : index
      %get3A_15 = vector.load %arg2[%get3A_12, %get3A_13, %get3A_14] : memref<128x128x16xf32, #tpu.memory_space<vmem>>, vector<128x128x16xf32>
      %transpose3A = tpu.transpose %get3A_15, [2, 0, 1] : vector<128x128x16xf32> -> vector<16x128x128xf32>
      %swap3A_16 = arith.constant 0 : index
      %swap3A_17 = arith.constant 0 : index
      %swap3A_18 = arith.constant 0 : index
      %swap3A_19 = vector.load %arg4[%swap3A_16, %swap3A_17, %swap3A_18] : memref<16x128x128xf32, #tpu.memory_space<vmem>>, vector<16x128x128xf32>
      tpu.vector_store %arg4[%swap3A_16, %swap3A_17, %swap3A_18], %transpose3A {strides = array<i32>} : memref<16x128x128xf32, #tpu.memory_space<vmem>>, vector<16x128x128xf32>,
    } else {
    }
    return
  }
  func.func @transform_0(%arg0: i32) -> (i32, i32, i32) {
    %c0_i32 = arith.constant 0 : i32
    %c0_i32_0 = arith.constant 0 : i32
    %c0_i32_1 = arith.constant 0 : i32
    return %arg0, %c0_i32, %c0_i32_0 : i32, i32, i32
  }
  func.func @transform_1(%arg0: i32) -> (i32, i32, i32) {
    %c0_i32 = arith.constant 0 : i32
    %c0_i32_0 = arith.constant 0 : i32
    %c0_i32_1 = arith.constant 0 : i32
    %c0_i32_2 = arith.constant 0 : i32
    return %c0_i32, %c0_i32_0, %c0_i32_1 : i32, i32, i32
  }
  func.func @transform_2(%arg0: i32) -> (i32, i32, i32) {
    %c0_i32 = arith.constant 0 : i32
    %c0_i32_0 = arith.constant 0 : i32
    %c0_i32_1 = arith.constant 0 : i32
    return %arg0, %c0_i32, %c0_i32_0 : i32, i32, i32
  }
  func.func @transform_3(%arg0: i32) -> (i32, i32, i32) {
    %c0_i32 = arith.constant 0 : i32
    %c0_i32_0 = arith.constant 0 : i32
    %c0_i32_1 = arith.constant 0 : i32
    %c0_i32_2 = arith.constant 0 : i32
    return %c0_i32, %c0_i32_0, %c0_i32_1 : i32, i32, i32
  }
}

</mosaic_0001>

<sc_bundles>
// kernel: kernel.4.cloned.1.call-start
scs
__scs_entry_jumppad:
0x0: {  	(pc) =	sbr.rel $0x88, $3  }
0x1: {  	(tag) =	ssettag $0x0;
	lr =	simm.s32 $0x1  }
0x2: {  	[smem:$0x3F9E] =	sst lr;
	_ =	strace $0xD0000000  }
0x3: {  	_ = 	snop  }
0x4: {  	_ = 	snop  }
0x5: {  	_ = 	snop  }
0x6: {  	_ = 	snop  }
0x7: {  	_ = 	snop  }
__scs_overlays_trampoline_lowered:
0x8: {  	[smem:$0x3FAD] =	sst s0  }
0x9: {  	[smem:$0x3FAE] =	sst s1  }
0xa: {  	[smem:$0x3FAF] =	sst s2  }
0xb: {  	[smem:$0x3FB0] =	sst s3  }
0xc: {  	[smem:$0x3FB1] =	sst s4  }
0xd: {  	[smem:$0x3FB2] =	sst s5  }
0xe: {  	[smem:$0x3FB3] =	sst s6  }
0xf: {  	[smem:$0x3FB4] =	sst s7  }
0x10: {  	[smem:$0x3FB5] =	sst s8  }
0x11: {  	[smem:$0x3FB6] =	sst s9;
	s0 =	simm.s32 @!p0 $0x0  }
0x12: {  	s1 =	sld [smem:$0x3F9C];
	s0 =	simm.s32 @p0 $0x1  }
0x13: {  	[smem:$0x3FB7] =	sst s0;
	s0 =	simm.s32 @!p1 $0x0  }
0x14: {  	s2 =	sld [smem:$0x3F9B];
	s0 =	simm.s32 @p1 $0x1  }
0x15: {  	[smem:$0x3FB8] =	sst s0;
	s0 =	simm.s32 @!p2 $0x0  }
0x16: {  	s3 =	sld [smem:$0x3FDB];
	s0 =	simm.s32 @p2 $0x1  }
0x17: {  	s4 =	simm.s32 $0x1BF5;
	[smem:$0x3FBA] =	sst s0  }
0x18: {  	s0 =	sld [smem:$0x3F9D];
	_ =	swait.ge [sflag:s4], $0x0  }
0x19: {  	s7 =	sld [smem:$0x3F9E]  }
0x1a: {  	s8 =	sadd.s32 $0xFFFFE003, lr  }
0x1b: {  	s9 =	sadd.s32 $0xFFFFFEF7, lr;
	s5 =	simm.s32 $0xFFFFFFFF;
	p2 =	slt.u32 s8, $0xFFFFF086  }
0x1c: {  	p1 =	slt.u32 s9, $0xF7A;
	s5 =	simm.s32 @!p2 $0x0  }
0x1d: {  	s5 =	simm.s32 @p1 $0x1;
	p0 =	seq.s32 s7, s2  }
0x1e: {  	s7 =	smul.u32 @!p0 $0xF7A, s2;
	p2 =	seq.s32 @!p0 s5, $0x0  }
0x1f: {  	s9 =	smul.u32 $0xF7A, s1;
	s8 =	simm.s32 @!p0 $0x1BF5;
	p2 =	por !p2, p0  }
0x20: {  	[sflag:s8] =	ssyncset.s32 @!p0 $0xFFFFF086;
	s6 =	sadd.s32 @!p0 s3, s7;
	s7 =	simm.s32 @!p0 $0x108  }
0x21: {  	s3 =	sadd.s32 s3, s9;
	s6 =	sadd.s32 @!p0 $0x88, s6;
	s7 =	simm.s32 @p2 $0x1082  }
0x22: {  	[simem:s7], [sflag:s8] =	dma.local @!p0 [hbm:s6], $0xF7A  }
0x23: {  	s9 =	sor.u32 $0xD0000000, s2;
	s6 =	simm.s32 $0x108;
	_ =	swait.ge @!p0 [sflag:s8], $0x0  }
0x24: {  	s3 =	sadd.s32 $0x88, s3;
	s6 =	simm.s32 @!p1 $0x1082;
	[sflag:s4] =	ssyncset.s32 $0xFFFFF086  }
0x25: {  	[simem:s6], [sflag:s4] =	dma.local [hbm:s3], $0xF7A  }
0x26: {  	[smem:$0x3F9E] =	sst s1;
	(tag) =	ssettag s2;
	_ =	strace s9  }
0x27: {  	s1 =	sld [smem:$0x3FAE]  }
0x28: {  	s2 =	sld [smem:$0x3FAF]  }
0x29: {  	s4 =	sld [smem:$0x3FB1]  }
0x2a: {  	p0 =	seq.s32 s5, $0x0;
	s5 =	sld [smem:$0x3FB2]  }
0x2b: {  	s6 =	sld [smem:$0x3FB3]  }
0x2c: {  	s7 =	sld [smem:$0x3FB4]  }
0x2d: {  	s3 =	simm.s32 $0x108;
	s8 =	sld [smem:$0x3FB5]  }
0x2e: {  	s3 =	simm.s32 @!p0 $0x1082;
	s9 =	sld [smem:$0x3FB6]  }
0x2f: {  	lr =	sadd.s32 s0, s3;
	s0 =	sld [smem:$0x3FAD]  }
0x30: {  	s3 =	sld [smem:$0x3FB0]  }
0x31: {  	[smem:$0x3FB9] =	sst s10  }
0x32: {  	s10 =	sld [smem:$0x3FB7];
	_ =	sdelay $0x3  }
0x33: {  	p0 =	seq.s32 s10, $0x1;
	s10 =	sld [smem:$0x3FB9];
	_ =	sdelay $0x3  }
0x34: {  	[smem:$0x3FB9] =	sst s10  }
0x35: {  	s10 =	sld [smem:$0x3FB8];
	_ =	sdelay $0x3  }
0x36: {  	p1 =	seq.s32 s10, $0x1;
	s10 =	sld [smem:$0x3FB9];
	_ =	sdelay $0x3  }
0x37: {  	[smem:$0x3FB9] =	sst s10  }
0x38: {  	s10 =	sld [smem:$0x3FBA]  }
0x39: {  	_ = 	snop;
	(pc) =	sbr.ind lr, $3  }
0x3a: {  	_ = 	snop  }
0x3b: {  	_ = 	snop  }
0x3c: {  	p2 =	seq.s32 s10, $0x1;
	s10 =	sld [smem:$0x3FB9]  }
0x3d: {  	_ =	shalt  }
0x3e: {  	_ =	shalt  }
0x3f: {  	_ =	shalt  }
0x40: {  	_ =	shalt  }
0x41: {  	_ =	shalt  }
0x42: {  	_ =	shalt  }
0x43: {  	_ =	shalt  }
0x44: {  	_ =	shalt  }
0x45: {  	_ =	shalt  }
0x46: {  	_ =	shalt  }
0x47: {  	_ =	shalt  }
0x48: {  	_ =	shalt  }
0x49: {  	_ =	shalt  }
0x4a: {  	_ =	shalt  }
0x4b: {  	_ =	shalt  }
0x4c: {  	_ =	shalt  }
0x4d: {  	_ =	shalt  }
0x4e: {  	_ =	shalt  }
0x4f: {  	_ =	shalt  }
0x50: {  	_ =	shalt  }
0x51: {  	_ =	shalt  }
0x52: {  	_ =	shalt  }
0x53: {  	_ =	shalt  }
0x54: {  	_ =	shalt  }
0x55: {  	_ =	shalt  }
0x56: {  	_ =	shalt  }
0x57: {  	_ =	shalt  }
0x58: {  	_ =	shalt  }
0x59: {  	_ =	shalt  }
0x5a: {  	_ =	shalt  }
0x5b: {  	_ =	shalt  }
0x5c: {  	_ =	shalt  }
0x5d: {  	_ =	shalt  }
0x5e: {  	_ =	shalt  }
0x5f: {  	_ =	shalt  }
0x60: {  	_ =	shalt  }
0x61: {  	_ =	shalt  }
0x62: {  	_ =	shalt  }
0x63: {  	_ =	shalt  }
0x64: {  	_ =	shalt  }
0x65: {  	_ =	shalt  }
0x66: {  	_ =	shalt  }
0x67: {  	_ =	shalt  }
0x68: {  	_ =	shalt  }
0x69: {  	_ =	shalt  }
0x6a: {  	_ =	shalt  }
0x6b: {  	_ =	shalt  }
0x6c: {  	_ =	shalt  }
0x6d: {  	_ =	shalt  }
0x6e: {  	_ =	shalt  }
0x6f: {  	_ =	shalt  }
0x70: {  	_ =	shalt  }
0x71: {  	_ =	shalt  }
0x72: {  	_ =	shalt  }
0x73: {  	_ =	shalt  }
0x74: {  	_ =	shalt  }
0x75: {  	_ =	shalt  }
0x76: {  	_ =	shalt  }
0x77: {  	_ =	shalt  }
0x78: {  	_ =	shalt  }
0x79: {  	_ =	shalt  }
0x7a: {  	_ =	shalt  }
0x7b: {  	_ =	shalt  }
0x7c: {  	_ =	shalt  }
0x7d: {  	_ =	shalt  }
0x7e: {  	_ =	shalt  }
0x7f: {  	_ =	shalt  }
0x80: {  	_ =	shalt  }
0x81: {  	_ =	shalt  }
0x82: {  	_ =	shalt  }
0x83: {  	_ =	shalt  }
0x84: {  	_ =	shalt  }
0x85: {  	_ =	shalt  }
0x86: {  	_ =	shalt  }
0x87: {  	_ =	shalt  }
.Lfunc_end0:
.L_simem_size_0:
called_computation_lowered:
.L_overlay_start_0:
0x88: {  	s2 =	sld [smem:$0x3FD9]  }
0x89: {  	s3 =	sld [smem:$0x3FFE];
	_ =	sdelay $0x1  }
0x8a: {  	s1 =	srdreg.scid  }
0x8b: {  	s0 =	sand.u32 $0x1, s1  }
0x8c: {  	s17 =	sshll.u32 s0, $0xA;
	s2 =	sadd.s32 s3, s2  }
0x8d: {  	s2 =	sadd.s32 s2, s17  }
0x8e: {  	[smem:$0x3FC5] =	sst s2  }
0x8f: {  	_ = 	snop  }
0x90: {  	s2 =	sld [smem:$0x3FC8]  }
0x91: {  	s18 =	sld [smem:$0x3FD0];
	(tm) =	ssettm $0x1  }
0x92: {  	s4 =	sld [smem:$0x3FFB];
	_ =	sdelay $0x3  }
0x93: {  	_ =	strace s4  }
0x94: {  	s4 =	sld [smem:$0x3FFC];
	_ =	sdelay $0x3  }
0x95: {  	_ =	strace s4  }
0x96: {  	s4 =	sld [smem:$0x3FFD];
	_ =	sdelay $0x3  }
0x97: {  	_ =	strace s4  }
0x98: {  	_ =	strace $0x8FFFFFFF  }
0x99: {  	s19 =	sld [smem:$0x3FDB];
	_ =	sdelay $0x1  }
0x9a: {  	s5 =	simm.s32 $_scs_section_size  }
0x9b: {  	s6 =	simm.s32 $_size__tile_overlayer_lowered;
	s7 =	simm.s32 $_tile_overlayer_lowered  }
0x9c: {  	s22 =	simm.s32 $0x1BFF;
	s21 =	sshll.u32 s7, $0x1;
	s4 =	sadd.s32 s5, s19  }
0x9d: {  	s8 =	simm.s32 $0x0;
	s20 =	sshll.u32 s6, $0x1;
	s6 =	sadd.s32 s21, s4  }
0x9e: {  	[timem:s8], [sflag:s22] =	dma.local [hbm:s6], s20  }
0x9f: {  	_ =	swait.ge [sflag:s22], s20  }
0xa0: {  	s5 =	ssub.s32 $0x0, s20;
	[sflag:s22] =	ssyncset.done $0x0  }
0xa1: {  	[sflag:s22] =	ssyncadd.s32 s5;
	_ =	sdelay $0x1  }
0xa2: {  	s23 =	simm.s32 $0x1B8B  }
0xa3: {  	_ =	swait.ge [sflag:s23], $0x1  }
0xa4: {  	[sflag:s23] =	ssyncset.done $0x0  }
0xa5: {  	s25 =	simm.s32 $0x1B8E;
	s24 =	sld [smem:$0x3FFE];
	[sflag:s23] =	ssyncadd.s32 $0xFFFFFFFF  }
0xa6: {  	s26 =	simm.s32 $execute0_lowered;
	[smem:$0x3FD2] =	sst s25  }
0xa7: {  	s6 =	sshll.u32 s26, $0x1;
	_ =	strace $0x80000046;
	[dreg:$0x1] =	wrdreg $0xFFFFFFFF  }
0xa8: {  	s28 =	simm.s32 $_size_execute0_lowered;
	s4 =	sadd.s32 s4, s6;
	[dreg:$0x0] =	wrdreg $0x0  }
0xa9: {  	s6 =	sshll.u32 s28, $0x1;
	[dreg:$0x2] =	wrdreg s4  }
0xaa: {  	[dreg:$0x3] =	wrdreg s6  }
0xab: {  	[dreg:$0x4] =	wrdreg $0xC0  }
0xac: {  	_ =	task [dreg:s8], $0x5FFFF  }
0xad: {  	[dreg:$0x1] =	wrdreg $0xFFFFFFFF  }
0xae: {  	[dreg:$0x0] =	wrdreg $0x60  }
0xaf: {  	[dreg:$0x2] =	wrdreg s24  }
0xb0: {  	[dreg:$0x3] =	wrdreg s2  }
0xb1: {  	[dreg:$0x4] =	wrdreg s18  }
0xb2: {  	[dreg:$0x5] =	wrdreg $0x9  }
0xb3: {  	_ =	task.clear_ibuf [dreg:s8], $0x6FFFF;
	_ =	strace $0x90000046  }
0xb4: {  	s29 =	simm.s32 $0x9;
	_ =	strace $0x80000048  }
0xb5: {  	_ =	swait.ge [sflag:s29], $0x1  }
0xb6: {  	[sflag:s29] =	ssyncadd.s32 $0xFFFFFFFF  }
0xb7: {  	_ =	strace $0x90000048  }
0xb8: {  	_ =	sfence  }
0xb9: {  	s30 =	sld [smem:$0x0];
	_ =	sdelay $0x2  }
0xba: {  	s31 =	sshll.u32 s1, $0xD;
	s1 =	sshrl.u32 s1, $0x2  }
0xbb: {  	s3 =	sand.u32 $0x4000, s31;
	s1 =	sadd.s32 s1, s30  }
0xbc: {  	s0 =	sor.u32 s3, s0;
	s1 =	sshll.u32 s1, $0x11  }
0xbd: {  	s0 =	sor.u32 s1, s0  }
0xbe: {  	s0 =	sadd.s32 $0x8F2B, s0  }
0xbf: {  	[sflag:s0] =	ssyncadd.remote.s32 $0x1  }
0xc0: {  	_ =	sfence.sel $0xFFFF  }
0xc1: {  	[dreg:$0x0] =	wrdreg $0xFFFFFFFF;
	(pc) =	sbr.abs _section_cstart, $3  }
0xc2: {  	[dreg:$0x1] =	wrdreg $0xFFFFFFFF  }
0xc3: {  	_ =	task.clear_ibuf [dreg:s8], $0x2FFFF;
	_ =	strace $0x9FFFFFFF  }
0xc4: {  	(tm) =	ssettm $0x7FFFFFFF  }
0xc5: {  	_ =	shalt  }
tec
execute0_lowered:
.L_overlay_start_1:
0x0: {  	(tag) =	ssettag $0x1  }
0x1: {  	s0 =	rddreg [dreg:$0x0]  }
0x2: {  	s1 =	rddreg [dreg:$0x1];
	s2 =	simm.s32 $0x0  }
0x3: {  	s3 =	srdreg.scid;
	s8 =	stileid.u32;
	s16 =	simm.s32 $0x4000  }
0x4: {  	[smem:$0x7FF] =	sst s2;
	s3 =	sand.u32 $0x1, s3;
	s11 =	sadd.s32 $0xA00, s0  }
0x5: {  	s0 =	sadd.s32 $0x20A00, s0;
	s6 =	sshll.u32 s8, $0x12;
	s19 =	sshll.u32 s8, $0xD  }
0x6: {  	s7 =	sshrl.u32 s8, $0x2;
	s20 =	sshll.u32 s8, $0x6;
	_ =	strace $0x80000047  }
0x7: {  	s4 =	ssub.s32 $0x2, s3;
	s18 =	sand.u32 $0xC0000, s6;
	s21 =	sshll.u32 s3, $0x3  }
0x8: {  	s6 =	sand.u32 $0x40, s20;
	s10 =	sshll.u32 s7, $0x1;
	[dreg:$0x4] =	wrdreg s11  }
0x9: {  	s5 =	sshrl.u32 s4, $0x1;
	[dreg:$0x5] =	wrdreg s18;
	s22 =	sor.u32 s21, s10  }
0xa: {  	s4 =	ssub.s32 s4, s5;
	s5 =	sand.u32 $0x4000, s19;
	s29 =	sshll.u32 s22, $0xD  }
0xb: {  	[dreg:$0x6] =	wrdreg s22;
	s9 =	sadd.s32 s0, s5;
	s30 =	sadd.s32 s11, s29  }
0xc: {  	s0 =	sadd.s32 s0, s6;
	s31 =	smax.u32 s4, $0x1;
	[dreg:$0xc] =	wrdreg s30  }
0xd: {  	s9 =	sadd.s32 s6, s9;
	s0 =	sadd.s32 s5, s0;
	[dreg:$0xd] =	wrdreg s31  }
0xe: {  	s26 =	sshll.u32 s3, $0x8;
	[dreg:$0x7] =	wrdreg s0;
	s23 =	sadd.s32 $0x10, s9  }
0xf: {  	s28 =	sshll.u32 s7, $0x5;
	s24 =	sadd.s32 $0x20, s9;
	[dreg:$0x8] =	wrdreg s23  }
0x10: {  	s25 =	sadd.s32 $0x30, s9;
	s0 =	sadd.s32 s1, s26;
	[dreg:$0x9] =	wrdreg s24  }
0x11: {  	s17 =	simm.s32 $0x8000;
	[dreg:$0xa] =	wrdreg s25;
	s0 =	sadd.s32 s28, s0  }
0x12: {  	s3 =	simm.s32 $0x0;
	s18 =	simm.s32 $0xC000;
	[dreg:$0xb] =	wrdreg s0  }
.LBB2_1:
0x13: {  	[dreg:$0xe] =	wrdreg s3  }
0x14: {  	s0 =	rddreg [dreg:$0x7];
	s1 =	simm.s32 $0x80;
	s22 =	simm.s32 $0x400  }
0x15: {  	[tilespmem:s2], [sflag:$0x5] =	stream.strided.gather [hbm4b:s0+s1], $0x4000, s22, s1, $0x38;
	[tilespmem:$0x1A200] =	vst v63  }
0x16: {  	s23 =	rddreg [dreg:$0x8]  }
0x17: {  	[tilespmem:s16], [sflag:$0x5] =	stream.strided.gather [hbm4b:s23+s1], $0x4000, s22, s1, $0x38;
	[tilespmem:$0x1A200] =	vst v63  }
0x18: {  	s24 =	rddreg [dreg:$0x9]  }
0x19: {  	[tilespmem:s17], [sflag:$0x5] =	stream.strided.gather [hbm4b:s24+s1], $0x4000, s22, s1, $0x38;
	[tilespmem:$0x1A200] =	vst v63  }
0x1a: {  	s25 =	rddreg [dreg:$0xa]  }
0x1b: {  	[tilespmem:s18], [sflag:$0x5] =	stream.strided.gather [hbm4b:s25+s1], $0x4000, s22, s1, $0x38;
	[tilespmem:$0x1A200] =	vst v63  }
0x1c: {  	s26 =	rddreg [dreg:$0xb];
	s28 =	simm.s32 $0x100;
	s4 =	simm.s32 $0x10000  }
0x1d: {  	[tilespmem:s4], [sflag:$0x5] =	stream.strided.gather [hbm4b:s26+s28], $0x200, s22, s28, $0x38;
	[tilespmem:$0x1A200] =	vst v63  }
0x1e: {  	s29 =	rddreg [dreg:$0xc];
	s30 =	simm.s32 $0x10200;
	s31 =	simm.s32 $0x5  }
0x1f: {  	[tilespmem:s30], [sflag:$0x1] =	stream.linear.gather [hbm4b:s29+s2], $0x1000, $0x38;
	[tilespmem:$0x1A200] =	vst v63  }
0x20: {  	_ =	swait.ge [sflag:s31], $0x4000  }
0x21: {  	[sflag:s31] =	ssyncset.done $0x0  }
0x22: {  	[sflag:s31] =	ssyncadd.s32 $0xFFFFC000  }
0x23: {  	_ =	swait.ge [sflag:s31], $0x4000  }
0x24: {  	[sflag:s31] =	ssyncset.done $0x0  }
0x25: {  	[sflag:s31] =	ssyncadd.s32 $0xFFFFC000  }
0x26: {  	_ =	swait.ge [sflag:s31], $0x4000  }
0x27: {  	[sflag:s31] =	ssyncset.done $0x0  }
0x28: {  	[sflag:s31] =	ssyncadd.s32 $0xFFFFC000  }
0x29: {  	_ =	swait.ge [sflag:s31], $0x4000  }
0x2a: {  	[sflag:s31] =	ssyncset.done $0x0  }
0x2b: {  	[sflag:s31] =	ssyncadd.s32 $0xFFFFC000  }
0x2c: {  	_ =	swait.ge [sflag:s31], $0x200  }
0x2d: {  	[sflag:s31] =	ssyncset.done $0x0  }
0x2e: {  	s3 =	simm.s32 $0x0;
	[sflag:s31] =	ssyncadd.s32 $0xFFFFFE00  }
.LBB2_2:
0x2f: {  	s0 =	sshrl.u32 s3, $0x3;
	s1 =	rddreg [dreg:$0x6]  }
0x30: {  	s21 =	sshllo.u32 s3, $0x1;
	s7 =	sor.u32 s1, s0  }
0x31: {  	s5 =	rddreg [dreg:$0x4];
	s4 =	sshll.u32 s21, $0x9;
	s1 =	sshll.u32 s7, $0xD  }
0x32: {  	s4 =	sand.u32 $0x1E00, s4;
	s1 =	sadd.s32 s5, s1  }
0x33: {  	s22 =	simm.s32 $0x11200;
	s23 =	simm.s32 $0x1;
	s1 =	sadd.s32 s4, s1  }
0x34: {  	[tilespmem:s22], [sflag:$0x2] =	stream.linear.gather [hbm4b:s1+s2], $0x1000, $0x38;
	[tilespmem:$0x1A200] =	vst v63  }
0x35: {  	_ =	swait.ge [sflag:s23], $0x1000  }
0x36: {  	p0 =	seq.s32 s3, $0x0;
	[sflag:s23] =	ssyncset.done $0x0  }
0x37: {  	s1 =	simm.s32 @!p0 $0x3;
	[sflag:s23] =	ssyncadd.s32 $0xFFFFF000  }
0x38: {  	s24 =	sshll.u32 s3, $0x5;
	_ =	swait.ge @!p0 [sflag:s1], $0x4000  }
0x39: {  	s25 =	sshll.u32 s3, $0x6;
	s19 =	sshll.u32 s0, $0x7;
	[sflag:s1] =	ssyncset.done @!p0 $0x0  }
0x3a: {  	s0 =	sand.u32 $0x60, s24;
	[sflag:s1] =	ssyncadd.s32 @!p0 $0xFFFFC000;
	s1 =	sand.u32 $0x100, s25  }
0x3b: {  	s26 =	sadd.s32 $0x10000, s19;
	s0 =	sor.u32 s0, s1  }
0x3c: {  	v15 =	vld [tilespmem:s19+$0x10000];
	s0 =	sadd.s32 s0, s26  }
0x3d: {  	v18 =	vld [tilespmem:s0+$0x0]  }
0x3e: {  	v16 =	vld [tilespmem:s19+$0x10010]  }
0x3f: {  	v17 =	vld [tilespmem:s19+$0x10020]  }
0x40: {  	s28 =	simm.s32 $0x0;
	v14 =	vld [tilespmem:s19+$0x10030]  }
0x41: {  	v0 =	vmov s28;
	v13 =	vld [tilespmem:s19+$0x10040]  }
0x42: {  	s4 =	simm.s32 $0x1;
	v12 =	vld [tilespmem:s19+$0x10050];
	v0 =	vperm.xlane v18, v0  }
0x43: {  	v1 =	vmov s4;
	v10 =	vld [tilespmem:s19+$0x10060]  }
0x44: {  	v9 =	vld [tilespmem:s19+$0x10070];
	v8 =	vshll.u32 v0, $0x7;
	v0 =	vperm.xlane v18, v1  }
0x45: {  	v7 =	vld [tilespmem:s19+$0x10100]  }
0x46: {  	v6 =	vld [tilespmem:s19+$0x10110];
	v19 =	vshll.u32 v0, $0x7  }
0x47: {  	v5 =	vld [tilespmem:s19+$0x10120];
	v20 =	vadd.s32 v15, v19  }
0x48: {  	s5 =	simm.s32 $0x80;
	v4 =	vld [tilespmem:s19+$0x10130]  }
0x49: {  	s6 =	sand.u32 $0x800, s28;
	v3 =	vld [tilespmem:s19+$0x10140];
	s0 =	sand.u32 $0x380, s5  }
0x4a: {  	v2 =	vld [tilespmem:s19+$0x10150];
	s0 =	sor.u32 s6, s0  }
0x4b: {  	v22 =	vld [tilespmem:s0+$0x10200]  }
0x4c: {  	v23 =	vld.idx.msk [tilespmem:v20+s2+$0x0], $0xffff  }
0x4d: {  	s8 =	simm.s32 $0x0;
	v24 =	vld.idx.msk [tilespmem:v20+s16+$0x0], $0xffff  }
0x4e: {  	s5 =	sand.u32 $0x300, s8;
	v11 =	vadd.s32 v15, v8;
	v25 =	vld.idx.msk [tilespmem:v20+s17+$0x0], $0xffff  }
0x4f: {  	s8 =	sor.u32 s5, s6;
	v20 =	vld.idx.msk [tilespmem:v20+s18+$0x0], $0xffff  }
0x50: {  	v29 =	vld [tilespmem:s8+$0x10200]  }
0x51: {  	v1 =	vld [tilespmem:s19+$0x10160]  }
0x52: {  	v0 =	vld [tilespmem:s19+$0x10170];
	v23 =	vmul.f32 v23, v22  }
0x53: {  	v28 =	vadd.s32 v16, v19;
	v21 =	vld.idx.msk [tilespmem:v11+s2+$0x0], $0xffff;
	v24 =	vmul.f32 v24, v22  }
0x54: {  	v26 =	vld.idx.msk [tilespmem:v11+s16+$0x0], $0xffff;
	v20 =	vmul.f32 v20, v22;
	[tilespmem:s0+$0x12200] =	vst v23  }
0x55: {  	v27 =	vld.idx.msk [tilespmem:v11+s17+$0x0], $0xffff;
	v23 =	vmul.f32 v25, v22;
	[tilespmem:s0+$0x13200] =	vst v24  }
0x56: {  	v11 =	vld.idx.msk [tilespmem:v11+s18+$0x0], $0xffff;
	[tilespmem:s0+$0x15200] =	vst v20  }
0x57: {  	v20 =	vld [tilespmem:s0+$0x10210];
	[tilespmem:s0+$0x14200] =	vst v23  }
0x58: {  	v21 =	vmul.f32 v21, v29;
	v23 =	vld.idx.msk [tilespmem:v28+s2+$0x0], $0xffff  }
0x59: {  	v24 =	vld.idx.msk [tilespmem:v28+s16+$0x0], $0xffff  }
0x5a: {  	v26 =	vmul.f32 v26, v29;
	[tilespmem:s8+$0x12200] =	vst v21;
	v21 =	vadd.s32 v16, v8;
	v30 =	vld.idx.msk [tilespmem:v28+s17+$0x0], $0xffff  }
0x5b: {  	v27 =	vmul.f32 v27, v29;
	v28 =	vld.idx.msk [tilespmem:v28+s18+$0x0], $0xffff  }
0x5c: {  	v11 =	vmul.f32 v11, v29;
	[tilespmem:s8+$0x13200] =	vst v26  }
0x5d: {  	[tilespmem:s8+$0x14200] =	vst v27;
	v23 =	vmul.f32 v23, v20  }
0x5e: {  	[tilespmem:s8+$0x15200] =	vst v11;
	v25 =	vld [tilespmem:s8+$0x10210];
	v11 =	vmul.f32 v24, v20;
	v24 =	vadd.s32 v17, v19  }
0x5f: {  	v29 =	vld.idx.msk [tilespmem:v21+s17+$0x0], $0xffff;
	[tilespmem:s0+$0x12210] =	vst v23;
	v23 =	vmul.f32 v30, v20  }
0x60: {  	[tilespmem:s0+$0x13210] =	vst v11;
	v11 =	vmul.f32 v28, v20;
	v20 =	vld.idx.msk [tilespmem:v21+s2+$0x0], $0xffff  }
0x61: {  	v28 =	vld.idx.msk [tilespmem:v21+s16+$0x0], $0xffff;
	[tilespmem:s0+$0x14210] =	vst v23  }
0x62: {  	[tilespmem:s0+$0x15210] =	vst v11;
	v11 =	vld [tilespmem:s0+$0x10220]  }
0x63: {  	v23 =	vld.idx.msk [tilespmem:v24+s2+$0x0], $0xffff  }
0x64: {  	v26 =	vld.idx.msk [tilespmem:v24+s16+$0x0], $0xffff  }
0x65: {  	v27 =	vld.idx.msk [tilespmem:v24+s17+$0x0], $0xffff;
	v20 =	vmul.f32 v20, v25  }
0x66: {  	v24 =	vld.idx.msk [tilespmem:v24+s18+$0x0], $0xffff  }
0x67: {  	v30 =	vld.idx.msk [tilespmem:v21+s18+$0x0], $0xffff;
	[tilespmem:s8+$0x12210] =	vst v20;
	v20 =	vmul.f32 v29, v25  }
0x68: {  	v23 =	vmul.f32 v23, v11  }
0x69: {  	v31 =	vadd.s32 v14, v19;
	v26 =	vmul.f32 v26, v11;
	[tilespmem:s8+$0x14210] =	vst v20  }
0x6a: {  	v22 =	vld [tilespmem:s8+$0x10220];
	v21 =	vmul.f32 v27, v11;
	[tilespmem:s0+$0x12220] =	vst v23  }
0x6b: {  	v11 =	vmul.f32 v24, v11;
	v24 =	vld [tilespmem:s8+$0x10240];
	[tilespmem:s0+$0x13220] =	vst v26  }
0x6c: {  	v20 =	vld [tilespmem:s8+$0x10270];
	[tilespmem:s0+$0x14220] =	vst v21  }
0x6d: {  	[tilespmem:s0+$0x15220] =	vst v11;
	v11 =	vld [tilespmem:s0+$0x10230]  }
0x6e: {  	v27 =	vld.idx.msk [tilespmem:v31+s2+$0x0], $0xffff  }
0x6f: {  	v29 =	vadd.s32 v17, v8;
	v21 =	vmul.f32 v28, v25;
	v28 =	vld.idx.msk [tilespmem:v31+s16+$0x0], $0xffff  }
0x70: {  	v32 =	vld.idx.msk [tilespmem:v31+s17+$0x0], $0xffff  }
0x71: {  	v25 =	vmul.f32 v30, v25;
	v30 =	vld.idx.msk [tilespmem:v31+s18+$0x0], $0xffff  }
0x72: {  	v23 =	vld [tilespmem:s8+$0x10230];
	[tilespmem:s8+$0x13210] =	vst v21  }
0x73: {  	v26 =	vld [tilespmem:s8+$0x10250];
	[tilespmem:s8+$0x15210] =	vst v25;
	v25 =	vmul.f32 v27, v11  }
0x74: {  	v31 =	vadd.s32 v13, v19;
	v27 =	vld.idx.msk [tilespmem:v29+s2+$0x0], $0xffff;
	v28 =	vmul.f32 v28, v11  }
0x75: {  	v33 =	vld.idx.msk [tilespmem:v29+s16+$0x0], $0xffff;
	[tilespmem:s0+$0x12230] =	vst v25;
	v25 =	vmul.f32 v32, v11  }
0x76: {  	v41 =	vld.idx.msk [tilespmem:v29+s17+$0x0], $0xffff;
	[tilespmem:s0+$0x13230] =	vst v28;
	v28 =	vmul.f32 v30, v11  }
0x77: {  	v29 =	vld.idx.msk [tilespmem:v29+s18+$0x0], $0xffff;
	[tilespmem:s0+$0x14230] =	vst v25  }
0x78: {  	[tilespmem:s0+$0x15230] =	vst v28;
	v25 =	vld [tilespmem:s0+$0x10240]  }
0x79: {  	v27 =	vmul.f32 v27, v22;
	v28 =	vld.idx.msk [tilespmem:v31+s2+$0x0], $0xffff  }
0x7a: {  	v42 =	vadd.s32 v14, v8;
	v30 =	vmul.f32 v33, v22;
	v34 =	vld.idx.msk [tilespmem:v31+s16+$0x0], $0xffff  }
0x7b: {  	v43 =	vld.idx.msk [tilespmem:v31+s17+$0x0], $0xffff;
	[tilespmem:s8+$0x12220] =	vst v27;
	v27 =	vmul.f32 v41, v22  }
0x7c: {  	[tilespmem:s8+$0x13220] =	vst v30;
	v22 =	vmul.f32 v29, v22;
	v29 =	vld.idx.msk [tilespmem:v31+s18+$0x0], $0xffff  }
0x7d: {  	v21 =	vld [tilespmem:s8+$0x10260];
	[tilespmem:s8+$0x14220] =	vst v27  }
0x7e: {  	v11 =	vld [tilespmem:s8+$0x10600];
	[tilespmem:s8+$0x15220] =	vst v22;
	v22 =	vmul.f32 v28, v25  }
0x7f: {  	v30 =	vadd.s32 v12, v19;
	v27 =	vld.idx.msk [tilespmem:v42+s2+$0x0], $0xffff;
	v28 =	vmul.f32 v34, v25  }
0x80: {  	v31 =	vld.idx.msk [tilespmem:v42+s16+$0x0], $0xffff;
	[tilespmem:s0+$0x12240] =	vst v22;
	v22 =	vmul.f32 v43, v25  }
0x81: {  	v44 =	vld.idx.msk [tilespmem:v42+s17+$0x0], $0xffff;
	[tilespmem:s0+$0x13240] =	vst v28;
	v25 =	vmul.f32 v29, v25  }
0x82: {  	v28 =	vld.idx.msk [tilespmem:v42+s18+$0x0], $0xffff;
	[tilespmem:s0+$0x14240] =	vst v22  }
0x83: {  	[tilespmem:s0+$0x15240] =	vst v25;
	v22 =	vld [tilespmem:s0+$0x10250]  }
0x84: {  	v25 =	vld.idx.msk [tilespmem:v30+s2+$0x0], $0xffff;
	v27 =	vmul.f32 v27, v23  }
0x85: {  	v45 =	vadd.s32 v13, v8;
	v29 =	vld.idx.msk [tilespmem:v30+s16+$0x0], $0xffff;
	v31 =	vmul.f32 v31, v23  }
0x86: {  	v46 =	vld.idx.msk [tilespmem:v30+s17+$0x0], $0xffff;
	[tilespmem:s8+$0x12230] =	vst v27;
	v27 =	vmul.f32 v44, v23  }
0x87: {  	v30 =	vld.idx.msk [tilespmem:v30+s18+$0x0], $0xffff;
	[tilespmem:s8+$0x13230] =	vst v31;
	v23 =	vmul.f32 v28, v23  }
0x88: {  	[tilespmem:s8+$0x14230] =	vst v27  }
0x89: {  	[tilespmem:s8+$0x15230] =	vst v23;
	v23 =	vmul.f32 v25, v22  }
0x8a: {  	v28 =	vadd.s32 v10, v19;
	v27 =	vmul.f32 v29, v22;
	v25 =	vld.idx.msk [tilespmem:v45+s2+$0x0], $0xffff  }
0x8b: {  	v29 =	vld.idx.msk [tilespmem:v45+s16+$0x0], $0xffff;
	[tilespmem:s0+$0x12250] =	vst v23;
	v23 =	vmul.f32 v46, v22  }
0x8c: {  	v31 =	vld.idx.msk [tilespmem:v45+s17+$0x0], $0xffff;
	[tilespmem:s0+$0x13250] =	vst v27;
	v22 =	vmul.f32 v30, v22  }
0x8d: {  	v27 =	vld.idx.msk [tilespmem:v45+s18+$0x0], $0xffff;
	[tilespmem:s0+$0x14250] =	vst v23  }
0x8e: {  	[tilespmem:s0+$0x15250] =	vst v22;
	v22 =	vld [tilespmem:s0+$0x10260]  }
0x8f: {  	v23 =	vld.idx.msk [tilespmem:v28+s2+$0x0], $0xffff;
	v25 =	vmul.f32 v25, v24  }
0x90: {  	v47 =	vadd.s32 v12, v8;
	v30 =	vld.idx.msk [tilespmem:v28+s16+$0x0], $0xffff;
	v29 =	vmul.f32 v29, v24  }
0x91: {  	v48 =	vld.idx.msk [tilespmem:v28+s17+$0x0], $0xffff;
	[tilespmem:s8+$0x12240] =	vst v25;
	v25 =	vmul.f32 v31, v24  }
0x92: {  	v28 =	vld.idx.msk [tilespmem:v28+s18+$0x0], $0xffff;
	[tilespmem:s8+$0x13240] =	vst v29;
	v24 =	vmul.f32 v27, v24  }
0x93: {  	[tilespmem:s8+$0x14240] =	vst v25  }
0x94: {  	[tilespmem:s8+$0x15240] =	vst v24;
	v23 =	vmul.f32 v23, v22  }
0x95: {  	v27 =	vadd.s32 v9, v19;
	v25 =	vmul.f32 v30, v22;
	v24 =	vld.idx.msk [tilespmem:v47+s2+$0x0], $0xffff  }
0x96: {  	v29 =	vld.idx.msk [tilespmem:v47+s16+$0x0], $0xffff;
	[tilespmem:s0+$0x12260] =	vst v23;
	v23 =	vmul.f32 v48, v22  }
0x97: {  	[tilespmem:s0+$0x13260] =	vst v25;
	v22 =	vmul.f32 v28, v22;
	v25 =	vld.idx.msk [tilespmem:v47+s18+$0x0], $0xffff  }
0x98: {  	v30 =	vld.idx.msk [tilespmem:v47+s17+$0x0], $0xffff;
	[tilespmem:s0+$0x14260] =	vst v23  }
0x99: {  	[tilespmem:s0+$0x15260] =	vst v22;
	v22 =	vld [tilespmem:s0+$0x10270]  }
0x9a: {  	v23 =	vld.idx.msk [tilespmem:v27+s2+$0x0], $0xffff;
	v24 =	vmul.f32 v24, v26  }
0x9b: {  	v31 =	vadd.s32 v10, v8;
	v28 =	vld.idx.msk [tilespmem:v27+s16+$0x0], $0xffff;
	v29 =	vmul.f32 v29, v26  }
0x9c: {  	v49 =	vld.idx.msk [tilespmem:v27+s17+$0x0], $0xffff;
	v25 =	vmul.f32 v25, v26;
	[tilespmem:s8+$0x12250] =	vst v24  }
0x9d: {  	v27 =	vld.idx.msk [tilespmem:v27+s18+$0x0], $0xffff;
	v24 =	vmul.f32 v30, v26;
	[tilespmem:s8+$0x13250] =	vst v29  }
0x9e: {  	[tilespmem:s8+$0x15250] =	vst v25  }
0x9f: {  	[tilespmem:s8+$0x14250] =	vst v24;
	v23 =	vmul.f32 v23, v22  }
0xa0: {  	v26 =	vadd.s32 v7, v19;
	v25 =	vmul.f32 v28, v22;
	v24 =	vld.idx.msk [tilespmem:v31+s2+$0x0], $0xffff  }
0xa1: {  	v28 =	vld.idx.msk [tilespmem:v31+s16+$0x0], $0xffff;
	[tilespmem:s0+$0x12270] =	vst v23;
	v23 =	vmul.f32 v49, v22  }
0xa2: {  	v29 =	vld.idx.msk [tilespmem:v31+s17+$0x0], $0xffff;
	[tilespmem:s0+$0x13270] =	vst v25;
	v22 =	vmul.f32 v27, v22  }
0xa3: {  	v25 =	vld.idx.msk [tilespmem:v31+s18+$0x0], $0xffff;
	[tilespmem:s0+$0x14270] =	vst v23  }
0xa4: {  	[tilespmem:s0+$0x15270] =	vst v22;
	v22 =	vld [tilespmem:s0+$0x10600]  }
0xa5: {  	v23 =	vld.idx.msk [tilespmem:v26+s2+$0x0], $0xffff  }
0xa6: {  	v27 =	vld.idx.msk [tilespmem:v26+s16+$0x0], $0xffff;
	v24 =	vmul.f32 v24, v21  }
0xa7: {  	v30 =	vadd.s32 v9, v8;
	v31 =	vld.idx.msk [tilespmem:v26+s17+$0x0], $0xffff;
	v28 =	vmul.f32 v28, v21  }
0xa8: {  	v26 =	vld.idx.msk [tilespmem:v26+s18+$0x0], $0xffff;
	[tilespmem:s8+$0x12260] =	vst v24;
	v24 =	vmul.f32 v29, v21  }
0xa9: {  	s1 =	sand.u32 $0xFFFFF800, s28;
	[tilespmem:s8+$0x13260] =	vst v28;
	v21 =	vmul.f32 v25, v21  }
0xaa: {  	s9 =	sadd.s32 $0x0, s1;
	[tilespmem:s8+$0x14260] =	vst v24;
	v23 =	vmul.f32 v23, v22  }
0xab: {  	s1 =	sadd.s32 $0x80, s9;
	[tilespmem:s8+$0x15260] =	vst v21;
	v21 =	vmul.f32 v27, v22  }
0xac: {  	s26 =	sor.u32 $0x1400, s1;
	v25 =	vadd.s32 v6, v19;
	v24 =	vld.idx.msk [tilespmem:v30+s2+$0x0], $0xffff;
	[tilespmem:s0+$0x12600] =	vst v23;
	v23 =	vmul.f32 v31, v22  }
0xad: {  	s29 =	sor.u32 $0x2400, s1;
	v27 =	vld.idx.msk [tilespmem:v30+s16+$0x0], $0xffff;
	[tilespmem:s26+$0x12200] =	vst v21;
	v21 =	vmul.f32 v26, v22  }
0xae: {  	s1 =	sor.u32 $0x3400, s1;
	v22 =	vld.idx.msk [tilespmem:v30+s17+$0x0], $0xffff;
	[tilespmem:s29+$0x12200] =	vst v23  }
0xaf: {  	v23 =	vld.idx.msk [tilespmem:v30+s18+$0x0], $0xffff;
	[tilespmem:s1+$0x12200] =	vst v21  }
0xb0: {  	v21 =	vld [tilespmem:s0+$0x10610]  }
0xb1: {  	v26 =	vld.idx.msk [tilespmem:v25+s2+$0x0], $0xffff  }
0xb2: {  	v24 =	vmul.f32 v24, v20;
	v28 =	vld.idx.msk [tilespmem:v25+s16+$0x0], $0xffff  }
0xb3: {  	v29 =	vadd.s32 v7, v8;
	v27 =	vmul.f32 v27, v20;
	v30 =	vld.idx.msk [tilespmem:v25+s17+$0x0], $0xffff  }
0xb4: {  	[tilespmem:s8+$0x12270] =	vst v24;
	v22 =	vmul.f32 v22, v20;
	v24 =	vld.idx.msk [tilespmem:v25+s18+$0x0], $0xffff  }
0xb5: {  	[tilespmem:s8+$0x13270] =	vst v27;
	v20 =	vmul.f32 v23, v20  }
0xb6: {  	[tilespmem:s8+$0x14270] =	vst v22;
	v22 =	vmul.f32 v26, v21  }
0xb7: {  	[tilespmem:s8+$0x15270] =	vst v20;
	v20 =	vmul.f32 v28, v21  }
0xb8: {  	v25 =	vadd.s32 v5, v19;
	v23 =	vld.idx.msk [tilespmem:v29+s2+$0x0], $0xffff;
	[tilespmem:s0+$0x12610] =	vst v22;
	v22 =	vmul.f32 v30, v21  }
0xb9: {  	v26 =	vld.idx.msk [tilespmem:v29+s16+$0x0], $0xffff;
	[tilespmem:s26+$0x12210] =	vst v20;
	v20 =	vmul.f32 v24, v21  }
0xba: {  	v21 =	vld.idx.msk [tilespmem:v29+s17+$0x0], $0xffff;
	[tilespmem:s29+$0x12210] =	vst v22  }
0xbb: {  	v22 =	vld.idx.msk [tilespmem:v29+s18+$0x0], $0xffff;
	[tilespmem:s1+$0x12210] =	vst v20  }
0xbc: {  	v20 =	vld [tilespmem:s0+$0x10620]  }
0xbd: {  	v23 =	vmul.f32 v23, v11;
	v24 =	vld.idx.msk [tilespmem:v25+s2+$0x0], $0xffff  }
0xbe: {  	v27 =	vadd.s32 v6, v8;
	v26 =	vmul.f32 v26, v11;
	v28 =	vld.idx.msk [tilespmem:v25+s16+$0x0], $0xffff  }
0xbf: {  	s10 =	sor.u32 $0x1400, s9;
	[tilespmem:s8+$0x12600] =	vst v23;
	v21 =	vmul.f32 v21, v11;
	v23 =	vld.idx.msk [tilespmem:v25+s17+$0x0], $0xffff  }
0xc0: {  	s11 =	sor.u32 $0x2400, s9;
	[tilespmem:s10+$0x12200] =	vst v26;
	v11 =	vmul.f32 v22, v11;
	v22 =	vld.idx.msk [tilespmem:v25+s18+$0x0], $0xffff  }
0xc1: {  	s9 =	sor.u32 $0x3400, s9;
	[tilespmem:s11+$0x12200] =	vst v21  }
0xc2: {  	[tilespmem:s9+$0x12200] =	vst v11;
	v11 =	vmul.f32 v24, v20  }
0xc3: {  	s12 =	simm.s32 $0x2;
	v24 =	vmul.f32 v28, v20;
	v21 =	vld.idx.msk [tilespmem:v27+s2+$0x0], $0xffff  }
0xc4: {  	v25 =	vmov s12;
	v26 =	vld.idx.msk [tilespmem:v27+s16+$0x0], $0xffff;
	[tilespmem:s0+$0x12620] =	vst v11;
	v11 =	vmul.f32 v23, v20;
	v23 =	vadd.s32 v4, v19  }
0xc5: {  	v25 =	vperm.xlane v18, v25;
	v28 =	vld [tilespmem:s8+$0x10610];
	[tilespmem:s26+$0x12220] =	vst v24;
	v20 =	vmul.f32 v22, v20  }
0xc6: {  	v22 =	vld.idx.msk [tilespmem:v27+s17+$0x0], $0xffff;
	[tilespmem:s29+$0x12220] =	vst v11  }
0xc7: {  	v24 =	vld.idx.msk [tilespmem:v27+s18+$0x0], $0xffff;
	v11 =	vshll.u32 v25, $0x7;
	[tilespmem:s1+$0x12220] =	vst v20  }
0xc8: {  	v20 =	vadd.s32 v15, v11;
	v25 =	vld [tilespmem:s0+$0x10630]  }
0xc9: {  	v27 =	vld.idx.msk [tilespmem:v23+s2+$0x0], $0xffff  }
0xca: {  	v21 =	vmul.f32 v21, v28;
	v29 =	vld.idx.msk [tilespmem:v23+s16+$0x0], $0xffff  }
0xcb: {  	v30 =	vld.idx.msk [tilespmem:v23+s17+$0x0], $0xffff  }
0xcc: {  	v31 =	vadd.s32 v5, v8;
	v26 =	vmul.f32 v26, v28;
	[tilespmem:s8+$0x12610] =	vst v21;
	v21 =	vld.idx.msk [tilespmem:v23+s18+$0x0], $0xffff  }
0xcd: {  	v22 =	vmul.f32 v22, v28;
	v50 =	vld.idx.msk [tilespmem:v20+s2+$0x0], $0xffff  }
0xce: {  	v23 =	vmul.f32 v24, v28;
	[tilespmem:s10+$0x12210] =	vst v26;
	v24 =	vld.idx.msk [tilespmem:v20+s16+$0x0], $0xffff  }
0xcf: {  	[tilespmem:s11+$0x12210] =	vst v22;
	v51 =	vld.idx.msk [tilespmem:v20+s17+$0x0], $0xffff;
	v22 =	vmul.f32 v27, v25  }
0xd0: {  	v52 =	vld.idx.msk [tilespmem:v20+s18+$0x0], $0xffff;
	[tilespmem:s9+$0x12210] =	vst v23;
	v23 =	vmul.f32 v29, v25  }
0xd1: {  	v28 =	vadd.s32 v3, v19;
	v20 =	vld.idx.msk [tilespmem:v31+s2+$0x0], $0xffff;
	[tilespmem:s0+$0x12630] =	vst v22;
	v22 =	vmul.f32 v30, v25  }
0xd2: {  	v26 =	vld.idx.msk [tilespmem:v31+s16+$0x0], $0xffff;
	v21 =	vmul.f32 v21, v25;
	[tilespmem:s26+$0x12230] =	vst v23  }
0xd3: {  	v27 =	vld.idx.msk [tilespmem:v31+s17+$0x0], $0xffff;
	[tilespmem:s29+$0x12230] =	vst v22  }
0xd4: {  	s13 =	simm.s32 $0x3;
	v29 =	vld [tilespmem:s8+$0x10620];
	[tilespmem:s1+$0x12230] =	vst v21  }
0xd5: {  	v21 =	vmov s13;
	v22 =	vld [tilespmem:s0+$0x10640]  }
0xd6: {  	v21 =	vperm.xlane v18, v21;
	v25 =	vld.idx.msk [tilespmem:v28+s2+$0x0], $0xffff  }
0xd7: {  	v30 =	vld.idx.msk [tilespmem:v28+s16+$0x0], $0xffff  }
0xd8: {  	s14 =	simm.s32 $0x180;
	s13 =	simm.s32 $0x200;
	v36 =	vld.idx.msk [tilespmem:v28+s18+$0x0], $0xffff;
	v23 =	vshll.u32 v21, $0x7  }
0xd9: {  	s4 =	sand.u32 $0x380, s14;
	s15 =	sand.u32 $0x800, s13;
	v21 =	vld.idx.msk [tilespmem:v28+s17+$0x0], $0xffff;
	v35 =	vadd.s32 v15, v23  }
0xda: {  	s20 =	simm.s32 $0x100;
	s25 =	sor.u32 s15, s4;
	v28 =	vld.idx.msk [tilespmem:v31+s18+$0x0], $0xffff  }
0xdb: {  	s4 =	sand.u32 $0x300, s20;
	v31 =	vld [tilespmem:s25+$0x10200]  }
0xdc: {  	s12 =	sor.u32 s4, s15;
	v56 =	vld [tilespmem:s25+$0x10210];
	v25 =	vmul.f32 v25, v22  }
0xdd: {  	v55 =	vld [tilespmem:s12+$0x10200];
	v30 =	vmul.f32 v30, v22  }
0xde: {  	[tilespmem:s0+$0x12640] =	vst v25;
	v21 =	vmul.f32 v21, v22;
	v25 =	vadd.s32 v2, v19;
	v37 =	vld.idx.msk [tilespmem:v35+s2+$0x0], $0xffff  }
0xdf: {  	v22 =	vmul.f32 v36, v22;
	v38 =	vld.idx.msk [tilespmem:v35+s16+$0x0], $0xffff;
	[tilespmem:s26+$0x12240] =	vst v30  }
0xe0: {  	v30 =	vld.idx.msk [tilespmem:v35+s17+$0x0], $0xffff;
	[tilespmem:s29+$0x12240] =	vst v21  }
0xe1: {  	v21 =	vld.idx.msk [tilespmem:v35+s18+$0x0], $0xffff;
	[tilespmem:s1+$0x12240] =	vst v22  }
0xe2: {  	v22 =	vld [tilespmem:s0+$0x10650]  }
0xe3: {  	v24 =	vmul.f32 v24, v55;
	v53 =	vld.idx.msk [tilespmem:v25+s2+$0x0], $0xffff  }
0xe4: {  	v54 =	vld.idx.msk [tilespmem:v25+s16+$0x0], $0xffff;
	v37 =	vmul.f32 v37, v31  }
0xe5: {  	v40 =	vadd.s32 v16, v23;
	[tilespmem:s12+$0x13200] =	vst v24;
	v39 =	vld.idx.msk [tilespmem:v25+s17+$0x0], $0xffff;
	v38 =	vmul.f32 v38, v31  }
0xe6: {  	v25 =	vld.idx.msk [tilespmem:v25+s18+$0x0], $0xffff;
	v30 =	vmul.f32 v30, v31;
	[tilespmem:s25+$0x12200] =	vst v37  }
0xe7: {  	v48 =	vld [tilespmem:s25+$0x10230];
	v21 =	vmul.f32 v21, v31;
	[tilespmem:s25+$0x13200] =	vst v38  }
0xe8: {  	v42 =	vld [tilespmem:s12+$0x10240];
	[tilespmem:s25+$0x14200] =	vst v30;
	v30 =	vmul.f32 v53, v22  }
0xe9: {  	v35 =	vld [tilespmem:s12+$0x10220];
	[tilespmem:s25+$0x15200] =	vst v21;
	v21 =	vmul.f32 v54, v22  }
0xea: {  	v38 =	vld.idx.msk [tilespmem:v40+s2+$0x0], $0xffff;
	[tilespmem:s0+$0x12650] =	vst v30;
	v30 =	vmul.f32 v39, v22  }
0xeb: {  	[tilespmem:s26+$0x12250] =	vst v21;
	v21 =	vmul.f32 v25, v22;
	v25 =	vld.idx.msk [tilespmem:v40+s16+$0x0], $0xffff  }
0xec: {  	v57 =	vadd.s32 v1, v19;
	v22 =	vmul.f32 v50, v55;
	[tilespmem:s29+$0x12250] =	vst v30;
	v30 =	vld.idx.msk [tilespmem:v40+s17+$0x0], $0xffff  }
0xed: {  	v58 =	vld.idx.msk [tilespmem:v40+s18+$0x0], $0xffff;
	[tilespmem:s1+$0x12250] =	vst v21;
	v21 =	vmul.f32 v51, v55  }
0xee: {  	v31 =	vld [tilespmem:s12+$0x10210];
	[tilespmem:s12+$0x12200] =	vst v22;
	v22 =	vmul.f32 v52, v55  }
0xef: {  	v54 =	vmul.f32 v20, v29;
	v20 =	vld [tilespmem:s12+$0x10600];
	[tilespmem:s12+$0x14200] =	vst v21;
	v21 =	vmul.f32 v38, v56  }
0xf0: {  	v60 =	vld [tilespmem:s0+$0x10660];
	[tilespmem:s12+$0x15200] =	vst v22;
	v22 =	vmul.f32 v25, v56;
	v25 =	vadd.s32 v17, v23  }
0xf1: {  	v24 =	vld.idx.msk [tilespmem:v57+s2+$0x0], $0xffff;
	[tilespmem:s25+$0x12210] =	vst v21;
	v21 =	vmul.f32 v30, v56  }
0xf2: {  	v61 =	vld.idx.msk [tilespmem:v57+s16+$0x0], $0xffff;
	[tilespmem:s25+$0x13210] =	vst v22;
	v22 =	vmul.f32 v58, v56  }
0xf3: {  	v62 =	vld.idx.msk [tilespmem:v57+s17+$0x0], $0xffff;
	[tilespmem:s25+$0x14210] =	vst v21  }
0xf4: {  	v59 =	vadd.s32 v16, v11;
	v21 =	vld [tilespmem:s25+$0x10220];
	[tilespmem:s25+$0x15210] =	vst v22  }
0xf5: {  	v22 =	vld.idx.msk [tilespmem:v25+s2+$0x0], $0xffff  }
0xf6: {  	v44 =	vld.idx.msk [tilespmem:v25+s16+$0x0], $0xffff  }
0xf7: {  	v45 =	vld.idx.msk [tilespmem:v25+s17+$0x0], $0xffff  }
0xf8: {  	v26 =	vmul.f32 v26, v29;
	v25 =	vld.idx.msk [tilespmem:v25+s18+$0x0], $0xffff  }
0xf9: {  	[tilespmem:s8+$0x12620] =	vst v54;
	v41 =	vld.idx.msk [tilespmem:v59+s17+$0x0], $0xffff;
	v24 =	vmul.f32 v24, v60  }
0xfa: {  	[tilespmem:s10+$0x12220] =	vst v26;
	v46 =	vld.idx.msk [tilespmem:v59+s16+$0x0], $0xffff;
	v22 =	vmul.f32 v22, v21  }
0xfb: {  	v47 =	vadd.s32 v14, v23;
	v30 =	vld.idx.msk [tilespmem:v57+s18+$0x0], $0xffff;
	[tilespmem:s0+$0x12660] =	vst v24;
	v24 =	vmul.f32 v44, v21  }
0xfc: {  	v63 =	vld.idx.msk [tilespmem:v59+s2+$0x0], $0xffff;
	[tilespmem:s25+$0x12220] =	vst v22;
	v22 =	vmul.f32 v45, v21  }
0xfd: {  	v39 =	vld [tilespmem:s12+$0x10230];
	[tilespmem:s25+$0x13220] =	vst v24;
	v21 =	vmul.f32 v25, v21  }
0xfe: {  	v33 =	vld.idx.msk [tilespmem:v59+s18+$0x0], $0xffff;
	v51 =	vmul.f32 v41, v31;
	[tilespmem:s25+$0x14220] =	vst v22  }
0xff: {  	v24 =	vmul.f32 v61, v60;
	v25 =	vld [tilespmem:s12+$0x10250];
	[tilespmem:s25+$0x15220] =	vst v21  }
0x100: {  	[tilespmem:s12+$0x14210] =	vst v51;
	v21 =	vmul.f32 v46, v31;
	v49 =	vld.idx.msk [tilespmem:v47+s2+$0x0], $0xffff  }
0x101: {  	v22 =	vmul.f32 v63, v31;
	[tilespmem:s26+$0x12260] =	vst v24;
	v24 =	vmul.f32 v62, v60;
	v50 =	vld.idx.msk [tilespmem:v47+s16+$0x0], $0xffff  }
0x102: {  	v52 =	vld.idx.msk [tilespmem:v47+s17+$0x0], $0xffff;
	[tilespmem:s12+$0x13210] =	vst v21;
	v21 =	vmul.f32 v30, v60;
	v30 =	vadd.s32 v17, v11  }
0x103: {  	v53 =	vld.idx.msk [tilespmem:v47+s18+$0x0], $0xffff;
	[tilespmem:s12+$0x12210] =	vst v22  }
0x104: {  	v31 =	vmul.f32 v33, v31;
	[tilespmem:s29+$0x12260] =	vst v24;
	v22 =	vld [tilespmem:s12+$0x10260]  }
0x105: {  	v27 =	vmul.f32 v27, v29;
	[tilespmem:s1+$0x12260] =	vst v21;
	v21 =	vld [tilespmem:s12+$0x10270]  }
0x106: {  	v28 =	vmul.f32 v28, v29;
	v59 =	vadd.s32 v4, v8;
	[tilespmem:s12+$0x15210] =	vst v31;
	v24 =	vld [tilespmem:s0+$0x10670]  }
0x107: {  	[tilespmem:s11+$0x12220] =	vst v27;
	v31 =	vmul.f32 v49, v48;
	v55 =	vld.idx.msk [tilespmem:v30+s2+$0x0], $0xffff  }
0x108: {  	[tilespmem:s9+$0x12220] =	vst v28;
	v57 =	vadd.s32 v13, v23;
	v56 =	vmul.f32 v50, v48;
	v58 =	vld.idx.msk [tilespmem:v30+s16+$0x0], $0xffff  }
0x109: {  	v32 =	vmul.f32 v53, v48;
	v40 =	vld.idx.msk [tilespmem:v30+s17+$0x0], $0xffff;
	[tilespmem:s25+$0x12230] =	vst v31  }
0x10a: {  	v30 =	vld.idx.msk [tilespmem:v30+s18+$0x0], $0xffff;
	v31 =	vmul.f32 v52, v48;
	[tilespmem:s25+$0x13230] =	vst v56  }
0x10b: {  	[tilespmem:s25+$0x15230] =	vst v32;
	v32 =	vld.idx.msk [tilespmem:v59+s18+$0x0], $0xffff  }
0x10c: {  	[tilespmem:s25+$0x14230] =	vst v31;
	v31 =	vld [tilespmem:s25+$0x10240]  }
0x10d: {  	v26 =	vld.idx.msk [tilespmem:v57+s2+$0x0], $0xffff;
	v27 =	vmul.f32 v55, v35  }
0x10e: {  	v60 =	vadd.s32 v14, v11;
	v29 =	vld.idx.msk [tilespmem:v57+s16+$0x0], $0xffff;
	v28 =	vmul.f32 v58, v35  }
0x10f: {  	v61 =	vld.idx.msk [tilespmem:v57+s17+$0x0], $0xffff;
	[tilespmem:s12+$0x12220] =	vst v27;
	v27 =	vmul.f32 v40, v35  }
0x110: {  	v36 =	vld.idx.msk [tilespmem:v57+s18+$0x0], $0xffff;
	[tilespmem:s12+$0x13220] =	vst v28;
	v28 =	vmul.f32 v30, v35  }
0x111: {  	v52 =	vld [tilespmem:s8+$0x10630];
	[tilespmem:s12+$0x14220] =	vst v27  }
0x112: {  	v30 =	vld.idx.msk [tilespmem:v59+s2+$0x0], $0xffff;
	[tilespmem:s12+$0x15220] =	vst v28;
	v26 =	vmul.f32 v26, v31  }
0x113: {  	v63 =	vadd.s32 v12, v23;
	v29 =	vmul.f32 v29, v31;
	v62 =	vld.idx.msk [tilespmem:v60+s2+$0x0], $0xffff  }
0x114: {  	v43 =	vld.idx.msk [tilespmem:v60+s16+$0x0], $0xffff;
	[tilespmem:s25+$0x12240] =	vst v26;
	v26 =	vmul.f32 v61, v31  }
0x115: {  	v44 =	vld.idx.msk [tilespmem:v60+s17+$0x0], $0xffff;
	[tilespmem:s25+$0x13240] =	vst v29;
	v29 =	vmul.f32 v36, v31  }
0x116: {  	v31 =	vld.idx.msk [tilespmem:v60+s18+$0x0], $0xffff;
	[tilespmem:s25+$0x14240] =	vst v26  }
0x117: {  	[tilespmem:s25+$0x15240] =	vst v29;
	v26 =	vld [tilespmem:s25+$0x10250]  }
0x118: {  	v29 =	vld.idx.msk [tilespmem:v63+s2+$0x0], $0xffff;
	v45 =	vmul.f32 v62, v39  }
0x119: {  	v48 =	vadd.s32 v13, v11;
	v46 =	vld.idx.msk [tilespmem:v63+s16+$0x0], $0xffff;
	v47 =	vmul.f32 v43, v39  }
0x11a: {  	v49 =	vld.idx.msk [tilespmem:v63+s17+$0x0], $0xffff;
	v50 =	vmul.f32 v44, v39;
	[tilespmem:s12+$0x12230] =	vst v45  }
0x11b: {  	v51 =	vld.idx.msk [tilespmem:v63+s18+$0x0], $0xffff;
	v31 =	vmul.f32 v31, v39;
	[tilespmem:s12+$0x13230] =	vst v47  }
0x11c: {  	v27 =	vld.idx.msk [tilespmem:v59+s16+$0x0], $0xffff;
	[tilespmem:s12+$0x14230] =	vst v50  }
0x11d: {  	v28 =	vld.idx.msk [tilespmem:v59+s17+$0x0], $0xffff;
	[tilespmem:s12+$0x15230] =	vst v31;
	v29 =	vmul.f32 v29, v26  }
0x11e: {  	v53 =	vadd.s32 v10, v23;
	v31 =	vld.idx.msk [tilespmem:v48+s2+$0x0], $0xffff;
	v35 =	vmul.f32 v46, v26  }
0x11f: {  	v54 =	vld.idx.msk [tilespmem:v48+s16+$0x0], $0xffff;
	[tilespmem:s25+$0x12250] =	vst v29;
	v29 =	vmul.f32 v49, v26  }
0x120: {  	v55 =	vld.idx.msk [tilespmem:v48+s17+$0x0], $0xffff;
	[tilespmem:s25+$0x13250] =	vst v35;
	v26 =	vmul.f32 v51, v26  }
0x121: {  	v56 =	vld.idx.msk [tilespmem:v48+s18+$0x0], $0xffff;
	[tilespmem:s25+$0x14250] =	vst v29  }
0x122: {  	v29 =	vadd.s32 v0, v19;
	v19 =	vmul.f32 v30, v52;
	[tilespmem:s25+$0x15250] =	vst v26;
	v30 =	vld [tilespmem:s25+$0x10260]  }
0x123: {  	v35 =	vld.idx.msk [tilespmem:v53+s2+$0x0], $0xffff;
	v26 =	vmul.f32 v31, v42  }
0x124: {  	v57 =	vadd.s32 v12, v11;
	v31 =	vmul.f32 v54, v42;
	[tilespmem:s8+$0x12630] =	vst v19;
	v19 =	vld.idx.msk [tilespmem:v53+s16+$0x0], $0xffff  }
0x125: {  	v58 =	vld.idx.msk [tilespmem:v53+s17+$0x0], $0xffff;
	v39 =	vmul.f32 v55, v42;
	[tilespmem:s12+$0x12240] =	vst v26  }
0x126: {  	v36 =	vld.idx.msk [tilespmem:v53+s18+$0x0], $0xffff;
	[tilespmem:s12+$0x13240] =	vst v31;
	v31 =	vmul.f32 v56, v42  }
0x127: {  	v59 =	vmul.f32 v27, v52;
	[tilespmem:s12+$0x14240] =	vst v39;
	v26 =	vld.idx.msk [tilespmem:v29+s2+$0x0], $0xffff  }
0x128: {  	v27 =	vld.idx.msk [tilespmem:v29+s16+$0x0], $0xffff;
	[tilespmem:s12+$0x15240] =	vst v31;
	v31 =	vmul.f32 v35, v30  }
0x129: {  	v61 =	vadd.s32 v9, v23;
	[tilespmem:s10+$0x12230] =	vst v59;
	v60 =	vld.idx.msk [tilespmem:v57+s2+$0x0], $0xffff;
	v19 =	vmul.f32 v19, v30  }
0x12a: {  	v39 =	vld.idx.msk [tilespmem:v57+s16+$0x0], $0xffff;
	[tilespmem:s25+$0x12260] =	vst v31;
	v31 =	vmul.f32 v58, v30  }
0x12b: {  	v62 =	vld.idx.msk [tilespmem:v57+s17+$0x0], $0xffff;
	[tilespmem:s25+$0x13260] =	vst v19;
	v19 =	vmul.f32 v36, v30  }
0x12c: {  	v28 =	vmul.f32 v28, v52;
	v30 =	vld.idx.msk [tilespmem:v57+s18+$0x0], $0xffff;
	[tilespmem:s25+$0x14260] =	vst v31  }
0x12d: {  	v63 =	vadd.s32 v3, v8;
	v31 =	vmul.f32 v32, v52;
	[tilespmem:s25+$0x15260] =	vst v19;
	v19 =	vld [tilespmem:s25+$0x10270]  }
0x12e: {  	[tilespmem:s11+$0x12230] =	vst v28;
	v42 =	vmul.f32 v60, v25;
	v28 =	vld.idx.msk [tilespmem:v61+s2+$0x0], $0xffff  }
0x12f: {  	v44 =	vadd.s32 v10, v11;
	v43 =	vmul.f32 v39, v25;
	[tilespmem:s9+$0x12230] =	vst v31;
	v31 =	vld.idx.msk [tilespmem:v61+s16+$0x0], $0xffff  }
0x130: {  	v46 =	vmul.f32 v62, v25;
	v45 =	vld.idx.msk [tilespmem:v61+s17+$0x0], $0xffff;
	[tilespmem:s12+$0x12250] =	vst v42  }
0x131: {  	v35 =	vld.idx.msk [tilespmem:v61+s18+$0x0], $0xffff;
	[tilespmem:s12+$0x13250] =	vst v43;
	v25 =	vmul.f32 v30, v25  }
0x132: {  	[tilespmem:s12+$0x14250] =	vst v46;
	v47 =	vld.idx.msk [tilespmem:v63+s16+$0x0], $0xffff  }
0x133: {  	v55 =	vld.idx.msk [tilespmem:v63+s17+$0x0], $0xffff;
	[tilespmem:s12+$0x15250] =	vst v25;
	v25 =	vmul.f32 v28, v19  }
0x134: {  	v48 =	vadd.s32 v7, v23;
	v28 =	vld.idx.msk [tilespmem:v44+s2+$0x0], $0xffff;
	v31 =	vmul.f32 v31, v19  }
0x135: {  	v49 =	vld.idx.msk [tilespmem:v44+s16+$0x0], $0xffff;
	[tilespmem:s25+$0x12270] =	vst v25;
	v25 =	vmul.f32 v45, v19  }
0x136: {  	v50 =	vld.idx.msk [tilespmem:v44+s17+$0x0], $0xffff;
	[tilespmem:s25+$0x13270] =	vst v31;
	v19 =	vmul.f32 v35, v19  }
0x137: {  	v31 =	vld.idx.msk [tilespmem:v44+s18+$0x0], $0xffff;
	[tilespmem:s25+$0x14270] =	vst v25  }
0x138: {  	[tilespmem:s25+$0x15270] =	vst v19;
	v19 =	vld [tilespmem:s25+$0x10600]  }
0x139: {  	v25 =	vld.idx.msk [tilespmem:v48+s2+$0x0], $0xffff  }
0x13a: {  	v28 =	vmul.f32 v28, v22;
	v51 =	vld.idx.msk [tilespmem:v48+s16+$0x0], $0xffff  }
0x13b: {  	v53 =	vadd.s32 v9, v11;
	v52 =	vmul.f32 v49, v22;
	v54 =	vld.idx.msk [tilespmem:v48+s17+$0x0], $0xffff  }
0x13c: {  	v34 =	vld.idx.msk [tilespmem:v48+s18+$0x0], $0xffff;
	[tilespmem:s12+$0x12260] =	vst v28;
	v28 =	vmul.f32 v50, v22  }
0x13d: {  	s22 =	sand.u32 $0xFFFFF800, s13;
	v56 =	vld [tilespmem:s8+$0x10640];
	[tilespmem:s12+$0x13260] =	vst v52;
	v22 =	vmul.f32 v31, v22  }
0x13e: {  	s4 =	sadd.s32 $0x100, s22;
	v30 =	vld.idx.msk [tilespmem:v63+s2+$0x0], $0xffff;
	[tilespmem:s12+$0x14260] =	vst v28;
	v25 =	vmul.f32 v25, v19  }
0x13f: {  	s23 =	sadd.s32 $0x80, s4;
	v31 =	vld.idx.msk [tilespmem:v63+s18+$0x0], $0xffff;
	[tilespmem:s12+$0x15260] =	vst v22;
	v22 =	vmul.f32 v51, v19  }
0x140: {  	s20 =	sor.u32 $0x1400, s23;
	v57 =	vadd.s32 v6, v23;
	v28 =	vld.idx.msk [tilespmem:v53+s2+$0x0], $0xffff;
	[tilespmem:s25+$0x12600] =	vst v25;
	v25 =	vmul.f32 v54, v19  }
0x141: {  	s28 =	simm.s32 $0x4;
	s24 =	sor.u32 $0x2400, s23;
	v36 =	vld.idx.msk [tilespmem:v53+s16+$0x0], $0xffff;
	v19 =	vmul.f32 v34, v19;
	[tilespmem:s20+$0x12200] =	vst v22  }
0x142: {  	v58 =	vld.idx.msk [tilespmem:v53+s17+$0x0], $0xffff;
	v22 =	vmov s28;
	s28 =	sor.u32 $0x3400, s23;
	[tilespmem:s24+$0x12200] =	vst v25  }
0x143: {  	v22 =	vperm.xlane v18, v22;
	v25 =	vld.idx.msk [tilespmem:v53+s18+$0x0], $0xffff;
	[tilespmem:s28+$0x12200] =	vst v19  }
0x144: {  	v59 =	vld [tilespmem:s25+$0x10610]  }
0x145: {  	v19 =	vshll.u32 v22, $0x7;
	v22 =	vmul.f32 v30, v56;
	v30 =	vld.idx.msk [tilespmem:v57+s2+$0x0], $0xffff  }
0x146: {  	v60 =	vld.idx.msk [tilespmem:v57+s16+$0x0], $0xffff;
	v39 =	vadd.s32 v15, v19  }
0x147: {  	v28 =	vmul.f32 v28, v21;
	v62 =	vld.idx.msk [tilespmem:v57+s17+$0x0], $0xffff  }
0x148: {  	v61 =	vadd.s32 v7, v11;
	v35 =	vld.idx.msk [tilespmem:v57+s18+$0x0], $0xffff;
	[tilespmem:s8+$0x12640] =	vst v22;
	v22 =	vmul.f32 v36, v21  }
0x149: {  	v34 =	vmul.f32 v58, v21;
	[tilespmem:s12+$0x12270] =	vst v28;
	v28 =	vld.idx.msk [tilespmem:v29+s17+$0x0], $0xffff  }
0x14a: {  	v29 =	vld.idx.msk [tilespmem:v29+s18+$0x0], $0xffff;
	[tilespmem:s12+$0x13270] =	vst v22;
	v22 =	vmul.f32 v25, v21  }
0x14b: {  	[tilespmem:s12+$0x14270] =	vst v34;
	v25 =	vmul.f32 v30, v59;
	v21 =	vld.idx.msk [tilespmem:v39+s2+$0x0], $0xffff  }
0x14c: {  	[tilespmem:s12+$0x15270] =	vst v22;
	v22 =	vmul.f32 v60, v59;
	v34 =	vld.idx.msk [tilespmem:v39+s16+$0x0], $0xffff  }
0x14d: {  	v63 =	vadd.s32 v5, v23;
	v30 =	vld.idx.msk [tilespmem:v61+s2+$0x0], $0xffff;
	[tilespmem:s25+$0x12610] =	vst v25;
	v25 =	vmul.f32 v62, v59  }
0x14e: {  	v44 =	vld.idx.msk [tilespmem:v61+s16+$0x0], $0xffff;
	[tilespmem:s20+$0x12210] =	vst v22;
	v22 =	vmul.f32 v35, v59  }
0x14f: {  	v33 =	vmul.f32 v47, v56;
	v45 =	vld.idx.msk [tilespmem:v61+s17+$0x0], $0xffff;
	[tilespmem:s24+$0x12210] =	vst v25  }
0x150: {  	v36 =	vld.idx.msk [tilespmem:v61+s18+$0x0], $0xffff;
	v25 =	vmul.f32 v55, v56;
	[tilespmem:s28+$0x12210] =	vst v22  }
0x151: {  	[tilespmem:s10+$0x12240] =	vst v33;
	v22 =	vmul.f32 v31, v56;
	v31 =	vld [tilespmem:s25+$0x10620]  }
0x152: {  	[tilespmem:s11+$0x12240] =	vst v25;
	v46 =	vld.idx.msk [tilespmem:v63+s2+$0x0], $0xffff;
	v30 =	vmul.f32 v30, v20  }
0x153: {  	v47 =	vadd.s32 v6, v11;
	v48 =	vld.idx.msk [tilespmem:v63+s16+$0x0], $0xffff;
	[tilespmem:s9+$0x12240] =	vst v22;
	v22 =	vmul.f32 v44, v20  }
0x154: {  	s31 =	sor.u32 $0x1400, s4;
	v49 =	vld.idx.msk [tilespmem:v63+s17+$0x0], $0xffff;
	[tilespmem:s12+$0x12600] =	vst v30;
	v30 =	vmul.f32 v45, v20  }
0x155: {  	s13 =	sor.u32 $0x2400, s4;
	v20 =	vmul.f32 v36, v20;
	[tilespmem:s31+$0x12200] =	vst v22;
	v22 =	vld.idx.msk [tilespmem:v63+s18+$0x0], $0xffff  }
0x156: {  	s30 =	sor.u32 $0x3400, s4;
	v40 =	vld.idx.msk [tilespmem:v39+s17+$0x0], $0xffff;
	[tilespmem:s13+$0x12200] =	vst v30  }
0x157: {  	v58 =	vld [tilespmem:s8+$0x10650];
	[tilespmem:s30+$0x12200] =	vst v20;
	v20 =	vmul.f32 v46, v31  }
0x158: {  	v50 =	vmul.f32 v48, v31;
	v30 =	vld.idx.msk [tilespmem:v47+s2+$0x0], $0xffff  }
0x159: {  	v52 =	vadd.s32 v4, v23;
	v51 =	vld.idx.msk [tilespmem:v47+s16+$0x0], $0xffff;
	[tilespmem:s25+$0x12620] =	vst v20;
	v20 =	vmul.f32 v49, v31  }
0x15a: {  	v53 =	vld [tilespmem:s12+$0x10610];
	[tilespmem:s20+$0x12220] =	vst v50;
	v22 =	vmul.f32 v22, v31  }
0x15b: {  	v31 =	vld.idx.msk [tilespmem:v47+s17+$0x0], $0xffff;
	[tilespmem:s24+$0x12220] =	vst v20  }
0x15c: {  	v20 =	vld.idx.msk [tilespmem:v47+s18+$0x0], $0xffff;
	[tilespmem:s28+$0x12220] =	vst v22  }
0x15d: {  	v25 =	vadd.s32 v2, v8;
	v22 =	vld [tilespmem:s25+$0x10630]  }
0x15e: {  	v32 =	vld.idx.msk [tilespmem:v52+s2+$0x0], $0xffff  }
0x15f: {  	v30 =	vmul.f32 v30, v53;
	v54 =	vld.idx.msk [tilespmem:v52+s16+$0x0], $0xffff  }
0x160: {  	v37 =	vmul.f32 v51, v53;
	v55 =	vld.idx.msk [tilespmem:v52+s17+$0x0], $0xffff  }
0x161: {  	v31 =	vmul.f32 v31, v53;
	[tilespmem:s12+$0x12610] =	vst v30;
	v30 =	vld.idx.msk [tilespmem:v52+s18+$0x0], $0xffff  }
0x162: {  	v57 =	vld.idx.msk [tilespmem:v25+s17+$0x0], $0xffff;
	v20 =	vmul.f32 v20, v53;
	[tilespmem:s31+$0x12210] =	vst v37  }
0x163: {  	s22 =	simm.s32 $0x400;
	v38 =	vadd.s32 v5, v11;
	s23 =	simm.s32 $0x280;
	v36 =	vld.idx.msk [tilespmem:v25+s2+$0x0], $0xffff;
	[tilespmem:s13+$0x12210] =	vst v31;
	v31 =	vmul.f32 v32, v22  }
0x164: {  	s6 =	sand.u32 $0x800, s22;
	s14 =	sand.u32 $0x380, s23;
	v56 =	vld.idx.msk [tilespmem:v25+s16+$0x0], $0xffff;
	[tilespmem:s30+$0x12210] =	vst v20;
	v20 =	vmul.f32 v54, v22  }
0x165: {  	s14 =	sor.u32 s6, s14;
	v59 =	vadd.s32 v3, v23;
	v25 =	vld.idx.msk [tilespmem:v25+s18+$0x0], $0xffff;
	[tilespmem:s25+$0x12630] =	vst v31;
	v31 =	vmul.f32 v55, v22  }
0x166: {  	v46 =	vld [tilespmem:s14+$0x10200];
	[tilespmem:s20+$0x12230] =	vst v20;
	v20 =	vmul.f32 v30, v22  }
0x167: {  	s5 =	simm.s32 $0x5;
	v37 =	vmul.f32 v57, v58;
	v57 =	vld [tilespmem:s14+$0x10210];
	[tilespmem:s24+$0x12230] =	vst v31  }
0x168: {  	v33 =	vld.idx.msk [tilespmem:v38+s2+$0x0], $0xffff;
	[tilespmem:s28+$0x12230] =	vst v20;
	v20 =	vmov s5  }
0x169: {  	v31 =	vld [tilespmem:s25+$0x10640];
	v20 =	vperm.xlane v18, v20  }
0x16a: {  	v60 =	vld.idx.msk [tilespmem:v59+s2+$0x0], $0xffff  }
0x16b: {  	v61 =	vld.idx.msk [tilespmem:v59+s16+$0x0], $0xffff;
	v20 =	vshll.u32 v20, $0x7  }
0x16c: {  	v43 =	vld.idx.msk [tilespmem:v59+s17+$0x0], $0xffff;
	v44 =	vadd.s32 v15, v20  }
0x16d: {  	v45 =	vld.idx.msk [tilespmem:v59+s18+$0x0], $0xffff  }
0x16e: {  	v32 =	vld.idx.msk [tilespmem:v38+s17+$0x0], $0xffff  }
0x16f: {  	v22 =	vld.idx.msk [tilespmem:v39+s18+$0x0], $0xffff;
	v39 =	vmul.f32 v60, v31  }
0x170: {  	v30 =	vld.idx.msk [tilespmem:v38+s16+$0x0], $0xffff;
	v42 =	vmul.f32 v61, v31  }
0x171: {  	v62 =	vmul.f32 v43, v31;
	[tilespmem:s25+$0x12640] =	vst v39;
	v47 =	vld.idx.msk [tilespmem:v44+s2+$0x0], $0xffff  }
0x172: {  	v31 =	vmul.f32 v45, v31;
	[tilespmem:s20+$0x12240] =	vst v42;
	v48 =	vld.idx.msk [tilespmem:v44+s16+$0x0], $0xffff  }
0x173: {  	s15 =	simm.s32 $0x200;
	v63 =	vadd.s32 v2, v23;
	v36 =	vmul.f32 v36, v58;
	v49 =	vld.idx.msk [tilespmem:v44+s17+$0x0], $0xffff;
	[tilespmem:s24+$0x12240] =	vst v62  }
0x174: {  	s5 =	sand.u32 $0x300, s15;
	v44 =	vld.idx.msk [tilespmem:v44+s18+$0x0], $0xffff;
	[tilespmem:s28+$0x12240] =	vst v31;
	v31 =	vmul.f32 v56, v58  }
0x175: {  	[tilespmem:s8+$0x12650] =	vst v36;
	v38 =	vld.idx.msk [tilespmem:v38+s18+$0x0], $0xffff;
	s15 =	sor.u32 s5, s6  }
0x176: {  	v25 =	vmul.f32 v25, v58;
	v56 =	vld [tilespmem:s15+$0x10200];
	[tilespmem:s10+$0x12250] =	vst v31  }
0x177: {  	v50 =	vld [tilespmem:s25+$0x10650];
	v31 =	vmul.f32 v47, v46;
	[tilespmem:s11+$0x12250] =	vst v37  }
0x178: {  	v51 =	vld.idx.msk [tilespmem:v63+s2+$0x0], $0xffff;
	v42 =	vmul.f32 v48, v46;
	[tilespmem:s9+$0x12250] =	vst v25  }
0x179: {  	v54 =	vadd.s32 v16, v20;
	v52 =	vld.idx.msk [tilespmem:v63+s16+$0x0], $0xffff;
	v55 =	vmul.f32 v44, v46;
	[tilespmem:s14+$0x12200] =	vst v31  }
0x17a: {  	v41 =	vld [tilespmem:s15+$0x10210];
	v31 =	vmul.f32 v49, v46;
	[tilespmem:s14+$0x13200] =	vst v42  }
0x17b: {  	v53 =	vld.idx.msk [tilespmem:v63+s17+$0x0], $0xffff;
	[tilespmem:s14+$0x15200] =	vst v55;
	v21 =	vmul.f32 v21, v56  }
0x17c: {  	v43 =	vld.idx.msk [tilespmem:v63+s18+$0x0], $0xffff;
	v34 =	vmul.f32 v34, v56;
	[tilespmem:s14+$0x14200] =	vst v31  }
0x17d: {  	v40 =	vmul.f32 v40, v56;
	v36 =	vmul.f32 v51, v50;
	v31 =	vld [tilespmem:s15+$0x10220];
	[tilespmem:s15+$0x12200] =	vst v21  }
0x17e: {  	v25 =	vmul.f32 v52, v50;
	v52 =	vadd.s32 v16, v19;
	[tilespmem:s15+$0x13200] =	vst v34;
	v58 =	vld.idx.msk [tilespmem:v54+s2+$0x0], $0xffff  }
0x17f: {  	[tilespmem:s15+$0x14200] =	vst v40;
	v61 =	vld.idx.msk [tilespmem:v54+s16+$0x0], $0xffff  }
0x180: {  	v21 =	vmul.f32 v22, v56;
	[tilespmem:s25+$0x12650] =	vst v36;
	v62 =	vld.idx.msk [tilespmem:v54+s17+$0x0], $0xffff  }
0x181: {  	v60 =	vadd.s32 v1, v23;
	v59 =	vmul.f32 v53, v50;
	v63 =	vld.idx.msk [tilespmem:v54+s18+$0x0], $0xffff;
	[tilespmem:s20+$0x12250] =	vst v25  }
0x182: {  	v36 =	vld [tilespmem:s12+$0x10620];
	v25 =	vmul.f32 v43, v50;
	[tilespmem:s15+$0x15200] =	vst v21  }
0x183: {  	[tilespmem:s24+$0x12250] =	vst v59;
	v56 =	vld.idx.msk [tilespmem:v52+s2+$0x0], $0xffff  }
0x184: {  	v26 =	vmul.f32 v26, v24;
	[tilespmem:s28+$0x12250] =	vst v25;
	v47 =	vld.idx.msk [tilespmem:v52+s18+$0x0], $0xffff  }
0x185: {  	v27 =	vmul.f32 v27, v24;
	v48 =	vld [tilespmem:s25+$0x10660]  }
0x186: {  	[tilespmem:s0+$0x12670] =	vst v26;
	v26 =	vmul.f32 v28, v24;
	v22 =	vld.idx.msk [tilespmem:v60+s2+$0x0], $0xffff  }
0x187: {  	[tilespmem:s26+$0x12270] =	vst v27;
	v24 =	vmul.f32 v29, v24;
	v49 =	vld.idx.msk [tilespmem:v60+s16+$0x0], $0xffff  }
0x188: {  	[tilespmem:s29+$0x12270] =	vst v26;
	v25 =	vadd.s32 v1, v8;
	v51 =	vld.idx.msk [tilespmem:v60+s17+$0x0], $0xffff;
	v50 =	vmul.f32 v58, v57  }
0x189: {  	[tilespmem:s1+$0x12270] =	vst v24;
	v37 =	vld.idx.msk [tilespmem:v60+s18+$0x0], $0xffff;
	v21 =	vmul.f32 v61, v57  }
0x18a: {  	v53 =	vadd.s32 v17, v20;
	v58 =	vld [tilespmem:s14+$0x10220];
	v24 =	vmul.f32 v33, v36;
	[tilespmem:s14+$0x12210] =	vst v50  }
0x18b: {  	v35 =	vmul.f32 v62, v57;
	[tilespmem:s14+$0x13210] =	vst v21;
	v21 =	vmul.f32 v63, v57;
	v63 =	vld.idx.msk [tilespmem:v52+s16+$0x0], $0xffff  }
0x18c: {  	[tilespmem:s12+$0x12620] =	vst v24;
	v24 =	vld.idx.msk [tilespmem:v52+s17+$0x0], $0xffff  }
0x18d: {  	[tilespmem:s14+$0x14210] =	vst v35;
	v54 =	vmul.f32 v22, v48;
	v22 =	vld.idx.msk [tilespmem:v25+s2+$0x0], $0xffff  }
0x18e: {  	[tilespmem:s14+$0x15210] =	vst v21;
	v34 =	vmul.f32 v49, v48;
	v21 =	vld.idx.msk [tilespmem:v25+s16+$0x0], $0xffff  }
0x18f: {  	v23 =	vadd.s32 v0, v23;
	v55 =	vmul.f32 v51, v48;
	v51 =	vmul.f32 v30, v36;
	v30 =	vld [tilespmem:s15+$0x10250];
	[tilespmem:s25+$0x12660] =	vst v54  }
0x190: {  	v57 =	vmul.f32 v37, v48;
	v59 =	vld.idx.msk [tilespmem:v53+s2+$0x0], $0xffff;
	[tilespmem:s20+$0x12260] =	vst v34  }
0x191: {  	v61 =	vld.idx.msk [tilespmem:v53+s16+$0x0], $0xffff;
	[tilespmem:s24+$0x12260] =	vst v55  }
0x192: {  	v62 =	vld.idx.msk [tilespmem:v53+s17+$0x0], $0xffff;
	[tilespmem:s28+$0x12260] =	vst v57  }
0x193: {  	v34 =	vld [tilespmem:s25+$0x10670]  }
0x194: {  	v52 =	vmul.f32 v56, v41;
	v60 =	vld.idx.msk [tilespmem:v23+s2+$0x0], $0xffff  }
0x195: {  	v28 =	vld.idx.msk [tilespmem:v53+s18+$0x0], $0xffff  }
0x196: {  	v53 =	vld [tilespmem:s14+$0x10230];
	[tilespmem:s15+$0x12210] =	vst v52;
	v24 =	vmul.f32 v24, v41  }
0x197: {  	[tilespmem:s31+$0x12220] =	vst v51;
	v26 =	vld.idx.msk [tilespmem:v23+s17+$0x0], $0xffff;
	v46 =	vmul.f32 v61, v58  }
0x198: {  	[tilespmem:s15+$0x14210] =	vst v24;
	v27 =	vld.idx.msk [tilespmem:v23+s16+$0x0], $0xffff;
	v48 =	vmul.f32 v62, v58  }
0x199: {  	v49 =	vadd.s32 v14, v20;
	v24 =	vld.idx.msk [tilespmem:v25+s17+$0x0], $0xffff;
	[tilespmem:s14+$0x13220] =	vst v46;
	v29 =	vmul.f32 v60, v34  }
0x19a: {  	v23 =	vld.idx.msk [tilespmem:v23+s18+$0x0], $0xffff;
	v50 =	vmul.f32 v28, v58;
	[tilespmem:s14+$0x14220] =	vst v48  }
0x19b: {  	v28 =	vld [tilespmem:s15+$0x10240];
	[tilespmem:s25+$0x12670] =	vst v29;
	v29 =	vmul.f32 v59, v58  }
0x19c: {  	v32 =	vmul.f32 v32, v36;
	[tilespmem:s14+$0x15220] =	vst v50;
	v61 =	vmul.f32 v26, v34;
	v26 =	vld [tilespmem:s15+$0x10270]  }
0x19d: {  	v36 =	vmul.f32 v38, v36;
	v58 =	vmul.f32 v27, v34;
	v27 =	vld [tilespmem:s15+$0x10260];
	[tilespmem:s14+$0x12220] =	vst v29  }
0x19e: {  	[tilespmem:s13+$0x12220] =	vst v32;
	v54 =	vmul.f32 v63, v41;
	v55 =	vld.idx.msk [tilespmem:v49+s2+$0x0], $0xffff  }
0x19f: {  	v32 =	vadd.s32 v17, v19;
	[tilespmem:s30+$0x12220] =	vst v36;
	v56 =	vld.idx.msk [tilespmem:v49+s16+$0x0], $0xffff  }
0x1a0: {  	[tilespmem:s15+$0x13210] =	vst v54;
	v59 =	vmul.f32 v47, v41;
	v57 =	vld.idx.msk [tilespmem:v49+s17+$0x0], $0xffff  }
0x1a1: {  	[tilespmem:s20+$0x12270] =	vst v58;
	v60 =	vld.idx.msk [tilespmem:v49+s18+$0x0], $0xffff  }
0x1a2: {  	v34 =	vmul.f32 v23, v34;
	v23 =	vld [tilespmem:s15+$0x10600];
	[tilespmem:s15+$0x15210] =	vst v59  }
0x1a3: {  	v29 =	vld [tilespmem:s15+$0x10230];
	[tilespmem:s24+$0x12270] =	vst v61;
	v62 =	vmul.f32 v55, v53  }
0x1a4: {  	v33 =	vadd.s32 v13, v20;
	v35 =	vld.idx.msk [tilespmem:v32+s16+$0x0], $0xffff;
	[tilespmem:s28+$0x12270] =	vst v34;
	v63 =	vmul.f32 v56, v53  }
0x1a5: {  	v34 =	vld.idx.msk [tilespmem:v32+s2+$0x0], $0xffff;
	v37 =	vmul.f32 v57, v53;
	[tilespmem:s14+$0x12230] =	vst v62  }
0x1a6: {  	s0 =	sshll.u32 s3, $0x1;
	s26 =	simm.s32 $0x100;
	s29 =	simm.s32 $0x6;
	v36 =	vld.idx.msk [tilespmem:v32+s17+$0x0], $0xffff;
	v38 =	vmul.f32 v60, v53;
	[tilespmem:s14+$0x13230] =	vst v63  }
.LBB2_3:
0x1a7: {  	p1 =	slt.u32 s29, $0xE;
	v32 =	vld.idx.msk [tilespmem:v32+s18+$0x0], $0xffff;
	[tilespmem:s14+$0x14230] =	vst v37  }
0x1a8: {  	[tilespmem:s14+$0x15230] =	vst v38;
	v37 =	vld [tilespmem:s14+$0x10240];
	v38 =	vadd.s32 v4, v11  }
0x1a9: {  	v39 =	vld.idx.msk [tilespmem:v33+s2+$0x0], $0xffff  }
0x1aa: {  	v34 =	vmul.f32 v34, v31;
	v40 =	vld.idx.msk [tilespmem:v33+s16+$0x0], $0xffff  }
0x1ab: {  	v41 =	vadd.s32 v14, v19;
	v35 =	vmul.f32 v35, v31;
	v42 =	vld.idx.msk [tilespmem:v33+s17+$0x0], $0xffff  }
0x1ac: {  	[tilespmem:s15+$0x12220] =	vst v34;
	v34 =	vmul.f32 v36, v31;
	v33 =	vld.idx.msk [tilespmem:v33+s18+$0x0], $0xffff  }
0x1ad: {  	v31 =	vmul.f32 v32, v31;
	[tilespmem:s15+$0x13220] =	vst v35;
	v32 =	vld.idx.msk [tilespmem:v38+s2+$0x0], $0xffff  }
0x1ae: {  	[tilespmem:s15+$0x14220] =	vst v34;
	v34 =	vld.idx.msk [tilespmem:v38+s16+$0x0], $0xffff  }
0x1af: {  	[tilespmem:s15+$0x15220] =	vst v31;
	v31 =	vmul.f32 v39, v37;
	v35 =	vld.idx.msk [tilespmem:v38+s17+$0x0], $0xffff  }
0x1b0: {  	v39 =	vmul.f32 v40, v37;
	v40 =	vadd.s32 v12, v20;
	v36 =	vld.idx.msk [tilespmem:v41+s2+$0x0], $0xffff  }
0x1b1: {  	v43 =	vld.idx.msk [tilespmem:v41+s16+$0x0], $0xffff;
	[tilespmem:s14+$0x12240] =	vst v31;
	v31 =	vmul.f32 v42, v37  }
0x1b2: {  	v33 =	vmul.f32 v33, v37;
	v42 =	vld.idx.msk [tilespmem:v41+s17+$0x0], $0xffff;
	[tilespmem:s14+$0x13240] =	vst v39  }
0x1b3: {  	v37 =	vld.idx.msk [tilespmem:v41+s18+$0x0], $0xffff;
	[tilespmem:s14+$0x14240] =	vst v31  }
0x1b4: {  	[tilespmem:s14+$0x15240] =	vst v33;
	v31 =	vld [tilespmem:s14+$0x10250]  }
0x1b5: {  	v33 =	vld.idx.msk [tilespmem:v40+s2+$0x0], $0xffff  }
0x1b6: {  	v36 =	vmul.f32 v36, v29;
	v39 =	vld.idx.msk [tilespmem:v40+s16+$0x0], $0xffff  }
0x1b7: {  	v41 =	vmul.f32 v43, v29;
	v43 =	vadd.s32 v13, v19;
	v44 =	vld.idx.msk [tilespmem:v40+s17+$0x0], $0xffff  }
0x1b8: {  	[tilespmem:s15+$0x12230] =	vst v36;
	v36 =	vmul.f32 v42, v29;
	v40 =	vld.idx.msk [tilespmem:v40+s18+$0x0], $0xffff  }
0x1b9: {  	v29 =	vmul.f32 v37, v29;
	[tilespmem:s15+$0x13230] =	vst v41;
	v37 =	vld.idx.msk [tilespmem:v38+s18+$0x0], $0xffff  }
0x1ba: {  	[tilespmem:s15+$0x14230] =	vst v36;
	v36 =	vld [tilespmem:s12+$0x10630]  }
0x1bb: {  	[tilespmem:s15+$0x15230] =	vst v29;
	v29 =	vmul.f32 v33, v31;
	v33 =	vld.idx.msk [tilespmem:v25+s18+$0x0], $0xffff  }
0x1bc: {  	v25 =	vmul.f32 v39, v31;
	v39 =	vadd.s32 v10, v20;
	v38 =	vld.idx.msk [tilespmem:v43+s2+$0x0], $0xffff  }
0x1bd: {  	v41 =	vmov s29;
	v42 =	vld.idx.msk [tilespmem:v43+s16+$0x0], $0xffff;
	[tilespmem:s14+$0x12250] =	vst v29;
	v29 =	vmul.f32 v44, v31  }
0x1be: {  	v41 =	vperm.xlane v18, v41;
	v44 =	vld.idx.msk [tilespmem:v43+s17+$0x0], $0xffff;
	[tilespmem:s14+$0x13250] =	vst v25;
	v25 =	vmul.f32 v40, v31  }
0x1bf: {  	v31 =	vld.idx.msk [tilespmem:v43+s18+$0x0], $0xffff;
	[tilespmem:s14+$0x14250] =	vst v29;
	v29 =	vmul.f32 v32, v36;
	v32 =	vmul.f32 v34, v36  }
0x1c0: {  	v34 =	vshll.u32 v41, $0x7;
	v35 =	vmul.f32 v35, v36;
	v36 =	vmul.f32 v37, v36;
	[tilespmem:s14+$0x15250] =	vst v25;
	v40 =	vld [tilespmem:s14+$0x10260]  }
0x1c1: {  	v25 =	vadd.s32 v15, v34;
	v37 =	vld.idx.msk [tilespmem:v39+s2+$0x0], $0xffff;
	[tilespmem:s12+$0x12630] =	vst v29  }
0x1c2: {  	v29 =	vmul.f32 v38, v28;
	v38 =	vld.idx.msk [tilespmem:v39+s16+$0x0], $0xffff;
	[tilespmem:s31+$0x12230] =	vst v32  }
0x1c3: {  	v41 =	vadd.s32 v12, v19;
	v32 =	vmul.f32 v42, v28;
	v42 =	vld.idx.msk [tilespmem:v39+s17+$0x0], $0xffff;
	[tilespmem:s13+$0x12230] =	vst v35  }
0x1c4: {  	v35 =	vmul.f32 v44, v28;
	[tilespmem:s15+$0x12240] =	vst v29;
	v39 =	vld.idx.msk [tilespmem:v39+s18+$0x0], $0xffff  }
0x1c5: {  	v31 =	vmul.f32 v31, v28;
	[tilespmem:s15+$0x13240] =	vst v32;
	v32 =	vld [tilespmem:s8+$0x10660]  }
0x1c6: {  	v29 =	vld.idx.msk [tilespmem:v25+s2+$0x0], $0xffff;
	[tilespmem:s15+$0x14240] =	vst v35  }
0x1c7: {  	v28 =	vld.idx.msk [tilespmem:v25+s16+$0x0], $0xffff;
	[tilespmem:s15+$0x15240] =	vst v31;
	v31 =	vmul.f32 v37, v40  }
0x1c8: {  	v37 =	vmul.f32 v38, v40;
	v38 =	vadd.s32 v9, v20;
	v35 =	vld.idx.msk [tilespmem:v41+s2+$0x0], $0xffff;
	[tilespmem:s30+$0x12230] =	vst v36  }
0x1c9: {  	v36 =	vld.idx.msk [tilespmem:v41+s16+$0x0], $0xffff;
	[tilespmem:s14+$0x12260] =	vst v31;
	v31 =	vmul.f32 v42, v40  }
0x1ca: {  	v42 =	vld.idx.msk [tilespmem:v41+s17+$0x0], $0xffff;
	[tilespmem:s14+$0x13260] =	vst v37;
	v37 =	vmul.f32 v39, v40;
	v22 =	vmul.f32 v22, v32  }
0x1cb: {  	v21 =	vmul.f32 v21, v32;
	v24 =	vmul.f32 v24, v32;
	v39 =	vld.idx.msk [tilespmem:v41+s18+$0x0], $0xffff;
	[tilespmem:s14+$0x14260] =	vst v31  }
0x1cc: {  	v32 =	vmul.f32 v33, v32;
	[tilespmem:s14+$0x15260] =	vst v37;
	v31 =	vld [tilespmem:s14+$0x10270];
	v37 =	vadd.s32 v3, v11  }
0x1cd: {  	v33 =	vld.idx.msk [tilespmem:v38+s2+$0x0], $0xffff;
	[tilespmem:s8+$0x12660] =	vst v22  }
0x1ce: {  	v22 =	vmul.f32 v35, v30;
	v35 =	vld.idx.msk [tilespmem:v38+s16+$0x0], $0xffff;
	[tilespmem:s10+$0x12260] =	vst v21  }
0x1cf: {  	v21 =	vmul.f32 v36, v30;
	v36 =	vadd.s32 v10, v19;
	v40 =	vld.idx.msk [tilespmem:v38+s17+$0x0], $0xffff;
	[tilespmem:s11+$0x12260] =	vst v24  }
0x1d0: {  	[tilespmem:s15+$0x12250] =	vst v22;
	v22 =	vmul.f32 v42, v30;
	v24 =	vld.idx.msk [tilespmem:v38+s18+$0x0], $0xffff  }
0x1d1: {  	[tilespmem:s15+$0x13250] =	vst v21;
	v21 =	vmul.f32 v39, v30;
	v30 =	vld.idx.msk [tilespmem:v37+s2+$0x0], $0xffff  }
0x1d2: {  	[tilespmem:s15+$0x14250] =	vst v22;
	v22 =	vld.idx.msk [tilespmem:v37+s16+$0x0], $0xffff  }
0x1d3: {  	[tilespmem:s15+$0x15250] =	vst v21;
	v21 =	vmul.f32 v33, v31;
	v33 =	vld.idx.msk [tilespmem:v37+s17+$0x0], $0xffff  }
0x1d4: {  	v39 =	vadd.s32 v7, v20;
	v35 =	vmul.f32 v35, v31;
	v38 =	vld.idx.msk [tilespmem:v36+s2+$0x0], $0xffff;
	[tilespmem:s9+$0x12260] =	vst v32  }
0x1d5: {  	v32 =	vld.idx.msk [tilespmem:v36+s16+$0x0], $0xffff;
	[tilespmem:s14+$0x12270] =	vst v21;
	v21 =	vmul.f32 v40, v31  }
0x1d6: {  	v24 =	vmul.f32 v24, v31;
	v40 =	vld.idx.msk [tilespmem:v36+s17+$0x0], $0xffff;
	[tilespmem:s14+$0x13270] =	vst v35  }
0x1d7: {  	v31 =	vld.idx.msk [tilespmem:v36+s18+$0x0], $0xffff;
	[tilespmem:s14+$0x14270] =	vst v21  }
0x1d8: {  	[tilespmem:s14+$0x15270] =	vst v24;
	v24 =	vld [tilespmem:s14+$0x10600]  }
0x1d9: {  	v21 =	vld.idx.msk [tilespmem:v39+s2+$0x0], $0xffff  }
0x1da: {  	v35 =	vmul.f32 v38, v27;
	v38 =	vadd.s32 v0, v8;
	v8 =	vmovc v11;
	v11 =	vmov v19;
	v36 =	vld.idx.msk [tilespmem:v39+s16+$0x0], $0xffff  }
0x1db: {  	v19 =	vmov v34;
	v32 =	vmul.f32 v32, v27;
	v41 =	vadd.s32 v9, v11;
	v42 =	vld.idx.msk [tilespmem:v39+s17+$0x0], $0xffff  }
0x1dc: {  	v34 =	vmul.f32 v40, v27;
	[tilespmem:s15+$0x12260] =	vst v35;
	v35 =	vld.idx.msk [tilespmem:v39+s18+$0x0], $0xffff  }
0x1dd: {  	v27 =	vmul.f32 v31, v27;
	[tilespmem:s15+$0x13260] =	vst v32;
	v31 =	vld.idx.msk [tilespmem:v37+s18+$0x0], $0xffff  }
0x1de: {  	s1 =	sand.u32 $0xFFFFF800, s22;
	s26 =	sadd.s32 $0x100, s26;
	[tilespmem:s15+$0x14260] =	vst v34;
	v32 =	vld [tilespmem:s12+$0x10640]  }
0x1df: {  	s1 =	sadd.s32 s1, s26;
	[tilespmem:s15+$0x15260] =	vst v27;
	v27 =	vmul.f32 v21, v24;
	v21 =	vld.idx.msk [tilespmem:v38+s2+$0x0], $0xffff  }
0x1e0: {  	s4 =	sor.u32 $0x1400, s1;
	s24 =	sor.u32 $0x2400, s1;
	s5 =	sadd.s32 $0x80, s1;
	v36 =	vmul.f32 v36, v24;
	v34 =	vld.idx.msk [tilespmem:v41+s2+$0x0], $0xffff  }
0x1e1: {  	s28 =	sor.u32 $0x3400, s1;
	s1 =	sor.u32 $0x1400, s5;
	v39 =	vadd.s32 v6, v20;
	v37 =	vld.idx.msk [tilespmem:v41+s16+$0x0], $0xffff;
	[tilespmem:s14+$0x12600] =	vst v27;
	v27 =	vmul.f32 v42, v24  }
0x1e2: {  	s25 =	sor.u32 $0x2400, s5;
	v24 =	vmul.f32 v35, v24;
	v40 =	vld.idx.msk [tilespmem:v41+s17+$0x0], $0xffff;
	[tilespmem:s1+$0x12200] =	vst v36  }
0x1e3: {  	s20 =	sor.u32 $0x3400, s5;
	v35 =	vld.idx.msk [tilespmem:v41+s18+$0x0], $0xffff;
	[tilespmem:s25+$0x12200] =	vst v27;
	v27 =	vmul.f32 v30, v32;
	v30 =	vmul.f32 v22, v32  }
0x1e4: {  	v31 =	vmul.f32 v31, v32;
	[tilespmem:s20+$0x12200] =	vst v24;
	v24 =	vmul.f32 v33, v32;
	v22 =	vld.idx.msk [tilespmem:v38+s16+$0x0], $0xffff  }
0x1e5: {  	v32 =	vld [tilespmem:s14+$0x10610];
	[tilespmem:s12+$0x12640] =	vst v27  }
0x1e6: {  	v27 =	vmul.f32 v34, v26;
	v33 =	vld.idx.msk [tilespmem:v39+s2+$0x0], $0xffff;
	[tilespmem:s31+$0x12240] =	vst v30  }
0x1e7: {  	v34 =	vadd.s32 v7, v11;
	v30 =	vmul.f32 v37, v26;
	v36 =	vld.idx.msk [tilespmem:v39+s16+$0x0], $0xffff;
	[tilespmem:s13+$0x12240] =	vst v24  }
0x1e8: {  	v24 =	vmul.f32 v40, v26;
	[tilespmem:s15+$0x12270] =	vst v27;
	v27 =	vld.idx.msk [tilespmem:v39+s17+$0x0], $0xffff  }
0x1e9: {  	v26 =	vmul.f32 v35, v26;
	[tilespmem:s15+$0x13270] =	vst v30;
	v30 =	vld.idx.msk [tilespmem:v39+s18+$0x0], $0xffff  }
0x1ea: {  	[tilespmem:s15+$0x14270] =	vst v24;
	v24 =	vld.idx.msk [tilespmem:v38+s17+$0x0], $0xffff  }
0x1eb: {  	[tilespmem:s15+$0x15270] =	vst v26;
	v26 =	vadd.s32 v2, v8;
	v35 =	vld.idx.msk [tilespmem:v38+s18+$0x0], $0xffff  }
0x1ec: {  	v33 =	vmul.f32 v33, v32;
	v37 =	vld.idx.msk [tilespmem:v34+s2+$0x0], $0xffff;
	[tilespmem:s30+$0x12240] =	vst v31  }
0x1ed: {  	v36 =	vmul.f32 v36, v32;
	v31 =	vld.idx.msk [tilespmem:v34+s16+$0x0], $0xffff  }
0x1ee: {  	v27 =	vmul.f32 v27, v32;
	v38 =	vld.idx.msk [tilespmem:v34+s17+$0x0], $0xffff;
	[tilespmem:s14+$0x12610] =	vst v33;
	v33 =	vadd.s32 v5, v20  }
0x1ef: {  	v30 =	vmul.f32 v30, v32;
	v34 =	vld.idx.msk [tilespmem:v34+s18+$0x0], $0xffff;
	[tilespmem:s1+$0x12210] =	vst v36  }
0x1f0: {  	[tilespmem:s25+$0x12210] =	vst v27;
	v27 =	vld.idx.msk [tilespmem:v26+s2+$0x0], $0xffff  }
0x1f1: {  	[tilespmem:s20+$0x12210] =	vst v30;
	v30 =	vld.idx.msk [tilespmem:v26+s16+$0x0], $0xffff  }
0x1f2: {  	v32 =	vmul.f32 v37, v23;
	v36 =	vld [tilespmem:s14+$0x10620]  }
0x1f3: {  	v37 =	vadd.s32 v6, v11;
	v31 =	vmul.f32 v31, v23;
	v39 =	vld.idx.msk [tilespmem:v33+s2+$0x0], $0xffff  }
0x1f4: {  	[tilespmem:s15+$0x12600] =	vst v32;
	v32 =	vmul.f32 v38, v23;
	v38 =	vld.idx.msk [tilespmem:v33+s16+$0x0], $0xffff  }
0x1f5: {  	v23 =	vmul.f32 v34, v23;
	[tilespmem:s4+$0x12200] =	vst v31;
	v31 =	vld.idx.msk [tilespmem:v33+s17+$0x0], $0xffff  }
0x1f6: {  	[tilespmem:s24+$0x12200] =	vst v32;
	v32 =	vld.idx.msk [tilespmem:v33+s18+$0x0], $0xffff  }
0x1f7: {  	[tilespmem:s28+$0x12200] =	vst v23;
	v23 =	vld.idx.msk [tilespmem:v26+s17+$0x0], $0xffff  }
0x1f8: {  	v33 =	vld.idx.msk [tilespmem:v37+s2+$0x0], $0xffff  }
0x1f9: {  	v39 =	vmul.f32 v39, v36;
	v34 =	vld.idx.msk [tilespmem:v37+s16+$0x0], $0xffff  }
0x1fa: {  	v38 =	vmul.f32 v38, v36;
	v40 =	vld.idx.msk [tilespmem:v37+s17+$0x0], $0xffff  }
0x1fb: {  	v31 =	vmul.f32 v31, v36;
	v37 =	vld.idx.msk [tilespmem:v37+s18+$0x0], $0xffff;
	[tilespmem:s14+$0x12620] =	vst v39;
	v39 =	vadd.s32 v4, v20  }
0x1fc: {  	v32 =	vmul.f32 v32, v36;
	v41 =	vld [tilespmem:s15+$0x10610];
	[tilespmem:s1+$0x12220] =	vst v38  }
0x1fd: {  	[tilespmem:s25+$0x12220] =	vst v31;
	v26 =	vld.idx.msk [tilespmem:v26+s18+$0x0], $0xffff  }
0x1fe: {  	[tilespmem:s20+$0x12220] =	vst v32;
	v31 =	vld [tilespmem:s12+$0x10650]  }
0x1ff: {  	v32 =	vld [tilespmem:s14+$0x10630]  }
0x200: {  	v36 =	vld.idx.msk [tilespmem:v39+s2+$0x0], $0xffff  }
0x201: {  	v33 =	vmul.f32 v33, v41;
	v34 =	vmul.f32 v34, v41;
	v38 =	vld.idx.msk [tilespmem:v39+s16+$0x0], $0xffff  }
0x202: {  	v40 =	vmul.f32 v40, v41;
	v37 =	vmul.f32 v37, v41;
	v41 =	vadd.s32 v5, v11;
	v42 =	vld.idx.msk [tilespmem:v39+s17+$0x0], $0xffff  }
0x203: {  	[tilespmem:s15+$0x12610] =	vst v33;
	v33 =	vld.idx.msk [tilespmem:v39+s18+$0x0], $0xffff;
	v39 =	vmul.f32 v27, v31;
	v30 =	vmul.f32 v30, v31  }
0x204: {  	v23 =	vmul.f32 v23, v31;
	v31 =	vmul.f32 v26, v31;
	[tilespmem:s4+$0x12210] =	vst v34;
	v34 =	vld [tilespmem:s8+$0x10670]  }
0x205: {  	v27 =	vld.idx.msk [tilespmem:v25+s17+$0x0], $0xffff;
	[tilespmem:s24+$0x12210] =	vst v40  }
0x206: {  	v26 =	vld.idx.msk [tilespmem:v25+s18+$0x0], $0xffff;
	[tilespmem:s28+$0x12210] =	vst v37;
	v25 =	vmul.f32 v36, v32  }
0x207: {  	v37 =	vmul.f32 v38, v32;
	v36 =	vld.idx.msk [tilespmem:v41+s2+$0x0], $0xffff;
	[tilespmem:s12+$0x12650] =	vst v39  }
0x208: {  	v39 =	vadd.s32 v3, v20;
	v38 =	vld.idx.msk [tilespmem:v41+s16+$0x0], $0xffff;
	[tilespmem:s14+$0x12630] =	vst v25;
	v25 =	vmul.f32 v42, v32  }
0x209: {  	v32 =	vmul.f32 v33, v32;
	v40 =	vld.idx.msk [tilespmem:v41+s17+$0x0], $0xffff;
	[tilespmem:s1+$0x12230] =	vst v37;
	v21 =	vmul.f32 v21, v34  }
0x20a: {  	v37 =	vmul.f32 v22, v34;
	v33 =	vld.idx.msk [tilespmem:v41+s18+$0x0], $0xffff;
	[tilespmem:s25+$0x12230] =	vst v25;
	v41 =	vmul.f32 v24, v34  }
0x20b: {  	s5 =	sadd.s32 $0x1, s29;
	v22 =	vld [tilespmem:s15+$0x10620];
	[tilespmem:s20+$0x12230] =	vst v32;
	v32 =	vmul.f32 v35, v34  }
0x20c: {  	v24 =	vmov s5;
	v25 =	vadd.s32 v1, v8;
	v34 =	vld [tilespmem:s14+$0x10640];
	[tilespmem:s31+$0x12250] =	vst v30  }
0x20d: {  	v24 =	vperm.xlane v18, v24;
	v30 =	vld.idx.msk [tilespmem:v39+s2+$0x0], $0xffff;
	[tilespmem:s13+$0x12250] =	vst v23  }
0x20e: {  	v35 =	vld.idx.msk [tilespmem:v39+s16+$0x0], $0xffff;
	[tilespmem:s30+$0x12250] =	vst v31  }
0x20f: {  	v23 =	vshll.u32 v24, $0x7;
	v31 =	vld.idx.msk [tilespmem:v39+s17+$0x0], $0xffff;
	[tilespmem:s8+$0x12670] =	vst v21;
	s8 =	smov.u32 s12;
	s12 =	smov.u32 s15  }
0x210: {  	v42 =	vadd.s32 v15, v23;
	v21 =	vmul.f32 v36, v22;
	v24 =	vmul.f32 v38, v22;
	v36 =	vld.idx.msk [tilespmem:v39+s18+$0x0], $0xffff  }
0x211: {  	s22 =	sadd.s32 $0x200, s22;
	s23 =	sadd.s32 $0x100, s23;
	v38 =	vmul.f32 v40, v22;
	v33 =	vmul.f32 v33, v22;
	v22 =	vld.idx.msk [tilespmem:v25+s2+$0x0], $0xffff;
	[tilespmem:s10+$0x12270] =	vst v37;
	s10 =	smov.u32 s31  }
0x212: {  	s5 =	sadd.s32 $0xFFFFFF80, s23;
	s15 =	sand.u32 $0x800, s22;
	s31 =	sand.u32 $0x380, s23;
	[tilespmem:s12+$0x12620] =	vst v21;
	v21 =	vld.idx.msk [tilespmem:v25+s16+$0x0], $0xffff  }
0x213: {  	s6 =	sand.u32 $0x300, s5;
	s5 =	sor.u32 s15, s31;
	v30 =	vmul.f32 v30, v34;
	s31 =	smov.u32 s4;
	[tilespmem:s4+$0x12220] =	vst v24;
	v24 =	vld.idx.msk [tilespmem:v25+s17+$0x0], $0xffff  }
0x214: {  	s15 =	sor.u32 s6, s15;
	v35 =	vmul.f32 v35, v34;
	v37 =	vld [tilespmem:s5+$0x10200];
	[tilespmem:s24+$0x12220] =	vst v38  }
0x215: {  	v38 =	vld.idx.msk [tilespmem:v42+s2+$0x0], $0xffff;
	[tilespmem:s14+$0x12640] =	vst v30;
	v30 =	vmul.f32 v31, v34;
	v31 =	vadd.s32 v2, v20  }
0x216: {  	v34 =	vmul.f32 v36, v34;
	v39 =	vld.idx.msk [tilespmem:v42+s16+$0x0], $0xffff;
	[tilespmem:s1+$0x12240] =	vst v35  }
0x217: {  	v35 =	vld.idx.msk [tilespmem:v42+s17+$0x0], $0xffff;
	[tilespmem:s25+$0x12240] =	vst v30  }
0x218: {  	v30 =	vld.idx.msk [tilespmem:v42+s18+$0x0], $0xffff;
	[tilespmem:s20+$0x12240] =	vst v34  }
0x219: {  	[tilespmem:s28+$0x12220] =	vst v33;
	v33 =	vld [tilespmem:s14+$0x10650]  }
0x21a: {  	v34 =	vld.idx.msk [tilespmem:v31+s2+$0x0], $0xffff;
	[tilespmem:s11+$0x12270] =	vst v41;
	s11 =	smov.u32 s13;
	s13 =	smov.u32 s24  }
0x21b: {  	v36 =	vld.idx.msk [tilespmem:v31+s16+$0x0], $0xffff;
	[tilespmem:s9+$0x12270] =	vst v32;
	s9 =	smov.u32 s30;
	s30 =	smov.u32 s28  }
0x21c: {  	v32 =	vmul.f32 v38, v37;
	v38 =	vld.idx.msk [tilespmem:v31+s17+$0x0], $0xffff  }
0x21d: {  	v40 =	vadd.s32 v16, v23;
	v39 =	vmul.f32 v39, v37;
	v41 =	vld.idx.msk [tilespmem:v31+s18+$0x0], $0xffff  }
0x21e: {  	v42 =	vld [tilespmem:s15+$0x10200];
	[tilespmem:s5+$0x12200] =	vst v32;
	v32 =	vmul.f32 v35, v37  }
0x21f: {  	v30 =	vmul.f32 v30, v37;
	v35 =	vld [tilespmem:s15+$0x10210];
	[tilespmem:s5+$0x13200] =	vst v39  }
0x220: {  	v31 =	vld [tilespmem:s15+$0x10220];
	[tilespmem:s5+$0x14200] =	vst v32;
	v32 =	vmul.f32 v34, v33  }
0x221: {  	v34 =	vmul.f32 v36, v33;
	[tilespmem:s5+$0x15200] =	vst v30;
	v30 =	vld [tilespmem:s5+$0x10210]  }
0x222: {  	v37 =	vadd.s32 v1, v20;
	v36 =	vld.idx.msk [tilespmem:v40+s2+$0x0], $0xffff;
	[tilespmem:s14+$0x12650] =	vst v32;
	v32 =	vmul.f32 v38, v33  }
0x223: {  	v33 =	vmul.f32 v41, v33;
	v29 =	vmul.f32 v29, v42;
	v38 =	vld.idx.msk [tilespmem:v40+s16+$0x0], $0xffff;
	[tilespmem:s1+$0x12250] =	vst v34  }
0x224: {  	v28 =	vmul.f32 v28, v42;
	v27 =	vmul.f32 v27, v42;
	v34 =	vld.idx.msk [tilespmem:v40+s17+$0x0], $0xffff;
	[tilespmem:s25+$0x12250] =	vst v32  }
0x225: {  	v26 =	vmul.f32 v26, v42;
	v32 =	vld.idx.msk [tilespmem:v40+s18+$0x0], $0xffff;
	[tilespmem:s20+$0x12250] =	vst v33  }
0x226: {  	[tilespmem:s15+$0x12200] =	vst v29;
	v29 =	vadd.s32 v16, v19;
	v33 =	vld [tilespmem:s14+$0x10660]  }
0x227: {  	[tilespmem:s15+$0x13200] =	vst v28;
	v28 =	vld.idx.msk [tilespmem:v37+s2+$0x0], $0xffff  }
0x228: {  	[tilespmem:s15+$0x14200] =	vst v27;
	v27 =	vld.idx.msk [tilespmem:v37+s16+$0x0], $0xffff  }
0x229: {  	[tilespmem:s15+$0x15200] =	vst v26;
	v26 =	vmul.f32 v36, v30;
	v36 =	vld.idx.msk [tilespmem:v37+s17+$0x0], $0xffff  }
0x22a: {  	v39 =	vadd.s32 v17, v23;
	v38 =	vmul.f32 v38, v30;
	v37 =	vld.idx.msk [tilespmem:v37+s18+$0x0], $0xffff  }
0x22b: {  	v40 =	vld.idx.msk [tilespmem:v29+s2+$0x0], $0xffff;
	[tilespmem:s5+$0x12210] =	vst v26;
	v26 =	vmul.f32 v34, v30  }
0x22c: {  	v30 =	vmul.f32 v32, v30;
	v34 =	vld.idx.msk [tilespmem:v29+s16+$0x0], $0xffff;
	[tilespmem:s5+$0x13210] =	vst v38  }
0x22d: {  	v32 =	vld.idx.msk [tilespmem:v29+s17+$0x0], $0xffff;
	[tilespmem:s5+$0x14210] =	vst v26;
	v26 =	vmul.f32 v28, v33  }
0x22e: {  	v27 =	vmul.f32 v27, v33;
	[tilespmem:s5+$0x15210] =	vst v30;
	v28 =	vld [tilespmem:s5+$0x10220]  }
0x22f: {  	v30 =	vld.idx.msk [tilespmem:v39+s2+$0x0], $0xffff;
	[tilespmem:s14+$0x12660] =	vst v26;
	v26 =	vmul.f32 v36, v33;
	v36 =	vadd.s32 v0, v20;
	v20 =	vmov v23  }
0x230: {  	v23 =	vld.idx.msk [tilespmem:v39+s16+$0x0], $0xffff;
	[tilespmem:s1+$0x12260] =	vst v27;
	v27 =	vmul.f32 v37, v33  }
0x231: {  	v33 =	vmul.f32 v40, v35;
	v37 =	vld.idx.msk [tilespmem:v39+s17+$0x0], $0xffff;
	[tilespmem:s25+$0x12260] =	vst v26  }
0x232: {  	v26 =	vmul.f32 v34, v35;
	v34 =	vld.idx.msk [tilespmem:v39+s18+$0x0], $0xffff;
	[tilespmem:s20+$0x12260] =	vst v27  }
0x233: {  	v38 =	vmul.f32 v32, v35;
	v27 =	vld [tilespmem:s14+$0x10670]  }
0x234: {  	v32 =	vld.idx.msk [tilespmem:v36+s2+$0x0], $0xffff  }
0x235: {  	v39 =	vld.idx.msk [tilespmem:v36+s16+$0x0], $0xffff  }
0x236: {  	v30 =	vmul.f32 v30, v28;
	v40 =	vld.idx.msk [tilespmem:v36+s17+$0x0], $0xffff  }
0x237: {  	v23 =	vmul.f32 v23, v28;
	v36 =	vld.idx.msk [tilespmem:v36+s18+$0x0], $0xffff  }
0x238: {  	v41 =	vld.idx.msk [tilespmem:v29+s18+$0x0], $0xffff;
	[tilespmem:s5+$0x12220] =	vst v30;
	v30 =	vmul.f32 v37, v28;
	v37 =	vadd.s32 v14, v20  }
0x239: {  	v29 =	vld [tilespmem:s15+$0x10230];
	[tilespmem:s5+$0x13220] =	vst v23;
	v23 =	vmul.f32 v34, v28  }
0x23a: {  	v32 =	vmul.f32 v32, v27;
	v28 =	vld [tilespmem:s15+$0x10240];
	[tilespmem:s5+$0x14220] =	vst v30  }
0x23b: {  	v30 =	vld [tilespmem:s15+$0x10250];
	[tilespmem:s5+$0x15220] =	vst v23;
	v23 =	vmul.f32 v39, v27  }
0x23c: {  	v39 =	vld [tilespmem:s5+$0x10230];
	[tilespmem:s14+$0x12670] =	vst v32;
	v32 =	vmul.f32 v40, v27;
	s14 =	smov.u32 s5  }
0x23d: {  	v34 =	vld.idx.msk [tilespmem:v37+s2+$0x0], $0xffff;
	[tilespmem:s1+$0x12270] =	vst v23;
	v23 =	vmul.f32 v36, v27  }
0x23e: {  	v35 =	vmul.f32 v41, v35;
	v36 =	vld.idx.msk [tilespmem:v37+s16+$0x0], $0xffff;
	[tilespmem:s25+$0x12270] =	vst v32  }
0x23f: {  	v32 =	vadd.s32 v17, v19;
	v40 =	vld.idx.msk [tilespmem:v37+s17+$0x0], $0xffff;
	[tilespmem:s20+$0x12270] =	vst v23  }
0x240: {  	[tilespmem:s15+$0x12210] =	vst v33;
	v41 =	vld.idx.msk [tilespmem:v37+s18+$0x0], $0xffff  }
0x241: {  	[tilespmem:s15+$0x13210] =	vst v26;
	v27 =	vld [tilespmem:s15+$0x10260]  }
.Ltmp0:
0x242: {  	[tilespmem:s15+$0x14210] =	vst v38;
	v26 =	vld [tilespmem:s15+$0x10270];
	(pc) =	sbr.rel @p1 .LBB2_3-.Ltmp0, $4  }
0x243: {  	v37 =	vmul.f32 v34, v39;
	[tilespmem:s15+$0x15210] =	vst v35;
	v23 =	vld [tilespmem:s15+$0x10600]  }
0x244: {  	v33 =	vadd.s32 v13, v20;
	v38 =	vmul.f32 v36, v39;
	v34 =	vld.idx.msk [tilespmem:v32+s2+$0x0], $0xffff  }
0x245: {  	v35 =	vld.idx.msk [tilespmem:v32+s16+$0x0], $0xffff;
	[tilespmem:s14+$0x12230] =	vst v37;
	v37 =	vmul.f32 v40, v39  }
0x246: {  	s29 =	sadd.s32 $0x2, s29;
	v36 =	vld.idx.msk [tilespmem:v32+s17+$0x0], $0xffff;
	[tilespmem:s14+$0x13230] =	vst v38;
	v38 =	vmul.f32 v41, v39  }
0x247: {  	_ =	sdelay $0x3  }
0x248: {  	[tilespmem:s14+$0x14230] =	vst v37;
	v15 =	vld.idx.msk [tilespmem:v32+s18+$0x0], $0xffff  }
0x249: {  	v16 =	vld [tilespmem:s14+$0x10240];
	[tilespmem:s14+$0x15230] =	vst v38  }
0x24a: {  	v17 =	vld.idx.msk [tilespmem:v33+s2+$0x0], $0xffff;
	v18 =	vmul.f32 v34, v31  }
0x24b: {  	v14 =	vadd.s32 v14, v19;
	v48 =	vld.idx.msk [tilespmem:v33+s16+$0x0], $0xffff;
	v49 =	vmul.f32 v35, v31  }
0x24c: {  	v50 =	vld.idx.msk [tilespmem:v33+s17+$0x0], $0xffff;
	[tilespmem:s15+$0x12220] =	vst v18;
	v18 =	vmul.f32 v36, v31  }
0x24d: {  	v51 =	vld.idx.msk [tilespmem:v33+s18+$0x0], $0xffff;
	[tilespmem:s15+$0x13220] =	vst v49;
	v15 =	vmul.f32 v15, v31  }
0x24e: {  	[tilespmem:s15+$0x14220] =	vst v18  }
0x24f: {  	v62 =	vld [tilespmem:s12+$0x10630];
	v17 =	vmul.f32 v17, v16;
	[tilespmem:s15+$0x15220] =	vst v15  }
0x250: {  	v31 =	vadd.s32 v12, v20;
	v15 =	vmul.f32 v48, v16;
	v18 =	vld.idx.msk [tilespmem:v14+s2+$0x0], $0xffff  }
0x251: {  	v52 =	vld.idx.msk [tilespmem:v14+s16+$0x0], $0xffff;
	[tilespmem:s14+$0x12240] =	vst v17;
	v17 =	vmul.f32 v50, v16  }
0x252: {  	[tilespmem:s14+$0x13240] =	vst v15;
	v15 =	vmul.f32 v51, v16;
	v16 =	vld.idx.msk [tilespmem:v14+s17+$0x0], $0xffff  }
0x253: {  	v14 =	vld.idx.msk [tilespmem:v14+s18+$0x0], $0xffff;
	[tilespmem:s14+$0x14240] =	vst v17  }
0x254: {  	[tilespmem:s14+$0x15240] =	vst v15;
	v15 =	vadd.s32 v4, v11;
	v17 =	vld [tilespmem:s14+$0x10250]  }
0x255: {  	v53 =	vld.idx.msk [tilespmem:v31+s2+$0x0], $0xffff  }
0x256: {  	v54 =	vld.idx.msk [tilespmem:v31+s16+$0x0], $0xffff;
	v18 =	vmul.f32 v18, v29  }
0x257: {  	v13 =	vadd.s32 v13, v19;
	v55 =	vld.idx.msk [tilespmem:v31+s17+$0x0], $0xffff;
	v32 =	vmul.f32 v52, v29  }
0x258: {  	v16 =	vmul.f32 v16, v29;
	[tilespmem:s15+$0x12230] =	vst v18;
	v18 =	vld.idx.msk [tilespmem:v31+s18+$0x0], $0xffff  }
0x259: {  	v14 =	vmul.f32 v14, v29;
	[tilespmem:s15+$0x13230] =	vst v32;
	v31 =	vld.idx.msk [tilespmem:v15+s2+$0x0], $0xffff  }
0x25a: {  	v29 =	vld.idx.msk [tilespmem:v15+s16+$0x0], $0xffff;
	[tilespmem:s15+$0x14230] =	vst v16  }
0x25b: {  	v56 =	vld.idx.msk [tilespmem:v15+s17+$0x0], $0xffff;
	[tilespmem:s15+$0x15230] =	vst v14;
	v16 =	vmul.f32 v53, v17  }
0x25c: {  	v58 =	vadd.s32 v10, v20;
	v14 =	vmul.f32 v54, v17;
	v57 =	vld.idx.msk [tilespmem:v13+s2+$0x0], $0xffff  }
0x25d: {  	v59 =	vld.idx.msk [tilespmem:v13+s16+$0x0], $0xffff;
	[tilespmem:s14+$0x12250] =	vst v16;
	v16 =	vmul.f32 v55, v17  }
0x25e: {  	[tilespmem:s14+$0x13250] =	vst v14;
	v14 =	vmul.f32 v18, v17;
	v17 =	vld.idx.msk [tilespmem:v13+s17+$0x0], $0xffff  }
0x25f: {  	v13 =	vld.idx.msk [tilespmem:v13+s18+$0x0], $0xffff;
	[tilespmem:s14+$0x14250] =	vst v16  }
0x260: {  	[tilespmem:s14+$0x15250] =	vst v14;
	v14 =	vld [tilespmem:s14+$0x10260]  }
0x261: {  	v18 =	vmul.f32 v57, v28;
	v16 =	vld.idx.msk [tilespmem:v58+s2+$0x0], $0xffff  }
0x262: {  	v12 =	vadd.s32 v12, v19;
	v35 =	vmul.f32 v59, v28;
	v60 =	vld.idx.msk [tilespmem:v58+s16+$0x0], $0xffff  }
0x263: {  	v61 =	vld.idx.msk [tilespmem:v58+s17+$0x0], $0xffff;
	[tilespmem:s15+$0x12240] =	vst v18;
	v17 =	vmul.f32 v17, v28  }
0x264: {  	v18 =	vld.idx.msk [tilespmem:v58+s18+$0x0], $0xffff;
	[tilespmem:s15+$0x13240] =	vst v35;
	v13 =	vmul.f32 v13, v28  }
0x265: {  	v15 =	vld.idx.msk [tilespmem:v15+s18+$0x0], $0xffff;
	[tilespmem:s15+$0x14240] =	vst v17  }
0x266: {  	v17 =	vld.idx.msk [tilespmem:v25+s18+$0x0], $0xffff;
	[tilespmem:s15+$0x15240] =	vst v13;
	v16 =	vmul.f32 v16, v14  }
0x267: {  	v13 =	vmul.f32 v60, v14;
	v25 =	vld.idx.msk [tilespmem:v12+s2+$0x0], $0xffff  }
0x268: {  	v28 =	vadd.s32 v9, v20;
	v63 =	vld.idx.msk [tilespmem:v12+s16+$0x0], $0xffff;
	[tilespmem:s14+$0x12260] =	vst v16;
	v16 =	vmul.f32 v61, v14  }
0x269: {  	[tilespmem:s14+$0x13260] =	vst v13;
	v13 =	vmul.f32 v18, v14;
	v18 =	vld.idx.msk [tilespmem:v12+s17+$0x0], $0xffff  }
0x26a: {  	v14 =	vmul.f32 v31, v62;
	v12 =	vld.idx.msk [tilespmem:v12+s18+$0x0], $0xffff;
	[tilespmem:s14+$0x14260] =	vst v16  }
0x26b: {  	v16 =	vmul.f32 v29, v62;
	[tilespmem:s14+$0x15260] =	vst v13  }
0x26c: {  	v13 =	vmul.f32 v56, v62;
	[tilespmem:s12+$0x12630] =	vst v14;
	v14 =	vld [tilespmem:s14+$0x10270]  }
0x26d: {  	v15 =	vmul.f32 v15, v62;
	v29 =	vld.idx.msk [tilespmem:v28+s2+$0x0], $0xffff;
	[tilespmem:s31+$0x12230] =	vst v16;
	v16 =	vadd.s32 v3, v11  }
0x26e: {  	v31 =	vld.idx.msk [tilespmem:v28+s17+$0x0], $0xffff;
	[tilespmem:s13+$0x12230] =	vst v13;
	v13 =	vmul.f32 v25, v30  }
0x26f: {  	v10 =	vadd.s32 v10, v19;
	v25 =	vld.idx.msk [tilespmem:v28+s16+$0x0], $0xffff;
	v12 =	vmul.f32 v12, v30;
	[tilespmem:s30+$0x12230] =	vst v15  }
0x270: {  	v15 =	vmul.f32 v63, v30;
	[tilespmem:s15+$0x12250] =	vst v13;
	v13 =	vmul.f32 v18, v30;
	v18 =	vld.idx.msk [tilespmem:v28+s18+$0x0], $0xffff  }
0x271: {  	v28 =	vld [tilespmem:s8+$0x10660];
	[tilespmem:s15+$0x15250] =	vst v12  }
0x272: {  	[tilespmem:s15+$0x13250] =	vst v15;
	v15 =	vld.idx.msk [tilespmem:v16+s2+$0x0], $0xffff  }
0x273: {  	[tilespmem:s15+$0x14250] =	vst v13;
	v13 =	vmul.f32 v29, v14;
	v29 =	vld.idx.msk [tilespmem:v16+s16+$0x0], $0xffff  }
0x274: {  	v30 =	vadd.s32 v7, v20;
	v12 =	vmul.f32 v25, v14;
	v25 =	vld.idx.msk [tilespmem:v10+s2+$0x0], $0xffff  }
0x275: {  	[tilespmem:s14+$0x12270] =	vst v13;
	v13 =	vmul.f32 v31, v14;
	v31 =	vld.idx.msk [tilespmem:v10+s16+$0x0], $0xffff  }
0x276: {  	[tilespmem:s14+$0x13270] =	vst v12;
	v12 =	vmul.f32 v18, v14;
	v14 =	vld.idx.msk [tilespmem:v10+s17+$0x0], $0xffff  }
0x277: {  	v10 =	vld.idx.msk [tilespmem:v10+s18+$0x0], $0xffff;
	[tilespmem:s14+$0x14270] =	vst v13  }
0x278: {  	v13 =	vld [tilespmem:s14+$0x10600];
	[tilespmem:s14+$0x15270] =	vst v12;
	v12 =	vmul.f32 v22, v28  }
0x279: {  	v18 =	vld.idx.msk [tilespmem:v30+s2+$0x0], $0xffff;
	v22 =	vmul.f32 v25, v27  }
0x27a: {  	v9 =	vadd.s32 v9, v19;
	[tilespmem:s8+$0x12660] =	vst v12;
	v12 =	vld.idx.msk [tilespmem:v30+s16+$0x0], $0xffff;
	v25 =	vmul.f32 v31, v27  }
0x27b: {  	v31 =	vld.idx.msk [tilespmem:v30+s17+$0x0], $0xffff;
	[tilespmem:s15+$0x12260] =	vst v22;
	v14 =	vmul.f32 v14, v27  }
0x27c: {  	v22 =	vld.idx.msk [tilespmem:v30+s18+$0x0], $0xffff;
	v10 =	vmul.f32 v10, v27;
	[tilespmem:s15+$0x13260] =	vst v25  }
0x27d: {  	s1 =	sand.u32 $0xFFFFF800, s22;
	s4 =	sadd.s32 $0x100, s26;
	v21 =	vmul.f32 v21, v28;
	v25 =	vld.idx.msk [tilespmem:v16+s17+$0x0], $0xffff;
	[tilespmem:s15+$0x14260] =	vst v14  }
0x27e: {  	s4 =	sadd.s32 s1, s4;
	v14 =	vld.idx.msk [tilespmem:v16+s18+$0x0], $0xffff;
	[tilespmem:s15+$0x15260] =	vst v10;
	v10 =	vmul.f32 v18, v13  }
0x27f: {  	s5 =	sadd.s32 $0x80, s4;
	[tilespmem:s10+$0x12260] =	vst v21;
	v16 =	vld.idx.msk [tilespmem:v9+s2+$0x0], $0xffff;
	v12 =	vmul.f32 v12, v13  }
0x280: {  	s29 =	sor.u32 $0x1400, s5;
	v21 =	vadd.s32 v6, v20;
	v18 =	vld.idx.msk [tilespmem:v9+s16+$0x0], $0xffff;
	[tilespmem:s14+$0x12600] =	vst v10;
	v10 =	vmul.f32 v31, v13  }
0x281: {  	s20 =	sor.u32 $0x2400, s5;
	v27 =	vld.idx.msk [tilespmem:v9+s17+$0x0], $0xffff;
	[tilespmem:s29+$0x12200] =	vst v12;
	v12 =	vmul.f32 v22, v13  }
0x282: {  	s6 =	sor.u32 $0x3400, s5;
	v9 =	vld.idx.msk [tilespmem:v9+s18+$0x0], $0xffff;
	v13 =	vmul.f32 v24, v28;
	[tilespmem:s20+$0x12200] =	vst v10  }
0x283: {  	v10 =	vmul.f32 v17, v28;
	v17 =	vld [tilespmem:s12+$0x10640];
	[tilespmem:s6+$0x12200] =	vst v12  }
0x284: {  	[tilespmem:s11+$0x12260] =	vst v13;
	v12 =	vadd.s32 v0, v8;
	v13 =	vmul.f32 v16, v26;
	v8 =	vld [tilespmem:s14+$0x10610]  }
0x285: {  	v16 =	vmul.f32 v18, v26;
	v18 =	vadd.s32 v7, v19;
	[tilespmem:s9+$0x12260] =	vst v10;
	v10 =	vld.idx.msk [tilespmem:v21+s2+$0x0], $0xffff  }
0x286: {  	v7 =	vmul.f32 v27, v26;
	v22 =	vld.idx.msk [tilespmem:v21+s16+$0x0], $0xffff;
	[tilespmem:s15+$0x12270] =	vst v13  }
0x287: {  	v9 =	vmul.f32 v9, v26;
	v13 =	vld.idx.msk [tilespmem:v21+s17+$0x0], $0xffff;
	[tilespmem:s15+$0x13270] =	vst v16  }
0x288: {  	v16 =	vld.idx.msk [tilespmem:v21+s18+$0x0], $0xffff;
	[tilespmem:s15+$0x14270] =	vst v7  }
0x289: {  	[tilespmem:s15+$0x15270] =	vst v9;
	v7 =	vld.idx.msk [tilespmem:v12+s2+$0x0], $0xffff  }
0x28a: {  	v21 =	vld.idx.msk [tilespmem:v18+s2+$0x0], $0xffff;
	v9 =	vmul.f32 v10, v8  }
0x28b: {  	v10 =	vld.idx.msk [tilespmem:v18+s16+$0x0], $0xffff;
	v22 =	vmul.f32 v22, v8  }
0x28c: {  	v26 =	vadd.s32 v5, v20;
	v24 =	vld.idx.msk [tilespmem:v18+s17+$0x0], $0xffff;
	v13 =	vmul.f32 v13, v8;
	[tilespmem:s14+$0x12610] =	vst v9  }
0x28d: {  	v18 =	vld.idx.msk [tilespmem:v18+s18+$0x0], $0xffff;
	v16 =	vmul.f32 v16, v8;
	[tilespmem:s29+$0x12210] =	vst v22  }
0x28e: {  	v15 =	vmul.f32 v15, v17;
	v8 =	vld.idx.msk [tilespmem:v12+s17+$0x0], $0xffff;
	[tilespmem:s20+$0x12210] =	vst v13  }
0x28f: {  	v9 =	vld.idx.msk [tilespmem:v12+s16+$0x0], $0xffff;
	v13 =	vmul.f32 v21, v23;
	[tilespmem:s6+$0x12210] =	vst v16  }
0x290: {  	v6 =	vadd.s32 v6, v19;
	[tilespmem:s12+$0x12640] =	vst v15;
	v10 =	vmul.f32 v10, v23;
	v15 =	vld [tilespmem:s14+$0x10620]  }
0x291: {  	s23 =	sor.u32 $0x1400, s4;
	v16 =	vld.idx.msk [tilespmem:v26+s2+$0x0], $0xffff;
	[tilespmem:s15+$0x12600] =	vst v13;
	v13 =	vmul.f32 v24, v23  }
0x292: {  	s24 =	sor.u32 $0x2400, s4;
	v21 =	vld.idx.msk [tilespmem:v26+s16+$0x0], $0xffff;
	[tilespmem:s23+$0x12200] =	vst v10;
	v10 =	vmul.f32 v18, v23  }
0x293: {  	s25 =	sor.u32 $0x3400, s4;
	v22 =	vld.idx.msk [tilespmem:v26+s17+$0x0], $0xffff;
	v18 =	vmul.f32 v29, v17;
	[tilespmem:s24+$0x12200] =	vst v13  }
0x294: {  	v23 =	vld.idx.msk [tilespmem:v26+s18+$0x0], $0xffff;
	v13 =	vmul.f32 v25, v17;
	[tilespmem:s25+$0x12200] =	vst v10  }
0x295: {  	v10 =	vmul.f32 v14, v17;
	[tilespmem:s31+$0x12240] =	vst v18;
	v14 =	vld.idx.msk [tilespmem:v6+s2+$0x0], $0xffff  }
0x296: {  	[tilespmem:s13+$0x12240] =	vst v13;
	v13 =	vadd.s32 v2, v11;
	v17 =	vld [tilespmem:s15+$0x10610];
	v16 =	vmul.f32 v16, v15  }
0x297: {  	[tilespmem:s30+$0x12240] =	vst v10;
	v10 =	vld.idx.msk [tilespmem:v6+s16+$0x0], $0xffff;
	v18 =	vmul.f32 v21, v15  }
0x298: {  	v21 =	vld.idx.msk [tilespmem:v6+s17+$0x0], $0xffff;
	[tilespmem:s14+$0x12620] =	vst v16;
	v16 =	vmul.f32 v22, v15;
	v22 =	vadd.s32 v4, v20  }
0x299: {  	v24 =	vld.idx.msk [tilespmem:v6+s18+$0x0], $0xffff;
	v15 =	vmul.f32 v23, v15;
	[tilespmem:s29+$0x12220] =	vst v18  }
0x29a: {  	v6 =	vld.idx.msk [tilespmem:v12+s18+$0x0], $0xffff;
	[tilespmem:s20+$0x12220] =	vst v16  }
0x29b: {  	v12 =	vld.idx.msk [tilespmem:v13+s2+$0x0], $0xffff;
	v14 =	vmul.f32 v14, v17;
	[tilespmem:s6+$0x12220] =	vst v15  }
0x29c: {  	v5 =	vadd.s32 v5, v19;
	v10 =	vmul.f32 v10, v17;
	v15 =	vld [tilespmem:s14+$0x10630]  }
0x29d: {  	v18 =	vmul.f32 v21, v17;
	[tilespmem:s15+$0x12610] =	vst v14;
	v16 =	vld.idx.msk [tilespmem:v22+s2+$0x0], $0xffff  }
0x29e: {  	v17 =	vmul.f32 v24, v17;
	v14 =	vld.idx.msk [tilespmem:v22+s16+$0x0], $0xffff;
	[tilespmem:s23+$0x12210] =	vst v10  }
0x29f: {  	v10 =	vld.idx.msk [tilespmem:v22+s17+$0x0], $0xffff;
	[tilespmem:s24+$0x12210] =	vst v18  }
0x2a0: {  	v18 =	vld.idx.msk [tilespmem:v22+s18+$0x0], $0xffff;
	[tilespmem:s25+$0x12210] =	vst v17  }
0x2a1: {  	v17 =	vld.idx.msk [tilespmem:v5+s2+$0x0], $0xffff  }
0x2a2: {  	v21 =	vld [tilespmem:s15+$0x10620];
	v16 =	vmul.f32 v16, v15  }
0x2a3: {  	v22 =	vld.idx.msk [tilespmem:v5+s16+$0x0], $0xffff;
	v14 =	vmul.f32 v14, v15  }
0x2a4: {  	v23 =	vld.idx.msk [tilespmem:v5+s17+$0x0], $0xffff;
	v10 =	vmul.f32 v10, v15;
	[tilespmem:s14+$0x12630] =	vst v16;
	v16 =	vadd.s32 v3, v20  }
0x2a5: {  	v5 =	vld.idx.msk [tilespmem:v5+s18+$0x0], $0xffff;
	[tilespmem:s29+$0x12230] =	vst v14;
	v14 =	vmul.f32 v18, v15  }
0x2a6: {  	v15 =	vld.idx.msk [tilespmem:v13+s16+$0x0], $0xffff;
	[tilespmem:s20+$0x12230] =	vst v10  }
0x2a7: {  	v10 =	vld [tilespmem:s12+$0x10650];
	[tilespmem:s6+$0x12230] =	vst v14;
	v14 =	vmul.f32 v17, v21  }
0x2a8: {  	v4 =	vadd.s32 v4, v19;
	v18 =	vmul.f32 v22, v21;
	v17 =	vld [tilespmem:s14+$0x10640]  }
0x2a9: {  	v23 =	vmul.f32 v23, v21;
	v22 =	vld.idx.msk [tilespmem:v16+s2+$0x0], $0xffff;
	[tilespmem:s15+$0x12620] =	vst v14  }
0x2aa: {  	v5 =	vmul.f32 v5, v21;
	v14 =	vld.idx.msk [tilespmem:v16+s16+$0x0], $0xffff;
	[tilespmem:s23+$0x12220] =	vst v18  }
0x2ab: {  	v18 =	vld.idx.msk [tilespmem:v16+s17+$0x0], $0xffff;
	[tilespmem:s24+$0x12220] =	vst v23  }
0x2ac: {  	v16 =	vld.idx.msk [tilespmem:v16+s18+$0x0], $0xffff;
	[tilespmem:s25+$0x12220] =	vst v5  }
0x2ad: {  	v5 =	vld.idx.msk [tilespmem:v4+s2+$0x0], $0xffff  }
0x2ae: {  	v21 =	vmul.f32 v22, v17;
	v22 =	vld [tilespmem:s15+$0x10630]  }
0x2af: {  	v23 =	vld.idx.msk [tilespmem:v4+s16+$0x0], $0xffff;
	v14 =	vmul.f32 v14, v17  }
0x2b0: {  	v24 =	vld.idx.msk [tilespmem:v4+s17+$0x0], $0xffff;
	v18 =	vmul.f32 v18, v17;
	[tilespmem:s14+$0x12640] =	vst v21;
	v21 =	vadd.s32 v2, v20  }
0x2b1: {  	v4 =	vld.idx.msk [tilespmem:v4+s18+$0x0], $0xffff;
	[tilespmem:s29+$0x12240] =	vst v14;
	v14 =	vmul.f32 v16, v17  }
0x2b2: {  	v12 =	vmul.f32 v12, v10;
	v16 =	vld.idx.msk [tilespmem:v13+s17+$0x0], $0xffff;
	[tilespmem:s20+$0x12240] =	vst v18  }
0x2b3: {  	v13 =	vld.idx.msk [tilespmem:v13+s18+$0x0], $0xffff;
	[tilespmem:s6+$0x12240] =	vst v14;
	v5 =	vmul.f32 v5, v22  }
0x2b4: {  	v3 =	vadd.s32 v3, v19;
	[tilespmem:s12+$0x12650] =	vst v12;
	v14 =	vmul.f32 v23, v22;
	v12 =	vld [tilespmem:s14+$0x10650]  }
0x2b5: {  	v18 =	vmul.f32 v24, v22;
	v17 =	vld.idx.msk [tilespmem:v21+s2+$0x0], $0xffff;
	[tilespmem:s15+$0x12630] =	vst v5  }
0x2b6: {  	v4 =	vmul.f32 v4, v22;
	v5 =	vld.idx.msk [tilespmem:v21+s16+$0x0], $0xffff;
	[tilespmem:s23+$0x12230] =	vst v14  }
0x2b7: {  	v14 =	vmul.f32 v15, v10;
	v15 =	vld.idx.msk [tilespmem:v21+s17+$0x0], $0xffff;
	[tilespmem:s24+$0x12230] =	vst v18  }
0x2b8: {  	v16 =	vmul.f32 v16, v10;
	v18 =	vld.idx.msk [tilespmem:v21+s18+$0x0], $0xffff;
	[tilespmem:s25+$0x12230] =	vst v4  }
0x2b9: {  	v4 =	vmul.f32 v13, v10;
	[tilespmem:s31+$0x12250] =	vst v14;
	v10 =	vld.idx.msk [tilespmem:v3+s2+$0x0], $0xffff  }
0x2ba: {  	v13 =	vadd.s32 v1, v11;
	[tilespmem:s13+$0x12250] =	vst v16;
	v16 =	vld [tilespmem:s15+$0x10640];
	v14 =	vmul.f32 v17, v12  }
0x2bb: {  	[tilespmem:s30+$0x12250] =	vst v4;
	v4 =	vmul.f32 v5, v12;
	v5 =	vld.idx.msk [tilespmem:v3+s16+$0x0], $0xffff  }
0x2bc: {  	v17 =	vld.idx.msk [tilespmem:v3+s17+$0x0], $0xffff;
	[tilespmem:s14+$0x12650] =	vst v14;
	v14 =	vmul.f32 v15, v12;
	v15 =	vadd.s32 v1, v20  }
0x2bd: {  	v3 =	vld.idx.msk [tilespmem:v3+s18+$0x0], $0xffff;
	[tilespmem:s29+$0x12250] =	vst v4;
	v4 =	vmul.f32 v18, v12  }
0x2be: {  	v12 =	vld [tilespmem:s8+$0x10670];
	[tilespmem:s20+$0x12250] =	vst v14  }
0x2bf: {  	v14 =	vld.idx.msk [tilespmem:v13+s2+$0x0], $0xffff;
	[tilespmem:s6+$0x12250] =	vst v4;
	v4 =	vmul.f32 v10, v16  }
0x2c0: {  	v2 =	vadd.s32 v2, v19;
	v5 =	vmul.f32 v5, v16;
	v10 =	vld [tilespmem:s14+$0x10660]  }
0x2c1: {  	v17 =	vmul.f32 v17, v16;
	v18 =	vld.idx.msk [tilespmem:v15+s2+$0x0], $0xffff;
	[tilespmem:s15+$0x12640] =	vst v4  }
0x2c2: {  	v3 =	vmul.f32 v3, v16;
	v4 =	vld.idx.msk [tilespmem:v15+s16+$0x0], $0xffff;
	[tilespmem:s23+$0x12240] =	vst v5  }
0x2c3: {  	v5 =	vld.idx.msk [tilespmem:v15+s17+$0x0], $0xffff;
	[tilespmem:s24+$0x12240] =	vst v17  }
0x2c4: {  	v15 =	vld.idx.msk [tilespmem:v15+s18+$0x0], $0xffff;
	[tilespmem:s25+$0x12240] =	vst v3  }
0x2c5: {  	v3 =	vld.idx.msk [tilespmem:v2+s2+$0x0], $0xffff  }
0x2c6: {  	v17 =	vld [tilespmem:s15+$0x10650];
	v16 =	vmul.f32 v18, v10  }
0x2c7: {  	v18 =	vld.idx.msk [tilespmem:v2+s16+$0x0], $0xffff  }
0x2c8: {  	v4 =	vmul.f32 v4, v10;
	[tilespmem:s14+$0x12660] =	vst v16;
	v16 =	vld.idx.msk [tilespmem:v2+s17+$0x0], $0xffff  }
0x2c9: {  	v5 =	vmul.f32 v5, v10;
	v2 =	vld.idx.msk [tilespmem:v2+s18+$0x0], $0xffff  }
0x2ca: {  	v20 =	vadd.s32 v0, v20;
	[tilespmem:s29+$0x12260] =	vst v4;
	v4 =	vmul.f32 v15, v10;
	v10 =	vld.idx.msk [tilespmem:v13+s16+$0x0], $0xffff  }
0x2cb: {  	[tilespmem:s20+$0x12260] =	vst v5;
	v5 =	vld.idx.msk [tilespmem:v13+s17+$0x0], $0xffff;
	v3 =	vmul.f32 v3, v17  }
0x2cc: {  	v1 =	vadd.s32 v1, v19;
	v13 =	vld.idx.msk [tilespmem:v13+s18+$0x0], $0xffff;
	[tilespmem:s6+$0x12260] =	vst v4;
	v15 =	vmul.f32 v18, v17  }
0x2cd: {  	v18 =	vld [tilespmem:s12+$0x10660];
	[tilespmem:s15+$0x12650] =	vst v3;
	v16 =	vmul.f32 v16, v17  }
0x2ce: {  	v4 =	vld [tilespmem:s14+$0x10670];
	v2 =	vmul.f32 v2, v17;
	[tilespmem:s23+$0x12250] =	vst v15  }
0x2cf: {  	v7 =	vmul.f32 v7, v12;
	v3 =	vld.idx.msk [tilespmem:v20+s2+$0x0], $0xffff;
	[tilespmem:s24+$0x12250] =	vst v16  }
0x2d0: {  	v9 =	vmul.f32 v9, v12;
	v15 =	vld.idx.msk [tilespmem:v20+s16+$0x0], $0xffff;
	[tilespmem:s25+$0x12250] =	vst v2  }
0x2d1: {  	[tilespmem:s8+$0x12670] =	vst v7;
	v2 =	vmul.f32 v8, v12;
	v7 =	vld.idx.msk [tilespmem:v1+s2+$0x0], $0xffff  }
0x2d2: {  	[tilespmem:s10+$0x12270] =	vst v9;
	v8 =	vmul.f32 v14, v18;
	v9 =	vld [tilespmem:s15+$0x10660]  }
0x2d3: {  	[tilespmem:s11+$0x12270] =	vst v2;
	v2 =	vmul.f32 v10, v18;
	v10 =	vadd.s32 v0, v11;
	v11 =	vld.idx.msk [tilespmem:v1+s16+$0x0], $0xffff  }
0x2d4: {  	v5 =	vmul.f32 v5, v18;
	[tilespmem:s12+$0x12660] =	vst v8;
	v8 =	vld.idx.msk [tilespmem:v1+s17+$0x0], $0xffff  }
0x2d5: {  	v13 =	vmul.f32 v13, v18;
	v1 =	vld.idx.msk [tilespmem:v1+s18+$0x0], $0xffff;
	[tilespmem:s31+$0x12260] =	vst v2  }
0x2d6: {  	v2 =	vmul.f32 v6, v12;
	v6 =	vld.idx.msk [tilespmem:v20+s17+$0x0], $0xffff;
	[tilespmem:s13+$0x12260] =	vst v5  }
0x2d7: {  	v5 =	vld.idx.msk [tilespmem:v20+s18+$0x0], $0xffff;
	[tilespmem:s30+$0x12260] =	vst v13;
	v7 =	vmul.f32 v7, v9  }
0x2d8: {  	v0 =	vadd.s32 v0, v19;
	[tilespmem:s9+$0x12270] =	vst v2;
	v2 =	vld.idx.msk [tilespmem:v10+s2+$0x0], $0xffff;
	v11 =	vmul.f32 v11, v9  }
0x2d9: {  	v12 =	vld.idx.msk [tilespmem:v10+s16+$0x0], $0xffff;
	v8 =	vmul.f32 v8, v9;
	[tilespmem:s15+$0x12660] =	vst v7  }
0x2da: {  	v1 =	vmul.f32 v1, v9;
	v7 =	vld [tilespmem:s12+$0x10670];
	[tilespmem:s23+$0x12260] =	vst v11  }
0x2db: {  	v3 =	vmul.f32 v3, v4;
	v9 =	vld.idx.msk [tilespmem:v10+s17+$0x0], $0xffff;
	[tilespmem:s24+$0x12260] =	vst v8  }
0x2dc: {  	v10 =	vld.idx.msk [tilespmem:v10+s18+$0x0], $0xffff;
	v8 =	vmul.f32 v15, v4;
	[tilespmem:s25+$0x12260] =	vst v1  }
0x2dd: {  	[tilespmem:s14+$0x12670] =	vst v3;
	v1 =	vmul.f32 v6, v4;
	v3 =	vld.idx.msk [tilespmem:v0+s2+$0x0], $0xffff  }
0x2de: {  	v4 =	vmul.f32 v5, v4;
	[tilespmem:s29+$0x12270] =	vst v8;
	v5 =	vld [tilespmem:s15+$0x10670]  }
0x2df: {  	[tilespmem:s20+$0x12270] =	vst v1;
	v1 =	vmul.f32 v2, v7  }
0x2e0: {  	[tilespmem:s6+$0x12270] =	vst v4;
	v4 =	vmul.f32 v12, v7  }
0x2e1: {  	v2 =	vld.idx.msk [tilespmem:v0+s16+$0x0], $0xffff;
	v8 =	vmul.f32 v9, v7;
	[tilespmem:s12+$0x12670] =	vst v1  }
0x2e2: {  	v6 =	vld.idx.msk [tilespmem:v0+s17+$0x0], $0xffff;
	v1 =	vmul.f32 v10, v7;
	[tilespmem:s31+$0x12270] =	vst v4  }
0x2e3: {  	v0 =	vld.idx.msk [tilespmem:v0+s18+$0x0], $0xffff;
	[tilespmem:s13+$0x12270] =	vst v8;
	v3 =	vmul.f32 v3, v5  }
0x2e4: {  	[tilespmem:s30+$0x12270] =	vst v1  }
0x2e5: {  	s20 =	sshll.u32 s3, $0xD;
	[tilespmem:s15+$0x12670] =	vst v3  }
0x2e6: {  	s1 =	sand.u32 $0xE000, s20;
	v1 =	vmul.f32 v2, v5;
	s22 =	rddreg [dreg:$0x5]  }
0x2e7: {  	s7 =	sshll.u32 s7, $0x14;
	v2 =	vmul.f32 v6, v5;
	s1 =	sor.u32 s1, s22  }
0x2e8: {  	s26 =	simm.s32 $0x1000;
	p1 =	seq.s32 s3, $0xF;
	v0 =	vmul.f32 v0, v5;
	[tilespmem:s23+$0x12270] =	vst v1;
	s1 =	sor.u32 s7, s1  }
0x2e9: {  	s0 =	sadd.s32 @!p1 $0x2, s0;
	s31 =	rddreg [dreg:$0x2];
	[tilespmem:s24+$0x12270] =	vst v2;
	s1 =	sshrl.u32 s1, $0x3  }
0x2ea: {  	s6 =	simm.s32 $0x12200;
	[tilespmem:s25+$0x12270] =	vst v0;
	s25 =	simm.s32 $0x10000;
	s1 =	sadd.s32 s31, s1  }
0x2eb: {  	[hbm4b:s1+s26] =	stream.strided.scatter [tilespmem:s6], [sflag:$0x3], $0x4000, s25, s26, $0x38;
	[tilespmem:$0x1A200] =	vst v63  }
0x2ec: {  	s4 =	rddreg [dreg:$0x6];
	s1 =	sshrl.u32 @!p1 s0, $0x4;
	s0 =	sshll.u32 @!p1 s0, $0x9  }
0x2ed: {  	s1 =	sadd.s32 @!p1 s4, s1;
	s0 =	sand.u32 @!p1 $0x1C00, s0;
	s4 =	rddreg [dreg:$0x4]  }
0x2ee: {  	s28 =	simm.s32 $0x2;
	s1 =	sshll.u32 @!p1 s1, $0xD;
	s0 =	sadd.s32 @!p1 s4, s0  }
0x2ef: {  	s4 =	simm.s32 @!p1 $0x10200;
	s0 =	sadd.s32 @!p1 s1, s0;
	s1 =	simm.s32 @!p1 $0x0  }
0x2f0: {  	[tilespmem:s4], [sflag:$0x1] =	stream.linear.gather @!p1 [hbm4b:s0+s1], $0x1000, $0x38;
	[tilespmem:$0x1A200] =	vst v63  }
0x2f1: {  	_ =	swait.ge [sflag:s28], $0x1000  }
0x2f2: {  	[sflag:s28] =	ssyncset.done $0x0  }
0x2f3: {  	s29 =	sshll.u32 s21, $0x4;
	s0 =	simm.s32 @!p0 $0x4;
	[sflag:s28] =	ssyncadd.s32 $0xFFFFF000  }
0x2f4: {  	s21 =	sand.u32 $0xF0, s29;
	_ =	swait.ge @!p0 [sflag:s0], $0x4000  }
0x2f5: {  	s4 =	sshll.u32 s21, $0x1;
	[sflag:s0] =	ssyncset.done @!p0 $0x0  }
0x2f6: {  	s1 =	sand.u32 $0x70, s29;
	[sflag:s0] =	ssyncadd.s32 @!p0 $0xFFFFC000;
	s0 =	sand.u32 $0x100, s4  }
0x2f7: {  	s0 =	sor.u32 s1, s0  }
0x2f8: {  	v15 =	vld [tilespmem:s19+$0x10000];
	s0 =	sadd.s32 s0, s19  }
0x2f9: {  	v18 =	vld [tilespmem:s0+$0x10000]  }
0x2fa: {  	v16 =	vld [tilespmem:s19+$0x10010]  }
0x2fb: {  	v17 =	vld [tilespmem:s19+$0x10020]  }
0x2fc: {  	s5 =	simm.s32 $0x0;
	v14 =	vld [tilespmem:s19+$0x10030]  }
0x2fd: {  	v0 =	vmov s5;
	v13 =	vld [tilespmem:s19+$0x10040]  }
0x2fe: {  	s6 =	simm.s32 $0x1;
	v12 =	vld [tilespmem:s19+$0x10050];
	v0 =	vperm.xlane v18, v0  }
0x2ff: {  	v1 =	vmov s6;
	v10 =	vld [tilespmem:s19+$0x10060]  }
0x300: {  	v9 =	vld [tilespmem:s19+$0x10070];
	v8 =	vshll.u32 v0, $0x7;
	v0 =	vperm.xlane v18, v1  }
0x301: {  	v7 =	vld [tilespmem:s19+$0x10100]  }
0x302: {  	v6 =	vld [tilespmem:s19+$0x10110];
	v19 =	vshll.u32 v0, $0x7  }
0x303: {  	v5 =	vld [tilespmem:s19+$0x10120];
	v20 =	vadd.s32 v15, v19  }
0x304: {  	s8 =	simm.s32 $0x80;
	v4 =	vld [tilespmem:s19+$0x10130]  }
0x305: {  	s9 =	sand.u32 $0x800, s5;
	v3 =	vld [tilespmem:s19+$0x10140];
	s1 =	sand.u32 $0x380, s8  }
0x306: {  	v2 =	vld [tilespmem:s19+$0x10150];
	s22 =	sor.u32 s9, s1  }
0x307: {  	v22 =	vld [tilespmem:s22+$0x11200]  }
0x308: {  	v23 =	vld.idx.msk [tilespmem:v20+s2+$0x0], $0xffff  }
0x309: {  	s10 =	simm.s32 $0x0;
	v24 =	vld.idx.msk [tilespmem:v20+s16+$0x0], $0xffff  }
0x30a: {  	s1 =	sand.u32 $0x300, s10;
	v11 =	vadd.s32 v15, v8;
	v25 =	vld.idx.msk [tilespmem:v20+s17+$0x0], $0xffff  }
0x30b: {  	s8 =	sor.u32 s1, s9;
	v20 =	vld.idx.msk [tilespmem:v20+s18+$0x0], $0xffff  }
0x30c: {  	v29 =	vld [tilespmem:s8+$0x11200]  }
0x30d: {  	v1 =	vld [tilespmem:s19+$0x10160]  }
0x30e: {  	v0 =	vld [tilespmem:s19+$0x10170];
	v23 =	vmul.f32 v23, v22  }
0x30f: {  	v28 =	vadd.s32 v16, v19;
	v21 =	vld.idx.msk [tilespmem:v11+s2+$0x0], $0xffff;
	v24 =	vmul.f32 v24, v22  }
0x310: {  	v26 =	vld.idx.msk [tilespmem:v11+s16+$0x0], $0xffff;
	v20 =	vmul.f32 v20, v22;
	[tilespmem:s22+$0x16200] =	vst v23  }
0x311: {  	v27 =	vld.idx.msk [tilespmem:v11+s17+$0x0], $0xffff;
	v23 =	vmul.f32 v25, v22;
	[tilespmem:s22+$0x17200] =	vst v24  }
0x312: {  	v11 =	vld.idx.msk [tilespmem:v11+s18+$0x0], $0xffff;
	[tilespmem:s22+$0x19200] =	vst v20  }
0x313: {  	v20 =	vld [tilespmem:s22+$0x11210];
	[tilespmem:s22+$0x18200] =	vst v23  }
0x314: {  	v21 =	vmul.f32 v21, v29;
	v23 =	vld.idx.msk [tilespmem:v28+s2+$0x0], $0xffff  }
0x315: {  	v24 =	vld.idx.msk [tilespmem:v28+s16+$0x0], $0xffff  }
0x316: {  	v26 =	vmul.f32 v26, v29;
	[tilespmem:s8+$0x16200] =	vst v21;
	v21 =	vadd.s32 v16, v8;
	v30 =	vld.idx.msk [tilespmem:v28+s17+$0x0], $0xffff  }
0x317: {  	v27 =	vmul.f32 v27, v29;
	v28 =	vld.idx.msk [tilespmem:v28+s18+$0x0], $0xffff  }
0x318: {  	v11 =	vmul.f32 v11, v29;
	[tilespmem:s8+$0x17200] =	vst v26  }
0x319: {  	[tilespmem:s8+$0x18200] =	vst v27;
	v23 =	vmul.f32 v23, v20  }
0x31a: {  	[tilespmem:s8+$0x19200] =	vst v11;
	v25 =	vld [tilespmem:s8+$0x11210];
	v11 =	vmul.f32 v24, v20;
	v24 =	vadd.s32 v17, v19  }
0x31b: {  	v29 =	vld.idx.msk [tilespmem:v21+s17+$0x0], $0xffff;
	[tilespmem:s22+$0x16210] =	vst v23;
	v23 =	vmul.f32 v30, v20  }
0x31c: {  	[tilespmem:s22+$0x17210] =	vst v11;
	v11 =	vmul.f32 v28, v20;
	v20 =	vld.idx.msk [tilespmem:v21+s2+$0x0], $0xffff  }
0x31d: {  	v28 =	vld.idx.msk [tilespmem:v21+s16+$0x0], $0xffff;
	[tilespmem:s22+$0x18210] =	vst v23  }
0x31e: {  	[tilespmem:s22+$0x19210] =	vst v11;
	v11 =	vld [tilespmem:s22+$0x11220]  }
0x31f: {  	v23 =	vld.idx.msk [tilespmem:v24+s2+$0x0], $0xffff  }
0x320: {  	v26 =	vld.idx.msk [tilespmem:v24+s16+$0x0], $0xffff  }
0x321: {  	v27 =	vld.idx.msk [tilespmem:v24+s17+$0x0], $0xffff;
	v20 =	vmul.f32 v20, v25  }
0x322: {  	v24 =	vld.idx.msk [tilespmem:v24+s18+$0x0], $0xffff  }
0x323: {  	v30 =	vld.idx.msk [tilespmem:v21+s18+$0x0], $0xffff;
	[tilespmem:s8+$0x16210] =	vst v20;
	v20 =	vmul.f32 v29, v25  }
0x324: {  	v23 =	vmul.f32 v23, v11  }
0x325: {  	v31 =	vadd.s32 v14, v19;
	v26 =	vmul.f32 v26, v11;
	[tilespmem:s8+$0x18210] =	vst v20  }
0x326: {  	v22 =	vld [tilespmem:s8+$0x11220];
	v21 =	vmul.f32 v27, v11;
	[tilespmem:s22+$0x16220] =	vst v23  }
0x327: {  	v11 =	vmul.f32 v24, v11;
	v24 =	vld [tilespmem:s8+$0x11240];
	[tilespmem:s22+$0x17220] =	vst v26  }
0x328: {  	v20 =	vld [tilespmem:s8+$0x11270];
	[tilespmem:s22+$0x18220] =	vst v21  }
0x329: {  	[tilespmem:s22+$0x19220] =	vst v11;
	v11 =	vld [tilespmem:s22+$0x11230]  }
0x32a: {  	v27 =	vld.idx.msk [tilespmem:v31+s2+$0x0], $0xffff  }
0x32b: {  	v29 =	vadd.s32 v17, v8;
	v21 =	vmul.f32 v28, v25;
	v28 =	vld.idx.msk [tilespmem:v31+s16+$0x0], $0xffff  }
0x32c: {  	v36 =	vld.idx.msk [tilespmem:v31+s17+$0x0], $0xffff  }
0x32d: {  	v25 =	vmul.f32 v30, v25;
	v30 =	vld.idx.msk [tilespmem:v31+s18+$0x0], $0xffff  }
0x32e: {  	v23 =	vld [tilespmem:s8+$0x11230];
	[tilespmem:s8+$0x17210] =	vst v21  }
0x32f: {  	v26 =	vld [tilespmem:s8+$0x11250];
	[tilespmem:s8+$0x19210] =	vst v25;
	v25 =	vmul.f32 v27, v11  }
0x330: {  	v31 =	vadd.s32 v13, v19;
	v27 =	vld.idx.msk [tilespmem:v29+s2+$0x0], $0xffff;
	v28 =	vmul.f32 v28, v11  }
0x331: {  	v37 =	vld.idx.msk [tilespmem:v29+s16+$0x0], $0xffff;
	[tilespmem:s22+$0x16230] =	vst v25;
	v25 =	vmul.f32 v36, v11  }
0x332: {  	v38 =	vld.idx.msk [tilespmem:v29+s17+$0x0], $0xffff;
	[tilespmem:s22+$0x17230] =	vst v28;
	v28 =	vmul.f32 v30, v11  }
0x333: {  	v29 =	vld.idx.msk [tilespmem:v29+s18+$0x0], $0xffff;
	[tilespmem:s22+$0x18230] =	vst v25  }
0x334: {  	[tilespmem:s22+$0x19230] =	vst v28;
	v25 =	vld [tilespmem:s22+$0x11240]  }
0x335: {  	v27 =	vmul.f32 v27, v22;
	v28 =	vld.idx.msk [tilespmem:v31+s2+$0x0], $0xffff  }
0x336: {  	v39 =	vadd.s32 v14, v8;
	v30 =	vmul.f32 v37, v22;
	v40 =	vld.idx.msk [tilespmem:v31+s16+$0x0], $0xffff  }
0x337: {  	v41 =	vld.idx.msk [tilespmem:v31+s17+$0x0], $0xffff;
	[tilespmem:s8+$0x16220] =	vst v27;
	v27 =	vmul.f32 v38, v22  }
0x338: {  	[tilespmem:s8+$0x17220] =	vst v30;
	v22 =	vmul.f32 v29, v22;
	v29 =	vld.idx.msk [tilespmem:v31+s18+$0x0], $0xffff  }
0x339: {  	v21 =	vld [tilespmem:s8+$0x11260];
	[tilespmem:s8+$0x18220] =	vst v27  }
0x33a: {  	v11 =	vld [tilespmem:s8+$0x11600];
	[tilespmem:s8+$0x19220] =	vst v22;
	v22 =	vmul.f32 v28, v25  }
0x33b: {  	v30 =	vadd.s32 v12, v19;
	v27 =	vld.idx.msk [tilespmem:v39+s2+$0x0], $0xffff;
	v28 =	vmul.f32 v40, v25  }
0x33c: {  	v31 =	vld.idx.msk [tilespmem:v39+s16+$0x0], $0xffff;
	[tilespmem:s22+$0x16240] =	vst v22;
	v22 =	vmul.f32 v41, v25  }
0x33d: {  	v42 =	vld.idx.msk [tilespmem:v39+s17+$0x0], $0xffff;
	[tilespmem:s22+$0x17240] =	vst v28;
	v25 =	vmul.f32 v29, v25  }
0x33e: {  	v28 =	vld.idx.msk [tilespmem:v39+s18+$0x0], $0xffff;
	[tilespmem:s22+$0x18240] =	vst v22  }
0x33f: {  	[tilespmem:s22+$0x19240] =	vst v25;
	v22 =	vld [tilespmem:s22+$0x11250]  }
0x340: {  	v25 =	vld.idx.msk [tilespmem:v30+s2+$0x0], $0xffff;
	v27 =	vmul.f32 v27, v23  }
0x341: {  	v43 =	vadd.s32 v13, v8;
	v29 =	vld.idx.msk [tilespmem:v30+s16+$0x0], $0xffff;
	v31 =	vmul.f32 v31, v23  }
0x342: {  	v44 =	vld.idx.msk [tilespmem:v30+s17+$0x0], $0xffff;
	[tilespmem:s8+$0x16230] =	vst v27;
	v27 =	vmul.f32 v42, v23  }
0x343: {  	v30 =	vld.idx.msk [tilespmem:v30+s18+$0x0], $0xffff;
	[tilespmem:s8+$0x17230] =	vst v31;
	v23 =	vmul.f32 v28, v23  }
0x344: {  	[tilespmem:s8+$0x18230] =	vst v27  }
0x345: {  	[tilespmem:s8+$0x19230] =	vst v23;
	v23 =	vmul.f32 v25, v22  }
0x346: {  	v28 =	vadd.s32 v10, v19;
	v27 =	vmul.f32 v29, v22;
	v25 =	vld.idx.msk [tilespmem:v43+s2+$0x0], $0xffff  }
0x347: {  	v29 =	vld.idx.msk [tilespmem:v43+s16+$0x0], $0xffff;
	[tilespmem:s22+$0x16250] =	vst v23;
	v23 =	vmul.f32 v44, v22  }
0x348: {  	v31 =	vld.idx.msk [tilespmem:v43+s17+$0x0], $0xffff;
	[tilespmem:s22+$0x17250] =	vst v27;
	v22 =	vmul.f32 v30, v22  }
0x349: {  	v27 =	vld.idx.msk [tilespmem:v43+s18+$0x0], $0xffff;
	[tilespmem:s22+$0x18250] =	vst v23  }
0x34a: {  	[tilespmem:s22+$0x19250] =	vst v22;
	v22 =	vld [tilespmem:s22+$0x11260]  }
0x34b: {  	v23 =	vld.idx.msk [tilespmem:v28+s2+$0x0], $0xffff;
	v25 =	vmul.f32 v25, v24  }
0x34c: {  	v45 =	vadd.s32 v12, v8;
	v30 =	vld.idx.msk [tilespmem:v28+s16+$0x0], $0xffff;
	v29 =	vmul.f32 v29, v24  }
0x34d: {  	v46 =	vld.idx.msk [tilespmem:v28+s17+$0x0], $0xffff;
	[tilespmem:s8+$0x16240] =	vst v25;
	v25 =	vmul.f32 v31, v24  }
0x34e: {  	v28 =	vld.idx.msk [tilespmem:v28+s18+$0x0], $0xffff;
	[tilespmem:s8+$0x17240] =	vst v29;
	v24 =	vmul.f32 v27, v24  }
0x34f: {  	[tilespmem:s8+$0x18240] =	vst v25  }
0x350: {  	[tilespmem:s8+$0x19240] =	vst v24;
	v23 =	vmul.f32 v23, v22  }
0x351: {  	v27 =	vadd.s32 v9, v19;
	v25 =	vmul.f32 v30, v22;
	v24 =	vld.idx.msk [tilespmem:v45+s2+$0x0], $0xffff  }
0x352: {  	v29 =	vld.idx.msk [tilespmem:v45+s16+$0x0], $0xffff;
	[tilespmem:s22+$0x16260] =	vst v23;
	v23 =	vmul.f32 v46, v22  }
0x353: {  	[tilespmem:s22+$0x17260] =	vst v25;
	v22 =	vmul.f32 v28, v22;
	v25 =	vld.idx.msk [tilespmem:v45+s18+$0x0], $0xffff  }
0x354: {  	v30 =	vld.idx.msk [tilespmem:v45+s17+$0x0], $0xffff;
	[tilespmem:s22+$0x18260] =	vst v23  }
0x355: {  	[tilespmem:s22+$0x19260] =	vst v22;
	v22 =	vld [tilespmem:s22+$0x11270]  }
0x356: {  	v23 =	vld.idx.msk [tilespmem:v27+s2+$0x0], $0xffff;
	v24 =	vmul.f32 v24, v26  }
0x357: {  	v31 =	vadd.s32 v10, v8;
	v28 =	vld.idx.msk [tilespmem:v27+s16+$0x0], $0xffff;
	v29 =	vmul.f32 v29, v26  }
0x358: {  	v47 =	vld.idx.msk [tilespmem:v27+s17+$0x0], $0xffff;
	v25 =	vmul.f32 v25, v26;
	[tilespmem:s8+$0x16250] =	vst v24  }
0x359: {  	v27 =	vld.idx.msk [tilespmem:v27+s18+$0x0], $0xffff;
	v24 =	vmul.f32 v30, v26;
	[tilespmem:s8+$0x17250] =	vst v29  }
0x35a: {  	[tilespmem:s8+$0x19250] =	vst v25  }
0x35b: {  	[tilespmem:s8+$0x18250] =	vst v24;
	v23 =	vmul.f32 v23, v22  }
0x35c: {  	v26 =	vadd.s32 v7, v19;
	v25 =	vmul.f32 v28, v22;
	v24 =	vld.idx.msk [tilespmem:v31+s2+$0x0], $0xffff  }
0x35d: {  	v28 =	vld.idx.msk [tilespmem:v31+s16+$0x0], $0xffff;
	[tilespmem:s22+$0x16270] =	vst v23;
	v23 =	vmul.f32 v47, v22  }
0x35e: {  	v29 =	vld.idx.msk [tilespmem:v31+s17+$0x0], $0xffff;
	[tilespmem:s22+$0x17270] =	vst v25;
	v22 =	vmul.f32 v27, v22  }
0x35f: {  	v25 =	vld.idx.msk [tilespmem:v31+s18+$0x0], $0xffff;
	[tilespmem:s22+$0x18270] =	vst v23  }
0x360: {  	[tilespmem:s22+$0x19270] =	vst v22;
	v22 =	vld [tilespmem:s22+$0x11600]  }
0x361: {  	v23 =	vld.idx.msk [tilespmem:v26+s2+$0x0], $0xffff  }
0x362: {  	v27 =	vld.idx.msk [tilespmem:v26+s16+$0x0], $0xffff;
	v24 =	vmul.f32 v24, v21  }
0x363: {  	v30 =	vadd.s32 v9, v8;
	v31 =	vld.idx.msk [tilespmem:v26+s17+$0x0], $0xffff;
	v28 =	vmul.f32 v28, v21  }
0x364: {  	v26 =	vld.idx.msk [tilespmem:v26+s18+$0x0], $0xffff;
	[tilespmem:s8+$0x16260] =	vst v24;
	v24 =	vmul.f32 v29, v21  }
0x365: {  	s0 =	sand.u32 $0xFFFFF800, s5;
	[tilespmem:s8+$0x17260] =	vst v28;
	v21 =	vmul.f32 v25, v21  }
0x366: {  	s0 =	sadd.s32 $0x0, s0;
	[tilespmem:s8+$0x18260] =	vst v24;
	v23 =	vmul.f32 v23, v22  }
0x367: {  	s11 =	sadd.s32 $0x80, s0;
	[tilespmem:s8+$0x19260] =	vst v21;
	v21 =	vmul.f32 v27, v22  }
0x368: {  	s26 =	sor.u32 $0x1400, s11;
	v25 =	vadd.s32 v6, v19;
	v24 =	vld.idx.msk [tilespmem:v30+s2+$0x0], $0xffff;
	[tilespmem:s22+$0x16600] =	vst v23;
	v23 =	vmul.f32 v31, v22  }
0x369: {  	s29 =	sor.u32 $0x2400, s11;
	v27 =	vld.idx.msk [tilespmem:v30+s16+$0x0], $0xffff;
	[tilespmem:s26+$0x16200] =	vst v21;
	v21 =	vmul.f32 v26, v22  }
0x36a: {  	s1 =	sor.u32 $0x3400, s11;
	v22 =	vld.idx.msk [tilespmem:v30+s17+$0x0], $0xffff;
	[tilespmem:s29+$0x16200] =	vst v23  }
0x36b: {  	v23 =	vld.idx.msk [tilespmem:v30+s18+$0x0], $0xffff;
	[tilespmem:s1+$0x16200] =	vst v21  }
0x36c: {  	v21 =	vld [tilespmem:s22+$0x11610]  }
0x36d: {  	v26 =	vld.idx.msk [tilespmem:v25+s2+$0x0], $0xffff  }
0x36e: {  	v24 =	vmul.f32 v24, v20;
	v28 =	vld.idx.msk [tilespmem:v25+s16+$0x0], $0xffff  }
0x36f: {  	v29 =	vadd.s32 v7, v8;
	v27 =	vmul.f32 v27, v20;
	v30 =	vld.idx.msk [tilespmem:v25+s17+$0x0], $0xffff  }
0x370: {  	s14 =	simm.s32 $0x200;
	s15 =	simm.s32 $0x180;
	[tilespmem:s8+$0x16270] =	vst v24;
	v22 =	vmul.f32 v22, v20;
	v24 =	vld.idx.msk [tilespmem:v25+s18+$0x0], $0xffff  }
0x371: {  	s4 =	sand.u32 $0x380, s15;
	s19 =	sand.u32 $0x800, s14;
	[tilespmem:s8+$0x17270] =	vst v27;
	v20 =	vmul.f32 v23, v20  }
0x372: {  	s25 =	sor.u32 s19, s4;
	[tilespmem:s8+$0x18270] =	vst v22;
	v22 =	vmul.f32 v26, v21  }
0x373: {  	v58 =	vld [tilespmem:s25+$0x11210];
	[tilespmem:s8+$0x19270] =	vst v20;
	v20 =	vmul.f32 v28, v21  }
0x374: {  	v25 =	vadd.s32 v5, v19;
	v23 =	vld.idx.msk [tilespmem:v29+s2+$0x0], $0xffff;
	[tilespmem:s22+$0x16610] =	vst v22;
	v22 =	vmul.f32 v30, v21  }
0x375: {  	v26 =	vld.idx.msk [tilespmem:v29+s16+$0x0], $0xffff;
	[tilespmem:s26+$0x16210] =	vst v20;
	v20 =	vmul.f32 v24, v21  }
0x376: {  	v21 =	vld.idx.msk [tilespmem:v29+s17+$0x0], $0xffff;
	[tilespmem:s29+$0x16210] =	vst v22  }
0x377: {  	v22 =	vld.idx.msk [tilespmem:v29+s18+$0x0], $0xffff;
	[tilespmem:s1+$0x16210] =	vst v20  }
0x378: {  	v20 =	vld [tilespmem:s22+$0x11620]  }
0x379: {  	v23 =	vmul.f32 v23, v11;
	v24 =	vld.idx.msk [tilespmem:v25+s2+$0x0], $0xffff  }
0x37a: {  	s20 =	simm.s32 $0x100;
	v27 =	vadd.s32 v6, v8;
	v26 =	vmul.f32 v26, v11;
	v28 =	vld.idx.msk [tilespmem:v25+s16+$0x0], $0xffff  }
0x37b: {  	s12 =	simm.s32 $0x2;
	s10 =	sor.u32 $0x1400, s0;
	s4 =	sand.u32 $0x300, s20;
	[tilespmem:s8+$0x16600] =	vst v23;
	v21 =	vmul.f32 v21, v11;
	v23 =	vld.idx.msk [tilespmem:v25+s17+$0x0], $0xffff  }
0x37c: {  	s11 =	sor.u32 $0x2400, s0;
	[tilespmem:s10+$0x16200] =	vst v26;
	v11 =	vmul.f32 v22, v11;
	v22 =	vld.idx.msk [tilespmem:v25+s18+$0x0], $0xffff;
	v25 =	vmov s12;
	s12 =	sor.u32 s4, s19  }
0x37d: {  	s9 =	sor.u32 $0x3400, s0;
	[tilespmem:s11+$0x16200] =	vst v21;
	v57 =	vld [tilespmem:s12+$0x11200]  }
0x37e: {  	v35 =	vld [tilespmem:s12+$0x11220];
	[tilespmem:s9+$0x16200] =	vst v11;
	v11 =	vmul.f32 v24, v20  }
0x37f: {  	v24 =	vmul.f32 v28, v20;
	v21 =	vld.idx.msk [tilespmem:v27+s2+$0x0], $0xffff  }
0x380: {  	v26 =	vld.idx.msk [tilespmem:v27+s16+$0x0], $0xffff;
	[tilespmem:s22+$0x16620] =	vst v11;
	v11 =	vmul.f32 v23, v20;
	v23 =	vadd.s32 v4, v19  }
0x381: {  	v28 =	vld [tilespmem:s8+$0x11610];
	[tilespmem:s26+$0x16220] =	vst v24;
	v20 =	vmul.f32 v22, v20  }
0x382: {  	v25 =	vperm.xlane v18, v25;
	v22 =	vld.idx.msk [tilespmem:v27+s17+$0x0], $0xffff;
	[tilespmem:s29+$0x16220] =	vst v11  }
0x383: {  	v24 =	vld.idx.msk [tilespmem:v27+s18+$0x0], $0xffff;
	[tilespmem:s1+$0x16220] =	vst v20  }
0x384: {  	v11 =	vshll.u32 v25, $0x7;
	v25 =	vld [tilespmem:s22+$0x11630]  }
0x385: {  	v20 =	vadd.s32 v15, v11;
	v27 =	vld.idx.msk [tilespmem:v23+s2+$0x0], $0xffff  }
0x386: {  	v21 =	vmul.f32 v21, v28;
	v29 =	vld.idx.msk [tilespmem:v23+s16+$0x0], $0xffff  }
0x387: {  	v26 =	vmul.f32 v26, v28;
	v30 =	vld.idx.msk [tilespmem:v23+s17+$0x0], $0xffff  }
0x388: {  	v22 =	vmul.f32 v22, v28;
	[tilespmem:s8+$0x16610] =	vst v21;
	v21 =	vld.idx.msk [tilespmem:v23+s18+$0x0], $0xffff  }
0x389: {  	v31 =	vadd.s32 v5, v8;
	v42 =	vld [tilespmem:s12+$0x11240];
	v23 =	vmul.f32 v24, v28;
	[tilespmem:s10+$0x16210] =	vst v26  }
0x38a: {  	v48 =	vld.idx.msk [tilespmem:v20+s2+$0x0], $0xffff;
	[tilespmem:s11+$0x16210] =	vst v22;
	v22 =	vmul.f32 v27, v25  }
0x38b: {  	v24 =	vld.idx.msk [tilespmem:v20+s16+$0x0], $0xffff;
	[tilespmem:s9+$0x16210] =	vst v23;
	v23 =	vmul.f32 v29, v25  }
0x38c: {  	v28 =	vadd.s32 v3, v19;
	v49 =	vld.idx.msk [tilespmem:v20+s17+$0x0], $0xffff;
	[tilespmem:s22+$0x16630] =	vst v22;
	v22 =	vmul.f32 v30, v25  }
0x38d: {  	v50 =	vld.idx.msk [tilespmem:v20+s18+$0x0], $0xffff;
	v21 =	vmul.f32 v21, v25;
	[tilespmem:s26+$0x16230] =	vst v23  }
0x38e: {  	s13 =	simm.s32 $0x3;
	v20 =	vld.idx.msk [tilespmem:v31+s2+$0x0], $0xffff;
	[tilespmem:s29+$0x16230] =	vst v22  }
0x38f: {  	v26 =	vld.idx.msk [tilespmem:v31+s16+$0x0], $0xffff;
	[tilespmem:s1+$0x16230] =	vst v21;
	v21 =	vmov s13  }
0x390: {  	v22 =	vld [tilespmem:s22+$0x11640];
	v21 =	vperm.xlane v18, v21  }
0x391: {  	v25 =	vld.idx.msk [tilespmem:v28+s2+$0x0], $0xffff  }
0x392: {  	v30 =	vld.idx.msk [tilespmem:v28+s16+$0x0], $0xffff;
	v23 =	vshll.u32 v21, $0x7  }
0x393: {  	v21 =	vld.idx.msk [tilespmem:v28+s17+$0x0], $0xffff;
	v51 =	vadd.s32 v15, v23  }
0x394: {  	v52 =	vld.idx.msk [tilespmem:v28+s18+$0x0], $0xffff  }
0x395: {  	v27 =	vld.idx.msk [tilespmem:v31+s17+$0x0], $0xffff  }
0x396: {  	v28 =	vld.idx.msk [tilespmem:v31+s18+$0x0], $0xffff;
	v25 =	vmul.f32 v25, v22  }
0x397: {  	v31 =	vld [tilespmem:s25+$0x11200];
	v30 =	vmul.f32 v30, v22  }
0x398: {  	[tilespmem:s22+$0x16640] =	vst v25;
	v21 =	vmul.f32 v21, v22;
	v25 =	vadd.s32 v2, v19;
	v53 =	vld.idx.msk [tilespmem:v51+s2+$0x0], $0xffff  }
0x399: {  	v22 =	vmul.f32 v52, v22;
	v54 =	vld.idx.msk [tilespmem:v51+s16+$0x0], $0xffff;
	[tilespmem:s26+$0x16240] =	vst v30  }
0x39a: {  	v30 =	vld.idx.msk [tilespmem:v51+s17+$0x0], $0xffff;
	[tilespmem:s29+$0x16240] =	vst v21  }
0x39b: {  	v21 =	vld.idx.msk [tilespmem:v51+s18+$0x0], $0xffff;
	[tilespmem:s1+$0x16240] =	vst v22  }
0x39c: {  	v22 =	vld [tilespmem:s22+$0x11650]  }
0x39d: {  	v24 =	vmul.f32 v24, v57;
	v55 =	vld.idx.msk [tilespmem:v25+s2+$0x0], $0xffff  }
0x39e: {  	v56 =	vld.idx.msk [tilespmem:v25+s16+$0x0], $0xffff;
	v37 =	vmul.f32 v53, v31  }
0x39f: {  	[tilespmem:s12+$0x17200] =	vst v24;
	v40 =	vadd.s32 v16, v23;
	v39 =	vld.idx.msk [tilespmem:v25+s17+$0x0], $0xffff;
	v38 =	vmul.f32 v54, v31  }
0x3a0: {  	v25 =	vld.idx.msk [tilespmem:v25+s18+$0x0], $0xffff;
	v30 =	vmul.f32 v30, v31;
	[tilespmem:s25+$0x16200] =	vst v37  }
0x3a1: {  	v29 =	vld [tilespmem:s8+$0x11620];
	v21 =	vmul.f32 v21, v31;
	[tilespmem:s25+$0x17200] =	vst v38  }
0x3a2: {  	v51 =	vld [tilespmem:s25+$0x11230];
	[tilespmem:s25+$0x18200] =	vst v30;
	v30 =	vmul.f32 v55, v22  }
0x3a3: {  	v31 =	vld [tilespmem:s12+$0x11210];
	[tilespmem:s25+$0x19200] =	vst v21;
	v21 =	vmul.f32 v56, v22  }
0x3a4: {  	v59 =	vadd.s32 v1, v19;
	v38 =	vld.idx.msk [tilespmem:v40+s2+$0x0], $0xffff;
	[tilespmem:s22+$0x16650] =	vst v30;
	v30 =	vmul.f32 v39, v22  }
0x3a5: {  	[tilespmem:s26+$0x16250] =	vst v21;
	v21 =	vmul.f32 v25, v22;
	v25 =	vld.idx.msk [tilespmem:v40+s16+$0x0], $0xffff  }
0x3a6: {  	v22 =	vmul.f32 v48, v57;
	[tilespmem:s29+$0x16250] =	vst v30;
	v30 =	vld.idx.msk [tilespmem:v40+s17+$0x0], $0xffff  }
0x3a7: {  	v61 =	vadd.s32 v16, v11;
	v60 =	vld.idx.msk [tilespmem:v40+s18+$0x0], $0xffff;
	[tilespmem:s1+$0x16250] =	vst v21;
	v21 =	vmul.f32 v49, v57  }
0x3a8: {  	[tilespmem:s12+$0x16200] =	vst v22;
	v22 =	vmul.f32 v50, v57;
	v62 =	vld [tilespmem:s22+$0x11660]  }
0x3a9: {  	v24 =	vld.idx.msk [tilespmem:v59+s2+$0x0], $0xffff;
	[tilespmem:s12+$0x18200] =	vst v21;
	v21 =	vmul.f32 v38, v58  }
0x3aa: {  	v63 =	vld.idx.msk [tilespmem:v59+s16+$0x0], $0xffff;
	[tilespmem:s12+$0x19200] =	vst v22;
	v22 =	vmul.f32 v25, v58;
	v25 =	vadd.s32 v17, v23  }
0x3ab: {  	v45 =	vld.idx.msk [tilespmem:v59+s17+$0x0], $0xffff;
	[tilespmem:s25+$0x16210] =	vst v21;
	v21 =	vmul.f32 v30, v58  }
0x3ac: {  	v46 =	vld.idx.msk [tilespmem:v61+s2+$0x0], $0xffff;
	[tilespmem:s25+$0x17210] =	vst v22;
	v22 =	vmul.f32 v60, v58  }
0x3ad: {  	v41 =	vld.idx.msk [tilespmem:v61+s17+$0x0], $0xffff;
	[tilespmem:s25+$0x18210] =	vst v21  }
0x3ae: {  	v57 =	vmul.f32 v20, v29;
	v21 =	vld [tilespmem:s25+$0x11220];
	[tilespmem:s25+$0x19210] =	vst v22  }
0x3af: {  	v26 =	vmul.f32 v26, v29;
	v22 =	vld.idx.msk [tilespmem:v25+s2+$0x0], $0xffff  }
0x3b0: {  	v27 =	vmul.f32 v27, v29;
	[tilespmem:s8+$0x16620] =	vst v57;
	v47 =	vld.idx.msk [tilespmem:v25+s16+$0x0], $0xffff  }
0x3b1: {  	v28 =	vmul.f32 v28, v29;
	[tilespmem:s10+$0x16220] =	vst v26;
	v48 =	vld.idx.msk [tilespmem:v25+s17+$0x0], $0xffff  }
0x3b2: {  	[tilespmem:s11+$0x16220] =	vst v27;
	v24 =	vmul.f32 v24, v62;
	v25 =	vld.idx.msk [tilespmem:v25+s18+$0x0], $0xffff  }
0x3b3: {  	v49 =	vld.idx.msk [tilespmem:v61+s16+$0x0], $0xffff;
	[tilespmem:s9+$0x16220] =	vst v28;
	v54 =	vmul.f32 v41, v31  }
0x3b4: {  	v30 =	vld.idx.msk [tilespmem:v59+s18+$0x0], $0xffff;
	[tilespmem:s22+$0x16660] =	vst v24;
	v22 =	vmul.f32 v22, v21  }
0x3b5: {  	v50 =	vadd.s32 v14, v23;
	v33 =	vld.idx.msk [tilespmem:v61+s18+$0x0], $0xffff;
	[tilespmem:s12+$0x18210] =	vst v54;
	v24 =	vmul.f32 v47, v21  }
0x3b6: {  	v39 =	vld [tilespmem:s12+$0x11230];
	[tilespmem:s25+$0x16220] =	vst v22;
	v22 =	vmul.f32 v48, v21  }
0x3b7: {  	v20 =	vld [tilespmem:s12+$0x11600];
	[tilespmem:s25+$0x17220] =	vst v24;
	v21 =	vmul.f32 v25, v21  }
0x3b8: {  	v54 =	vld [tilespmem:s8+$0x11630];
	[tilespmem:s25+$0x18220] =	vst v22  }
0x3b9: {  	v24 =	vmul.f32 v63, v62;
	v25 =	vld [tilespmem:s12+$0x11250];
	[tilespmem:s25+$0x19220] =	vst v21  }
0x3ba: {  	v21 =	vmul.f32 v49, v31;
	v52 =	vld.idx.msk [tilespmem:v50+s2+$0x0], $0xffff  }
0x3bb: {  	v22 =	vmul.f32 v46, v31;
	[tilespmem:s26+$0x16260] =	vst v24;
	v24 =	vmul.f32 v45, v62;
	v53 =	vld.idx.msk [tilespmem:v50+s16+$0x0], $0xffff  }
0x3bc: {  	v55 =	vld.idx.msk [tilespmem:v50+s17+$0x0], $0xffff;
	[tilespmem:s12+$0x17210] =	vst v21;
	v21 =	vmul.f32 v30, v62;
	v30 =	vadd.s32 v17, v11  }
0x3bd: {  	v56 =	vld.idx.msk [tilespmem:v50+s18+$0x0], $0xffff;
	[tilespmem:s12+$0x16210] =	vst v22  }
0x3be: {  	v31 =	vmul.f32 v33, v31;
	[tilespmem:s29+$0x16260] =	vst v24;
	v22 =	vld [tilespmem:s12+$0x11260]  }
0x3bf: {  	[tilespmem:s1+$0x16260] =	vst v21;
	v21 =	vld [tilespmem:s12+$0x11270]  }
0x3c0: {  	[tilespmem:s12+$0x19210] =	vst v31;
	v24 =	vld [tilespmem:s22+$0x11670];
	v31 =	vmul.f32 v52, v51  }
0x3c1: {  	v60 =	vadd.s32 v13, v23;
	v59 =	vmul.f32 v53, v51;
	v58 =	vld.idx.msk [tilespmem:v30+s2+$0x0], $0xffff  }
0x3c2: {  	v32 =	vmul.f32 v56, v51;
	v61 =	vld.idx.msk [tilespmem:v30+s16+$0x0], $0xffff;
	[tilespmem:s25+$0x16230] =	vst v31  }
0x3c3: {  	v40 =	vld.idx.msk [tilespmem:v30+s17+$0x0], $0xffff;
	v31 =	vmul.f32 v55, v51;
	[tilespmem:s25+$0x17230] =	vst v59  }
0x3c4: {  	v30 =	vld.idx.msk [tilespmem:v30+s18+$0x0], $0xffff;
	[tilespmem:s25+$0x19230] =	vst v32  }
0x3c5: {  	v62 =	vadd.s32 v4, v8;
	[tilespmem:s25+$0x18230] =	vst v31;
	v31 =	vld [tilespmem:s25+$0x11240]  }
0x3c6: {  	v26 =	vld.idx.msk [tilespmem:v60+s2+$0x0], $0xffff;
	v27 =	vmul.f32 v58, v35  }
0x3c7: {  	v63 =	vadd.s32 v14, v11;
	v29 =	vld.idx.msk [tilespmem:v60+s16+$0x0], $0xffff;
	v28 =	vmul.f32 v61, v35  }
0x3c8: {  	v41 =	vld.idx.msk [tilespmem:v60+s17+$0x0], $0xffff;
	[tilespmem:s12+$0x16220] =	vst v27;
	v27 =	vmul.f32 v40, v35  }
0x3c9: {  	v36 =	vld.idx.msk [tilespmem:v60+s18+$0x0], $0xffff;
	[tilespmem:s12+$0x17220] =	vst v28;
	v28 =	vmul.f32 v30, v35  }
0x3ca: {  	v32 =	vld.idx.msk [tilespmem:v62+s18+$0x0], $0xffff;
	[tilespmem:s12+$0x18220] =	vst v27  }
0x3cb: {  	v30 =	vld.idx.msk [tilespmem:v62+s2+$0x0], $0xffff;
	[tilespmem:s12+$0x19220] =	vst v28;
	v26 =	vmul.f32 v26, v31  }
0x3cc: {  	v44 =	vadd.s32 v12, v23;
	v29 =	vmul.f32 v29, v31;
	v43 =	vld.idx.msk [tilespmem:v63+s2+$0x0], $0xffff  }
0x3cd: {  	v45 =	vld.idx.msk [tilespmem:v63+s16+$0x0], $0xffff;
	[tilespmem:s25+$0x16240] =	vst v26;
	v26 =	vmul.f32 v41, v31  }
0x3ce: {  	v46 =	vld.idx.msk [tilespmem:v63+s17+$0x0], $0xffff;
	[tilespmem:s25+$0x17240] =	vst v29;
	v29 =	vmul.f32 v36, v31  }
0x3cf: {  	v31 =	vld.idx.msk [tilespmem:v63+s18+$0x0], $0xffff;
	[tilespmem:s25+$0x18240] =	vst v26  }
0x3d0: {  	[tilespmem:s25+$0x19240] =	vst v29;
	v26 =	vld [tilespmem:s25+$0x11250]  }
0x3d1: {  	v29 =	vld.idx.msk [tilespmem:v44+s2+$0x0], $0xffff;
	v47 =	vmul.f32 v43, v39  }
0x3d2: {  	v50 =	vadd.s32 v13, v11;
	v48 =	vld.idx.msk [tilespmem:v44+s16+$0x0], $0xffff;
	v49 =	vmul.f32 v45, v39  }
0x3d3: {  	v51 =	vld.idx.msk [tilespmem:v44+s17+$0x0], $0xffff;
	v52 =	vmul.f32 v46, v39;
	[tilespmem:s12+$0x16230] =	vst v47  }
0x3d4: {  	v53 =	vld.idx.msk [tilespmem:v44+s18+$0x0], $0xffff;
	v31 =	vmul.f32 v31, v39;
	[tilespmem:s12+$0x17230] =	vst v49  }
0x3d5: {  	v27 =	vld.idx.msk [tilespmem:v62+s16+$0x0], $0xffff;
	[tilespmem:s12+$0x18230] =	vst v52  }
0x3d6: {  	v28 =	vld.idx.msk [tilespmem:v62+s17+$0x0], $0xffff;
	[tilespmem:s12+$0x19230] =	vst v31;
	v29 =	vmul.f32 v29, v26  }
0x3d7: {  	v55 =	vadd.s32 v10, v23;
	v31 =	vld.idx.msk [tilespmem:v50+s2+$0x0], $0xffff;
	v35 =	vmul.f32 v48, v26  }
0x3d8: {  	v56 =	vld.idx.msk [tilespmem:v50+s16+$0x0], $0xffff;
	[tilespmem:s25+$0x16250] =	vst v29;
	v29 =	vmul.f32 v51, v26  }
0x3d9: {  	v57 =	vld.idx.msk [tilespmem:v50+s17+$0x0], $0xffff;
	[tilespmem:s25+$0x17250] =	vst v35;
	v26 =	vmul.f32 v53, v26  }
0x3da: {  	v58 =	vld.idx.msk [tilespmem:v50+s18+$0x0], $0xffff;
	[tilespmem:s25+$0x18250] =	vst v29  }
0x3db: {  	v29 =	vadd.s32 v0, v19;
	v19 =	vmul.f32 v30, v54;
	[tilespmem:s25+$0x19250] =	vst v26;
	v30 =	vld [tilespmem:s25+$0x11260]  }
0x3dc: {  	v35 =	vld.idx.msk [tilespmem:v55+s2+$0x0], $0xffff;
	v26 =	vmul.f32 v31, v42  }
0x3dd: {  	v59 =	vadd.s32 v12, v11;
	v31 =	vmul.f32 v56, v42;
	[tilespmem:s8+$0x16630] =	vst v19;
	v19 =	vld.idx.msk [tilespmem:v55+s16+$0x0], $0xffff  }
0x3de: {  	v60 =	vld.idx.msk [tilespmem:v55+s17+$0x0], $0xffff;
	v39 =	vmul.f32 v57, v42;
	[tilespmem:s12+$0x16240] =	vst v26  }
0x3df: {  	v36 =	vld.idx.msk [tilespmem:v55+s18+$0x0], $0xffff;
	[tilespmem:s12+$0x17240] =	vst v31;
	v31 =	vmul.f32 v58, v42  }
0x3e0: {  	v61 =	vmul.f32 v27, v54;
	[tilespmem:s12+$0x18240] =	vst v39;
	v26 =	vld.idx.msk [tilespmem:v29+s2+$0x0], $0xffff  }
0x3e1: {  	v27 =	vld.idx.msk [tilespmem:v29+s16+$0x0], $0xffff;
	[tilespmem:s12+$0x19240] =	vst v31;
	v31 =	vmul.f32 v35, v30  }
0x3e2: {  	v63 =	vadd.s32 v9, v23;
	[tilespmem:s10+$0x16230] =	vst v61;
	v62 =	vld.idx.msk [tilespmem:v59+s2+$0x0], $0xffff;
	v19 =	vmul.f32 v19, v30  }
0x3e3: {  	v39 =	vld.idx.msk [tilespmem:v59+s16+$0x0], $0xffff;
	[tilespmem:s25+$0x16260] =	vst v31;
	v31 =	vmul.f32 v60, v30  }
0x3e4: {  	v42 =	vld.idx.msk [tilespmem:v59+s17+$0x0], $0xffff;
	[tilespmem:s25+$0x17260] =	vst v19;
	v19 =	vmul.f32 v36, v30  }
0x3e5: {  	v28 =	vmul.f32 v28, v54;
	v30 =	vld.idx.msk [tilespmem:v59+s18+$0x0], $0xffff;
	[tilespmem:s25+$0x18260] =	vst v31  }
0x3e6: {  	v43 =	vadd.s32 v3, v8;
	v31 =	vmul.f32 v32, v54;
	[tilespmem:s25+$0x19260] =	vst v19;
	v19 =	vld [tilespmem:s25+$0x11270]  }
0x3e7: {  	[tilespmem:s11+$0x16230] =	vst v28;
	v44 =	vmul.f32 v62, v25;
	v28 =	vld.idx.msk [tilespmem:v63+s2+$0x0], $0xffff  }
0x3e8: {  	v46 =	vadd.s32 v10, v11;
	v45 =	vmul.f32 v39, v25;
	[tilespmem:s9+$0x16230] =	vst v31;
	v31 =	vld.idx.msk [tilespmem:v63+s16+$0x0], $0xffff  }
0x3e9: {  	v48 =	vmul.f32 v42, v25;
	v47 =	vld.idx.msk [tilespmem:v63+s17+$0x0], $0xffff;
	[tilespmem:s12+$0x16250] =	vst v44  }
0x3ea: {  	v35 =	vld.idx.msk [tilespmem:v63+s18+$0x0], $0xffff;
	[tilespmem:s12+$0x17250] =	vst v45;
	v25 =	vmul.f32 v30, v25  }
0x3eb: {  	[tilespmem:s12+$0x18250] =	vst v48;
	v49 =	vld.idx.msk [tilespmem:v43+s16+$0x0], $0xffff  }
0x3ec: {  	v57 =	vld.idx.msk [tilespmem:v43+s17+$0x0], $0xffff;
	[tilespmem:s12+$0x19250] =	vst v25;
	v25 =	vmul.f32 v28, v19  }
0x3ed: {  	v50 =	vadd.s32 v7, v23;
	v28 =	vld.idx.msk [tilespmem:v46+s2+$0x0], $0xffff;
	v31 =	vmul.f32 v31, v19  }
0x3ee: {  	v51 =	vld.idx.msk [tilespmem:v46+s16+$0x0], $0xffff;
	[tilespmem:s25+$0x16270] =	vst v25;
	v25 =	vmul.f32 v47, v19  }
0x3ef: {  	v52 =	vld.idx.msk [tilespmem:v46+s17+$0x0], $0xffff;
	[tilespmem:s25+$0x17270] =	vst v31;
	v19 =	vmul.f32 v35, v19  }
0x3f0: {  	v31 =	vld.idx.msk [tilespmem:v46+s18+$0x0], $0xffff;
	[tilespmem:s25+$0x18270] =	vst v25  }
0x3f1: {  	[tilespmem:s25+$0x19270] =	vst v19;
	v19 =	vld [tilespmem:s25+$0x11600]  }
0x3f2: {  	v25 =	vld.idx.msk [tilespmem:v50+s2+$0x0], $0xffff  }
0x3f3: {  	v28 =	vmul.f32 v28, v22;
	v53 =	vld.idx.msk [tilespmem:v50+s16+$0x0], $0xffff  }
0x3f4: {  	v55 =	vadd.s32 v9, v11;
	v54 =	vmul.f32 v51, v22;
	v56 =	vld.idx.msk [tilespmem:v50+s17+$0x0], $0xffff  }
0x3f5: {  	v34 =	vld.idx.msk [tilespmem:v50+s18+$0x0], $0xffff;
	[tilespmem:s12+$0x16260] =	vst v28;
	v28 =	vmul.f32 v52, v22  }
0x3f6: {  	s0 =	sand.u32 $0xFFFFF800, s14;
	v58 =	vld [tilespmem:s8+$0x11640];
	[tilespmem:s12+$0x17260] =	vst v54;
	v22 =	vmul.f32 v31, v22  }
0x3f7: {  	s0 =	sadd.s32 $0x100, s0;
	v30 =	vld.idx.msk [tilespmem:v43+s2+$0x0], $0xffff;
	[tilespmem:s12+$0x18260] =	vst v28;
	v25 =	vmul.f32 v25, v19  }
0x3f8: {  	s23 =	sadd.s32 $0x80, s0;
	v31 =	vld.idx.msk [tilespmem:v43+s18+$0x0], $0xffff;
	[tilespmem:s12+$0x19260] =	vst v22;
	v22 =	vmul.f32 v53, v19  }
0x3f9: {  	s28 =	sor.u32 $0x1400, s23;
	v59 =	vadd.s32 v6, v23;
	v28 =	vld.idx.msk [tilespmem:v55+s2+$0x0], $0xffff;
	[tilespmem:s25+$0x16600] =	vst v25;
	v25 =	vmul.f32 v56, v19  }
0x3fa: {  	s24 =	simm.s32 $0x4;
	s20 =	sor.u32 $0x2400, s23;
	v36 =	vld.idx.msk [tilespmem:v55+s16+$0x0], $0xffff;
	v19 =	vmul.f32 v34, v19;
	[tilespmem:s28+$0x16200] =	vst v22  }
0x3fb: {  	v60 =	vld.idx.msk [tilespmem:v55+s17+$0x0], $0xffff;
	v22 =	vmov s24;
	s24 =	sor.u32 $0x3400, s23;
	[tilespmem:s20+$0x16200] =	vst v25  }
0x3fc: {  	v22 =	vperm.xlane v18, v22;
	v25 =	vld.idx.msk [tilespmem:v55+s18+$0x0], $0xffff;
	[tilespmem:s24+$0x16200] =	vst v19  }
0x3fd: {  	v61 =	vld [tilespmem:s25+$0x11610]  }
0x3fe: {  	v19 =	vshll.u32 v22, $0x7;
	v22 =	vmul.f32 v30, v58;
	v30 =	vld.idx.msk [tilespmem:v59+s2+$0x0], $0xffff  }
0x3ff: {  	v28 =	vmul.f32 v28, v21;
	v62 =	vld.idx.msk [tilespmem:v59+s16+$0x0], $0xffff;
	v39 =	vadd.s32 v15, v19  }
0x400: {  	v63 =	vadd.s32 v7, v11;
	v44 =	vld.idx.msk [tilespmem:v59+s17+$0x0], $0xffff;
	[tilespmem:s8+$0x16640] =	vst v22;
	v22 =	vmul.f32 v36, v21  }
0x401: {  	v34 =	vmul.f32 v60, v21;
	v35 =	vld.idx.msk [tilespmem:v59+s18+$0x0], $0xffff;
	[tilespmem:s12+$0x16270] =	vst v28  }
0x402: {  	v28 =	vld.idx.msk [tilespmem:v29+s17+$0x0], $0xffff;
	[tilespmem:s12+$0x17270] =	vst v22;
	v22 =	vmul.f32 v25, v21  }
0x403: {  	v29 =	vld.idx.msk [tilespmem:v29+s18+$0x0], $0xffff;
	[tilespmem:s12+$0x18270] =	vst v34;
	v25 =	vmul.f32 v30, v61  }
0x404: {  	v21 =	vld.idx.msk [tilespmem:v39+s2+$0x0], $0xffff;
	[tilespmem:s12+$0x19270] =	vst v22;
	v22 =	vmul.f32 v62, v61  }
0x405: {  	v45 =	vadd.s32 v5, v23;
	v30 =	vld.idx.msk [tilespmem:v63+s2+$0x0], $0xffff;
	[tilespmem:s25+$0x16610] =	vst v25;
	v25 =	vmul.f32 v44, v61  }
0x406: {  	v46 =	vld.idx.msk [tilespmem:v63+s16+$0x0], $0xffff;
	[tilespmem:s28+$0x16210] =	vst v22;
	v22 =	vmul.f32 v35, v61  }
0x407: {  	v33 =	vmul.f32 v49, v58;
	v47 =	vld.idx.msk [tilespmem:v63+s17+$0x0], $0xffff;
	[tilespmem:s20+$0x16210] =	vst v25  }
0x408: {  	v36 =	vld.idx.msk [tilespmem:v63+s18+$0x0], $0xffff;
	v25 =	vmul.f32 v57, v58;
	[tilespmem:s24+$0x16210] =	vst v22  }
0x409: {  	[tilespmem:s10+$0x16240] =	vst v33;
	v22 =	vmul.f32 v31, v58;
	v31 =	vld [tilespmem:s25+$0x11620]  }
0x40a: {  	[tilespmem:s11+$0x16240] =	vst v25;
	v48 =	vld.idx.msk [tilespmem:v45+s2+$0x0], $0xffff;
	v30 =	vmul.f32 v30, v20  }
0x40b: {  	v49 =	vadd.s32 v6, v11;
	v50 =	vld.idx.msk [tilespmem:v45+s16+$0x0], $0xffff;
	[tilespmem:s9+$0x16240] =	vst v22;
	v22 =	vmul.f32 v46, v20  }
0x40c: {  	s30 =	sor.u32 $0x1400, s0;
	v51 =	vld.idx.msk [tilespmem:v45+s17+$0x0], $0xffff;
	[tilespmem:s12+$0x16600] =	vst v30;
	v30 =	vmul.f32 v47, v20  }
0x40d: {  	s13 =	sor.u32 $0x2400, s0;
	v20 =	vmul.f32 v36, v20;
	[tilespmem:s30+$0x16200] =	vst v22;
	v22 =	vld.idx.msk [tilespmem:v45+s18+$0x0], $0xffff  }
0x40e: {  	s19 =	sor.u32 $0x3400, s0;
	v34 =	vld.idx.msk [tilespmem:v39+s16+$0x0], $0xffff;
	[tilespmem:s13+$0x16200] =	vst v30  }
0x40f: {  	v40 =	vld.idx.msk [tilespmem:v39+s17+$0x0], $0xffff;
	[tilespmem:s19+$0x16200] =	vst v20;
	v20 =	vmul.f32 v48, v31  }
0x410: {  	v52 =	vmul.f32 v50, v31;
	v30 =	vld.idx.msk [tilespmem:v49+s2+$0x0], $0xffff  }
0x411: {  	v54 =	vadd.s32 v4, v23;
	v53 =	vld.idx.msk [tilespmem:v49+s16+$0x0], $0xffff;
	[tilespmem:s25+$0x16620] =	vst v20;
	v20 =	vmul.f32 v51, v31  }
0x412: {  	v55 =	vld [tilespmem:s12+$0x11610];
	[tilespmem:s28+$0x16220] =	vst v52;
	v22 =	vmul.f32 v22, v31  }
0x413: {  	v31 =	vld.idx.msk [tilespmem:v49+s17+$0x0], $0xffff;
	[tilespmem:s20+$0x16220] =	vst v20  }
0x414: {  	v20 =	vld.idx.msk [tilespmem:v49+s18+$0x0], $0xffff;
	[tilespmem:s24+$0x16220] =	vst v22  }
0x415: {  	v22 =	vld [tilespmem:s25+$0x11630]  }
0x416: {  	v25 =	vadd.s32 v2, v8;
	v32 =	vld.idx.msk [tilespmem:v54+s2+$0x0], $0xffff  }
0x417: {  	v30 =	vmul.f32 v30, v55;
	v56 =	vld.idx.msk [tilespmem:v54+s16+$0x0], $0xffff  }
0x418: {  	v37 =	vmul.f32 v53, v55;
	v57 =	vld.idx.msk [tilespmem:v54+s17+$0x0], $0xffff  }
0x419: {  	s0 =	simm.s32 $0x400;
	s23 =	simm.s32 $0x280;
	v31 =	vmul.f32 v31, v55;
	[tilespmem:s12+$0x16610] =	vst v30;
	v30 =	vld.idx.msk [tilespmem:v54+s18+$0x0], $0xffff  }
0x41a: {  	s6 =	sand.u32 $0x800, s0;
	s14 =	sand.u32 $0x380, s23;
	v60 =	vld [tilespmem:s8+$0x11650];
	v20 =	vmul.f32 v20, v55;
	[tilespmem:s30+$0x16210] =	vst v37  }
0x41b: {  	s14 =	sor.u32 s6, s14;
	v59 =	vld.idx.msk [tilespmem:v25+s17+$0x0], $0xffff;
	[tilespmem:s13+$0x16210] =	vst v31;
	v31 =	vmul.f32 v32, v22  }
0x41c: {  	v46 =	vld [tilespmem:s14+$0x11200];
	[tilespmem:s19+$0x16210] =	vst v20;
	v20 =	vmul.f32 v56, v22  }
0x41d: {  	v61 =	vadd.s32 v3, v23;
	v36 =	vld.idx.msk [tilespmem:v25+s2+$0x0], $0xffff;
	[tilespmem:s25+$0x16630] =	vst v31;
	v31 =	vmul.f32 v57, v22  }
0x41e: {  	v58 =	vld.idx.msk [tilespmem:v25+s16+$0x0], $0xffff;
	[tilespmem:s28+$0x16230] =	vst v20;
	v20 =	vmul.f32 v30, v22  }
0x41f: {  	s5 =	simm.s32 $0x5;
	v25 =	vld.idx.msk [tilespmem:v25+s18+$0x0], $0xffff;
	[tilespmem:s20+$0x16230] =	vst v31  }
0x420: {  	v37 =	vmul.f32 v59, v60;
	v59 =	vld [tilespmem:s14+$0x11210];
	[tilespmem:s24+$0x16230] =	vst v20;
	v20 =	vmov s5  }
0x421: {  	v38 =	vadd.s32 v5, v11;
	v31 =	vld [tilespmem:s25+$0x11640];
	v20 =	vperm.xlane v18, v20  }
0x422: {  	v62 =	vld.idx.msk [tilespmem:v61+s2+$0x0], $0xffff  }
0x423: {  	v63 =	vld.idx.msk [tilespmem:v61+s16+$0x0], $0xffff;
	v20 =	vshll.u32 v20, $0x7  }
0x424: {  	v43 =	vld.idx.msk [tilespmem:v61+s17+$0x0], $0xffff;
	v44 =	vadd.s32 v15, v20  }
0x425: {  	v45 =	vld.idx.msk [tilespmem:v61+s18+$0x0], $0xffff  }
0x426: {  	v33 =	vld.idx.msk [tilespmem:v38+s16+$0x0], $0xffff  }
0x427: {  	v22 =	vld.idx.msk [tilespmem:v39+s18+$0x0], $0xffff;
	v39 =	vmul.f32 v62, v31  }
0x428: {  	v32 =	vld.idx.msk [tilespmem:v38+s17+$0x0], $0xffff;
	v42 =	vmul.f32 v63, v31  }
0x429: {  	v48 =	vmul.f32 v43, v31;
	[tilespmem:s25+$0x16640] =	vst v39;
	v47 =	vld.idx.msk [tilespmem:v44+s2+$0x0], $0xffff  }
0x42a: {  	v31 =	vmul.f32 v45, v31;
	[tilespmem:s28+$0x16240] =	vst v42;
	v50 =	vld.idx.msk [tilespmem:v44+s16+$0x0], $0xffff  }
0x42b: {  	s15 =	simm.s32 $0x200;
	v36 =	vmul.f32 v36, v60;
	v51 =	vld.idx.msk [tilespmem:v44+s17+$0x0], $0xffff;
	[tilespmem:s20+$0x16240] =	vst v48  }
0x42c: {  	v49 =	vadd.s32 v2, v23;
	s5 =	sand.u32 $0x300, s15;
	v44 =	vld.idx.msk [tilespmem:v44+s18+$0x0], $0xffff;
	[tilespmem:s24+$0x16240] =	vst v31;
	v31 =	vmul.f32 v58, v60  }
0x42d: {  	[tilespmem:s8+$0x16650] =	vst v36;
	v30 =	vld.idx.msk [tilespmem:v38+s2+$0x0], $0xffff;
	s15 =	sor.u32 s5, s6  }
0x42e: {  	v25 =	vmul.f32 v25, v60;
	v58 =	vld [tilespmem:s15+$0x11200];
	[tilespmem:s10+$0x16250] =	vst v31  }
0x42f: {  	v38 =	vld.idx.msk [tilespmem:v38+s18+$0x0], $0xffff;
	v31 =	vmul.f32 v47, v46;
	[tilespmem:s11+$0x16250] =	vst v37  }
0x430: {  	v52 =	vld [tilespmem:s25+$0x11650];
	v42 =	vmul.f32 v50, v46;
	[tilespmem:s9+$0x16250] =	vst v25  }
0x431: {  	v53 =	vld.idx.msk [tilespmem:v49+s2+$0x0], $0xffff;
	v57 =	vmul.f32 v44, v46;
	[tilespmem:s14+$0x16200] =	vst v31  }
0x432: {  	v56 =	vadd.s32 v16, v20;
	v54 =	vld.idx.msk [tilespmem:v49+s16+$0x0], $0xffff;
	v31 =	vmul.f32 v51, v46;
	[tilespmem:s14+$0x17200] =	vst v42  }
0x433: {  	v41 =	vld [tilespmem:s15+$0x11210];
	[tilespmem:s14+$0x19200] =	vst v57;
	v21 =	vmul.f32 v21, v58  }
0x434: {  	v55 =	vld.idx.msk [tilespmem:v49+s17+$0x0], $0xffff;
	v34 =	vmul.f32 v34, v58;
	[tilespmem:s14+$0x18200] =	vst v31  }
0x435: {  	v43 =	vld.idx.msk [tilespmem:v49+s18+$0x0], $0xffff;
	v40 =	vmul.f32 v40, v58;
	[tilespmem:s15+$0x16200] =	vst v21  }
0x436: {  	v36 =	vmul.f32 v53, v52;
	v31 =	vld [tilespmem:s15+$0x11220];
	[tilespmem:s15+$0x17200] =	vst v34  }
0x437: {  	v25 =	vmul.f32 v54, v52;
	v54 =	vadd.s32 v16, v19;
	[tilespmem:s15+$0x18200] =	vst v40;
	v60 =	vld.idx.msk [tilespmem:v56+s2+$0x0], $0xffff  }
0x438: {  	v21 =	vmul.f32 v22, v58;
	[tilespmem:s25+$0x16650] =	vst v36;
	v63 =	vld.idx.msk [tilespmem:v56+s16+$0x0], $0xffff  }
0x439: {  	v62 =	vadd.s32 v1, v23;
	v61 =	vmul.f32 v55, v52;
	v48 =	vld.idx.msk [tilespmem:v56+s17+$0x0], $0xffff;
	[tilespmem:s28+$0x16250] =	vst v25  }
0x43a: {  	v49 =	vld.idx.msk [tilespmem:v56+s18+$0x0], $0xffff;
	v25 =	vmul.f32 v43, v52;
	[tilespmem:s15+$0x19200] =	vst v21  }
0x43b: {  	v36 =	vld [tilespmem:s12+$0x11620];
	[tilespmem:s20+$0x16250] =	vst v61  }
0x43c: {  	[tilespmem:s24+$0x16250] =	vst v25;
	v58 =	vld.idx.msk [tilespmem:v54+s2+$0x0], $0xffff  }
0x43d: {  	v50 =	vld [tilespmem:s25+$0x11660]  }
0x43e: {  	v26 =	vmul.f32 v26, v24;
	v22 =	vld.idx.msk [tilespmem:v62+s2+$0x0], $0xffff  }
0x43f: {  	v27 =	vmul.f32 v27, v24;
	v25 =	vadd.s32 v1, v8;
	v51 =	vld.idx.msk [tilespmem:v62+s16+$0x0], $0xffff  }
0x440: {  	[tilespmem:s22+$0x16670] =	vst v26;
	v53 =	vld.idx.msk [tilespmem:v62+s17+$0x0], $0xffff;
	v52 =	vmul.f32 v60, v59  }
0x441: {  	[tilespmem:s26+$0x16270] =	vst v27;
	v37 =	vld.idx.msk [tilespmem:v62+s18+$0x0], $0xffff;
	v21 =	vmul.f32 v63, v59  }
0x442: {  	v55 =	vadd.s32 v17, v20;
	v35 =	vmul.f32 v48, v59;
	v60 =	vld [tilespmem:s14+$0x11220];
	[tilespmem:s14+$0x16210] =	vst v52  }
0x443: {  	[tilespmem:s14+$0x17210] =	vst v21;
	v21 =	vmul.f32 v49, v59;
	v49 =	vld.idx.msk [tilespmem:v54+s16+$0x0], $0xffff  }
0x444: {  	[tilespmem:s14+$0x18210] =	vst v35;
	v56 =	vmul.f32 v22, v50;
	v22 =	vld.idx.msk [tilespmem:v25+s2+$0x0], $0xffff  }
0x445: {  	[tilespmem:s14+$0x19210] =	vst v21;
	v34 =	vmul.f32 v51, v50;
	v21 =	vld.idx.msk [tilespmem:v25+s16+$0x0], $0xffff  }
0x446: {  	v23 =	vadd.s32 v0, v23;
	v57 =	vmul.f32 v53, v50;
	v51 =	vld.idx.msk [tilespmem:v54+s18+$0x0], $0xffff;
	[tilespmem:s25+$0x16660] =	vst v56  }
0x447: {  	v59 =	vmul.f32 v37, v50;
	v48 =	vld.idx.msk [tilespmem:v55+s16+$0x0], $0xffff;
	[tilespmem:s28+$0x16260] =	vst v34  }
0x448: {  	v26 =	vmul.f32 v28, v24;
	v28 =	vld.idx.msk [tilespmem:v55+s17+$0x0], $0xffff;
	[tilespmem:s20+$0x16260] =	vst v57  }
0x449: {  	v27 =	vld.idx.msk [tilespmem:v55+s18+$0x0], $0xffff;
	[tilespmem:s24+$0x16260] =	vst v59  }
0x44a: {  	v34 =	vld [tilespmem:s25+$0x11670]  }
0x44b: {  	v24 =	vmul.f32 v29, v24;
	v62 =	vld.idx.msk [tilespmem:v23+s2+$0x0], $0xffff  }
0x44c: {  	[tilespmem:s29+$0x16270] =	vst v26;
	v53 =	vmul.f32 v30, v36;
	v63 =	vld.idx.msk [tilespmem:v23+s16+$0x0], $0xffff  }
0x44d: {  	[tilespmem:s1+$0x16270] =	vst v24;
	v33 =	vmul.f32 v33, v36;
	v26 =	vld.idx.msk [tilespmem:v23+s17+$0x0], $0xffff  }
0x44e: {  	[tilespmem:s12+$0x16620] =	vst v53;
	v23 =	vld.idx.msk [tilespmem:v23+s18+$0x0], $0xffff;
	v50 =	vmul.f32 v48, v60  }
0x44f: {  	v61 =	vld.idx.msk [tilespmem:v55+s2+$0x0], $0xffff;
	[tilespmem:s30+$0x16220] =	vst v33;
	v28 =	vmul.f32 v28, v60  }
0x450: {  	v30 =	vld [tilespmem:s15+$0x11250];
	v27 =	vmul.f32 v27, v60;
	[tilespmem:s14+$0x17220] =	vst v50  }
0x451: {  	[tilespmem:s14+$0x18220] =	vst v28;
	v28 =	vld [tilespmem:s15+$0x11240];
	v29 =	vmul.f32 v62, v34  }
0x452: {  	v52 =	vadd.s32 v14, v20;
	[tilespmem:s14+$0x19220] =	vst v27;
	v24 =	vmul.f32 v63, v34;
	v62 =	vmul.f32 v26, v34;
	v26 =	vld [tilespmem:s15+$0x11270]  }
0x453: {  	v27 =	vmul.f32 v58, v41;
	v34 =	vmul.f32 v23, v34;
	v23 =	vld [tilespmem:s15+$0x11600];
	[tilespmem:s25+$0x16670] =	vst v29  }
0x454: {  	v29 =	vmul.f32 v61, v60;
	[tilespmem:s28+$0x16270] =	vst v24;
	v24 =	vld.idx.msk [tilespmem:v54+s17+$0x0], $0xffff  }
0x455: {  	v32 =	vmul.f32 v32, v36;
	v54 =	vld [tilespmem:s14+$0x11230];
	[tilespmem:s15+$0x16210] =	vst v27  }
0x456: {  	v59 =	vmul.f32 v38, v36;
	v27 =	vld [tilespmem:s15+$0x11260];
	[tilespmem:s14+$0x16220] =	vst v29  }
0x457: {  	v55 =	vmul.f32 v49, v41;
	[tilespmem:s13+$0x16220] =	vst v32;
	v56 =	vld.idx.msk [tilespmem:v52+s2+$0x0], $0xffff  }
0x458: {  	v32 =	vadd.s32 v17, v19;
	[tilespmem:s19+$0x16220] =	vst v59;
	v60 =	vmul.f32 v51, v41;
	v57 =	vld.idx.msk [tilespmem:v52+s16+$0x0], $0xffff  }
0x459: {  	[tilespmem:s15+$0x17210] =	vst v55;
	v58 =	vld.idx.msk [tilespmem:v52+s17+$0x0], $0xffff  }
0x45a: {  	[tilespmem:s15+$0x19210] =	vst v60;
	v61 =	vld.idx.msk [tilespmem:v52+s18+$0x0], $0xffff;
	v24 =	vmul.f32 v24, v41  }
0x45b: {  	v29 =	vld [tilespmem:s15+$0x11230];
	[tilespmem:s20+$0x16270] =	vst v62  }
0x45c: {  	[tilespmem:s15+$0x18210] =	vst v24;
	v24 =	vld.idx.msk [tilespmem:v25+s17+$0x0], $0xffff;
	v35 =	vmul.f32 v56, v54  }
0x45d: {  	v33 =	vadd.s32 v13, v20;
	[tilespmem:s24+$0x16270] =	vst v34;
	v63 =	vmul.f32 v57, v54;
	v34 =	vld.idx.msk [tilespmem:v32+s2+$0x0], $0xffff  }
0x45e: {  	v37 =	vmul.f32 v58, v54;
	v36 =	vld.idx.msk [tilespmem:v32+s16+$0x0], $0xffff;
	[tilespmem:s14+$0x16230] =	vst v35  }
0x45f: {  	s22 =	simm.s32 $0x100;
	s26 =	simm.s32 $0x6;
	v38 =	vmul.f32 v61, v54;
	v35 =	vld.idx.msk [tilespmem:v32+s17+$0x0], $0xffff;
	[tilespmem:s14+$0x17230] =	vst v63  }
.LBB2_5:
0x460: {  	p0 =	slt.u32 s26, $0xE;
	v32 =	vld.idx.msk [tilespmem:v32+s18+$0x0], $0xffff;
	[tilespmem:s14+$0x18230] =	vst v37  }
0x461: {  	[tilespmem:s14+$0x19230] =	vst v38;
	v37 =	vld [tilespmem:s14+$0x11240];
	v38 =	vadd.s32 v4, v11  }
0x462: {  	v39 =	vld.idx.msk [tilespmem:v33+s2+$0x0], $0xffff  }
0x463: {  	v34 =	vmul.f32 v34, v31;
	v40 =	vld.idx.msk [tilespmem:v33+s16+$0x0], $0xffff  }
0x464: {  	v41 =	vadd.s32 v14, v19;
	v36 =	vmul.f32 v36, v31;
	v42 =	vld.idx.msk [tilespmem:v33+s17+$0x0], $0xffff  }
0x465: {  	[tilespmem:s15+$0x16220] =	vst v34;
	v34 =	vmul.f32 v35, v31;
	v33 =	vld.idx.msk [tilespmem:v33+s18+$0x0], $0xffff  }
0x466: {  	v31 =	vmul.f32 v32, v31;
	[tilespmem:s15+$0x17220] =	vst v36;
	v32 =	vld.idx.msk [tilespmem:v38+s2+$0x0], $0xffff  }
0x467: {  	[tilespmem:s15+$0x18220] =	vst v34;
	v34 =	vld.idx.msk [tilespmem:v38+s16+$0x0], $0xffff  }
0x468: {  	[tilespmem:s15+$0x19220] =	vst v31;
	v31 =	vmul.f32 v39, v37;
	v35 =	vld.idx.msk [tilespmem:v38+s17+$0x0], $0xffff  }
0x469: {  	v39 =	vmul.f32 v40, v37;
	v40 =	vadd.s32 v12, v20;
	v36 =	vld.idx.msk [tilespmem:v41+s2+$0x0], $0xffff  }
0x46a: {  	v43 =	vld.idx.msk [tilespmem:v41+s16+$0x0], $0xffff;
	[tilespmem:s14+$0x16240] =	vst v31;
	v31 =	vmul.f32 v42, v37  }
0x46b: {  	v33 =	vmul.f32 v33, v37;
	v42 =	vld.idx.msk [tilespmem:v41+s17+$0x0], $0xffff;
	[tilespmem:s14+$0x17240] =	vst v39  }
0x46c: {  	v37 =	vld.idx.msk [tilespmem:v41+s18+$0x0], $0xffff;
	[tilespmem:s14+$0x18240] =	vst v31  }
0x46d: {  	[tilespmem:s14+$0x19240] =	vst v33;
	v31 =	vld [tilespmem:s14+$0x11250]  }
0x46e: {  	v33 =	vld.idx.msk [tilespmem:v40+s2+$0x0], $0xffff  }
0x46f: {  	v36 =	vmul.f32 v36, v29;
	v39 =	vld.idx.msk [tilespmem:v40+s16+$0x0], $0xffff  }
0x470: {  	v41 =	vmul.f32 v43, v29;
	v43 =	vadd.s32 v13, v19;
	v44 =	vld.idx.msk [tilespmem:v40+s17+$0x0], $0xffff  }
0x471: {  	[tilespmem:s15+$0x16230] =	vst v36;
	v36 =	vmul.f32 v42, v29;
	v40 =	vld.idx.msk [tilespmem:v40+s18+$0x0], $0xffff  }
0x472: {  	v29 =	vmul.f32 v37, v29;
	[tilespmem:s15+$0x17230] =	vst v41;
	v37 =	vld.idx.msk [tilespmem:v38+s18+$0x0], $0xffff  }
0x473: {  	[tilespmem:s15+$0x18230] =	vst v36;
	v36 =	vld [tilespmem:s12+$0x11630]  }
0x474: {  	[tilespmem:s15+$0x19230] =	vst v29;
	v29 =	vmul.f32 v33, v31;
	v33 =	vld.idx.msk [tilespmem:v25+s18+$0x0], $0xffff  }
0x475: {  	v25 =	vmul.f32 v39, v31;
	v39 =	vadd.s32 v10, v20;
	v38 =	vld.idx.msk [tilespmem:v43+s2+$0x0], $0xffff  }
0x476: {  	v41 =	vmov s26;
	v42 =	vld.idx.msk [tilespmem:v43+s16+$0x0], $0xffff;
	[tilespmem:s14+$0x16250] =	vst v29;
	v29 =	vmul.f32 v44, v31  }
0x477: {  	v41 =	vperm.xlane v18, v41;
	v44 =	vld.idx.msk [tilespmem:v43+s17+$0x0], $0xffff;
	[tilespmem:s14+$0x17250] =	vst v25;
	v25 =	vmul.f32 v40, v31  }
0x478: {  	v31 =	vld.idx.msk [tilespmem:v43+s18+$0x0], $0xffff;
	[tilespmem:s14+$0x18250] =	vst v29;
	v29 =	vmul.f32 v32, v36;
	v32 =	vmul.f32 v34, v36  }
0x479: {  	v34 =	vshll.u32 v41, $0x7;
	v35 =	vmul.f32 v35, v36;
	v36 =	vmul.f32 v37, v36;
	[tilespmem:s14+$0x19250] =	vst v25;
	v40 =	vld [tilespmem:s14+$0x11260]  }
0x47a: {  	v25 =	vadd.s32 v15, v34;
	v37 =	vld.idx.msk [tilespmem:v39+s2+$0x0], $0xffff;
	[tilespmem:s12+$0x16630] =	vst v29  }
0x47b: {  	v29 =	vmul.f32 v38, v28;
	v38 =	vld.idx.msk [tilespmem:v39+s16+$0x0], $0xffff;
	[tilespmem:s30+$0x16230] =	vst v32  }
0x47c: {  	v41 =	vadd.s32 v12, v19;
	v32 =	vmul.f32 v42, v28;
	v42 =	vld.idx.msk [tilespmem:v39+s17+$0x0], $0xffff;
	[tilespmem:s13+$0x16230] =	vst v35  }
0x47d: {  	v35 =	vmul.f32 v44, v28;
	[tilespmem:s15+$0x16240] =	vst v29;
	v39 =	vld.idx.msk [tilespmem:v39+s18+$0x0], $0xffff  }
0x47e: {  	v31 =	vmul.f32 v31, v28;
	[tilespmem:s15+$0x17240] =	vst v32;
	v32 =	vld [tilespmem:s8+$0x11660]  }
0x47f: {  	v29 =	vld.idx.msk [tilespmem:v25+s2+$0x0], $0xffff;
	[tilespmem:s15+$0x18240] =	vst v35  }
0x480: {  	v28 =	vld.idx.msk [tilespmem:v25+s16+$0x0], $0xffff;
	[tilespmem:s15+$0x19240] =	vst v31;
	v31 =	vmul.f32 v37, v40  }
0x481: {  	v37 =	vmul.f32 v38, v40;
	v38 =	vadd.s32 v9, v20;
	v35 =	vld.idx.msk [tilespmem:v41+s2+$0x0], $0xffff;
	[tilespmem:s19+$0x16230] =	vst v36  }
0x482: {  	v36 =	vld.idx.msk [tilespmem:v41+s16+$0x0], $0xffff;
	[tilespmem:s14+$0x16260] =	vst v31;
	v31 =	vmul.f32 v42, v40  }
0x483: {  	v42 =	vld.idx.msk [tilespmem:v41+s17+$0x0], $0xffff;
	[tilespmem:s14+$0x17260] =	vst v37;
	v37 =	vmul.f32 v39, v40;
	v22 =	vmul.f32 v22, v32  }
0x484: {  	v21 =	vmul.f32 v21, v32;
	v24 =	vmul.f32 v24, v32;
	v39 =	vld.idx.msk [tilespmem:v41+s18+$0x0], $0xffff;
	[tilespmem:s14+$0x18260] =	vst v31  }
0x485: {  	v32 =	vmul.f32 v33, v32;
	[tilespmem:s14+$0x19260] =	vst v37;
	v31 =	vld [tilespmem:s14+$0x11270];
	v37 =	vadd.s32 v3, v11  }
0x486: {  	v33 =	vld.idx.msk [tilespmem:v38+s2+$0x0], $0xffff;
	[tilespmem:s8+$0x16660] =	vst v22  }
0x487: {  	v22 =	vmul.f32 v35, v30;
	v35 =	vld.idx.msk [tilespmem:v38+s16+$0x0], $0xffff;
	[tilespmem:s10+$0x16260] =	vst v21  }
0x488: {  	v21 =	vmul.f32 v36, v30;
	v36 =	vadd.s32 v10, v19;
	v40 =	vld.idx.msk [tilespmem:v38+s17+$0x0], $0xffff;
	[tilespmem:s11+$0x16260] =	vst v24  }
0x489: {  	[tilespmem:s15+$0x16250] =	vst v22;
	v22 =	vmul.f32 v42, v30;
	v24 =	vld.idx.msk [tilespmem:v38+s18+$0x0], $0xffff  }
0x48a: {  	[tilespmem:s15+$0x17250] =	vst v21;
	v21 =	vmul.f32 v39, v30;
	v30 =	vld.idx.msk [tilespmem:v37+s2+$0x0], $0xffff  }
0x48b: {  	[tilespmem:s15+$0x18250] =	vst v22;
	v22 =	vld.idx.msk [tilespmem:v37+s16+$0x0], $0xffff  }
0x48c: {  	[tilespmem:s15+$0x19250] =	vst v21;
	v21 =	vmul.f32 v33, v31;
	v33 =	vld.idx.msk [tilespmem:v37+s17+$0x0], $0xffff  }
0x48d: {  	v39 =	vadd.s32 v7, v20;
	v35 =	vmul.f32 v35, v31;
	v38 =	vld.idx.msk [tilespmem:v36+s2+$0x0], $0xffff;
	[tilespmem:s9+$0x16260] =	vst v32  }
0x48e: {  	v32 =	vld.idx.msk [tilespmem:v36+s16+$0x0], $0xffff;
	[tilespmem:s14+$0x16270] =	vst v21;
	v21 =	vmul.f32 v40, v31  }
0x48f: {  	v24 =	vmul.f32 v24, v31;
	v40 =	vld.idx.msk [tilespmem:v36+s17+$0x0], $0xffff;
	[tilespmem:s14+$0x17270] =	vst v35  }
0x490: {  	v31 =	vld.idx.msk [tilespmem:v36+s18+$0x0], $0xffff;
	[tilespmem:s14+$0x18270] =	vst v21  }
0x491: {  	[tilespmem:s14+$0x19270] =	vst v24;
	v24 =	vld [tilespmem:s14+$0x11600]  }
0x492: {  	v21 =	vld.idx.msk [tilespmem:v39+s2+$0x0], $0xffff  }
0x493: {  	v35 =	vmul.f32 v38, v27;
	v38 =	vadd.s32 v0, v8;
	v8 =	vmovc v11;
	v11 =	vmov v19;
	v36 =	vld.idx.msk [tilespmem:v39+s16+$0x0], $0xffff  }
0x494: {  	v19 =	vmov v34;
	v32 =	vmul.f32 v32, v27;
	v41 =	vadd.s32 v9, v11;
	v42 =	vld.idx.msk [tilespmem:v39+s17+$0x0], $0xffff  }
0x495: {  	v34 =	vmul.f32 v40, v27;
	[tilespmem:s15+$0x16260] =	vst v35;
	v35 =	vld.idx.msk [tilespmem:v39+s18+$0x0], $0xffff  }
0x496: {  	v27 =	vmul.f32 v31, v27;
	[tilespmem:s15+$0x17260] =	vst v32;
	v31 =	vld.idx.msk [tilespmem:v37+s18+$0x0], $0xffff  }
0x497: {  	s1 =	sand.u32 $0xFFFFF800, s0;
	s22 =	sadd.s32 $0x100, s22;
	[tilespmem:s15+$0x18260] =	vst v34;
	v32 =	vld [tilespmem:s12+$0x11640]  }
0x498: {  	s1 =	sadd.s32 s1, s22;
	[tilespmem:s15+$0x19260] =	vst v27;
	v27 =	vmul.f32 v21, v24;
	v21 =	vld.idx.msk [tilespmem:v38+s2+$0x0], $0xffff  }
0x499: {  	s4 =	sor.u32 $0x1400, s1;
	s24 =	sor.u32 $0x2400, s1;
	s5 =	sadd.s32 $0x80, s1;
	v36 =	vmul.f32 v36, v24;
	v34 =	vld.idx.msk [tilespmem:v41+s2+$0x0], $0xffff  }
0x49a: {  	s28 =	sor.u32 $0x3400, s1;
	s1 =	sor.u32 $0x1400, s5;
	v39 =	vadd.s32 v6, v20;
	v37 =	vld.idx.msk [tilespmem:v41+s16+$0x0], $0xffff;
	[tilespmem:s14+$0x16600] =	vst v27;
	v27 =	vmul.f32 v42, v24  }
0x49b: {  	s25 =	sor.u32 $0x2400, s5;
	v24 =	vmul.f32 v35, v24;
	v40 =	vld.idx.msk [tilespmem:v41+s17+$0x0], $0xffff;
	[tilespmem:s1+$0x16200] =	vst v36  }
0x49c: {  	s20 =	sor.u32 $0x3400, s5;
	v35 =	vld.idx.msk [tilespmem:v41+s18+$0x0], $0xffff;
	[tilespmem:s25+$0x16200] =	vst v27;
	v27 =	vmul.f32 v30, v32;
	v30 =	vmul.f32 v22, v32  }
0x49d: {  	v31 =	vmul.f32 v31, v32;
	[tilespmem:s20+$0x16200] =	vst v24;
	v24 =	vmul.f32 v33, v32;
	v22 =	vld.idx.msk [tilespmem:v38+s16+$0x0], $0xffff  }
0x49e: {  	v32 =	vld [tilespmem:s14+$0x11610];
	[tilespmem:s12+$0x16640] =	vst v27  }
0x49f: {  	v27 =	vmul.f32 v34, v26;
	v33 =	vld.idx.msk [tilespmem:v39+s2+$0x0], $0xffff;
	[tilespmem:s30+$0x16240] =	vst v30  }
0x4a0: {  	v34 =	vadd.s32 v7, v11;
	v30 =	vmul.f32 v37, v26;
	v36 =	vld.idx.msk [tilespmem:v39+s16+$0x0], $0xffff;
	[tilespmem:s13+$0x16240] =	vst v24  }
0x4a1: {  	v24 =	vmul.f32 v40, v26;
	[tilespmem:s15+$0x16270] =	vst v27;
	v27 =	vld.idx.msk [tilespmem:v39+s17+$0x0], $0xffff  }
0x4a2: {  	v26 =	vmul.f32 v35, v26;
	[tilespmem:s15+$0x17270] =	vst v30;
	v30 =	vld.idx.msk [tilespmem:v39+s18+$0x0], $0xffff  }
0x4a3: {  	[tilespmem:s15+$0x18270] =	vst v24;
	v24 =	vld.idx.msk [tilespmem:v38+s17+$0x0], $0xffff  }
0x4a4: {  	[tilespmem:s15+$0x19270] =	vst v26;
	v26 =	vadd.s32 v2, v8;
	v35 =	vld.idx.msk [tilespmem:v38+s18+$0x0], $0xffff  }
0x4a5: {  	v33 =	vmul.f32 v33, v32;
	v37 =	vld.idx.msk [tilespmem:v34+s2+$0x0], $0xffff;
	[tilespmem:s19+$0x16240] =	vst v31  }
0x4a6: {  	v36 =	vmul.f32 v36, v32;
	v31 =	vld.idx.msk [tilespmem:v34+s16+$0x0], $0xffff  }
0x4a7: {  	v27 =	vmul.f32 v27, v32;
	v38 =	vld.idx.msk [tilespmem:v34+s17+$0x0], $0xffff;
	[tilespmem:s14+$0x16610] =	vst v33;
	v33 =	vadd.s32 v5, v20  }
0x4a8: {  	v30 =	vmul.f32 v30, v32;
	v34 =	vld.idx.msk [tilespmem:v34+s18+$0x0], $0xffff;
	[tilespmem:s1+$0x16210] =	vst v36  }
0x4a9: {  	[tilespmem:s25+$0x16210] =	vst v27;
	v27 =	vld.idx.msk [tilespmem:v26+s2+$0x0], $0xffff  }
0x4aa: {  	[tilespmem:s20+$0x16210] =	vst v30;
	v30 =	vld.idx.msk [tilespmem:v26+s16+$0x0], $0xffff  }
0x4ab: {  	v32 =	vmul.f32 v37, v23;
	v36 =	vld [tilespmem:s14+$0x11620]  }
0x4ac: {  	v37 =	vadd.s32 v6, v11;
	v31 =	vmul.f32 v31, v23;
	v39 =	vld.idx.msk [tilespmem:v33+s2+$0x0], $0xffff  }
0x4ad: {  	[tilespmem:s15+$0x16600] =	vst v32;
	v32 =	vmul.f32 v38, v23;
	v38 =	vld.idx.msk [tilespmem:v33+s16+$0x0], $0xffff  }
0x4ae: {  	v23 =	vmul.f32 v34, v23;
	[tilespmem:s4+$0x16200] =	vst v31;
	v31 =	vld.idx.msk [tilespmem:v33+s17+$0x0], $0xffff  }
0x4af: {  	[tilespmem:s24+$0x16200] =	vst v32;
	v32 =	vld.idx.msk [tilespmem:v33+s18+$0x0], $0xffff  }
0x4b0: {  	[tilespmem:s28+$0x16200] =	vst v23;
	v23 =	vld.idx.msk [tilespmem:v26+s17+$0x0], $0xffff  }
0x4b1: {  	v33 =	vld.idx.msk [tilespmem:v37+s2+$0x0], $0xffff  }
0x4b2: {  	v39 =	vmul.f32 v39, v36;
	v34 =	vld.idx.msk [tilespmem:v37+s16+$0x0], $0xffff  }
0x4b3: {  	v38 =	vmul.f32 v38, v36;
	v40 =	vld.idx.msk [tilespmem:v37+s17+$0x0], $0xffff  }
0x4b4: {  	v31 =	vmul.f32 v31, v36;
	v37 =	vld.idx.msk [tilespmem:v37+s18+$0x0], $0xffff;
	[tilespmem:s14+$0x16620] =	vst v39;
	v39 =	vadd.s32 v4, v20  }
0x4b5: {  	v32 =	vmul.f32 v32, v36;
	v41 =	vld [tilespmem:s15+$0x11610];
	[tilespmem:s1+$0x16220] =	vst v38  }
0x4b6: {  	[tilespmem:s25+$0x16220] =	vst v31;
	v26 =	vld.idx.msk [tilespmem:v26+s18+$0x0], $0xffff  }
0x4b7: {  	[tilespmem:s20+$0x16220] =	vst v32;
	v31 =	vld [tilespmem:s12+$0x11650]  }
0x4b8: {  	v32 =	vld [tilespmem:s14+$0x11630]  }
0x4b9: {  	v36 =	vld.idx.msk [tilespmem:v39+s2+$0x0], $0xffff  }
0x4ba: {  	v33 =	vmul.f32 v33, v41;
	v34 =	vmul.f32 v34, v41;
	v38 =	vld.idx.msk [tilespmem:v39+s16+$0x0], $0xffff  }
0x4bb: {  	v40 =	vmul.f32 v40, v41;
	v37 =	vmul.f32 v37, v41;
	v41 =	vadd.s32 v5, v11;
	v42 =	vld.idx.msk [tilespmem:v39+s17+$0x0], $0xffff  }
0x4bc: {  	[tilespmem:s15+$0x16610] =	vst v33;
	v33 =	vld.idx.msk [tilespmem:v39+s18+$0x0], $0xffff;
	v39 =	vmul.f32 v27, v31;
	v30 =	vmul.f32 v30, v31  }
0x4bd: {  	v23 =	vmul.f32 v23, v31;
	v31 =	vmul.f32 v26, v31;
	[tilespmem:s4+$0x16210] =	vst v34;
	v34 =	vld [tilespmem:s8+$0x11670]  }
0x4be: {  	v27 =	vld.idx.msk [tilespmem:v25+s17+$0x0], $0xffff;
	[tilespmem:s24+$0x16210] =	vst v40  }
0x4bf: {  	v26 =	vld.idx.msk [tilespmem:v25+s18+$0x0], $0xffff;
	[tilespmem:s28+$0x16210] =	vst v37;
	v25 =	vmul.f32 v36, v32  }
0x4c0: {  	v37 =	vmul.f32 v38, v32;
	v36 =	vld.idx.msk [tilespmem:v41+s2+$0x0], $0xffff;
	[tilespmem:s12+$0x16650] =	vst v39  }
0x4c1: {  	v39 =	vadd.s32 v3, v20;
	v38 =	vld.idx.msk [tilespmem:v41+s16+$0x0], $0xffff;
	[tilespmem:s14+$0x16630] =	vst v25;
	v25 =	vmul.f32 v42, v32  }
0x4c2: {  	v32 =	vmul.f32 v33, v32;
	v40 =	vld.idx.msk [tilespmem:v41+s17+$0x0], $0xffff;
	[tilespmem:s1+$0x16230] =	vst v37;
	v21 =	vmul.f32 v21, v34  }
0x4c3: {  	v37 =	vmul.f32 v22, v34;
	v33 =	vld.idx.msk [tilespmem:v41+s18+$0x0], $0xffff;
	[tilespmem:s25+$0x16230] =	vst v25;
	v41 =	vmul.f32 v24, v34  }
0x4c4: {  	s5 =	sadd.s32 $0x1, s26;
	v22 =	vld [tilespmem:s15+$0x11620];
	[tilespmem:s20+$0x16230] =	vst v32;
	v32 =	vmul.f32 v35, v34  }
0x4c5: {  	v24 =	vmov s5;
	v25 =	vadd.s32 v1, v8;
	v34 =	vld [tilespmem:s14+$0x11640];
	[tilespmem:s30+$0x16250] =	vst v30  }
0x4c6: {  	v24 =	vperm.xlane v18, v24;
	v30 =	vld.idx.msk [tilespmem:v39+s2+$0x0], $0xffff;
	[tilespmem:s13+$0x16250] =	vst v23  }
0x4c7: {  	v35 =	vld.idx.msk [tilespmem:v39+s16+$0x0], $0xffff;
	[tilespmem:s19+$0x16250] =	vst v31  }
0x4c8: {  	v23 =	vshll.u32 v24, $0x7;
	v31 =	vld.idx.msk [tilespmem:v39+s17+$0x0], $0xffff;
	[tilespmem:s8+$0x16670] =	vst v21;
	s8 =	smov.u32 s12;
	s12 =	smov.u32 s15  }
0x4c9: {  	v42 =	vadd.s32 v15, v23;
	v21 =	vmul.f32 v36, v22;
	v24 =	vmul.f32 v38, v22;
	v36 =	vld.idx.msk [tilespmem:v39+s18+$0x0], $0xffff  }
0x4ca: {  	s0 =	sadd.s32 $0x200, s0;
	s23 =	sadd.s32 $0x100, s23;
	v38 =	vmul.f32 v40, v22;
	v33 =	vmul.f32 v33, v22;
	v22 =	vld.idx.msk [tilespmem:v25+s2+$0x0], $0xffff;
	[tilespmem:s10+$0x16270] =	vst v37;
	s10 =	smov.u32 s30  }
0x4cb: {  	s6 =	sand.u32 $0x800, s0;
	s5 =	sadd.s32 $0xFFFFFF80, s23;
	s15 =	sand.u32 $0x380, s23;
	[tilespmem:s12+$0x16620] =	vst v21;
	v21 =	vld.idx.msk [tilespmem:v25+s16+$0x0], $0xffff  }
0x4cc: {  	s29 =	sand.u32 $0x300, s5;
	s5 =	sor.u32 s6, s15;
	s30 =	smov.u32 s4;
	v30 =	vmul.f32 v30, v34;
	[tilespmem:s4+$0x16220] =	vst v24;
	v24 =	vld.idx.msk [tilespmem:v25+s17+$0x0], $0xffff  }
0x4cd: {  	s15 =	sor.u32 s29, s6;
	v35 =	vmul.f32 v35, v34;
	v37 =	vld [tilespmem:s5+$0x11200];
	[tilespmem:s24+$0x16220] =	vst v38  }
0x4ce: {  	v38 =	vld.idx.msk [tilespmem:v42+s2+$0x0], $0xffff;
	[tilespmem:s14+$0x16640] =	vst v30;
	v30 =	vmul.f32 v31, v34;
	v31 =	vadd.s32 v2, v20  }
0x4cf: {  	v34 =	vmul.f32 v36, v34;
	v39 =	vld.idx.msk [tilespmem:v42+s16+$0x0], $0xffff;
	[tilespmem:s1+$0x16240] =	vst v35  }
0x4d0: {  	v35 =	vld.idx.msk [tilespmem:v42+s17+$0x0], $0xffff;
	[tilespmem:s25+$0x16240] =	vst v30  }
0x4d1: {  	v30 =	vld.idx.msk [tilespmem:v42+s18+$0x0], $0xffff;
	[tilespmem:s20+$0x16240] =	vst v34  }
0x4d2: {  	[tilespmem:s28+$0x16220] =	vst v33;
	v33 =	vld [tilespmem:s14+$0x11650]  }
0x4d3: {  	v34 =	vld.idx.msk [tilespmem:v31+s2+$0x0], $0xffff;
	[tilespmem:s11+$0x16270] =	vst v41;
	s11 =	smov.u32 s13;
	s13 =	smov.u32 s24  }
0x4d4: {  	v36 =	vld.idx.msk [tilespmem:v31+s16+$0x0], $0xffff;
	[tilespmem:s9+$0x16270] =	vst v32;
	s9 =	smov.u32 s19;
	s19 =	smov.u32 s28  }
0x4d5: {  	v32 =	vmul.f32 v38, v37;
	v38 =	vld.idx.msk [tilespmem:v31+s17+$0x0], $0xffff  }
0x4d6: {  	v40 =	vadd.s32 v16, v23;
	v39 =	vmul.f32 v39, v37;
	v41 =	vld.idx.msk [tilespmem:v31+s18+$0x0], $0xffff  }
0x4d7: {  	v42 =	vld [tilespmem:s15+$0x11200];
	[tilespmem:s5+$0x16200] =	vst v32;
	v32 =	vmul.f32 v35, v37  }
0x4d8: {  	v30 =	vmul.f32 v30, v37;
	v35 =	vld [tilespmem:s15+$0x11210];
	[tilespmem:s5+$0x17200] =	vst v39  }
0x4d9: {  	v31 =	vld [tilespmem:s15+$0x11220];
	[tilespmem:s5+$0x18200] =	vst v32;
	v32 =	vmul.f32 v34, v33  }
0x4da: {  	v34 =	vmul.f32 v36, v33;
	[tilespmem:s5+$0x19200] =	vst v30;
	v30 =	vld [tilespmem:s5+$0x11210]  }
0x4db: {  	v37 =	vadd.s32 v1, v20;
	v36 =	vld.idx.msk [tilespmem:v40+s2+$0x0], $0xffff;
	[tilespmem:s14+$0x16650] =	vst v32;
	v32 =	vmul.f32 v38, v33  }
0x4dc: {  	v33 =	vmul.f32 v41, v33;
	v29 =	vmul.f32 v29, v42;
	v38 =	vld.idx.msk [tilespmem:v40+s16+$0x0], $0xffff;
	[tilespmem:s1+$0x16250] =	vst v34  }
0x4dd: {  	v28 =	vmul.f32 v28, v42;
	v27 =	vmul.f32 v27, v42;
	v34 =	vld.idx.msk [tilespmem:v40+s17+$0x0], $0xffff;
	[tilespmem:s25+$0x16250] =	vst v32  }
0x4de: {  	v26 =	vmul.f32 v26, v42;
	v32 =	vld.idx.msk [tilespmem:v40+s18+$0x0], $0xffff;
	[tilespmem:s20+$0x16250] =	vst v33  }
0x4df: {  	[tilespmem:s15+$0x16200] =	vst v29;
	v29 =	vadd.s32 v16, v19;
	v33 =	vld [tilespmem:s14+$0x11660]  }
0x4e0: {  	[tilespmem:s15+$0x17200] =	vst v28;
	v28 =	vld.idx.msk [tilespmem:v37+s2+$0x0], $0xffff  }
0x4e1: {  	[tilespmem:s15+$0x18200] =	vst v27;
	v27 =	vld.idx.msk [tilespmem:v37+s16+$0x0], $0xffff  }
0x4e2: {  	[tilespmem:s15+$0x19200] =	vst v26;
	v26 =	vmul.f32 v36, v30;
	v36 =	vld.idx.msk [tilespmem:v37+s17+$0x0], $0xffff  }
0x4e3: {  	v39 =	vadd.s32 v17, v23;
	v38 =	vmul.f32 v38, v30;
	v37 =	vld.idx.msk [tilespmem:v37+s18+$0x0], $0xffff  }
0x4e4: {  	v40 =	vld.idx.msk [tilespmem:v29+s2+$0x0], $0xffff;
	[tilespmem:s5+$0x16210] =	vst v26;
	v26 =	vmul.f32 v34, v30  }
0x4e5: {  	v30 =	vmul.f32 v32, v30;
	v34 =	vld.idx.msk [tilespmem:v29+s16+$0x0], $0xffff;
	[tilespmem:s5+$0x17210] =	vst v38  }
0x4e6: {  	v32 =	vld.idx.msk [tilespmem:v29+s17+$0x0], $0xffff;
	[tilespmem:s5+$0x18210] =	vst v26;
	v26 =	vmul.f32 v28, v33  }
0x4e7: {  	v27 =	vmul.f32 v27, v33;
	[tilespmem:s5+$0x19210] =	vst v30;
	v28 =	vld [tilespmem:s5+$0x11220]  }
0x4e8: {  	v30 =	vld.idx.msk [tilespmem:v39+s2+$0x0], $0xffff;
	[tilespmem:s14+$0x16660] =	vst v26;
	v26 =	vmul.f32 v36, v33;
	v36 =	vadd.s32 v0, v20;
	v20 =	vmov v23  }
0x4e9: {  	v23 =	vld.idx.msk [tilespmem:v39+s16+$0x0], $0xffff;
	[tilespmem:s1+$0x16260] =	vst v27;
	v27 =	vmul.f32 v37, v33  }
0x4ea: {  	v33 =	vmul.f32 v40, v35;
	v37 =	vld.idx.msk [tilespmem:v39+s17+$0x0], $0xffff;
	[tilespmem:s25+$0x16260] =	vst v26  }
0x4eb: {  	v26 =	vmul.f32 v34, v35;
	v34 =	vld.idx.msk [tilespmem:v39+s18+$0x0], $0xffff;
	[tilespmem:s20+$0x16260] =	vst v27  }
0x4ec: {  	v38 =	vmul.f32 v32, v35;
	v27 =	vld [tilespmem:s14+$0x11670]  }
0x4ed: {  	v32 =	vld.idx.msk [tilespmem:v36+s2+$0x0], $0xffff  }
0x4ee: {  	v39 =	vld.idx.msk [tilespmem:v36+s16+$0x0], $0xffff  }
0x4ef: {  	v30 =	vmul.f32 v30, v28;
	v40 =	vld.idx.msk [tilespmem:v36+s17+$0x0], $0xffff  }
0x4f0: {  	v23 =	vmul.f32 v23, v28;
	v36 =	vld.idx.msk [tilespmem:v36+s18+$0x0], $0xffff  }
0x4f1: {  	v41 =	vld.idx.msk [tilespmem:v29+s18+$0x0], $0xffff;
	[tilespmem:s5+$0x16220] =	vst v30;
	v30 =	vmul.f32 v37, v28;
	v37 =	vadd.s32 v14, v20  }
0x4f2: {  	v29 =	vld [tilespmem:s15+$0x11230];
	[tilespmem:s5+$0x17220] =	vst v23;
	v23 =	vmul.f32 v34, v28  }
0x4f3: {  	v32 =	vmul.f32 v32, v27;
	v28 =	vld [tilespmem:s15+$0x11240];
	[tilespmem:s5+$0x18220] =	vst v30  }
0x4f4: {  	v30 =	vld [tilespmem:s15+$0x11250];
	[tilespmem:s5+$0x19220] =	vst v23;
	v23 =	vmul.f32 v39, v27  }
0x4f5: {  	v39 =	vld [tilespmem:s5+$0x11230];
	[tilespmem:s14+$0x16670] =	vst v32;
	v32 =	vmul.f32 v40, v27;
	s14 =	smov.u32 s5  }
0x4f6: {  	v34 =	vld.idx.msk [tilespmem:v37+s2+$0x0], $0xffff;
	[tilespmem:s1+$0x16270] =	vst v23;
	v23 =	vmul.f32 v36, v27  }
0x4f7: {  	v35 =	vmul.f32 v41, v35;
	v36 =	vld.idx.msk [tilespmem:v37+s16+$0x0], $0xffff;
	[tilespmem:s25+$0x16270] =	vst v32  }
0x4f8: {  	v32 =	vadd.s32 v17, v19;
	v40 =	vld.idx.msk [tilespmem:v37+s17+$0x0], $0xffff;
	[tilespmem:s20+$0x16270] =	vst v23  }
0x4f9: {  	[tilespmem:s15+$0x16210] =	vst v33;
	v41 =	vld.idx.msk [tilespmem:v37+s18+$0x0], $0xffff  }
0x4fa: {  	[tilespmem:s15+$0x17210] =	vst v26;
	v27 =	vld [tilespmem:s15+$0x11260]  }
.Ltmp1:
0x4fb: {  	[tilespmem:s15+$0x18210] =	vst v38;
	v26 =	vld [tilespmem:s15+$0x11270];
	(pc) =	sbr.rel @p0 .LBB2_5-.Ltmp1, $4  }
0x4fc: {  	[tilespmem:s15+$0x19210] =	vst v35;
	v23 =	vld [tilespmem:s15+$0x11600];
	v35 =	vmul.f32 v34, v39  }
0x4fd: {  	v33 =	vadd.s32 v13, v20;
	v38 =	vmul.f32 v36, v39;
	v34 =	vld.idx.msk [tilespmem:v32+s2+$0x0], $0xffff  }
0x4fe: {  	v37 =	vmul.f32 v40, v39;
	v36 =	vld.idx.msk [tilespmem:v32+s16+$0x0], $0xffff;
	[tilespmem:s14+$0x16230] =	vst v35  }
0x4ff: {  	s26 =	sadd.s32 $0x2, s26;
	v35 =	vld.idx.msk [tilespmem:v32+s17+$0x0], $0xffff;
	[tilespmem:s14+$0x17230] =	vst v38;
	v38 =	vmul.f32 v41, v39  }
0x500: {  	_ =	sdelay $0x3  }
0x501: {  	[tilespmem:s14+$0x18230] =	vst v37;
	v15 =	vld.idx.msk [tilespmem:v32+s18+$0x0], $0xffff  }
0x502: {  	v16 =	vld [tilespmem:s14+$0x11240];
	[tilespmem:s14+$0x19230] =	vst v38  }
0x503: {  	v63 =	vadd.s32 v4, v11;
	v17 =	vld.idx.msk [tilespmem:v33+s2+$0x0], $0xffff  }
0x504: {  	v18 =	vmul.f32 v34, v31;
	v52 =	vld.idx.msk [tilespmem:v33+s16+$0x0], $0xffff  }
0x505: {  	v14 =	vadd.s32 v14, v19;
	v54 =	vld.idx.msk [tilespmem:v33+s17+$0x0], $0xffff;
	v53 =	vmul.f32 v36, v31  }
0x506: {  	v56 =	vld.idx.msk [tilespmem:v33+s18+$0x0], $0xffff;
	[tilespmem:s15+$0x16220] =	vst v18;
	v55 =	vmul.f32 v35, v31  }
0x507: {  	v36 =	vld [tilespmem:s14+$0x11250];
	[tilespmem:s15+$0x17220] =	vst v53;
	v15 =	vmul.f32 v15, v31  }
0x508: {  	v41 =	vld.idx.msk [tilespmem:v63+s2+$0x0], $0xffff;
	[tilespmem:s15+$0x18220] =	vst v55;
	v17 =	vmul.f32 v17, v16  }
0x509: {  	v58 =	vadd.s32 v12, v20;
	v42 =	vld.idx.msk [tilespmem:v63+s16+$0x0], $0xffff;
	[tilespmem:s15+$0x19220] =	vst v15;
	v57 =	vmul.f32 v52, v16  }
0x50a: {  	v59 =	vmul.f32 v54, v16;
	v18 =	vld.idx.msk [tilespmem:v14+s2+$0x0], $0xffff;
	[tilespmem:s14+$0x16240] =	vst v17  }
0x50b: {  	v61 =	vmul.f32 v56, v16;
	v60 =	vld.idx.msk [tilespmem:v14+s16+$0x0], $0xffff;
	[tilespmem:s14+$0x17240] =	vst v57  }
0x50c: {  	v62 =	vld.idx.msk [tilespmem:v14+s17+$0x0], $0xffff;
	[tilespmem:s14+$0x18240] =	vst v59  }
0x50d: {  	v14 =	vld.idx.msk [tilespmem:v14+s18+$0x0], $0xffff;
	[tilespmem:s14+$0x19240] =	vst v61  }
0x50e: {  	v37 =	vld.idx.msk [tilespmem:v58+s2+$0x0], $0xffff  }
0x50f: {  	v38 =	vld.idx.msk [tilespmem:v58+s16+$0x0], $0xffff;
	v18 =	vmul.f32 v18, v29  }
0x510: {  	v13 =	vadd.s32 v13, v19;
	v39 =	vld.idx.msk [tilespmem:v58+s17+$0x0], $0xffff;
	v32 =	vmul.f32 v60, v29  }
0x511: {  	v40 =	vld.idx.msk [tilespmem:v58+s18+$0x0], $0xffff;
	v16 =	vmul.f32 v62, v29;
	[tilespmem:s15+$0x16230] =	vst v18  }
0x512: {  	v58 =	vld [tilespmem:s12+$0x11630];
	v14 =	vmul.f32 v14, v29;
	[tilespmem:s15+$0x17230] =	vst v32  }
0x513: {  	v44 =	vld.idx.msk [tilespmem:v63+s17+$0x0], $0xffff;
	[tilespmem:s15+$0x18230] =	vst v16;
	v43 =	vmul.f32 v37, v36  }
0x514: {  	v52 =	vld [tilespmem:s14+$0x11260];
	[tilespmem:s15+$0x19230] =	vst v14;
	v45 =	vmul.f32 v38, v36  }
0x515: {  	v47 =	vadd.s32 v10, v20;
	v48 =	vmul.f32 v39, v36;
	v46 =	vld.idx.msk [tilespmem:v13+s2+$0x0], $0xffff;
	[tilespmem:s14+$0x16250] =	vst v43  }
0x516: {  	v50 =	vmul.f32 v40, v36;
	v49 =	vld.idx.msk [tilespmem:v13+s16+$0x0], $0xffff;
	[tilespmem:s14+$0x17250] =	vst v45  }
0x517: {  	v37 =	vmul.f32 v41, v58;
	v51 =	vld.idx.msk [tilespmem:v13+s17+$0x0], $0xffff;
	[tilespmem:s14+$0x18250] =	vst v48  }
0x518: {  	v39 =	vmul.f32 v42, v58;
	v13 =	vld.idx.msk [tilespmem:v13+s18+$0x0], $0xffff;
	[tilespmem:s14+$0x19250] =	vst v50  }
0x519: {  	v15 =	vld.idx.msk [tilespmem:v63+s18+$0x0], $0xffff;
	v40 =	vmul.f32 v44, v58;
	[tilespmem:s12+$0x16630] =	vst v37  }
0x51a: {  	v16 =	vld.idx.msk [tilespmem:v47+s2+$0x0], $0xffff;
	[tilespmem:s30+$0x16230] =	vst v39;
	v53 =	vmul.f32 v46, v28  }
0x51b: {  	v55 =	vadd.s32 v12, v19;
	v54 =	vld.idx.msk [tilespmem:v47+s16+$0x0], $0xffff;
	[tilespmem:s13+$0x16230] =	vst v40;
	v35 =	vmul.f32 v49, v28  }
0x51c: {  	v56 =	vld.idx.msk [tilespmem:v47+s17+$0x0], $0xffff;
	v17 =	vmul.f32 v51, v28;
	[tilespmem:s15+$0x16240] =	vst v53  }
0x51d: {  	v57 =	vld.idx.msk [tilespmem:v47+s18+$0x0], $0xffff;
	v13 =	vmul.f32 v13, v28;
	[tilespmem:s15+$0x17240] =	vst v35  }
0x51e: {  	v41 =	vld [tilespmem:s14+$0x11270];
	v15 =	vmul.f32 v15, v58;
	[tilespmem:s15+$0x18240] =	vst v17  }
0x51f: {  	v42 =	vadd.s32 v3, v11;
	v51 =	vld [tilespmem:s8+$0x11660];
	v16 =	vmul.f32 v16, v52;
	[tilespmem:s15+$0x19240] =	vst v13  }
0x520: {  	v61 =	vadd.s32 v9, v20;
	[tilespmem:s19+$0x16230] =	vst v15;
	v59 =	vmul.f32 v54, v52;
	v60 =	vld.idx.msk [tilespmem:v55+s2+$0x0], $0xffff  }
0x521: {  	v62 =	vmul.f32 v56, v52;
	v63 =	vld.idx.msk [tilespmem:v55+s16+$0x0], $0xffff;
	[tilespmem:s14+$0x16260] =	vst v16  }
0x522: {  	v36 =	vmul.f32 v57, v52;
	v38 =	vld.idx.msk [tilespmem:v55+s17+$0x0], $0xffff;
	[tilespmem:s14+$0x17260] =	vst v59  }
0x523: {  	v12 =	vld.idx.msk [tilespmem:v55+s18+$0x0], $0xffff;
	[tilespmem:s14+$0x18260] =	vst v62  }
0x524: {  	v15 =	vld.idx.msk [tilespmem:v42+s2+$0x0], $0xffff;
	[tilespmem:s14+$0x19260] =	vst v36  }
0x525: {  	v43 =	vld.idx.msk [tilespmem:v61+s2+$0x0], $0xffff;
	v44 =	vmul.f32 v60, v30  }
0x526: {  	v47 =	vadd.s32 v10, v19;
	v45 =	vld.idx.msk [tilespmem:v61+s16+$0x0], $0xffff;
	v46 =	vmul.f32 v63, v30  }
0x527: {  	v48 =	vld.idx.msk [tilespmem:v61+s17+$0x0], $0xffff;
	v49 =	vmul.f32 v38, v30;
	[tilespmem:s15+$0x16250] =	vst v44  }
0x528: {  	v50 =	vld.idx.msk [tilespmem:v61+s18+$0x0], $0xffff;
	v12 =	vmul.f32 v12, v30;
	[tilespmem:s15+$0x17250] =	vst v46  }
0x529: {  	v29 =	vld.idx.msk [tilespmem:v42+s16+$0x0], $0xffff;
	[tilespmem:s15+$0x18250] =	vst v49  }
0x52a: {  	v17 =	vld.idx.msk [tilespmem:v25+s18+$0x0], $0xffff;
	v52 =	vmul.f32 v43, v41;
	[tilespmem:s15+$0x19250] =	vst v12  }
0x52b: {  	v55 =	vadd.s32 v7, v20;
	v53 =	vmul.f32 v45, v41;
	v54 =	vld.idx.msk [tilespmem:v47+s2+$0x0], $0xffff  }
0x52c: {  	v56 =	vmul.f32 v48, v41;
	v57 =	vld.idx.msk [tilespmem:v47+s16+$0x0], $0xffff;
	[tilespmem:s14+$0x16270] =	vst v52  }
0x52d: {  	v58 =	vmul.f32 v50, v41;
	v59 =	vld.idx.msk [tilespmem:v47+s17+$0x0], $0xffff;
	[tilespmem:s14+$0x17270] =	vst v53  }
0x52e: {  	v10 =	vld.idx.msk [tilespmem:v47+s18+$0x0], $0xffff;
	[tilespmem:s14+$0x18270] =	vst v56  }
0x52f: {  	v61 =	vld [tilespmem:s14+$0x11600];
	v60 =	vmul.f32 v22, v51;
	[tilespmem:s14+$0x19270] =	vst v58  }
0x530: {  	v62 =	vld.idx.msk [tilespmem:v55+s2+$0x0], $0xffff;
	v63 =	vmul.f32 v54, v27  }
0x531: {  	v35 =	vadd.s32 v9, v19;
	[tilespmem:s8+$0x16660] =	vst v60;
	v33 =	vld.idx.msk [tilespmem:v55+s16+$0x0], $0xffff;
	v34 =	vmul.f32 v57, v27  }
0x532: {  	v36 =	vld.idx.msk [tilespmem:v55+s17+$0x0], $0xffff;
	v14 =	vmul.f32 v59, v27;
	[tilespmem:s15+$0x16260] =	vst v63  }
0x533: {  	v37 =	vld.idx.msk [tilespmem:v55+s18+$0x0], $0xffff;
	v10 =	vmul.f32 v10, v27;
	[tilespmem:s15+$0x17260] =	vst v34  }
0x534: {  	s0 =	sand.u32 $0xFFFFF800, s0;
	s1 =	sadd.s32 $0x100, s22;
	v39 =	vld.idx.msk [tilespmem:v42+s18+$0x0], $0xffff;
	v21 =	vmul.f32 v21, v51;
	[tilespmem:s15+$0x18260] =	vst v14  }
0x535: {  	s4 =	sadd.s32 s0, s1;
	v38 =	vld.idx.msk [tilespmem:v42+s17+$0x0], $0xffff;
	[tilespmem:s15+$0x19260] =	vst v10;
	v40 =	vmul.f32 v62, v61  }
0x536: {  	s5 =	sadd.s32 $0x80, s4;
	[tilespmem:s10+$0x16260] =	vst v21;
	v12 =	vmul.f32 v33, v61;
	v41 =	vld.idx.msk [tilespmem:v35+s2+$0x0], $0xffff  }
0x537: {  	s22 =	sor.u32 $0x1400, s5;
	v44 =	vadd.s32 v6, v20;
	v43 =	vmul.f32 v36, v61;
	v42 =	vld.idx.msk [tilespmem:v35+s16+$0x0], $0xffff;
	[tilespmem:s14+$0x16600] =	vst v40  }
0x538: {  	s25 =	sor.u32 $0x2400, s5;
	v46 =	vmul.f32 v37, v61;
	v45 =	vld.idx.msk [tilespmem:v35+s17+$0x0], $0xffff;
	[tilespmem:s22+$0x16200] =	vst v12  }
0x539: {  	s20 =	sor.u32 $0x3400, s5;
	v47 =	vmul.f32 v24, v51;
	v9 =	vld.idx.msk [tilespmem:v35+s18+$0x0], $0xffff;
	[tilespmem:s25+$0x16200] =	vst v43  }
0x53a: {  	v48 =	vmul.f32 v17, v51;
	v49 =	vld [tilespmem:s12+$0x11640];
	[tilespmem:s20+$0x16200] =	vst v46  }
0x53b: {  	v50 =	vadd.s32 v0, v8;
	[tilespmem:s11+$0x16260] =	vst v47;
	v51 =	vld [tilespmem:s14+$0x11610];
	v52 =	vmul.f32 v41, v26  }
0x53c: {  	v55 =	vadd.s32 v7, v19;
	[tilespmem:s9+$0x16260] =	vst v48;
	v53 =	vld.idx.msk [tilespmem:v44+s2+$0x0], $0xffff;
	v54 =	vmul.f32 v42, v26  }
0x53d: {  	v56 =	vld.idx.msk [tilespmem:v44+s16+$0x0], $0xffff;
	v57 =	vmul.f32 v45, v26;
	[tilespmem:s15+$0x16270] =	vst v52  }
0x53e: {  	v58 =	vld.idx.msk [tilespmem:v44+s17+$0x0], $0xffff;
	v9 =	vmul.f32 v9, v26;
	[tilespmem:s15+$0x17270] =	vst v54  }
0x53f: {  	v59 =	vld.idx.msk [tilespmem:v44+s18+$0x0], $0xffff;
	[tilespmem:s15+$0x18270] =	vst v57  }
0x540: {  	v7 =	vld.idx.msk [tilespmem:v50+s2+$0x0], $0xffff;
	[tilespmem:s15+$0x19270] =	vst v9  }
0x541: {  	v60 =	vld.idx.msk [tilespmem:v55+s2+$0x0], $0xffff;
	v61 =	vmul.f32 v53, v51  }
0x542: {  	v62 =	vld.idx.msk [tilespmem:v55+s16+$0x0], $0xffff;
	v22 =	vmul.f32 v56, v51  }
0x543: {  	v28 =	vadd.s32 v5, v20;
	v63 =	vld.idx.msk [tilespmem:v55+s17+$0x0], $0xffff;
	v13 =	vmul.f32 v58, v51;
	[tilespmem:s14+$0x16610] =	vst v61  }
0x544: {  	v18 =	vld.idx.msk [tilespmem:v55+s18+$0x0], $0xffff;
	v16 =	vmul.f32 v59, v51;
	[tilespmem:s22+$0x16210] =	vst v22  }
0x545: {  	v15 =	vmul.f32 v15, v49;
	v8 =	vld.idx.msk [tilespmem:v50+s17+$0x0], $0xffff;
	[tilespmem:s25+$0x16210] =	vst v13  }
0x546: {  	v32 =	vadd.s32 v6, v19;
	v6 =	vld.idx.msk [tilespmem:v50+s18+$0x0], $0xffff;
	v30 =	vmul.f32 v60, v23;
	[tilespmem:s20+$0x16210] =	vst v16  }
0x547: {  	[tilespmem:s12+$0x16640] =	vst v15;
	v10 =	vmul.f32 v62, v23;
	v31 =	vld [tilespmem:s14+$0x11620]  }
0x548: {  	s26 =	sor.u32 $0x1400, s4;
	v33 =	vmul.f32 v63, v23;
	[tilespmem:s15+$0x16600] =	vst v30;
	v16 =	vld.idx.msk [tilespmem:v28+s2+$0x0], $0xffff  }
0x549: {  	s23 =	sor.u32 $0x2400, s4;
	v35 =	vmul.f32 v18, v23;
	v34 =	vld.idx.msk [tilespmem:v28+s16+$0x0], $0xffff;
	[tilespmem:s26+$0x16200] =	vst v10  }
0x54a: {  	s24 =	sor.u32 $0x3400, s4;
	v36 =	vmul.f32 v29, v49;
	v22 =	vld.idx.msk [tilespmem:v28+s17+$0x0], $0xffff;
	[tilespmem:s23+$0x16200] =	vst v33  }
0x54b: {  	v37 =	vmul.f32 v38, v49;
	v38 =	vld.idx.msk [tilespmem:v28+s18+$0x0], $0xffff;
	[tilespmem:s24+$0x16200] =	vst v35  }
0x54c: {  	v39 =	vmul.f32 v39, v49;
	[tilespmem:s30+$0x16240] =	vst v36;
	v40 =	vld.idx.msk [tilespmem:v32+s2+$0x0], $0xffff  }
0x54d: {  	[tilespmem:s13+$0x16240] =	vst v37;
	v41 =	vadd.s32 v2, v11;
	v42 =	vld [tilespmem:s15+$0x11610];
	v16 =	vmul.f32 v16, v31  }
0x54e: {  	[tilespmem:s19+$0x16240] =	vst v39;
	v43 =	vld.idx.msk [tilespmem:v32+s16+$0x0], $0xffff;
	v44 =	vmul.f32 v34, v31  }
0x54f: {  	v47 =	vadd.s32 v4, v20;
	v45 =	vld.idx.msk [tilespmem:v32+s17+$0x0], $0xffff;
	v46 =	vmul.f32 v22, v31;
	[tilespmem:s14+$0x16620] =	vst v16  }
0x550: {  	v48 =	vld.idx.msk [tilespmem:v32+s18+$0x0], $0xffff;
	v15 =	vmul.f32 v38, v31;
	[tilespmem:s22+$0x16220] =	vst v44  }
0x551: {  	v9 =	vld.idx.msk [tilespmem:v50+s16+$0x0], $0xffff;
	[tilespmem:s25+$0x16220] =	vst v46  }
0x552: {  	v49 =	vld.idx.msk [tilespmem:v41+s2+$0x0], $0xffff;
	v14 =	vmul.f32 v40, v42;
	[tilespmem:s20+$0x16220] =	vst v15  }
0x553: {  	v50 =	vadd.s32 v5, v19;
	v10 =	vmul.f32 v43, v42;
	v15 =	vld [tilespmem:s14+$0x11630]  }
0x554: {  	v51 =	vmul.f32 v45, v42;
	[tilespmem:s15+$0x16610] =	vst v14;
	v16 =	vld.idx.msk [tilespmem:v47+s2+$0x0], $0xffff  }
0x555: {  	v17 =	vmul.f32 v48, v42;
	v52 =	vld.idx.msk [tilespmem:v47+s16+$0x0], $0xffff;
	[tilespmem:s26+$0x16210] =	vst v10  }
0x556: {  	v53 =	vld.idx.msk [tilespmem:v47+s17+$0x0], $0xffff;
	[tilespmem:s23+$0x16210] =	vst v51  }
0x557: {  	v54 =	vld.idx.msk [tilespmem:v47+s18+$0x0], $0xffff;
	[tilespmem:s24+$0x16210] =	vst v17  }
0x558: {  	v17 =	vld.idx.msk [tilespmem:v50+s2+$0x0], $0xffff  }
0x559: {  	v55 =	vld [tilespmem:s15+$0x11620];
	v16 =	vmul.f32 v16, v15  }
0x55a: {  	v56 =	vld.idx.msk [tilespmem:v50+s16+$0x0], $0xffff;
	v14 =	vmul.f32 v52, v15  }
0x55b: {  	v57 =	vadd.s32 v3, v20;
	v58 =	vld.idx.msk [tilespmem:v50+s17+$0x0], $0xffff;
	v10 =	vmul.f32 v53, v15;
	[tilespmem:s14+$0x16630] =	vst v16  }
0x55c: {  	v5 =	vld.idx.msk [tilespmem:v50+s18+$0x0], $0xffff;
	v59 =	vmul.f32 v54, v15;
	[tilespmem:s22+$0x16230] =	vst v14  }
0x55d: {  	v61 =	vld [tilespmem:s12+$0x11650];
	[tilespmem:s25+$0x16230] =	vst v10  }
0x55e: {  	v60 =	vld.idx.msk [tilespmem:v41+s16+$0x0], $0xffff;
	v62 =	vmul.f32 v17, v55;
	[tilespmem:s20+$0x16230] =	vst v59  }
0x55f: {  	v29 =	vadd.s32 v4, v19;
	v28 =	vmul.f32 v56, v55;
	v63 =	vld [tilespmem:s14+$0x11640]  }
0x560: {  	v23 =	vmul.f32 v58, v55;
	[tilespmem:s15+$0x16620] =	vst v62;
	v30 =	vld.idx.msk [tilespmem:v57+s2+$0x0], $0xffff  }
0x561: {  	v5 =	vmul.f32 v5, v55;
	v31 =	vld.idx.msk [tilespmem:v57+s16+$0x0], $0xffff;
	[tilespmem:s26+$0x16220] =	vst v28  }
0x562: {  	v32 =	vld.idx.msk [tilespmem:v57+s17+$0x0], $0xffff;
	[tilespmem:s23+$0x16220] =	vst v23  }
0x563: {  	v16 =	vld.idx.msk [tilespmem:v57+s18+$0x0], $0xffff;
	[tilespmem:s24+$0x16220] =	vst v5  }
0x564: {  	v5 =	vld.idx.msk [tilespmem:v29+s2+$0x0], $0xffff  }
0x565: {  	v34 =	vld [tilespmem:s15+$0x11630];
	v33 =	vmul.f32 v30, v63  }
0x566: {  	v23 =	vld.idx.msk [tilespmem:v29+s16+$0x0], $0xffff;
	v14 =	vmul.f32 v31, v63  }
0x567: {  	v35 =	vadd.s32 v2, v20;
	v36 =	vld.idx.msk [tilespmem:v29+s17+$0x0], $0xffff;
	v18 =	vmul.f32 v32, v63;
	[tilespmem:s14+$0x16640] =	vst v33  }
0x568: {  	v4 =	vld.idx.msk [tilespmem:v29+s18+$0x0], $0xffff;
	v37 =	vmul.f32 v16, v63;
	[tilespmem:s22+$0x16240] =	vst v14  }
0x569: {  	v13 =	vld.idx.msk [tilespmem:v41+s18+$0x0], $0xffff;
	v12 =	vmul.f32 v49, v61;
	[tilespmem:s25+$0x16240] =	vst v18  }
0x56a: {  	v38 =	vld.idx.msk [tilespmem:v41+s17+$0x0], $0xffff;
	v5 =	vmul.f32 v5, v34;
	[tilespmem:s20+$0x16240] =	vst v37  }
0x56b: {  	[tilespmem:s12+$0x16650] =	vst v12;
	v41 =	vadd.s32 v3, v19;
	v40 =	vmul.f32 v23, v34;
	v39 =	vld [tilespmem:s14+$0x11650]  }
0x56c: {  	v43 =	vmul.f32 v36, v34;
	[tilespmem:s15+$0x16630] =	vst v5;
	v42 =	vld.idx.msk [tilespmem:v35+s2+$0x0], $0xffff  }
0x56d: {  	v4 =	vmul.f32 v4, v34;
	v44 =	vld.idx.msk [tilespmem:v35+s16+$0x0], $0xffff;
	[tilespmem:s26+$0x16230] =	vst v40  }
0x56e: {  	v45 =	vmul.f32 v60, v61;
	v46 =	vld.idx.msk [tilespmem:v35+s17+$0x0], $0xffff;
	[tilespmem:s23+$0x16230] =	vst v43  }
0x56f: {  	v16 =	vmul.f32 v38, v61;
	v47 =	vld.idx.msk [tilespmem:v35+s18+$0x0], $0xffff;
	[tilespmem:s24+$0x16230] =	vst v4  }
0x570: {  	v48 =	vmul.f32 v13, v61;
	[tilespmem:s30+$0x16250] =	vst v45;
	v49 =	vld.idx.msk [tilespmem:v41+s2+$0x0], $0xffff  }
0x571: {  	v50 =	vadd.s32 v1, v11;
	[tilespmem:s13+$0x16250] =	vst v16;
	v52 =	vld [tilespmem:s15+$0x11640];
	v51 =	vmul.f32 v42, v39  }
0x572: {  	[tilespmem:s19+$0x16250] =	vst v48;
	v54 =	vld.idx.msk [tilespmem:v41+s16+$0x0], $0xffff;
	v53 =	vmul.f32 v44, v39  }
0x573: {  	v56 =	vadd.s32 v1, v20;
	v57 =	vld.idx.msk [tilespmem:v41+s17+$0x0], $0xffff;
	v55 =	vmul.f32 v46, v39;
	[tilespmem:s14+$0x16650] =	vst v51  }
0x574: {  	v3 =	vld.idx.msk [tilespmem:v41+s18+$0x0], $0xffff;
	v58 =	vmul.f32 v47, v39;
	[tilespmem:s22+$0x16250] =	vst v53  }
0x575: {  	v59 =	vld [tilespmem:s8+$0x11670];
	[tilespmem:s25+$0x16250] =	vst v55  }
0x576: {  	v60 =	vld.idx.msk [tilespmem:v50+s2+$0x0], $0xffff;
	v61 =	vmul.f32 v49, v52;
	[tilespmem:s20+$0x16250] =	vst v58  }
0x577: {  	v63 =	vadd.s32 v2, v19;
	v5 =	vmul.f32 v54, v52;
	v62 =	vld [tilespmem:s14+$0x11660]  }
0x578: {  	v17 =	vmul.f32 v57, v52;
	[tilespmem:s15+$0x16640] =	vst v61;
	v21 =	vld.idx.msk [tilespmem:v56+s2+$0x0], $0xffff  }
0x579: {  	v3 =	vmul.f32 v3, v52;
	v22 =	vld.idx.msk [tilespmem:v56+s16+$0x0], $0xffff;
	[tilespmem:s26+$0x16240] =	vst v5  }
0x57a: {  	v23 =	vld.idx.msk [tilespmem:v56+s17+$0x0], $0xffff;
	[tilespmem:s23+$0x16240] =	vst v17  }
0x57b: {  	v15 =	vld.idx.msk [tilespmem:v56+s18+$0x0], $0xffff;
	[tilespmem:s24+$0x16240] =	vst v3  }
0x57c: {  	v3 =	vld.idx.msk [tilespmem:v63+s2+$0x0], $0xffff  }
0x57d: {  	v17 =	vld [tilespmem:s15+$0x11650]  }
0x57e: {  	v25 =	vld.idx.msk [tilespmem:v63+s16+$0x0], $0xffff;
	v24 =	vmul.f32 v21, v62  }
0x57f: {  	v26 =	vld.idx.msk [tilespmem:v63+s17+$0x0], $0xffff;
	v4 =	vmul.f32 v22, v62  }
0x580: {  	v2 =	vld.idx.msk [tilespmem:v63+s18+$0x0], $0xffff;
	v5 =	vmul.f32 v23, v62;
	[tilespmem:s14+$0x16660] =	vst v24  }
0x581: {  	v27 =	vadd.s32 v0, v20;
	v29 =	vld.idx.msk [tilespmem:v50+s16+$0x0], $0xffff;
	v28 =	vmul.f32 v15, v62;
	[tilespmem:s22+$0x16260] =	vst v4  }
0x582: {  	v30 =	vld.idx.msk [tilespmem:v50+s17+$0x0], $0xffff;
	v3 =	vmul.f32 v3, v17;
	[tilespmem:s25+$0x16260] =	vst v5  }
0x583: {  	v32 =	vadd.s32 v1, v19;
	v33 =	vld [tilespmem:s12+$0x11660];
	v31 =	vmul.f32 v25, v17;
	[tilespmem:s20+$0x16260] =	vst v28  }
0x584: {  	v13 =	vld.idx.msk [tilespmem:v50+s18+$0x0], $0xffff;
	v16 =	vmul.f32 v26, v17;
	[tilespmem:s15+$0x16650] =	vst v3  }
0x585: {  	v2 =	vmul.f32 v2, v17;
	v4 =	vld [tilespmem:s14+$0x11670];
	[tilespmem:s26+$0x16250] =	vst v31  }
0x586: {  	v7 =	vmul.f32 v7, v59;
	v34 =	vld.idx.msk [tilespmem:v27+s2+$0x0], $0xffff;
	[tilespmem:s23+$0x16250] =	vst v16  }
0x587: {  	v9 =	vmul.f32 v9, v59;
	v35 =	vld.idx.msk [tilespmem:v27+s16+$0x0], $0xffff;
	[tilespmem:s24+$0x16250] =	vst v2  }
0x588: {  	[tilespmem:s8+$0x16670] =	vst v7;
	v36 =	vmul.f32 v8, v59;
	v37 =	vld.idx.msk [tilespmem:v32+s2+$0x0], $0xffff  }
0x589: {  	[tilespmem:s10+$0x16270] =	vst v9;
	v38 =	vmul.f32 v60, v33;
	v39 =	vld [tilespmem:s15+$0x11660]  }
0x58a: {  	[tilespmem:s11+$0x16270] =	vst v36;
	v40 =	vmul.f32 v29, v33;
	v41 =	vadd.s32 v0, v11;
	v42 =	vld.idx.msk [tilespmem:v32+s16+$0x0], $0xffff  }
0x58b: {  	[tilespmem:s12+$0x16660] =	vst v38;
	v5 =	vmul.f32 v30, v33;
	v43 =	vld.idx.msk [tilespmem:v32+s17+$0x0], $0xffff  }
0x58c: {  	v13 =	vmul.f32 v13, v33;
	[tilespmem:s30+$0x16260] =	vst v40;
	v1 =	vld.idx.msk [tilespmem:v32+s18+$0x0], $0xffff  }
0x58d: {  	v44 =	vmul.f32 v6, v59;
	v45 =	vld.idx.msk [tilespmem:v27+s17+$0x0], $0xffff;
	[tilespmem:s13+$0x16260] =	vst v5  }
0x58e: {  	v46 =	vld.idx.msk [tilespmem:v27+s18+$0x0], $0xffff;
	[tilespmem:s19+$0x16260] =	vst v13;
	v7 =	vmul.f32 v37, v39  }
0x58f: {  	v48 =	vadd.s32 v0, v19;
	[tilespmem:s9+$0x16270] =	vst v44;
	v47 =	vld.idx.msk [tilespmem:v41+s2+$0x0], $0xffff;
	v11 =	vmul.f32 v42, v39  }
0x590: {  	v50 =	vld [tilespmem:s12+$0x11670];
	v8 =	vmul.f32 v43, v39;
	[tilespmem:s15+$0x16660] =	vst v7  }
0x591: {  	v49 =	vld.idx.msk [tilespmem:v41+s16+$0x0], $0xffff;
	v1 =	vmul.f32 v1, v39;
	[tilespmem:s26+$0x16260] =	vst v11  }
0x592: {  	v51 =	vld.idx.msk [tilespmem:v41+s17+$0x0], $0xffff;
	v3 =	vmul.f32 v34, v4;
	[tilespmem:s23+$0x16260] =	vst v8  }
0x593: {  	v10 =	vld.idx.msk [tilespmem:v41+s18+$0x0], $0xffff;
	v52 =	vmul.f32 v35, v4;
	[tilespmem:s24+$0x16260] =	vst v1  }
0x594: {  	v53 =	vmul.f32 v45, v4;
	[tilespmem:s14+$0x16670] =	vst v3;
	v54 =	vld.idx.msk [tilespmem:v48+s2+$0x0], $0xffff  }
0x595: {  	v56 =	vmul.f32 v47, v50;
	[tilespmem:s22+$0x16270] =	vst v52;
	v55 =	vld [tilespmem:s15+$0x11670]  }
0x596: {  	v4 =	vmul.f32 v46, v4;
	[tilespmem:s25+$0x16270] =	vst v53;
	v57 =	vld.idx.msk [tilespmem:v48+s16+$0x0], $0xffff  }
0x597: {  	v58 =	vmul.f32 v49, v50;
	[tilespmem:s12+$0x16670] =	vst v56  }
0x598: {  	v60 =	vmul.f32 v51, v50;
	[tilespmem:s20+$0x16270] =	vst v4  }
0x599: {  	v61 =	vmul.f32 v10, v50;
	[tilespmem:s30+$0x16270] =	vst v58;
	v59 =	vld.idx.msk [tilespmem:v48+s17+$0x0], $0xffff  }
0x59a: {  	[tilespmem:s13+$0x16270] =	vst v60;
	v0 =	vld.idx.msk [tilespmem:v48+s18+$0x0], $0xffff;
	v62 =	vmul.f32 v54, v55  }
0x59b: {  	[tilespmem:s19+$0x16270] =	vst v61;
	v2 =	vmul.f32 v57, v55  }
0x59c: {  	s3 =	sadd.s32 $0x1, s3;
	[tilespmem:s15+$0x16670] =	vst v62  }
0x59d: {  	s28 =	sshll.u32 s21, $0x8;
	p0 =	sne.s32 s3, $0x10;
	[tilespmem:s26+$0x16270] =	vst v2  }
.Ltmp2:
0x59e: {  	s0 =	sor.u32 s7, s28;
	v63 =	vmul.f32 v59, v55;
	s1 =	rddreg [dreg:$0x5];
	(pc) =	sbr.rel @p0 .LBB2_2-.Ltmp2, $4  }
0x59f: {  	v0 =	vmul.f32 v0, v55;
	s0 =	sor.u32 s1, s0  }
0x5a0: {  	s29 =	simm.s32 $0x10000;
	[tilespmem:s23+$0x16270] =	vst v63;
	s0 =	sshrl.u32 s0, $0x3  }
0x5a1: {  	s30 =	simm.s32 $0x1000;
	[tilespmem:s24+$0x16270] =	vst v0;
	s0 =	sadd.s32 s31, s0;
	s31 =	simm.s32 $0x16200  }
0x5a2: {  	[hbm4b:s0+s30] =	stream.strided.scatter [tilespmem:s31], [sflag:$0x4], $0x4000, s29, s30, $0x38;
	[tilespmem:$0x1A200] =	vst v63  }
0x5a3: {  	s0 =	simm.s32 $0x3  }
0x5a4: {  	_ =	swait.ge [sflag:s0], $0x4000  }
0x5a5: {  	[sflag:s0] =	ssyncset.done $0x0  }
0x5a6: {  	s1 =	simm.s32 $0x4;
	[sflag:s0] =	ssyncadd.s32 $0xFFFFC000  }
0x5a7: {  	_ =	swait.ge [sflag:s1], $0x4000  }
0x5a8: {  	s3 =	rddreg [dreg:$0xe]  }
0x5a9: {  	s31 =	rddreg [dreg:$0xd];
	s3 =	sadd.s32 $0x1, s3  }
0x5aa: {  	p0 =	sne.s32 s3, s31  }
.Ltmp3:
0x5ab: {  	_ = 	snop;
	(pc) =	sbr.rel @p0 .LBB2_1-.Ltmp3, $3  }
0x5ac: {  	_ =	sdelay $0x1  }
0x5ad: {  	[sflag:s1] =	ssyncset.done $0x0  }
0x5ae: {  	[sflag:s1] =	ssyncadd.s32 $0xFFFFC000  }
0x5af: {  	_ =	sfence.sel $0x180000  }
0x5b0: {  	[bflag:$0x0] =	sbarrier.arrive $0xFFFF  }
0x5b1: {  	_ =	strace $0x90000047  }
0x5b2: {  	s0 =	stileid.u32;
	[bflag:$0x2] =	sbarrier.arrive $0xFFFF  }
0x5b3: {  	p0 =	sne.s32 s0, $0x0;
	s0 =	rddreg [dreg:$0x3]  }
0x5b4: {  	s0 =	sadd.s32 @!p0 $0x100000, s0  }
0x5b5: {  	[sflag:s0] =	ssyncadd.tile.s32 @!p0 $0x1;
	_ =	shalt  }
.Lfunc_end2:
_tile_overlayer_lowered:
.L_overlay_start_2:
0x5b6: {  	(tag) =	ssettag $0x2  }
0x5b7: {  	s0 =	rddreg [dreg:$0x0];
	s2 =	stileid.u32  }
0x5b8: {  	s1 =	rddreg [dreg:$0x1];
	p0 =	sne.s32 s2, $0x0  }
0x5b9: {  	s3 =	rddreg [dreg:$0x2];
	[bflag:$0x3] =	sbarrier.arrive $0xFFFF;
	s2 =	simm.s32 @!p0 $0x1C06  }
0x5ba: {  	[timem:s3], [sflag:s2] =	dma.local @!p0 [hbm:s0], s1  }
0x5bb: {  	s0 =	simm.s32 @!p0 $0x6  }
0x5bc: {  	_ =	swait.ge @!p0 [sflag:s0], s1  }
0x5bd: {  	s1 =	ssub.s32 @!p0 $0x0, s1;
	[sflag:s0] =	ssyncset.done @!p0 $0x0  }
0x5be: {  	[sflag:s0] =	ssyncadd.s32 @!p0 s1  }
0x5bf: {  	[bflag:$0x3] =	sbarrier.arrive $0xFFFF  }
0x5c0: {  	_ =	shalt  }

</sc_bundles>
